<compile_context>
chip_gen: v7x
topology: tpu7x:2x2x1
jax: 0.10.2.dev20260603
libtpu: 0.0.44.dev20260713+nightly
codegen_flags: <defaults>
</compile_context>

<pallas_src>
import functools

import jax
import jax.numpy as jnp
from jax import lax
from jax.experimental import pallas as pl
from jax.experimental.pallas import tpu as pltpu
from jax.experimental.pallas import tpu_sc as plsc

_N = 10000
_E = 320000
_DIN = 128
_DH = 64
_DOUT = 128

_NC = 2
_NS = 16
_K = 128
_EPT = 10240
_CHUNKS = _EPT // _K
_LASTW = _NC * _NS - 1
_ELAST = _E - _LASTW * _EPT
_CHLAST = _ELAST // _K
_NP = 10112
_RPT = _NP // _NS

_mesh = plsc.VectorSubcoreMesh(core_axis_name="c", subcore_axis_name="s")
_sc_params = pltpu.CompilerParams(use_tc_tiling_on_sc=False)


def _deg_body(ei_hbm, w_hbm, out_hbm, wtile, dsttile, rows, acc_sh,
              ssem, dsem):
    c = lax.axis_index("c")
    s = lax.axis_index("s")
    i16 = lax.iota(jnp.int32, 16)
    base01 = jnp.where(i16 == 1, 1.0, 0.0).astype(jnp.float32)
    zero16 = jnp.zeros((16,), jnp.float32)

    wid = c * _NS + s
    base = wid * _EPT
    nch = jnp.where(wid < _LASTW, _CHUNKS, _CHLAST)

    @pl.when(wid < _LASTW)
    def _():
        pltpu.sync_copy(w_hbm.at[pl.ds(base, _EPT)], wtile.at[pl.ds(0, _EPT)])

    @pl.when(wid == _LASTW)
    def _():
        pltpu.sync_copy(w_hbm.at[pl.ds(base, _ELAST)],
                        wtile.at[pl.ds(0, _ELAST)])

    def _issue_dst(j):
        pltpu.async_copy(ei_hbm.at[1, pl.ds(base + j * _K, _K)],
                         dsttile.at[j], dsem.at[j % 4])

    def _wait_dst(j):
        pltpu.make_async_copy(ei_hbm.at[1, pl.ds(base + j * _K, _K)],
                              dsttile.at[j], dsem.at[j % 4]).wait()

    for t in range(3):
        _issue_dst(t)

    def _zrow(i, carry):
        rows[0, i, :] = zero16
        return carry

    lax.fori_loop(0, _K, _zrow, 0)
    zbase = s * _RPT
    for k in range(_RPT // _K):
        pltpu.sync_copy(rows.at[0], acc_sh.at[pl.ds(zbase + k * _K, _K)])
    if _RPT % _K:
        pltpu.sync_copy(rows.at[0, pl.ds(0, _RPT % _K)],
                        acc_sh.at[pl.ds(zbase + (_RPT // _K) * _K, _RPT % _K)])
    plsc.subcore_barrier()

    def _wait_scat(j, b):
        pltpu.make_async_copy(rows.at[b], acc_sh.at[dsttile.at[j]],
                              ssem.at[b]).wait()

    def _chunk(j, carry):
        b = j % 3

        @pl.when(j >= 3)
        def _():
            _wait_scat(j - 3, b)

        @pl.when(j + 3 < nch)
        def _():
            _issue_dst(j + 3)

        def _build(e):
            v = wtile[pl.ds(j * _K + e, 16)]
            wv = jnp.full((16,), v[0], jnp.float32)
            rows[b, e, :] = jnp.where(i16 == 0, wv, base01)

        plsc.parallel_loop(0, _K, 1, unroll=8)(_build)
        _wait_dst(j)
        pltpu.async_copy(rows.at[b], acc_sh.at[dsttile.at[j]], ssem.at[b],
                         add=True)
        return carry

    lax.fori_loop(0, nch, _chunk, 0)
    for t in range(3):
        _wait_scat(nch - 3 + t, (t + 2) % 3)

    plsc.subcore_barrier()
    pltpu.sync_copy(acc_sh.at[pl.ds(s * _RPT, _RPT)],
                    out_hbm.at[c, pl.ds(s * _RPT, _RPT)])


_deg_call = pl.kernel(
    _deg_body,
    out_type=jax.ShapeDtypeStruct((_NC, _NP, 16), jnp.float32),
    mesh=_mesh,
    compiler_params=_sc_params,
    scratch_types=[
        pltpu.VMEM((_EPT + 16,), jnp.float32),
        pltpu.VMEM((_CHUNKS, _K), jnp.int32),
        pltpu.VMEM((3, _K, 16), jnp.float32),
        pltpu.VMEM_SHARED((_NP, 16), jnp.float32),
        pltpu.SemaphoreType.DMA((3,)),
        pltpu.SemaphoreType.DMA((4,)),
    ],
)


def _agg_body(weighted, *refs):
    if weighted:
        (ei_hbm, w_hbm, p_hbm, out_hbm,
         srctile, dsttile, wtile, rows, pbuf_sh, acc_sh,
         gsem, ssem, dsem) = refs
    else:
        (ei_hbm, p_hbm, out_hbm,
         srctile, dsttile, rows, pbuf_sh, acc_sh, gsem, ssem, dsem) = refs
        w_hbm = wtile = None
    c = lax.axis_index("c")
    s = lax.axis_index("s")
    zero16 = jnp.zeros((16,), jnp.float32)

    wid = c * _NS + s
    base = wid * _EPT
    nch = jnp.where(wid < _LASTW, _CHUNKS, _CHLAST)
    pltpu.sync_copy(p_hbm.at[pl.ds(s * _RPT, _RPT)],
                    pbuf_sh.at[pl.ds(s * _RPT, _RPT)])

    @pl.when(wid < _LASTW)
    def _():
        pltpu.sync_copy(ei_hbm.at[0, pl.ds(base, _EPT)], srctile)
        if weighted:
            pltpu.sync_copy(w_hbm.at[pl.ds(base, _EPT)],
                            wtile.at[pl.ds(0, _EPT)])

    @pl.when(wid == _LASTW)
    def _():
        pltpu.sync_copy(ei_hbm.at[0, pl.ds(base, _ELAST)],
                        srctile.at[pl.ds(0, _ELAST)])
        if weighted:
            pltpu.sync_copy(w_hbm.at[pl.ds(base, _ELAST)],
                            wtile.at[pl.ds(0, _ELAST)])

    def _issue_dst(j):
        pltpu.async_copy(ei_hbm.at[1, pl.ds(base + j * _K, _K)],
                         dsttile.at[j], dsem.at[j % 4])

    def _wait_dst(j):
        pltpu.make_async_copy(ei_hbm.at[1, pl.ds(base + j * _K, _K)],
                              dsttile.at[j], dsem.at[j % 4]).wait()

    for t in range(3):
        _issue_dst(t)

    def _zrow(i, carry):
        for g in range(_DH // 16):
            rows[0, i, pl.ds(g * 16, 16)] = zero16
        return carry

    lax.fori_loop(0, _K, _zrow, 0)
    zbase = s * _RPT
    for k in range(_RPT // _K):
        pltpu.sync_copy(rows.at[0], acc_sh.at[pl.ds(zbase + k * _K, _K)])
    if _RPT % _K:
        pltpu.sync_copy(rows.at[0, pl.ds(0, _RPT % _K)],
                        acc_sh.at[pl.ds(zbase + (_RPT // _K) * _K, _RPT % _K)])
    plsc.subcore_barrier()

    def _issue_gather(j, b):
        pltpu.async_copy(pbuf_sh.at[srctile.at[pl.ds(j * _K, _K)]],
                         rows.at[b], gsem.at[b])

    def _wait_gather(j, b):
        pltpu.make_async_copy(pbuf_sh.at[srctile.at[pl.ds(j * _K, _K)]],
                              rows.at[b], gsem.at[b]).wait()

    def _wait_scat(j, b):
        pltpu.make_async_copy(rows.at[b], acc_sh.at[dsttile.at[j]],
                              ssem.at[b]).wait()

    _issue_gather(0, 0)

    def _chunk(j, carry):
        b = j % 2
        b1 = (j + 1) % 2

        @pl.when(j + 1 < nch)
        def _():
            @pl.when(j >= 1)
            def _():
                _wait_scat(j - 1, b1)

            _issue_gather(j + 1, b1)

        @pl.when(j + 3 < nch)
        def _():
            _issue_dst(j + 3)

        _wait_gather(j, b)
        if weighted:

            def _scale(e):
                v = wtile[pl.ds(j * _K + e, 16)]
                wv = jnp.full((16,), v[0], jnp.float32)
                for q in range(_DH // 16):
                    sl = pl.ds(q * 16, 16)
                    rows[b, e, sl] = rows[b, e, sl] * wv

            plsc.parallel_loop(0, _K, 1, unroll=8)(_scale)
        _wait_dst(j)
        pltpu.async_copy(rows.at[b], acc_sh.at[dsttile.at[j]], ssem.at[b],
                         add=True)
        return carry

    lax.fori_loop(0, nch, _chunk, 0)
    _wait_scat(nch - 2, 0)
    _wait_scat(nch - 1, 1)

    plsc.subcore_barrier()
    pltpu.sync_copy(acc_sh.at[pl.ds(s * _RPT, _RPT)],
                    out_hbm.at[c, pl.ds(s * _RPT, _RPT)])


_agg_w_call = pl.kernel(
    functools.partial(_agg_body, True),
    out_type=jax.ShapeDtypeStruct((_NC, _NP, _DH), jnp.float32),
    mesh=_mesh,
    compiler_params=_sc_params,
    scratch_types=[
        pltpu.VMEM((_EPT,), jnp.int32),
        pltpu.VMEM((_CHUNKS, _K), jnp.int32),
        pltpu.VMEM((_EPT + 16,), jnp.float32),
        pltpu.VMEM((2, _K, _DH), jnp.float32),
        pltpu.VMEM_SHARED((_NP, _DH), jnp.float32),
        pltpu.VMEM_SHARED((_NP, _DH), jnp.float32),
        pltpu.SemaphoreType.DMA((2,)),
        pltpu.SemaphoreType.DMA((2,)),
        pltpu.SemaphoreType.DMA((4,)),
    ],
)

_agg_nw_call = pl.kernel(
    functools.partial(_agg_body, False),
    out_type=jax.ShapeDtypeStruct((_NC, _NP, _DH), jnp.float32),
    mesh=_mesh,
    compiler_params=_sc_params,
    scratch_types=[
        pltpu.VMEM((_EPT,), jnp.int32),
        pltpu.VMEM((_CHUNKS, _K), jnp.int32),
        pltpu.VMEM((2, _K, _DH), jnp.float32),
        pltpu.VMEM_SHARED((_NP, _DH), jnp.float32),
        pltpu.VMEM_SHARED((_NP, _DH), jnp.float32),
        pltpu.SemaphoreType.DMA((2,)),
        pltpu.SemaphoreType.DMA((2,)),
        pltpu.SemaphoreType.DMA((4,)),
    ],
)


def _tc1a_body(z_ref, w1_ref, h_ref):
    h_ref[...] = jnp.dot(z_ref[...], w1_ref[...],
                         preferred_element_type=jnp.float32)


_tc1a = pl.pallas_call(
    _tc1a_body,
    out_shape=jax.ShapeDtypeStruct((_N, _DH), jnp.float32),
)


def _tc1b_body(deg_ref, h_ref, p1_ref, dinv_ref):
    sl = pl.ds(0, _N)
    d = deg_ref[0, sl, :] + deg_ref[1, sl, :]
    deg1 = d[:, 0:1]
    deg2 = d[:, 1:2]
    dinv1 = jnp.where(deg1 > 0, lax.rsqrt(jnp.where(deg1 > 0, deg1, 1.0)), 0.0)
    dinv2 = jnp.where(deg2 > 0, lax.rsqrt(jnp.where(deg2 > 0, deg2, 1.0)), 0.0)
    p1_ref[sl, :] = h_ref[...] * dinv1
    pad = jnp.zeros_like(dinv1)
    dinv_ref[sl, :] = jnp.concatenate(
        [dinv1, dinv2, pad, pad, pad, pad, pad, pad], axis=1)


_tc1b = pl.pallas_call(
    _tc1b_body,
    out_shape=[
        jax.ShapeDtypeStruct((_NP, _DH), jnp.float32),
        jax.ShapeDtypeStruct((_NP, 8), jnp.float32),
    ],
)


def _tc2_body(acc_ref, dinv_ref, b1_ref, p2_ref):
    a = acc_ref[0] + acc_ref[1]
    d1 = dinv_ref[:, 0:1]
    d2 = dinv_ref[:, 1:2]
    x = jnp.maximum(a * d1 + b1_ref[...], 0.0)
    p2_ref[...] = x * d2


_tc2 = pl.pallas_call(
    _tc2_body,
    out_shape=jax.ShapeDtypeStruct((_NP, _DH), jnp.float32),
)


def _tc3_body(acc_ref, dinv_ref, w2_ref, b2_ref, out_ref):
    a = acc_ref[0] + acc_ref[1]
    d2 = dinv_ref[:, 1:2]
    out_ref[...] = jnp.dot(a * d2, w2_ref[...],
                           preferred_element_type=jnp.float32) + b2_ref[...]


_tc3 = pl.pallas_call(
    _tc3_body,
    grid=(_N // 1000,),
    in_specs=[
        pl.BlockSpec((_NC, 1000, _DH), lambda i: (0, i, 0)),
        pl.BlockSpec((1000, 8), lambda i: (i, 0)),
        pl.BlockSpec((_DH, _DOUT), lambda i: (0, 0)),
        pl.BlockSpec((1, _DOUT), lambda i: (0, 0)),
    ],
    out_specs=pl.BlockSpec((1000, _DOUT), lambda i: (i, 0)),
    out_shape=jax.ShapeDtypeStruct((_N, _DOUT), jnp.float32),
)


def kernel(edge_index, edge_weight, z, W1, b1, W2, b2):
    h = _tc1a(z, W1)
    degs = _deg_call(edge_index, edge_weight)
    p1, dinv = _tc1b(degs, h)
    acc1 = _agg_w_call(edge_index, edge_weight, p1)
    p2 = _tc2(acc1, dinv, b1.reshape(1, _DH))
    acc2 = _agg_nw_call(edge_index, p2)
    return _tc3(acc2, dinv, W2, b2.reshape(1, _DOUT))

# --- scband reference (transcript-rebuilt; emitter-appended) ---
"""Pipeline reference for scband-gcndecoder-55379308314960 (READ-ONLY COPY).

The authoritative reference and input builder live on the scoring server;
editing this copy changes nothing except your own understanding.
"""

import jax, jax.numpy as jnp
import numpy as np

N = 10000
E = 320000
D_IN = 128
D_HID = 64
D_OUT = 128


def setup_inputs(seed: int = 0) -> dict:
    key = jax.random.key(seed)
    k1, k2, k3, k4, k5 = jax.random.split(key, 5)
    edge_index = jax.random.randint(k1, (2, E), 0, N, dtype=jnp.int32)
    edge_weight = jax.random.uniform(k2, (E,), dtype=jnp.float32)
    z = jax.random.normal(k3, (N, D_IN), dtype=jnp.float32)
    W1 = jax.random.normal(k4, (D_IN, D_HID), dtype=jnp.float32) * (1.0 / np.sqrt(D_IN))
    b1 = jnp.zeros((D_HID,), dtype=jnp.float32)
    W2 = jax.random.normal(k5, (D_HID, D_OUT), dtype=jnp.float32) * (1.0 / np.sqrt(D_HID))
    b2 = jnp.zeros((D_OUT,), dtype=jnp.float32)
    return {"edge_index": edge_index, "edge_weight": edge_weight, "z": z,
            "W1": W1, "b1": b1, "W2": W2, "b2": b2}


def _gcn_conv(x, edge_index, edge_weight, W, b, num_nodes):
    src = edge_index[0]
    dst = edge_index[1]
    h = x @ W
    deg = jax.ops.segment_sum(edge_weight, dst, num_segments=num_nodes)
    deg_safe = jnp.where(deg > 0, deg, 1.0)
    deg_inv_sqrt = jnp.where(deg > 0, 1.0 / jnp.sqrt(deg_safe), 0.0)
    norm = deg_inv_sqrt[src] * edge_weight * deg_inv_sqrt[dst]
    msgs = h[src] * norm[:, None]
    out = jax.ops.segment_sum(msgs, dst, num_segments=num_nodes)
    return out + b


def reference(edge_index, edge_weight, z, W1, b1, W2, b2):
    # conv1 with edge weights, relu, then conv2 with implicit unit edge weights
    x = jax.nn.relu(_gcn_conv(z, edge_index, edge_weight, W1, b1, N))
    ones_w = jnp.ones((edge_index.shape[1],), dtype=x.dtype)
    recon_x = _gcn_conv(x, edge_index, ones_w, W2, b2, N)
    return recon_x

if __name__ == "__main__":
    import jax
    _d = setup_inputs()
    print(jax.jit(kernel)(*tuple(_d.values())))

</pallas_src>

<mosaic_0001>
#map = affine_map<(d0, d1) -> (0, 0)>
#map1 = affine_map<(d0, d1) -> (0, 0, 0)>
module attributes {stable_mosaic.version = 14 : i64} {
  func.func @_agg_body(%arg0: i32, %arg1: i32, %arg2: memref<2x320000xi32, #tpu.memory_space<hbm>>, %arg3: memref<10112x64xf32, #tpu.memory_space<hbm>>, %arg4: memref<2x10112x64xf32, #tpu.memory_space<hbm>>, %arg5: memref<10240xi32, #tpu.memory_space<vmem>>, %arg6: memref<80x128xi32, #tpu.memory_space<vmem>>, %arg7: memref<2x128x64xf32, #tpu.memory_space<vmem>>, %arg8: memref<10112x64xf32, #tpu.memory_space<vmem_shared>>, %arg9: memref<10112x64xf32, #tpu.memory_space<vmem_shared>>, %arg10: memref<2x!tpu.dma_semaphore, #tpu.memory_space<semaphore_mem>>, %arg11: memref<2x!tpu.dma_semaphore, #tpu.memory_space<semaphore_mem>>, %arg12: memref<4x!tpu.dma_semaphore, #tpu.memory_space<semaphore_mem>>) attributes {dimension_semantics = [#tpu.dimension_semantics<core_parallel>, #tpu.dimension_semantics<subcore_parallel>], iteration_bounds = array<i64: 2, 16>, scalar_prefetch = 0 : i64, scratch_operands = 8 : i64, tpu.core_type = #tpu.core_type<sc_vector_subcore>, window_params = [{transform_indices = #map}, {transform_indices = #map}, {transform_indices = #map1}]} {
    %broadcast_in_dim3A = arith.constant 0.000000e+00 : f32
    %broadcast_in_dim3A_0 = vector.broadcast %broadcast_in_dim3A : f32 to vector<16xf32>
    %mul3A = arith.constant 16 : i32
    %mul3A_1 = arith.muli %arg0, %mul3A : i32
    %add3A = arith.addi %mul3A_1, %arg1 : i32
    %mul3A_2 = arith.constant 10240 : i32
    %mul3A_3 = arith.muli %add3A, %mul3A_2 : i32
    %lt3A = arith.constant 31 : i32
    %lt3A_4 = arith.cmpi slt, %add3A, %lt3A : i32
    %jit3A = arith.constant 80 : i32
    %jit3A_5 = arith.constant 20 : i32
    %select_n3A = arith.select %lt3A_4, %jit3A, %jit3A_5 : i32
    %mul3A_6 = arith.constant 632 : i32
    %mul3A_7 = arith.muli %arg1, %mul3A_6 : i32
    %mul3A_8 = arith.constant 632 : i32
    %mul3A_9 = arith.muli %arg1, %mul3A_8 : i32
    "tpu.region"() ({
      %run_scoped3A_145 = tpu.sem_alloc : memref<!tpu.dma_semaphore, #tpu.memory_space<semaphore_mem>>
      %dma_start3A_146 = arith.constant 0 : i32
      %dma_start3A_147 = tpu.memref_slice %arg8[%mul3A_9, %dma_start3A_146] : memref<10112x64xf32, #tpu.memory_space<vmem_shared>> -> memref<632x64xf32, #tpu.memory_space<vmem_shared>>
      %dma_start3A_148 = arith.constant 0 : i32
      %dma_start3A_149 = tpu.memref_slice %arg3[%mul3A_7, %dma_start3A_148] : memref<10112x64xf32, #tpu.memory_space<hbm>> -> memref<632x64xf32, #tpu.memory_space<hbm>>
      tpu.enqueue_dma source(%dma_start3A_149 : memref<632x64xf32, #tpu.memory_space<hbm>>) target(%dma_start3A_147 : memref<632x64xf32, #tpu.memory_space<vmem_shared>>) target_semaphore(%run_scoped3A_145 : memref<!tpu.dma_semaphore, #tpu.memory_space<semaphore_mem>>)
      %dma_wait3A_150 = arith.constant 0 : i32
      %dma_wait3A_151 = tpu.memref_slice %arg8[%mul3A_9, %dma_wait3A_150] : memref<10112x64xf32, #tpu.memory_space<vmem_shared>> -> memref<632x64xf32, #tpu.memory_space<vmem_shared>>
      %dma_wait3A_152 = arith.constant 0 : i32
      %dma_wait3A_153 = tpu.memref_slice %arg3[%mul3A_7, %dma_wait3A_152] : memref<10112x64xf32, #tpu.memory_space<hbm>> -> memref<632x64xf32, #tpu.memory_space<hbm>>
      tpu.wait_dma2 semaphore(%run_scoped3A_145 : memref<!tpu.dma_semaphore, #tpu.memory_space<semaphore_mem>>) src(%dma_wait3A_153 : memref<632x64xf32, #tpu.memory_space<hbm>>) dst(%dma_wait3A_151 : memref<632x64xf32, #tpu.memory_space<vmem_shared>>)
      tpu.yield
    }) : () -> ()
    %lt3A_10 = arith.constant 31 : i32
    %lt3A_11 = arith.cmpi slt, %add3A, %lt3A_10 : i32
    %convert_element_type3A = arith.extui %lt3A_11 : i1 to i32
    %cond3A = arith.constant 0 : i32
    %cond3A_12 = arith.cmpi ne, %convert_element_type3A, %cond3A : i32
    scf.if %cond3A_12 {
      %run_scoped3A_145 = arith.constant 0 : i32
      "tpu.region"() ({
        %run_scoped3A_146 = tpu.sem_alloc : memref<!tpu.dma_semaphore, #tpu.memory_space<semaphore_mem>>
        %dma_start3A_147 = tpu.memref_slice %arg2[%run_scoped3A_145, %mul3A_3] : memref<2x320000xi32, #tpu.memory_space<hbm>> -> memref<1x10240xi32, #tpu.memory_space<hbm>>
        %dma_start3A_148 = tpu.memref_squeeze %dma_start3A_147 : memref<1x10240xi32, #tpu.memory_space<hbm>> -> memref<10240xi32, #tpu.memory_space<hbm>>
        %dma_start3A_149 = tpu.memref_slice %arg2[%run_scoped3A_145, %mul3A_3] : memref<2x320000xi32, #tpu.memory_space<hbm>> -> memref<1x10240xi32, #tpu.memory_space<hbm>>
        %dma_start3A_150 = tpu.memref_squeeze %dma_start3A_149 : memref<1x10240xi32, #tpu.memory_space<hbm>> -> memref<10240xi32, #tpu.memory_space<hbm>>
        tpu.enqueue_dma source(%dma_start3A_150 : memref<10240xi32, #tpu.memory_space<hbm>>) target(%arg5 : memref<10240xi32, #tpu.memory_space<vmem>>) target_semaphore(%run_scoped3A_146 : memref<!tpu.dma_semaphore, #tpu.memory_space<semaphore_mem>>)
        %dma_wait3A_151 = tpu.memref_slice %arg2[%run_scoped3A_145, %mul3A_3] : memref<2x320000xi32, #tpu.memory_space<hbm>> -> memref<1x10240xi32, #tpu.memory_space<hbm>>
        %dma_wait3A_152 = tpu.memref_squeeze %dma_wait3A_151 : memref<1x10240xi32, #tpu.memory_space<hbm>> -> memref<10240xi32, #tpu.memory_space<hbm>>
        %dma_wait3A_153 = tpu.memref_slice %arg2[%run_scoped3A_145, %mul3A_3] : memref<2x320000xi32, #tpu.memory_space<hbm>> -> memref<1x10240xi32, #tpu.memory_space<hbm>>
        %dma_wait3A_154 = tpu.memref_squeeze %dma_wait3A_153 : memref<1x10240xi32, #tpu.memory_space<hbm>> -> memref<10240xi32, #tpu.memory_space<hbm>>
        tpu.wait_dma2 semaphore(%run_scoped3A_146 : memref<!tpu.dma_semaphore, #tpu.memory_space<semaphore_mem>>) src(%dma_wait3A_154 : memref<10240xi32, #tpu.memory_space<hbm>>) dst(%arg5 : memref<10240xi32, #tpu.memory_space<vmem>>)
        tpu.yield
      }) : () -> ()
    } else {
    }
    %eq3A = arith.constant 31 : i32
    %eq3A_13 = arith.cmpi eq, %add3A, %eq3A : i32
    %convert_element_type3A_14 = arith.extui %eq3A_13 : i1 to i32
    %cond3A_15 = arith.constant 0 : i32
    %cond3A_16 = arith.cmpi ne, %convert_element_type3A_14, %cond3A_15 : i32
    scf.if %cond3A_16 {
      %run_scoped3A_145 = arith.constant 0 : i32
      "tpu.region"() ({
        %run_scoped3A_146 = tpu.sem_alloc : memref<!tpu.dma_semaphore, #tpu.memory_space<semaphore_mem>>
        %dma_start3A_147 = arith.constant 0 : i32
        %dma_start3A_148 = tpu.memref_slice %arg5[%dma_start3A_147] : memref<10240xi32, #tpu.memory_space<vmem>> -> memref<2560xi32, #tpu.memory_space<vmem>>
        %dma_start3A_149 = tpu.memref_slice %arg2[%run_scoped3A_145, %mul3A_3] : memref<2x320000xi32, #tpu.memory_space<hbm>> -> memref<1x2560xi32, #tpu.memory_space<hbm>>
        %dma_start3A_150 = tpu.memref_squeeze %dma_start3A_149 : memref<1x2560xi32, #tpu.memory_space<hbm>> -> memref<2560xi32, #tpu.memory_space<hbm>>
        %dma_start3A_151 = arith.constant 0 : i32
        %dma_start3A_152 = tpu.memref_slice %arg5[%dma_start3A_151] : memref<10240xi32, #tpu.memory_space<vmem>> -> memref<2560xi32, #tpu.memory_space<vmem>>
        %dma_start3A_153 = tpu.memref_slice %arg2[%run_scoped3A_145, %mul3A_3] : memref<2x320000xi32, #tpu.memory_space<hbm>> -> memref<1x2560xi32, #tpu.memory_space<hbm>>
        %dma_start3A_154 = tpu.memref_squeeze %dma_start3A_153 : memref<1x2560xi32, #tpu.memory_space<hbm>> -> memref<2560xi32, #tpu.memory_space<hbm>>
        tpu.enqueue_dma source(%dma_start3A_154 : memref<2560xi32, #tpu.memory_space<hbm>>) target(%dma_start3A_152 : memref<2560xi32, #tpu.memory_space<vmem>>) target_semaphore(%run_scoped3A_146 : memref<!tpu.dma_semaphore, #tpu.memory_space<semaphore_mem>>)
        %dma_wait3A_155 = arith.constant 0 : i32
        %dma_wait3A_156 = tpu.memref_slice %arg5[%dma_wait3A_155] : memref<10240xi32, #tpu.memory_space<vmem>> -> memref<2560xi32, #tpu.memory_space<vmem>>
        %dma_wait3A_157 = tpu.memref_slice %arg2[%run_scoped3A_145, %mul3A_3] : memref<2x320000xi32, #tpu.memory_space<hbm>> -> memref<1x2560xi32, #tpu.memory_space<hbm>>
        %dma_wait3A_158 = tpu.memref_squeeze %dma_wait3A_157 : memref<1x2560xi32, #tpu.memory_space<hbm>> -> memref<2560xi32, #tpu.memory_space<hbm>>
        %dma_wait3A_159 = arith.constant 0 : i32
        %dma_wait3A_160 = tpu.memref_slice %arg5[%dma_wait3A_159] : memref<10240xi32, #tpu.memory_space<vmem>> -> memref<2560xi32, #tpu.memory_space<vmem>>
        %dma_wait3A_161 = tpu.memref_slice %arg2[%run_scoped3A_145, %mul3A_3] : memref<2x320000xi32, #tpu.memory_space<hbm>> -> memref<1x2560xi32, #tpu.memory_space<hbm>>
        %dma_wait3A_162 = tpu.memref_squeeze %dma_wait3A_161 : memref<1x2560xi32, #tpu.memory_space<hbm>> -> memref<2560xi32, #tpu.memory_space<hbm>>
        tpu.wait_dma2 semaphore(%run_scoped3A_146 : memref<!tpu.dma_semaphore, #tpu.memory_space<semaphore_mem>>) src(%dma_wait3A_162 : memref<2560xi32, #tpu.memory_space<hbm>>) dst(%dma_wait3A_160 : memref<2560xi32, #tpu.memory_space<vmem>>)
        tpu.yield
      }) : () -> ()
    } else {
    }
    %add3A_17 = arith.constant 0 : i32
    %add3A_18 = arith.addi %mul3A_3, %add3A_17 : i32
    %dma_start3A = arith.constant 1 : i32
    %dma_start3A_19 = arith.constant 0 : i32
    %dma_start3A_20 = arith.constant 0 : i32
    %dma_start3A_21 = arith.constant 0 : i32
    %dma_start3A_22 = tpu.memref_slice %arg6[%dma_start3A_19, %dma_start3A_21] : memref<80x128xi32, #tpu.memory_space<vmem>> -> memref<1x128xi32, #tpu.memory_space<vmem>>
    %dma_start3A_23 = tpu.memref_squeeze %dma_start3A_22 : memref<1x128xi32, #tpu.memory_space<vmem>> -> memref<128xi32, #tpu.memory_space<vmem>>
    %dma_start3A_24 = tpu.memref_slice %arg2[%dma_start3A, %add3A_18] : memref<2x320000xi32, #tpu.memory_space<hbm>> -> memref<1x128xi32, #tpu.memory_space<hbm>>
    %dma_start3A_25 = tpu.memref_squeeze %dma_start3A_24 : memref<1x128xi32, #tpu.memory_space<hbm>> -> memref<128xi32, #tpu.memory_space<hbm>>
    %dma_start3A_26 = tpu.memref_slice %arg12[%dma_start3A_20] : memref<4x!tpu.dma_semaphore, #tpu.memory_space<semaphore_mem>> -> memref<1x!tpu.dma_semaphore, #tpu.memory_space<semaphore_mem>>
    %dma_start3A_27 = tpu.memref_squeeze %dma_start3A_26 : memref<1x!tpu.dma_semaphore, #tpu.memory_space<semaphore_mem>> -> memref<!tpu.dma_semaphore, #tpu.memory_space<semaphore_mem>>
    %dma_start3A_28 = arith.constant 0 : i32
    %dma_start3A_29 = tpu.memref_slice %arg6[%dma_start3A_19, %dma_start3A_28] : memref<80x128xi32, #tpu.memory_space<vmem>> -> memref<1x128xi32, #tpu.memory_space<vmem>>
    %dma_start3A_30 = tpu.memref_squeeze %dma_start3A_29 : memref<1x128xi32, #tpu.memory_space<vmem>> -> memref<128xi32, #tpu.memory_space<vmem>>
    %dma_start3A_31 = tpu.memref_slice %arg2[%dma_start3A, %add3A_18] : memref<2x320000xi32, #tpu.memory_space<hbm>> -> memref<1x128xi32, #tpu.memory_space<hbm>>
    %dma_start3A_32 = tpu.memref_squeeze %dma_start3A_31 : memref<1x128xi32, #tpu.memory_space<hbm>> -> memref<128xi32, #tpu.memory_space<hbm>>
    tpu.enqueue_dma source(%dma_start3A_32 : memref<128xi32, #tpu.memory_space<hbm>>) target(%dma_start3A_30 : memref<128xi32, #tpu.memory_space<vmem>>) target_semaphore(%dma_start3A_27 : memref<!tpu.dma_semaphore, #tpu.memory_space<semaphore_mem>>)
    %add3A_33 = arith.constant 128 : i32
    %add3A_34 = arith.addi %mul3A_3, %add3A_33 : i32
    %dma_start3A_35 = arith.constant 1 : i32
    %dma_start3A_36 = arith.constant 1 : i32
    %dma_start3A_37 = arith.constant 1 : i32
    %dma_start3A_38 = arith.constant 0 : i32
    %dma_start3A_39 = tpu.memref_slice %arg6[%dma_start3A_36, %dma_start3A_38] : memref<80x128xi32, #tpu.memory_space<vmem>> -> memref<1x128xi32, #tpu.memory_space<vmem>>
    %dma_start3A_40 = tpu.memref_squeeze %dma_start3A_39 : memref<1x128xi32, #tpu.memory_space<vmem>> -> memref<128xi32, #tpu.memory_space<vmem>>
    %dma_start3A_41 = tpu.memref_slice %arg2[%dma_start3A_35, %add3A_34] : memref<2x320000xi32, #tpu.memory_space<hbm>> -> memref<1x128xi32, #tpu.memory_space<hbm>>
    %dma_start3A_42 = tpu.memref_squeeze %dma_start3A_41 : memref<1x128xi32, #tpu.memory_space<hbm>> -> memref<128xi32, #tpu.memory_space<hbm>>
    %dma_start3A_43 = tpu.memref_slice %arg12[%dma_start3A_37] : memref<4x!tpu.dma_semaphore, #tpu.memory_space<semaphore_mem>> -> memref<1x!tpu.dma_semaphore, #tpu.memory_space<semaphore_mem>>
    %dma_start3A_44 = tpu.memref_squeeze %dma_start3A_43 : memref<1x!tpu.dma_semaphore, #tpu.memory_space<semaphore_mem>> -> memref<!tpu.dma_semaphore, #tpu.memory_space<semaphore_mem>>
    %dma_start3A_45 = arith.constant 0 : i32
    %dma_start3A_46 = tpu.memref_slice %arg6[%dma_start3A_36, %dma_start3A_45] : memref<80x128xi32, #tpu.memory_space<vmem>> -> memref<1x128xi32, #tpu.memory_space<vmem>>
    %dma_start3A_47 = tpu.memref_squeeze %dma_start3A_46 : memref<1x128xi32, #tpu.memory_space<vmem>> -> memref<128xi32, #tpu.memory_space<vmem>>
    %dma_start3A_48 = tpu.memref_slice %arg2[%dma_start3A_35, %add3A_34] : memref<2x320000xi32, #tpu.memory_space<hbm>> -> memref<1x128xi32, #tpu.memory_space<hbm>>
    %dma_start3A_49 = tpu.memref_squeeze %dma_start3A_48 : memref<1x128xi32, #tpu.memory_space<hbm>> -> memref<128xi32, #tpu.memory_space<hbm>>
    tpu.enqueue_dma source(%dma_start3A_49 : memref<128xi32, #tpu.memory_space<hbm>>) target(%dma_start3A_47 : memref<128xi32, #tpu.memory_space<vmem>>) target_semaphore(%dma_start3A_44 : memref<!tpu.dma_semaphore, #tpu.memory_space<semaphore_mem>>)
    %add3A_50 = arith.constant 256 : i32
    %add3A_51 = arith.addi %mul3A_3, %add3A_50 : i32
    %dma_start3A_52 = arith.constant 1 : i32
    %dma_start3A_53 = arith.constant 2 : i32
    %dma_start3A_54 = arith.constant 2 : i32
    %dma_start3A_55 = arith.constant 0 : i32
    %dma_start3A_56 = tpu.memref_slice %arg6[%dma_start3A_53, %dma_start3A_55] : memref<80x128xi32, #tpu.memory_space<vmem>> -> memref<1x128xi32, #tpu.memory_space<vmem>>
    %dma_start3A_57 = tpu.memref_squeeze %dma_start3A_56 : memref<1x128xi32, #tpu.memory_space<vmem>> -> memref<128xi32, #tpu.memory_space<vmem>>
    %dma_start3A_58 = tpu.memref_slice %arg2[%dma_start3A_52, %add3A_51] : memref<2x320000xi32, #tpu.memory_space<hbm>> -> memref<1x128xi32, #tpu.memory_space<hbm>>
    %dma_start3A_59 = tpu.memref_squeeze %dma_start3A_58 : memref<1x128xi32, #tpu.memory_space<hbm>> -> memref<128xi32, #tpu.memory_space<hbm>>
    %dma_start3A_60 = tpu.memref_slice %arg12[%dma_start3A_54] : memref<4x!tpu.dma_semaphore, #tpu.memory_space<semaphore_mem>> -> memref<1x!tpu.dma_semaphore, #tpu.memory_space<semaphore_mem>>
    %dma_start3A_61 = tpu.memref_squeeze %dma_start3A_60 : memref<1x!tpu.dma_semaphore, #tpu.memory_space<semaphore_mem>> -> memref<!tpu.dma_semaphore, #tpu.memory_space<semaphore_mem>>
    %dma_start3A_62 = arith.constant 0 : i32
    %dma_start3A_63 = tpu.memref_slice %arg6[%dma_start3A_53, %dma_start3A_62] : memref<80x128xi32, #tpu.memory_space<vmem>> -> memref<1x128xi32, #tpu.memory_space<vmem>>
    %dma_start3A_64 = tpu.memref_squeeze %dma_start3A_63 : memref<1x128xi32, #tpu.memory_space<vmem>> -> memref<128xi32, #tpu.memory_space<vmem>>
    %dma_start3A_65 = tpu.memref_slice %arg2[%dma_start3A_52, %add3A_51] : memref<2x320000xi32, #tpu.memory_space<hbm>> -> memref<1x128xi32, #tpu.memory_space<hbm>>
    %dma_start3A_66 = tpu.memref_squeeze %dma_start3A_65 : memref<1x128xi32, #tpu.memory_space<hbm>> -> memref<128xi32, #tpu.memory_space<hbm>>
    tpu.enqueue_dma source(%dma_start3A_66 : memref<128xi32, #tpu.memory_space<hbm>>) target(%dma_start3A_64 : memref<128xi32, #tpu.memory_space<vmem>>) target_semaphore(%dma_start3A_61 : memref<!tpu.dma_semaphore, #tpu.memory_space<semaphore_mem>>)
    %scan3A = arith.constant 0 : i32
    %scan3A_67 = arith.constant 0 : i32
    %scan3A_68 = arith.constant 128 : i32
    %scan3A_69 = arith.addi %scan3A_67, %scan3A_68 : i32
    %scan3A_70 = arith.constant 1 : i32
    scf.for %scan3A_145 = %scan3A_67 to %scan3A_69 step %scan3A_70  : i32 {
      %swap3A = arith.constant 0 : i32
      %swap3A_146 = arith.index_cast %swap3A : i32 to index
      %swap3A_147 = arith.index_cast %scan3A_145 : i32 to index
      %swap3A_148 = arith.constant 0 : index
      %swap3A_149 = tpu.vector_load %arg7[%swap3A_146, %swap3A_147, %swap3A_148] {strides = array<i32>} : memref<2x128x64xf32, #tpu.memory_space<vmem>>, vector<1x1x16xf32>,
      %swap3A_150 = vector.shape_cast %swap3A_149 : vector<1x1x16xf32> to vector<16xf32>
      %swap3A_151 = vector.shape_cast %broadcast_in_dim3A_0 : vector<16xf32> to vector<1x1x16xf32>
      tpu.vector_store %arg7[%swap3A_146, %swap3A_147, %swap3A_148], %swap3A_151 {strides = array<i32>} : memref<2x128x64xf32, #tpu.memory_space<vmem>>, vector<1x1x16xf32>,
      %swap3A_152 = arith.constant 0 : i32
      %swap3A_153 = arith.index_cast %swap3A_152 : i32 to index
      %swap3A_154 = arith.index_cast %scan3A_145 : i32 to index
      %swap3A_155 = arith.constant 16 : index
      %swap3A_156 = tpu.vector_load %arg7[%swap3A_153, %swap3A_154, %swap3A_155] {strides = array<i32>} : memref<2x128x64xf32, #tpu.memory_space<vmem>>, vector<1x1x16xf32>,
      %swap3A_157 = vector.shape_cast %swap3A_156 : vector<1x1x16xf32> to vector<16xf32>
      %swap3A_158 = vector.shape_cast %broadcast_in_dim3A_0 : vector<16xf32> to vector<1x1x16xf32>
      tpu.vector_store %arg7[%swap3A_153, %swap3A_154, %swap3A_155], %swap3A_158 {strides = array<i32>} : memref<2x128x64xf32, #tpu.memory_space<vmem>>, vector<1x1x16xf32>,
      %swap3A_159 = arith.constant 0 : i32
      %swap3A_160 = arith.index_cast %swap3A_159 : i32 to index
      %swap3A_161 = arith.index_cast %scan3A_145 : i32 to index
      %swap3A_162 = arith.constant 32 : index
      %swap3A_163 = tpu.vector_load %arg7[%swap3A_160, %swap3A_161, %swap3A_162] {strides = array<i32>} : memref<2x128x64xf32, #tpu.memory_space<vmem>>, vector<1x1x16xf32>,
      %swap3A_164 = vector.shape_cast %swap3A_163 : vector<1x1x16xf32> to vector<16xf32>
      %swap3A_165 = vector.shape_cast %broadcast_in_dim3A_0 : vector<16xf32> to vector<1x1x16xf32>
      tpu.vector_store %arg7[%swap3A_160, %swap3A_161, %swap3A_162], %swap3A_165 {strides = array<i32>} : memref<2x128x64xf32, #tpu.memory_space<vmem>>, vector<1x1x16xf32>,
      %swap3A_166 = arith.constant 0 : i32
      %swap3A_167 = arith.index_cast %swap3A_166 : i32 to index
      %swap3A_168 = arith.index_cast %scan3A_145 : i32 to index
      %swap3A_169 = arith.constant 48 : index
      %swap3A_170 = tpu.vector_load %arg7[%swap3A_167, %swap3A_168, %swap3A_169] {strides = array<i32>} : memref<2x128x64xf32, #tpu.memory_space<vmem>>, vector<1x1x16xf32>,
      %swap3A_171 = vector.shape_cast %swap3A_170 : vector<1x1x16xf32> to vector<16xf32>
      %swap3A_172 = vector.shape_cast %broadcast_in_dim3A_0 : vector<16xf32> to vector<1x1x16xf32>
      tpu.vector_store %arg7[%swap3A_167, %swap3A_168, %swap3A_169], %swap3A_172 {strides = array<i32>} : memref<2x128x64xf32, #tpu.memory_space<vmem>>, vector<1x1x16xf32>,
    }
    %scan3A_71 = arith.constant 128 : i32
    %mul3A_72 = arith.constant 632 : i32
    %mul3A_73 = arith.muli %arg1, %mul3A_72 : i32
    %add3A_74 = arith.constant 0 : i32
    %add3A_75 = arith.addi %mul3A_73, %add3A_74 : i32
    %run_scoped3A = arith.constant 0 : i32
    "tpu.region"() ({
      %run_scoped3A_145 = tpu.sem_alloc : memref<!tpu.dma_semaphore, #tpu.memory_space<semaphore_mem>>
      %dma_start3A_146 = arith.constant 0 : i32
      %dma_start3A_147 = arith.constant 0 : i32
      %dma_start3A_148 = tpu.memref_slice %arg7[%run_scoped3A, %dma_start3A_146, %dma_start3A_147] : memref<2x128x64xf32, #tpu.memory_space<vmem>> -> memref<1x128x64xf32, #tpu.memory_space<vmem>>
      %dma_start3A_149 = tpu.memref_squeeze %dma_start3A_148 : memref<1x128x64xf32, #tpu.memory_space<vmem>> -> memref<128x64xf32, #tpu.memory_space<vmem>>
      %dma_start3A_150 = arith.constant 0 : i32
      %dma_start3A_151 = tpu.memref_slice %arg9[%add3A_75, %dma_start3A_150] : memref<10112x64xf32, #tpu.memory_space<vmem_shared>> -> memref<128x64xf32, #tpu.memory_space<vmem_shared>>
      %dma_start3A_152 = arith.constant 0 : i32
      %dma_start3A_153 = tpu.memref_slice %arg9[%add3A_75, %dma_start3A_152] : memref<10112x64xf32, #tpu.memory_space<vmem_shared>> -> memref<128x64xf32, #tpu.memory_space<vmem_shared>>
      %dma_start3A_154 = arith.constant 0 : i32
      %dma_start3A_155 = arith.constant 0 : i32
      %dma_start3A_156 = tpu.memref_slice %arg7[%run_scoped3A, %dma_start3A_154, %dma_start3A_155] : memref<2x128x64xf32, #tpu.memory_space<vmem>> -> memref<1x128x64xf32, #tpu.memory_space<vmem>>
      %dma_start3A_157 = tpu.memref_squeeze %dma_start3A_156 : memref<1x128x64xf32, #tpu.memory_space<vmem>> -> memref<128x64xf32, #tpu.memory_space<vmem>>
      tpu.enqueue_dma source(%dma_start3A_157 : memref<128x64xf32, #tpu.memory_space<vmem>>) target(%dma_start3A_153 : memref<128x64xf32, #tpu.memory_space<vmem_shared>>) target_semaphore(%run_scoped3A_145 : memref<!tpu.dma_semaphore, #tpu.memory_space<semaphore_mem>>)
      %dma_wait3A_158 = arith.constant 0 : i32
      %dma_wait3A_159 = arith.constant 0 : i32
      %dma_wait3A_160 = tpu.memref_slice %arg7[%run_scoped3A, %dma_wait3A_158, %dma_wait3A_159] : memref<2x128x64xf32, #tpu.memory_space<vmem>> -> memref<1x128x64xf32, #tpu.memory_space<vmem>>
      %dma_wait3A_161 = tpu.memref_squeeze %dma_wait3A_160 : memref<1x128x64xf32, #tpu.memory_space<vmem>> -> memref<128x64xf32, #tpu.memory_space<vmem>>
      %dma_wait3A_162 = arith.constant 0 : i32
      %dma_wait3A_163 = tpu.memref_slice %arg9[%add3A_75, %dma_wait3A_162] : memref<10112x64xf32, #tpu.memory_space<vmem_shared>> -> memref<128x64xf32, #tpu.memory_space<vmem_shared>>
      %dma_wait3A_164 = arith.constant 0 : i32
      %dma_wait3A_165 = tpu.memref_slice %arg9[%add3A_75, %dma_wait3A_164] : memref<10112x64xf32, #tpu.memory_space<vmem_shared>> -> memref<128x64xf32, #tpu.memory_space<vmem_shared>>
      %dma_wait3A_166 = arith.constant 0 : i32
      %dma_wait3A_167 = arith.constant 0 : i32
      %dma_wait3A_168 = tpu.memref_slice %arg7[%run_scoped3A, %dma_wait3A_166, %dma_wait3A_167] : memref<2x128x64xf32, #tpu.memory_space<vmem>> -> memref<1x128x64xf32, #tpu.memory_space<vmem>>
      %dma_wait3A_169 = tpu.memref_squeeze %dma_wait3A_168 : memref<1x128x64xf32, #tpu.memory_space<vmem>> -> memref<128x64xf32, #tpu.memory_space<vmem>>
      tpu.wait_dma2 semaphore(%run_scoped3A_145 : memref<!tpu.dma_semaphore, #tpu.memory_space<semaphore_mem>>) src(%dma_wait3A_169 : memref<128x64xf32, #tpu.memory_space<vmem>>) dst(%dma_wait3A_165 : memref<128x64xf32, #tpu.memory_space<vmem_shared>>)
      tpu.yield
    }) : () -> ()
    %add3A_76 = arith.constant 128 : i32
    %add3A_77 = arith.addi %mul3A_73, %add3A_76 : i32
    %run_scoped3A_78 = arith.constant 0 : i32
    "tpu.region"() ({
      %run_scoped3A_145 = tpu.sem_alloc : memref<!tpu.dma_semaphore, #tpu.memory_space<semaphore_mem>>
      %dma_start3A_146 = arith.constant 0 : i32
      %dma_start3A_147 = arith.constant 0 : i32
      %dma_start3A_148 = tpu.memref_slice %arg7[%run_scoped3A_78, %dma_start3A_146, %dma_start3A_147] : memref<2x128x64xf32, #tpu.memory_space<vmem>> -> memref<1x128x64xf32, #tpu.memory_space<vmem>>
      %dma_start3A_149 = tpu.memref_squeeze %dma_start3A_148 : memref<1x128x64xf32, #tpu.memory_space<vmem>> -> memref<128x64xf32, #tpu.memory_space<vmem>>
      %dma_start3A_150 = arith.constant 0 : i32
      %dma_start3A_151 = tpu.memref_slice %arg9[%add3A_77, %dma_start3A_150] : memref<10112x64xf32, #tpu.memory_space<vmem_shared>> -> memref<128x64xf32, #tpu.memory_space<vmem_shared>>
      %dma_start3A_152 = arith.constant 0 : i32
      %dma_start3A_153 = tpu.memref_slice %arg9[%add3A_77, %dma_start3A_152] : memref<10112x64xf32, #tpu.memory_space<vmem_shared>> -> memref<128x64xf32, #tpu.memory_space<vmem_shared>>
      %dma_start3A_154 = arith.constant 0 : i32
      %dma_start3A_155 = arith.constant 0 : i32
      %dma_start3A_156 = tpu.memref_slice %arg7[%run_scoped3A_78, %dma_start3A_154, %dma_start3A_155] : memref<2x128x64xf32, #tpu.memory_space<vmem>> -> memref<1x128x64xf32, #tpu.memory_space<vmem>>
      %dma_start3A_157 = tpu.memref_squeeze %dma_start3A_156 : memref<1x128x64xf32, #tpu.memory_space<vmem>> -> memref<128x64xf32, #tpu.memory_space<vmem>>
      tpu.enqueue_dma source(%dma_start3A_157 : memref<128x64xf32, #tpu.memory_space<vmem>>) target(%dma_start3A_153 : memref<128x64xf32, #tpu.memory_space<vmem_shared>>) target_semaphore(%run_scoped3A_145 : memref<!tpu.dma_semaphore, #tpu.memory_space<semaphore_mem>>)
      %dma_wait3A_158 = arith.constant 0 : i32
      %dma_wait3A_159 = arith.constant 0 : i32
      %dma_wait3A_160 = tpu.memref_slice %arg7[%run_scoped3A_78, %dma_wait3A_158, %dma_wait3A_159] : memref<2x128x64xf32, #tpu.memory_space<vmem>> -> memref<1x128x64xf32, #tpu.memory_space<vmem>>
      %dma_wait3A_161 = tpu.memref_squeeze %dma_wait3A_160 : memref<1x128x64xf32, #tpu.memory_space<vmem>> -> memref<128x64xf32, #tpu.memory_space<vmem>>
      %dma_wait3A_162 = arith.constant 0 : i32
      %dma_wait3A_163 = tpu.memref_slice %arg9[%add3A_77, %dma_wait3A_162] : memref<10112x64xf32, #tpu.memory_space<vmem_shared>> -> memref<128x64xf32, #tpu.memory_space<vmem_shared>>
      %dma_wait3A_164 = arith.constant 0 : i32
      %dma_wait3A_165 = tpu.memref_slice %arg9[%add3A_77, %dma_wait3A_164] : memref<10112x64xf32, #tpu.memory_space<vmem_shared>> -> memref<128x64xf32, #tpu.memory_space<vmem_shared>>
      %dma_wait3A_166 = arith.constant 0 : i32
      %dma_wait3A_167 = arith.constant 0 : i32
      %dma_wait3A_168 = tpu.memref_slice %arg7[%run_scoped3A_78, %dma_wait3A_166, %dma_wait3A_167] : memref<2x128x64xf32, #tpu.memory_space<vmem>> -> memref<1x128x64xf32, #tpu.memory_space<vmem>>
      %dma_wait3A_169 = tpu.memref_squeeze %dma_wait3A_168 : memref<1x128x64xf32, #tpu.memory_space<vmem>> -> memref<128x64xf32, #tpu.memory_space<vmem>>
      tpu.wait_dma2 semaphore(%run_scoped3A_145 : memref<!tpu.dma_semaphore, #tpu.memory_space<semaphore_mem>>) src(%dma_wait3A_169 : memref<128x64xf32, #tpu.memory_space<vmem>>) dst(%dma_wait3A_165 : memref<128x64xf32, #tpu.memory_space<vmem_shared>>)
      tpu.yield
    }) : () -> ()
    %add3A_79 = arith.constant 256 : i32
    %add3A_80 = arith.addi %mul3A_73, %add3A_79 : i32
    %run_scoped3A_81 = arith.constant 0 : i32
    "tpu.region"() ({
      %run_scoped3A_145 = tpu.sem_alloc : memref<!tpu.dma_semaphore, #tpu.memory_space<semaphore_mem>>
      %dma_start3A_146 = arith.constant 0 : i32
      %dma_start3A_147 = arith.constant 0 : i32
      %dma_start3A_148 = tpu.memref_slice %arg7[%run_scoped3A_81, %dma_start3A_146, %dma_start3A_147] : memref<2x128x64xf32, #tpu.memory_space<vmem>> -> memref<1x128x64xf32, #tpu.memory_space<vmem>>
      %dma_start3A_149 = tpu.memref_squeeze %dma_start3A_148 : memref<1x128x64xf32, #tpu.memory_space<vmem>> -> memref<128x64xf32, #tpu.memory_space<vmem>>
      %dma_start3A_150 = arith.constant 0 : i32
      %dma_start3A_151 = tpu.memref_slice %arg9[%add3A_80, %dma_start3A_150] : memref<10112x64xf32, #tpu.memory_space<vmem_shared>> -> memref<128x64xf32, #tpu.memory_space<vmem_shared>>
      %dma_start3A_152 = arith.constant 0 : i32
      %dma_start3A_153 = tpu.memref_slice %arg9[%add3A_80, %dma_start3A_152] : memref<10112x64xf32, #tpu.memory_space<vmem_shared>> -> memref<128x64xf32, #tpu.memory_space<vmem_shared>>
      %dma_start3A_154 = arith.constant 0 : i32
      %dma_start3A_155 = arith.constant 0 : i32
      %dma_start3A_156 = tpu.memref_slice %arg7[%run_scoped3A_81, %dma_start3A_154, %dma_start3A_155] : memref<2x128x64xf32, #tpu.memory_space<vmem>> -> memref<1x128x64xf32, #tpu.memory_space<vmem>>
      %dma_start3A_157 = tpu.memref_squeeze %dma_start3A_156 : memref<1x128x64xf32, #tpu.memory_space<vmem>> -> memref<128x64xf32, #tpu.memory_space<vmem>>
      tpu.enqueue_dma source(%dma_start3A_157 : memref<128x64xf32, #tpu.memory_space<vmem>>) target(%dma_start3A_153 : memref<128x64xf32, #tpu.memory_space<vmem_shared>>) target_semaphore(%run_scoped3A_145 : memref<!tpu.dma_semaphore, #tpu.memory_space<semaphore_mem>>)
      %dma_wait3A_158 = arith.constant 0 : i32
      %dma_wait3A_159 = arith.constant 0 : i32
      %dma_wait3A_160 = tpu.memref_slice %arg7[%run_scoped3A_81, %dma_wait3A_158, %dma_wait3A_159] : memref<2x128x64xf32, #tpu.memory_space<vmem>> -> memref<1x128x64xf32, #tpu.memory_space<vmem>>
      %dma_wait3A_161 = tpu.memref_squeeze %dma_wait3A_160 : memref<1x128x64xf32, #tpu.memory_space<vmem>> -> memref<128x64xf32, #tpu.memory_space<vmem>>
      %dma_wait3A_162 = arith.constant 0 : i32
      %dma_wait3A_163 = tpu.memref_slice %arg9[%add3A_80, %dma_wait3A_162] : memref<10112x64xf32, #tpu.memory_space<vmem_shared>> -> memref<128x64xf32, #tpu.memory_space<vmem_shared>>
      %dma_wait3A_164 = arith.constant 0 : i32
      %dma_wait3A_165 = tpu.memref_slice %arg9[%add3A_80, %dma_wait3A_164] : memref<10112x64xf32, #tpu.memory_space<vmem_shared>> -> memref<128x64xf32, #tpu.memory_space<vmem_shared>>
      %dma_wait3A_166 = arith.constant 0 : i32
      %dma_wait3A_167 = arith.constant 0 : i32
      %dma_wait3A_168 = tpu.memref_slice %arg7[%run_scoped3A_81, %dma_wait3A_166, %dma_wait3A_167] : memref<2x128x64xf32, #tpu.memory_space<vmem>> -> memref<1x128x64xf32, #tpu.memory_space<vmem>>
      %dma_wait3A_169 = tpu.memref_squeeze %dma_wait3A_168 : memref<1x128x64xf32, #tpu.memory_space<vmem>> -> memref<128x64xf32, #tpu.memory_space<vmem>>
      tpu.wait_dma2 semaphore(%run_scoped3A_145 : memref<!tpu.dma_semaphore, #tpu.memory_space<semaphore_mem>>) src(%dma_wait3A_169 : memref<128x64xf32, #tpu.memory_space<vmem>>) dst(%dma_wait3A_165 : memref<128x64xf32, #tpu.memory_space<vmem_shared>>)
      tpu.yield
    }) : () -> ()
    %add3A_82 = arith.constant 384 : i32
    %add3A_83 = arith.addi %mul3A_73, %add3A_82 : i32
    %run_scoped3A_84 = arith.constant 0 : i32
    "tpu.region"() ({
      %run_scoped3A_145 = tpu.sem_alloc : memref<!tpu.dma_semaphore, #tpu.memory_space<semaphore_mem>>
      %dma_start3A_146 = arith.constant 0 : i32
      %dma_start3A_147 = arith.constant 0 : i32
      %dma_start3A_148 = tpu.memref_slice %arg7[%run_scoped3A_84, %dma_start3A_146, %dma_start3A_147] : memref<2x128x64xf32, #tpu.memory_space<vmem>> -> memref<1x128x64xf32, #tpu.memory_space<vmem>>
      %dma_start3A_149 = tpu.memref_squeeze %dma_start3A_148 : memref<1x128x64xf32, #tpu.memory_space<vmem>> -> memref<128x64xf32, #tpu.memory_space<vmem>>
      %dma_start3A_150 = arith.constant 0 : i32
      %dma_start3A_151 = tpu.memref_slice %arg9[%add3A_83, %dma_start3A_150] : memref<10112x64xf32, #tpu.memory_space<vmem_shared>> -> memref<128x64xf32, #tpu.memory_space<vmem_shared>>
      %dma_start3A_152 = arith.constant 0 : i32
      %dma_start3A_153 = tpu.memref_slice %arg9[%add3A_83, %dma_start3A_152] : memref<10112x64xf32, #tpu.memory_space<vmem_shared>> -> memref<128x64xf32, #tpu.memory_space<vmem_shared>>
      %dma_start3A_154 = arith.constant 0 : i32
      %dma_start3A_155 = arith.constant 0 : i32
      %dma_start3A_156 = tpu.memref_slice %arg7[%run_scoped3A_84, %dma_start3A_154, %dma_start3A_155] : memref<2x128x64xf32, #tpu.memory_space<vmem>> -> memref<1x128x64xf32, #tpu.memory_space<vmem>>
      %dma_start3A_157 = tpu.memref_squeeze %dma_start3A_156 : memref<1x128x64xf32, #tpu.memory_space<vmem>> -> memref<128x64xf32, #tpu.memory_space<vmem>>
      tpu.enqueue_dma source(%dma_start3A_157 : memref<128x64xf32, #tpu.memory_space<vmem>>) target(%dma_start3A_153 : memref<128x64xf32, #tpu.memory_space<vmem_shared>>) target_semaphore(%run_scoped3A_145 : memref<!tpu.dma_semaphore, #tpu.memory_space<semaphore_mem>>)
      %dma_wait3A_158 = arith.constant 0 : i32
      %dma_wait3A_159 = arith.constant 0 : i32
      %dma_wait3A_160 = tpu.memref_slice %arg7[%run_scoped3A_84, %dma_wait3A_158, %dma_wait3A_159] : memref<2x128x64xf32, #tpu.memory_space<vmem>> -> memref<1x128x64xf32, #tpu.memory_space<vmem>>
      %dma_wait3A_161 = tpu.memref_squeeze %dma_wait3A_160 : memref<1x128x64xf32, #tpu.memory_space<vmem>> -> memref<128x64xf32, #tpu.memory_space<vmem>>
      %dma_wait3A_162 = arith.constant 0 : i32
      %dma_wait3A_163 = tpu.memref_slice %arg9[%add3A_83, %dma_wait3A_162] : memref<10112x64xf32, #tpu.memory_space<vmem_shared>> -> memref<128x64xf32, #tpu.memory_space<vmem_shared>>
      %dma_wait3A_164 = arith.constant 0 : i32
      %dma_wait3A_165 = tpu.memref_slice %arg9[%add3A_83, %dma_wait3A_164] : memref<10112x64xf32, #tpu.memory_space<vmem_shared>> -> memref<128x64xf32, #tpu.memory_space<vmem_shared>>
      %dma_wait3A_166 = arith.constant 0 : i32
      %dma_wait3A_167 = arith.constant 0 : i32
      %dma_wait3A_168 = tpu.memref_slice %arg7[%run_scoped3A_84, %dma_wait3A_166, %dma_wait3A_167] : memref<2x128x64xf32, #tpu.memory_space<vmem>> -> memref<1x128x64xf32, #tpu.memory_space<vmem>>
      %dma_wait3A_169 = tpu.memref_squeeze %dma_wait3A_168 : memref<1x128x64xf32, #tpu.memory_space<vmem>> -> memref<128x64xf32, #tpu.memory_space<vmem>>
      tpu.wait_dma2 semaphore(%run_scoped3A_145 : memref<!tpu.dma_semaphore, #tpu.memory_space<semaphore_mem>>) src(%dma_wait3A_169 : memref<128x64xf32, #tpu.memory_space<vmem>>) dst(%dma_wait3A_165 : memref<128x64xf32, #tpu.memory_space<vmem_shared>>)
      tpu.yield
    }) : () -> ()
    %add3A_85 = arith.constant 512 : i32
    %add3A_86 = arith.addi %mul3A_73, %add3A_85 : i32
    %run_scoped3A_87 = arith.constant 0 : i32
    "tpu.region"() ({
      %run_scoped3A_145 = tpu.sem_alloc : memref<!tpu.dma_semaphore, #tpu.memory_space<semaphore_mem>>
      %dma_start3A_146 = arith.constant 0 : i32
      %dma_start3A_147 = arith.constant 0 : i32
      %dma_start3A_148 = tpu.memref_slice %arg7[%run_scoped3A_87, %dma_start3A_146, %dma_start3A_147] : memref<2x128x64xf32, #tpu.memory_space<vmem>> -> memref<1x120x64xf32, #tpu.memory_space<vmem>>
      %dma_start3A_149 = tpu.memref_squeeze %dma_start3A_148 : memref<1x120x64xf32, #tpu.memory_space<vmem>> -> memref<120x64xf32, #tpu.memory_space<vmem>>
      %dma_start3A_150 = arith.constant 0 : i32
      %dma_start3A_151 = tpu.memref_slice %arg9[%add3A_86, %dma_start3A_150] : memref<10112x64xf32, #tpu.memory_space<vmem_shared>> -> memref<120x64xf32, #tpu.memory_space<vmem_shared>>
      %dma_start3A_152 = arith.constant 0 : i32
      %dma_start3A_153 = tpu.memref_slice %arg9[%add3A_86, %dma_start3A_152] : memref<10112x64xf32, #tpu.memory_space<vmem_shared>> -> memref<120x64xf32, #tpu.memory_space<vmem_shared>>
      %dma_start3A_154 = arith.constant 0 : i32
      %dma_start3A_155 = arith.constant 0 : i32
      %dma_start3A_156 = tpu.memref_slice %arg7[%run_scoped3A_87, %dma_start3A_154, %dma_start3A_155] : memref<2x128x64xf32, #tpu.memory_space<vmem>> -> memref<1x120x64xf32, #tpu.memory_space<vmem>>
      %dma_start3A_157 = tpu.memref_squeeze %dma_start3A_156 : memref<1x120x64xf32, #tpu.memory_space<vmem>> -> memref<120x64xf32, #tpu.memory_space<vmem>>
      tpu.enqueue_dma source(%dma_start3A_157 : memref<120x64xf32, #tpu.memory_space<vmem>>) target(%dma_start3A_153 : memref<120x64xf32, #tpu.memory_space<vmem_shared>>) target_semaphore(%run_scoped3A_145 : memref<!tpu.dma_semaphore, #tpu.memory_space<semaphore_mem>>)
      %dma_wait3A_158 = arith.constant 0 : i32
      %dma_wait3A_159 = arith.constant 0 : i32
      %dma_wait3A_160 = tpu.memref_slice %arg7[%run_scoped3A_87, %dma_wait3A_158, %dma_wait3A_159] : memref<2x128x64xf32, #tpu.memory_space<vmem>> -> memref<1x120x64xf32, #tpu.memory_space<vmem>>
      %dma_wait3A_161 = tpu.memref_squeeze %dma_wait3A_160 : memref<1x120x64xf32, #tpu.memory_space<vmem>> -> memref<120x64xf32, #tpu.memory_space<vmem>>
      %dma_wait3A_162 = arith.constant 0 : i32
      %dma_wait3A_163 = tpu.memref_slice %arg9[%add3A_86, %dma_wait3A_162] : memref<10112x64xf32, #tpu.memory_space<vmem_shared>> -> memref<120x64xf32, #tpu.memory_space<vmem_shared>>
      %dma_wait3A_164 = arith.constant 0 : i32
      %dma_wait3A_165 = tpu.memref_slice %arg9[%add3A_86, %dma_wait3A_164] : memref<10112x64xf32, #tpu.memory_space<vmem_shared>> -> memref<120x64xf32, #tpu.memory_space<vmem_shared>>
      %dma_wait3A_166 = arith.constant 0 : i32
      %dma_wait3A_167 = arith.constant 0 : i32
      %dma_wait3A_168 = tpu.memref_slice %arg7[%run_scoped3A_87, %dma_wait3A_166, %dma_wait3A_167] : memref<2x128x64xf32, #tpu.memory_space<vmem>> -> memref<1x120x64xf32, #tpu.memory_space<vmem>>
      %dma_wait3A_169 = tpu.memref_squeeze %dma_wait3A_168 : memref<1x120x64xf32, #tpu.memory_space<vmem>> -> memref<120x64xf32, #tpu.memory_space<vmem>>
      tpu.wait_dma2 semaphore(%run_scoped3A_145 : memref<!tpu.dma_semaphore, #tpu.memory_space<semaphore_mem>>) src(%dma_wait3A_169 : memref<120x64xf32, #tpu.memory_space<vmem>>) dst(%dma_wait3A_165 : memref<120x64xf32, #tpu.memory_space<vmem_shared>>)
      tpu.yield
    }) : () -> ()
    %barrier3A = arith.constant 0 : index
    tpu.barrier barrier_id(%barrier3A)
    %dma_start3A_88 = arith.constant 0 : i32
    %dma_start3A_89 = arith.constant 0 : i32
    %dma_start3A_90 = arith.constant 0 : i32
    %dma_start3A_91 = arith.constant 0 : i32
    %dma_start3A_92 = tpu.memref_slice %arg7[%dma_start3A_88, %dma_start3A_90, %dma_start3A_91] : memref<2x128x64xf32, #tpu.memory_space<vmem>> -> memref<1x128x64xf32, #tpu.memory_space<vmem>>
    %dma_start3A_93 = tpu.memref_squeeze %dma_start3A_92 : memref<1x128x64xf32, #tpu.memory_space<vmem>> -> memref<128x64xf32, #tpu.memory_space<vmem>>
    %dma_start3A_94 = arith.constant 0 : i32
    %dma_start3A_95 = tpu.memref_slice %arg5[%dma_start3A_94] : memref<10240xi32, #tpu.memory_space<vmem>> -> memref<128xi32, #tpu.memory_space<vmem>>
    %dma_start3A_96 = arith.constant 0 : i32
    %dma_start3A_97 = arith.constant 0 : i32
    %dma_start3A_98 = tpu.memref_slice %arg8[%dma_start3A_96, %dma_start3A_97] : memref<10112x64xf32, #tpu.memory_space<vmem_shared>> -> memref<10112x64xf32, #tpu.memory_space<vmem_shared>>
    %dma_start3A_99 = tpu.memref_slice %arg10[%dma_start3A_89] : memref<2x!tpu.dma_semaphore, #tpu.memory_space<semaphore_mem>> -> memref<1x!tpu.dma_semaphore, #tpu.memory_space<semaphore_mem>>
    %dma_start3A_100 = tpu.memref_squeeze %dma_start3A_99 : memref<1x!tpu.dma_semaphore, #tpu.memory_space<semaphore_mem>> -> memref<!tpu.dma_semaphore, #tpu.memory_space<semaphore_mem>>
    tpu.enqueue_indirect_dma source(%dma_start3A_98 : memref<10112x64xf32, #tpu.memory_space<vmem_shared>>) target(%dma_start3A_93 : memref<128x64xf32, #tpu.memory_space<vmem>>) offsets(%dma_start3A_95 : memref<128xi32, #tpu.memory_space<vmem>>) semaphore(%dma_start3A_100 : memref<!tpu.dma_semaphore, #tpu.memory_space<semaphore_mem>>)
    %while3A = arith.constant 0 : i32
    %while3A_101 = arith.constant 0 : i32
    %while3A_102 = arith.subi %select_n3A, %while3A_101 : i32
    %while3A_103 = arith.addi %while3A_101, %while3A_102 : i32
    %while3A_104 = arith.constant 1 : i32
    %while3A_105 = arith.divsi %while3A_102, %while3A_104 : i32
    %while3A_106 = arith.muli %while3A_105, %while3A_104 : i32
    %while3A_107 = arith.addi %while3A_101, %while3A_106 : i32
    %while3A_108 = arith.constant 1 : i32
    scf.for %while3A_145 = %while3A_101 to %while3A_107 step %while3A_108  : i32 {
      %jit3A_146 = arith.constant 2 : i32
      %eq3A_147 = arith.constant 0 : i32
      %eq3A_148 = arith.cmpi eq, %jit3A_146, %eq3A_147 : i32
      %jit3A_149 = arith.constant 1 : i32
      %select_n3A_150 = arith.select %eq3A_148, %jit3A_149, %jit3A_146 : i32
      %rem3A = arith.remsi %while3A_145, %select_n3A_150 : i32
      %ne3A = arith.constant 0 : i32
      %ne3A_151 = arith.cmpi ne, %rem3A, %ne3A : i32
      %lt3A_152 = arith.constant 0 : i32
      %lt3A_153 = arith.cmpi slt, %rem3A, %lt3A_152 : i32
      %lt3A_154 = arith.constant 0 : i32
      %lt3A_155 = arith.cmpi slt, %select_n3A_150, %lt3A_154 : i32
      %ne3A_156 = arith.xori %lt3A_153, %lt3A_155 : i1
      %and3A = arith.andi %ne3A_156, %ne3A_151 : i1
      %add3A_157 = arith.addi %rem3A, %select_n3A_150 : i32
      %select_n3A_158 = arith.select %and3A, %add3A_157, %rem3A : i32
      %add3A_159 = arith.constant 1 : i32
      %add3A_160 = arith.addi %while3A_145, %add3A_159 : i32
      %jit3A_161 = arith.constant 2 : i32
      %eq3A_162 = arith.constant 0 : i32
      %eq3A_163 = arith.cmpi eq, %jit3A_161, %eq3A_162 : i32
      %jit3A_164 = arith.constant 1 : i32
      %select_n3A_165 = arith.select %eq3A_163, %jit3A_164, %jit3A_161 : i32
      %rem3A_166 = arith.remsi %add3A_160, %select_n3A_165 : i32
      %ne3A_167 = arith.constant 0 : i32
      %ne3A_168 = arith.cmpi ne, %rem3A_166, %ne3A_167 : i32
      %lt3A_169 = arith.constant 0 : i32
      %lt3A_170 = arith.cmpi slt, %rem3A_166, %lt3A_169 : i32
      %lt3A_171 = arith.constant 0 : i32
      %lt3A_172 = arith.cmpi slt, %select_n3A_165, %lt3A_171 : i32
      %ne3A_173 = arith.xori %lt3A_170, %lt3A_172 : i1
      %and3A_174 = arith.andi %ne3A_173, %ne3A_168 : i1
      %add3A_175 = arith.addi %rem3A_166, %select_n3A_165 : i32
      %select_n3A_176 = arith.select %and3A_174, %add3A_175, %rem3A_166 : i32
      %add3A_177 = arith.constant 1 : i32
      %add3A_178 = arith.addi %while3A_145, %add3A_177 : i32
      %lt3A_179 = arith.cmpi slt, %add3A_178, %select_n3A : i32
      %convert_element_type3A_180 = arith.extui %lt3A_179 : i1 to i32
      %cond3A_181 = arith.constant 0 : i32
      %cond3A_182 = arith.cmpi ne, %convert_element_type3A_180, %cond3A_181 : i32
      scf.if %cond3A_182 {
        %ge3A = arith.constant 1 : i32
        %ge3A_245 = arith.cmpi sge, %while3A_145, %ge3A : i32
        %convert_element_type3A_246 = arith.extui %ge3A_245 : i1 to i32
        %cond3A_247 = arith.constant 0 : i32
        %cond3A_248 = arith.cmpi ne, %convert_element_type3A_246, %cond3A_247 : i32
        scf.if %cond3A_248 {
          %sub3A_263 = arith.constant 1 : i32
          %sub3A_264 = arith.subi %while3A_145, %sub3A_263 : i32
          %dma_wait3A_265 = arith.constant 0 : i32
          %dma_wait3A_266 = arith.constant 0 : i32
          %dma_wait3A_267 = tpu.memref_slice %arg7[%select_n3A_176, %dma_wait3A_265, %dma_wait3A_266] : memref<2x128x64xf32, #tpu.memory_space<vmem>> -> memref<1x128x64xf32, #tpu.memory_space<vmem>>
          %dma_wait3A_268 = tpu.memref_squeeze %dma_wait3A_267 : memref<1x128x64xf32, #tpu.memory_space<vmem>> -> memref<128x64xf32, #tpu.memory_space<vmem>>
          %dma_wait3A_269 = arith.constant 0 : i32
          %dma_wait3A_270 = tpu.memref_slice %arg6[%sub3A_264, %dma_wait3A_269] : memref<80x128xi32, #tpu.memory_space<vmem>> -> memref<1x128xi32, #tpu.memory_space<vmem>>
          %dma_wait3A_271 = tpu.memref_squeeze %dma_wait3A_270 : memref<1x128xi32, #tpu.memory_space<vmem>> -> memref<128xi32, #tpu.memory_space<vmem>>
          %dma_wait3A_272 = arith.constant 0 : i32
          %dma_wait3A_273 = arith.constant 0 : i32
          %dma_wait3A_274 = tpu.memref_slice %arg9[%dma_wait3A_272, %dma_wait3A_273] : memref<10112x64xf32, #tpu.memory_space<vmem_shared>> -> memref<10112x64xf32, #tpu.memory_space<vmem_shared>>
          %dma_wait3A_275 = tpu.memref_slice %arg11[%select_n3A_176] : memref<2x!tpu.dma_semaphore, #tpu.memory_space<semaphore_mem>> -> memref<1x!tpu.dma_semaphore, #tpu.memory_space<semaphore_mem>>
          %dma_wait3A_276 = tpu.memref_squeeze %dma_wait3A_275 : memref<1x!tpu.dma_semaphore, #tpu.memory_space<semaphore_mem>> -> memref<!tpu.dma_semaphore, #tpu.memory_space<semaphore_mem>>
          tpu.wait_indirect_dma semaphore(%dma_wait3A_276 : memref<!tpu.dma_semaphore, #tpu.memory_space<semaphore_mem>>) src(%dma_wait3A_268 : memref<128x64xf32, #tpu.memory_space<vmem>>) dst(%dma_wait3A_274 : memref<10112x64xf32, #tpu.memory_space<vmem_shared>>)
        } else {
        }
        %add3A_249 = arith.constant 1 : i32
        %add3A_250 = arith.addi %while3A_145, %add3A_249 : i32
        %mul3A_251 = arith.constant 128 : i32
        %mul3A_252 = arith.muli %add3A_250, %mul3A_251 : i32
        %dma_start3A_253 = arith.constant 0 : i32
        %dma_start3A_254 = arith.constant 0 : i32
        %dma_start3A_255 = tpu.memref_slice %arg7[%select_n3A_176, %dma_start3A_253, %dma_start3A_254] : memref<2x128x64xf32, #tpu.memory_space<vmem>> -> memref<1x128x64xf32, #tpu.memory_space<vmem>>
        %dma_start3A_256 = tpu.memref_squeeze %dma_start3A_255 : memref<1x128x64xf32, #tpu.memory_space<vmem>> -> memref<128x64xf32, #tpu.memory_space<vmem>>
        %dma_start3A_257 = tpu.memref_slice %arg5[%mul3A_252] : memref<10240xi32, #tpu.memory_space<vmem>> -> memref<128xi32, #tpu.memory_space<vmem>>
        %dma_start3A_258 = arith.constant 0 : i32
        %dma_start3A_259 = arith.constant 0 : i32
        %dma_start3A_260 = tpu.memref_slice %arg8[%dma_start3A_258, %dma_start3A_259] : memref<10112x64xf32, #tpu.memory_space<vmem_shared>> -> memref<10112x64xf32, #tpu.memory_space<vmem_shared>>
        %dma_start3A_261 = tpu.memref_slice %arg10[%select_n3A_176] : memref<2x!tpu.dma_semaphore, #tpu.memory_space<semaphore_mem>> -> memref<1x!tpu.dma_semaphore, #tpu.memory_space<semaphore_mem>>
        %dma_start3A_262 = tpu.memref_squeeze %dma_start3A_261 : memref<1x!tpu.dma_semaphore, #tpu.memory_space<semaphore_mem>> -> memref<!tpu.dma_semaphore, #tpu.memory_space<semaphore_mem>>
        tpu.enqueue_indirect_dma source(%dma_start3A_260 : memref<10112x64xf32, #tpu.memory_space<vmem_shared>>) target(%dma_start3A_256 : memref<128x64xf32, #tpu.memory_space<vmem>>) offsets(%dma_start3A_257 : memref<128xi32, #tpu.memory_space<vmem>>) semaphore(%dma_start3A_262 : memref<!tpu.dma_semaphore, #tpu.memory_space<semaphore_mem>>)
      } else {
      }
      %add3A_183 = arith.constant 3 : i32
      %add3A_184 = arith.addi %while3A_145, %add3A_183 : i32
      %lt3A_185 = arith.cmpi slt, %add3A_184, %select_n3A : i32
      %convert_element_type3A_186 = arith.extui %lt3A_185 : i1 to i32
      %cond3A_187 = arith.constant 0 : i32
      %cond3A_188 = arith.cmpi ne, %convert_element_type3A_186, %cond3A_187 : i32
      scf.if %cond3A_188 {
        %add3A_245 = arith.constant 3 : i32
        %add3A_246 = arith.addi %while3A_145, %add3A_245 : i32
        %mul3A_247 = arith.constant 128 : i32
        %mul3A_248 = arith.muli %add3A_246, %mul3A_247 : i32
        %add3A_249 = arith.addi %mul3A_3, %mul3A_248 : i32
        %jit3A_250 = arith.constant 4 : i32
        %eq3A_251 = arith.constant 0 : i32
        %eq3A_252 = arith.cmpi eq, %jit3A_250, %eq3A_251 : i32
        %jit3A_253 = arith.constant 1 : i32
        %select_n3A_254 = arith.select %eq3A_252, %jit3A_253, %jit3A_250 : i32
        %rem3A_255 = arith.remsi %add3A_246, %select_n3A_254 : i32
        %ne3A_256 = arith.constant 0 : i32
        %ne3A_257 = arith.cmpi ne, %rem3A_255, %ne3A_256 : i32
        %lt3A_258 = arith.constant 0 : i32
        %lt3A_259 = arith.cmpi slt, %rem3A_255, %lt3A_258 : i32
        %lt3A_260 = arith.constant 0 : i32
        %lt3A_261 = arith.cmpi slt, %select_n3A_254, %lt3A_260 : i32
        %ne3A_262 = arith.xori %lt3A_259, %lt3A_261 : i1
        %and3A_263 = arith.andi %ne3A_262, %ne3A_257 : i1
        %add3A_264 = arith.addi %rem3A_255, %select_n3A_254 : i32
        %select_n3A_265 = arith.select %and3A_263, %add3A_264, %rem3A_255 : i32
        %dma_start3A_266 = arith.constant 1 : i32
        %dma_start3A_267 = arith.constant 0 : i32
        %dma_start3A_268 = tpu.memref_slice %arg6[%add3A_246, %dma_start3A_267] : memref<80x128xi32, #tpu.memory_space<vmem>> -> memref<1x128xi32, #tpu.memory_space<vmem>>
        %dma_start3A_269 = tpu.memref_squeeze %dma_start3A_268 : memref<1x128xi32, #tpu.memory_space<vmem>> -> memref<128xi32, #tpu.memory_space<vmem>>
        %dma_start3A_270 = tpu.memref_slice %arg2[%dma_start3A_266, %add3A_249] : memref<2x320000xi32, #tpu.memory_space<hbm>> -> memref<1x128xi32, #tpu.memory_space<hbm>>
        %dma_start3A_271 = tpu.memref_squeeze %dma_start3A_270 : memref<1x128xi32, #tpu.memory_space<hbm>> -> memref<128xi32, #tpu.memory_space<hbm>>
        %dma_start3A_272 = tpu.memref_slice %arg12[%select_n3A_265] : memref<4x!tpu.dma_semaphore, #tpu.memory_space<semaphore_mem>> -> memref<1x!tpu.dma_semaphore, #tpu.memory_space<semaphore_mem>>
        %dma_start3A_273 = tpu.memref_squeeze %dma_start3A_272 : memref<1x!tpu.dma_semaphore, #tpu.memory_space<semaphore_mem>> -> memref<!tpu.dma_semaphore, #tpu.memory_space<semaphore_mem>>
        %dma_start3A_274 = arith.constant 0 : i32
        %dma_start3A_275 = tpu.memref_slice %arg6[%add3A_246, %dma_start3A_274] : memref<80x128xi32, #tpu.memory_space<vmem>> -> memref<1x128xi32, #tpu.memory_space<vmem>>
        %dma_start3A_276 = tpu.memref_squeeze %dma_start3A_275 : memref<1x128xi32, #tpu.memory_space<vmem>> -> memref<128xi32, #tpu.memory_space<vmem>>
        %dma_start3A_277 = tpu.memref_slice %arg2[%dma_start3A_266, %add3A_249] : memref<2x320000xi32, #tpu.memory_space<hbm>> -> memref<1x128xi32, #tpu.memory_space<hbm>>
        %dma_start3A_278 = tpu.memref_squeeze %dma_start3A_277 : memref<1x128xi32, #tpu.memory_space<hbm>> -> memref<128xi32, #tpu.memory_space<hbm>>
        tpu.enqueue_dma source(%dma_start3A_278 : memref<128xi32, #tpu.memory_space<hbm>>) target(%dma_start3A_276 : memref<128xi32, #tpu.memory_space<vmem>>) target_semaphore(%dma_start3A_273 : memref<!tpu.dma_semaphore, #tpu.memory_space<semaphore_mem>>)
      } else {
      }
      %mul3A_189 = arith.constant 128 : i32
      %mul3A_190 = arith.muli %while3A_145, %mul3A_189 : i32
      %dma_wait3A_191 = arith.constant 0 : i32
      %dma_wait3A_192 = arith.constant 0 : i32
      %dma_wait3A_193 = tpu.memref_slice %arg7[%select_n3A_158, %dma_wait3A_191, %dma_wait3A_192] : memref<2x128x64xf32, #tpu.memory_space<vmem>> -> memref<1x128x64xf32, #tpu.memory_space<vmem>>
      %dma_wait3A_194 = tpu.memref_squeeze %dma_wait3A_193 : memref<1x128x64xf32, #tpu.memory_space<vmem>> -> memref<128x64xf32, #tpu.memory_space<vmem>>
      %dma_wait3A_195 = tpu.memref_slice %arg5[%mul3A_190] : memref<10240xi32, #tpu.memory_space<vmem>> -> memref<128xi32, #tpu.memory_space<vmem>>
      %dma_wait3A_196 = arith.constant 0 : i32
      %dma_wait3A_197 = arith.constant 0 : i32
      %dma_wait3A_198 = tpu.memref_slice %arg8[%dma_wait3A_196, %dma_wait3A_197] : memref<10112x64xf32, #tpu.memory_space<vmem_shared>> -> memref<10112x64xf32, #tpu.memory_space<vmem_shared>>
      %dma_wait3A_199 = tpu.memref_slice %arg10[%select_n3A_158] : memref<2x!tpu.dma_semaphore, #tpu.memory_space<semaphore_mem>> -> memref<1x!tpu.dma_semaphore, #tpu.memory_space<semaphore_mem>>
      %dma_wait3A_200 = tpu.memref_squeeze %dma_wait3A_199 : memref<1x!tpu.dma_semaphore, #tpu.memory_space<semaphore_mem>> -> memref<!tpu.dma_semaphore, #tpu.memory_space<semaphore_mem>>
      tpu.wait_indirect_dma semaphore(%dma_wait3A_200 : memref<!tpu.dma_semaphore, #tpu.memory_space<semaphore_mem>>) src(%dma_wait3A_198 : memref<10112x64xf32, #tpu.memory_space<vmem_shared>>) dst(%dma_wait3A_194 : memref<128x64xf32, #tpu.memory_space<vmem>>)
      %mul3A_201 = arith.constant 128 : i32
      %mul3A_202 = arith.muli %while3A_145, %mul3A_201 : i32
      %add3A_203 = arith.addi %mul3A_3, %mul3A_202 : i32
      %jit3A_204 = arith.constant 4 : i32
      %eq3A_205 = arith.constant 0 : i32
      %eq3A_206 = arith.cmpi eq, %jit3A_204, %eq3A_205 : i32
      %jit3A_207 = arith.constant 1 : i32
      %select_n3A_208 = arith.select %eq3A_206, %jit3A_207, %jit3A_204 : i32
      %rem3A_209 = arith.remsi %while3A_145, %select_n3A_208 : i32
      %ne3A_210 = arith.constant 0 : i32
      %ne3A_211 = arith.cmpi ne, %rem3A_209, %ne3A_210 : i32
      %lt3A_212 = arith.constant 0 : i32
      %lt3A_213 = arith.cmpi slt, %rem3A_209, %lt3A_212 : i32
      %lt3A_214 = arith.constant 0 : i32
      %lt3A_215 = arith.cmpi slt, %select_n3A_208, %lt3A_214 : i32
      %ne3A_216 = arith.xori %lt3A_213, %lt3A_215 : i1
      %and3A_217 = arith.andi %ne3A_216, %ne3A_211 : i1
      %add3A_218 = arith.addi %rem3A_209, %select_n3A_208 : i32
      %select_n3A_219 = arith.select %and3A_217, %add3A_218, %rem3A_209 : i32
      %dma_wait3A_220 = arith.constant 1 : i32
      %dma_wait3A_221 = arith.constant 0 : i32
      %dma_wait3A_222 = tpu.memref_slice %arg6[%while3A_145, %dma_wait3A_221] : memref<80x128xi32, #tpu.memory_space<vmem>> -> memref<1x128xi32, #tpu.memory_space<vmem>>
      %dma_wait3A_223 = tpu.memref_squeeze %dma_wait3A_222 : memref<1x128xi32, #tpu.memory_space<vmem>> -> memref<128xi32, #tpu.memory_space<vmem>>
      %dma_wait3A_224 = tpu.memref_slice %arg2[%dma_wait3A_220, %add3A_203] : memref<2x320000xi32, #tpu.memory_space<hbm>> -> memref<1x128xi32, #tpu.memory_space<hbm>>
      %dma_wait3A_225 = tpu.memref_squeeze %dma_wait3A_224 : memref<1x128xi32, #tpu.memory_space<hbm>> -> memref<128xi32, #tpu.memory_space<hbm>>
      %dma_wait3A_226 = tpu.memref_slice %arg12[%select_n3A_219] : memref<4x!tpu.dma_semaphore, #tpu.memory_space<semaphore_mem>> -> memref<1x!tpu.dma_semaphore, #tpu.memory_space<semaphore_mem>>
      %dma_wait3A_227 = tpu.memref_squeeze %dma_wait3A_226 : memref<1x!tpu.dma_semaphore, #tpu.memory_space<semaphore_mem>> -> memref<!tpu.dma_semaphore, #tpu.memory_space<semaphore_mem>>
      %dma_wait3A_228 = arith.constant 0 : i32
      %dma_wait3A_229 = tpu.memref_slice %arg6[%while3A_145, %dma_wait3A_228] : memref<80x128xi32, #tpu.memory_space<vmem>> -> memref<1x128xi32, #tpu.memory_space<vmem>>
      %dma_wait3A_230 = tpu.memref_squeeze %dma_wait3A_229 : memref<1x128xi32, #tpu.memory_space<vmem>> -> memref<128xi32, #tpu.memory_space<vmem>>
      %dma_wait3A_231 = tpu.memref_slice %arg2[%dma_wait3A_220, %add3A_203] : memref<2x320000xi32, #tpu.memory_space<hbm>> -> memref<1x128xi32, #tpu.memory_space<hbm>>
      %dma_wait3A_232 = tpu.memref_squeeze %dma_wait3A_231 : memref<1x128xi32, #tpu.memory_space<hbm>> -> memref<128xi32, #tpu.memory_space<hbm>>
      tpu.wait_dma2 semaphore(%dma_wait3A_227 : memref<!tpu.dma_semaphore, #tpu.memory_space<semaphore_mem>>) src(%dma_wait3A_232 : memref<128xi32, #tpu.memory_space<hbm>>) dst(%dma_wait3A_230 : memref<128xi32, #tpu.memory_space<vmem>>)
      %dma_start3A_233 = arith.constant 0 : i32
      %dma_start3A_234 = arith.constant 0 : i32
      %dma_start3A_235 = tpu.memref_slice %arg7[%select_n3A_158, %dma_start3A_233, %dma_start3A_234] : memref<2x128x64xf32, #tpu.memory_space<vmem>> -> memref<1x128x64xf32, #tpu.memory_space<vmem>>
      %dma_start3A_236 = tpu.memref_squeeze %dma_start3A_235 : memref<1x128x64xf32, #tpu.memory_space<vmem>> -> memref<128x64xf32, #tpu.memory_space<vmem>>
      %dma_start3A_237 = arith.constant 0 : i32
      %dma_start3A_238 = tpu.memref_slice %arg6[%while3A_145, %dma_start3A_237] : memref<80x128xi32, #tpu.memory_space<vmem>> -> memref<1x128xi32, #tpu.memory_space<vmem>>
      %dma_start3A_239 = tpu.memref_squeeze %dma_start3A_238 : memref<1x128xi32, #tpu.memory_space<vmem>> -> memref<128xi32, #tpu.memory_space<vmem>>
      %dma_start3A_240 = arith.constant 0 : i32
      %dma_start3A_241 = arith.constant 0 : i32
      %dma_start3A_242 = tpu.memref_slice %arg9[%dma_start3A_240, %dma_start3A_241] : memref<10112x64xf32, #tpu.memory_space<vmem_shared>> -> memref<10112x64xf32, #tpu.memory_space<vmem_shared>>
      %dma_start3A_243 = tpu.memref_slice %arg11[%select_n3A_158] : memref<2x!tpu.dma_semaphore, #tpu.memory_space<semaphore_mem>> -> memref<1x!tpu.dma_semaphore, #tpu.memory_space<semaphore_mem>>
      %dma_start3A_244 = tpu.memref_squeeze %dma_start3A_243 : memref<1x!tpu.dma_semaphore, #tpu.memory_space<semaphore_mem>> -> memref<!tpu.dma_semaphore, #tpu.memory_space<semaphore_mem>>
      tpu.enqueue_indirect_dma source(%dma_start3A_236 : memref<128x64xf32, #tpu.memory_space<vmem>>) target(%dma_start3A_242 : memref<10112x64xf32, #tpu.memory_space<vmem_shared>>) offsets(%dma_start3A_239 : memref<128xi32, #tpu.memory_space<vmem>>) semaphore(%dma_start3A_244 : memref<!tpu.dma_semaphore, #tpu.memory_space<semaphore_mem>>) {add = true}
    }
    %while3A_109 = arith.constant 1 : i32
    scf.for %while3A_145 = %while3A_107 to %while3A_103 step %while3A_109  : i32 {
      %jit3A_146 = arith.constant 2 : i32
      %eq3A_147 = arith.constant 0 : i32
      %eq3A_148 = arith.cmpi eq, %jit3A_146, %eq3A_147 : i32
      %jit3A_149 = arith.constant 1 : i32
      %select_n3A_150 = arith.select %eq3A_148, %jit3A_149, %jit3A_146 : i32
      %rem3A = arith.remsi %while3A_145, %select_n3A_150 : i32
      %ne3A = arith.constant 0 : i32
      %ne3A_151 = arith.cmpi ne, %rem3A, %ne3A : i32
      %lt3A_152 = arith.constant 0 : i32
      %lt3A_153 = arith.cmpi slt, %rem3A, %lt3A_152 : i32
      %lt3A_154 = arith.constant 0 : i32
      %lt3A_155 = arith.cmpi slt, %select_n3A_150, %lt3A_154 : i32
      %ne3A_156 = arith.xori %lt3A_153, %lt3A_155 : i1
      %and3A = arith.andi %ne3A_156, %ne3A_151 : i1
      %add3A_157 = arith.addi %rem3A, %select_n3A_150 : i32
      %select_n3A_158 = arith.select %and3A, %add3A_157, %rem3A : i32
      %add3A_159 = arith.constant 1 : i32
      %add3A_160 = arith.addi %while3A_145, %add3A_159 : i32
      %jit3A_161 = arith.constant 2 : i32
      %eq3A_162 = arith.constant 0 : i32
      %eq3A_163 = arith.cmpi eq, %jit3A_161, %eq3A_162 : i32
      %jit3A_164 = arith.constant 1 : i32
      %select_n3A_165 = arith.select %eq3A_163, %jit3A_164, %jit3A_161 : i32
      %rem3A_166 = arith.remsi %add3A_160, %select_n3A_165 : i32
      %ne3A_167 = arith.constant 0 : i32
      %ne3A_168 = arith.cmpi ne, %rem3A_166, %ne3A_167 : i32
      %lt3A_169 = arith.constant 0 : i32
      %lt3A_170 = arith.cmpi slt, %rem3A_166, %lt3A_169 : i32
      %lt3A_171 = arith.constant 0 : i32
      %lt3A_172 = arith.cmpi slt, %select_n3A_165, %lt3A_171 : i32
      %ne3A_173 = arith.xori %lt3A_170, %lt3A_172 : i1
      %and3A_174 = arith.andi %ne3A_173, %ne3A_168 : i1
      %add3A_175 = arith.addi %rem3A_166, %select_n3A_165 : i32
      %select_n3A_176 = arith.select %and3A_174, %add3A_175, %rem3A_166 : i32
      %add3A_177 = arith.constant 1 : i32
      %add3A_178 = arith.addi %while3A_145, %add3A_177 : i32
      %lt3A_179 = arith.cmpi slt, %add3A_178, %select_n3A : i32
      %convert_element_type3A_180 = arith.extui %lt3A_179 : i1 to i32
      %cond3A_181 = arith.constant 0 : i32
      %cond3A_182 = arith.cmpi ne, %convert_element_type3A_180, %cond3A_181 : i32
      scf.if %cond3A_182 {
        %ge3A = arith.constant 1 : i32
        %ge3A_245 = arith.cmpi sge, %while3A_145, %ge3A : i32
        %convert_element_type3A_246 = arith.extui %ge3A_245 : i1 to i32
        %cond3A_247 = arith.constant 0 : i32
        %cond3A_248 = arith.cmpi ne, %convert_element_type3A_246, %cond3A_247 : i32
        scf.if %cond3A_248 {
          %sub3A_263 = arith.constant 1 : i32
          %sub3A_264 = arith.subi %while3A_145, %sub3A_263 : i32
          %dma_wait3A_265 = arith.constant 0 : i32
          %dma_wait3A_266 = arith.constant 0 : i32
          %dma_wait3A_267 = tpu.memref_slice %arg7[%select_n3A_176, %dma_wait3A_265, %dma_wait3A_266] : memref<2x128x64xf32, #tpu.memory_space<vmem>> -> memref<1x128x64xf32, #tpu.memory_space<vmem>>
          %dma_wait3A_268 = tpu.memref_squeeze %dma_wait3A_267 : memref<1x128x64xf32, #tpu.memory_space<vmem>> -> memref<128x64xf32, #tpu.memory_space<vmem>>
          %dma_wait3A_269 = arith.constant 0 : i32
          %dma_wait3A_270 = tpu.memref_slice %arg6[%sub3A_264, %dma_wait3A_269] : memref<80x128xi32, #tpu.memory_space<vmem>> -> memref<1x128xi32, #tpu.memory_space<vmem>>
          %dma_wait3A_271 = tpu.memref_squeeze %dma_wait3A_270 : memref<1x128xi32, #tpu.memory_space<vmem>> -> memref<128xi32, #tpu.memory_space<vmem>>
          %dma_wait3A_272 = arith.constant 0 : i32
          %dma_wait3A_273 = arith.constant 0 : i32
          %dma_wait3A_274 = tpu.memref_slice %arg9[%dma_wait3A_272, %dma_wait3A_273] : memref<10112x64xf32, #tpu.memory_space<vmem_shared>> -> memref<10112x64xf32, #tpu.memory_space<vmem_shared>>
          %dma_wait3A_275 = tpu.memref_slice %arg11[%select_n3A_176] : memref<2x!tpu.dma_semaphore, #tpu.memory_space<semaphore_mem>> -> memref<1x!tpu.dma_semaphore, #tpu.memory_space<semaphore_mem>>
          %dma_wait3A_276 = tpu.memref_squeeze %dma_wait3A_275 : memref<1x!tpu.dma_semaphore, #tpu.memory_space<semaphore_mem>> -> memref<!tpu.dma_semaphore, #tpu.memory_space<semaphore_mem>>
          tpu.wait_indirect_dma semaphore(%dma_wait3A_276 : memref<!tpu.dma_semaphore, #tpu.memory_space<semaphore_mem>>) src(%dma_wait3A_268 : memref<128x64xf32, #tpu.memory_space<vmem>>) dst(%dma_wait3A_274 : memref<10112x64xf32, #tpu.memory_space<vmem_shared>>)
        } else {
        }
        %add3A_249 = arith.constant 1 : i32
        %add3A_250 = arith.addi %while3A_145, %add3A_249 : i32
        %mul3A_251 = arith.constant 128 : i32
        %mul3A_252 = arith.muli %add3A_250, %mul3A_251 : i32
        %dma_start3A_253 = arith.constant 0 : i32
        %dma_start3A_254 = arith.constant 0 : i32
        %dma_start3A_255 = tpu.memref_slice %arg7[%select_n3A_176, %dma_start3A_253, %dma_start3A_254] : memref<2x128x64xf32, #tpu.memory_space<vmem>> -> memref<1x128x64xf32, #tpu.memory_space<vmem>>
        %dma_start3A_256 = tpu.memref_squeeze %dma_start3A_255 : memref<1x128x64xf32, #tpu.memory_space<vmem>> -> memref<128x64xf32, #tpu.memory_space<vmem>>
        %dma_start3A_257 = tpu.memref_slice %arg5[%mul3A_252] : memref<10240xi32, #tpu.memory_space<vmem>> -> memref<128xi32, #tpu.memory_space<vmem>>
        %dma_start3A_258 = arith.constant 0 : i32
        %dma_start3A_259 = arith.constant 0 : i32
        %dma_start3A_260 = tpu.memref_slice %arg8[%dma_start3A_258, %dma_start3A_259] : memref<10112x64xf32, #tpu.memory_space<vmem_shared>> -> memref<10112x64xf32, #tpu.memory_space<vmem_shared>>
        %dma_start3A_261 = tpu.memref_slice %arg10[%select_n3A_176] : memref<2x!tpu.dma_semaphore, #tpu.memory_space<semaphore_mem>> -> memref<1x!tpu.dma_semaphore, #tpu.memory_space<semaphore_mem>>
        %dma_start3A_262 = tpu.memref_squeeze %dma_start3A_261 : memref<1x!tpu.dma_semaphore, #tpu.memory_space<semaphore_mem>> -> memref<!tpu.dma_semaphore, #tpu.memory_space<semaphore_mem>>
        tpu.enqueue_indirect_dma source(%dma_start3A_260 : memref<10112x64xf32, #tpu.memory_space<vmem_shared>>) target(%dma_start3A_256 : memref<128x64xf32, #tpu.memory_space<vmem>>) offsets(%dma_start3A_257 : memref<128xi32, #tpu.memory_space<vmem>>) semaphore(%dma_start3A_262 : memref<!tpu.dma_semaphore, #tpu.memory_space<semaphore_mem>>)
      } else {
      }
      %add3A_183 = arith.constant 3 : i32
      %add3A_184 = arith.addi %while3A_145, %add3A_183 : i32
      %lt3A_185 = arith.cmpi slt, %add3A_184, %select_n3A : i32
      %convert_element_type3A_186 = arith.extui %lt3A_185 : i1 to i32
      %cond3A_187 = arith.constant 0 : i32
      %cond3A_188 = arith.cmpi ne, %convert_element_type3A_186, %cond3A_187 : i32
      scf.if %cond3A_188 {
        %add3A_245 = arith.constant 3 : i32
        %add3A_246 = arith.addi %while3A_145, %add3A_245 : i32
        %mul3A_247 = arith.constant 128 : i32
        %mul3A_248 = arith.muli %add3A_246, %mul3A_247 : i32
        %add3A_249 = arith.addi %mul3A_3, %mul3A_248 : i32
        %jit3A_250 = arith.constant 4 : i32
        %eq3A_251 = arith.constant 0 : i32
        %eq3A_252 = arith.cmpi eq, %jit3A_250, %eq3A_251 : i32
        %jit3A_253 = arith.constant 1 : i32
        %select_n3A_254 = arith.select %eq3A_252, %jit3A_253, %jit3A_250 : i32
        %rem3A_255 = arith.remsi %add3A_246, %select_n3A_254 : i32
        %ne3A_256 = arith.constant 0 : i32
        %ne3A_257 = arith.cmpi ne, %rem3A_255, %ne3A_256 : i32
        %lt3A_258 = arith.constant 0 : i32
        %lt3A_259 = arith.cmpi slt, %rem3A_255, %lt3A_258 : i32
        %lt3A_260 = arith.constant 0 : i32
        %lt3A_261 = arith.cmpi slt, %select_n3A_254, %lt3A_260 : i32
        %ne3A_262 = arith.xori %lt3A_259, %lt3A_261 : i1
        %and3A_263 = arith.andi %ne3A_262, %ne3A_257 : i1
        %add3A_264 = arith.addi %rem3A_255, %select_n3A_254 : i32
        %select_n3A_265 = arith.select %and3A_263, %add3A_264, %rem3A_255 : i32
        %dma_start3A_266 = arith.constant 1 : i32
        %dma_start3A_267 = arith.constant 0 : i32
        %dma_start3A_268 = tpu.memref_slice %arg6[%add3A_246, %dma_start3A_267] : memref<80x128xi32, #tpu.memory_space<vmem>> -> memref<1x128xi32, #tpu.memory_space<vmem>>
        %dma_start3A_269 = tpu.memref_squeeze %dma_start3A_268 : memref<1x128xi32, #tpu.memory_space<vmem>> -> memref<128xi32, #tpu.memory_space<vmem>>
        %dma_start3A_270 = tpu.memref_slice %arg2[%dma_start3A_266, %add3A_249] : memref<2x320000xi32, #tpu.memory_space<hbm>> -> memref<1x128xi32, #tpu.memory_space<hbm>>
        %dma_start3A_271 = tpu.memref_squeeze %dma_start3A_270 : memref<1x128xi32, #tpu.memory_space<hbm>> -> memref<128xi32, #tpu.memory_space<hbm>>
        %dma_start3A_272 = tpu.memref_slice %arg12[%select_n3A_265] : memref<4x!tpu.dma_semaphore, #tpu.memory_space<semaphore_mem>> -> memref<1x!tpu.dma_semaphore, #tpu.memory_space<semaphore_mem>>
        %dma_start3A_273 = tpu.memref_squeeze %dma_start3A_272 : memref<1x!tpu.dma_semaphore, #tpu.memory_space<semaphore_mem>> -> memref<!tpu.dma_semaphore, #tpu.memory_space<semaphore_mem>>
        %dma_start3A_274 = arith.constant 0 : i32
        %dma_start3A_275 = tpu.memref_slice %arg6[%add3A_246, %dma_start3A_274] : memref<80x128xi32, #tpu.memory_space<vmem>> -> memref<1x128xi32, #tpu.memory_space<vmem>>
        %dma_start3A_276 = tpu.memref_squeeze %dma_start3A_275 : memref<1x128xi32, #tpu.memory_space<vmem>> -> memref<128xi32, #tpu.memory_space<vmem>>
        %dma_start3A_277 = tpu.memref_slice %arg2[%dma_start3A_266, %add3A_249] : memref<2x320000xi32, #tpu.memory_space<hbm>> -> memref<1x128xi32, #tpu.memory_space<hbm>>
        %dma_start3A_278 = tpu.memref_squeeze %dma_start3A_277 : memref<1x128xi32, #tpu.memory_space<hbm>> -> memref<128xi32, #tpu.memory_space<hbm>>
        tpu.enqueue_dma source(%dma_start3A_278 : memref<128xi32, #tpu.memory_space<hbm>>) target(%dma_start3A_276 : memref<128xi32, #tpu.memory_space<vmem>>) target_semaphore(%dma_start3A_273 : memref<!tpu.dma_semaphore, #tpu.memory_space<semaphore_mem>>)
      } else {
      }
      %mul3A_189 = arith.constant 128 : i32
      %mul3A_190 = arith.muli %while3A_145, %mul3A_189 : i32
      %dma_wait3A_191 = arith.constant 0 : i32
      %dma_wait3A_192 = arith.constant 0 : i32
      %dma_wait3A_193 = tpu.memref_slice %arg7[%select_n3A_158, %dma_wait3A_191, %dma_wait3A_192] : memref<2x128x64xf32, #tpu.memory_space<vmem>> -> memref<1x128x64xf32, #tpu.memory_space<vmem>>
      %dma_wait3A_194 = tpu.memref_squeeze %dma_wait3A_193 : memref<1x128x64xf32, #tpu.memory_space<vmem>> -> memref<128x64xf32, #tpu.memory_space<vmem>>
      %dma_wait3A_195 = tpu.memref_slice %arg5[%mul3A_190] : memref<10240xi32, #tpu.memory_space<vmem>> -> memref<128xi32, #tpu.memory_space<vmem>>
      %dma_wait3A_196 = arith.constant 0 : i32
      %dma_wait3A_197 = arith.constant 0 : i32
      %dma_wait3A_198 = tpu.memref_slice %arg8[%dma_wait3A_196, %dma_wait3A_197] : memref<10112x64xf32, #tpu.memory_space<vmem_shared>> -> memref<10112x64xf32, #tpu.memory_space<vmem_shared>>
      %dma_wait3A_199 = tpu.memref_slice %arg10[%select_n3A_158] : memref<2x!tpu.dma_semaphore, #tpu.memory_space<semaphore_mem>> -> memref<1x!tpu.dma_semaphore, #tpu.memory_space<semaphore_mem>>
      %dma_wait3A_200 = tpu.memref_squeeze %dma_wait3A_199 : memref<1x!tpu.dma_semaphore, #tpu.memory_space<semaphore_mem>> -> memref<!tpu.dma_semaphore, #tpu.memory_space<semaphore_mem>>
      tpu.wait_indirect_dma semaphore(%dma_wait3A_200 : memref<!tpu.dma_semaphore, #tpu.memory_space<semaphore_mem>>) src(%dma_wait3A_198 : memref<10112x64xf32, #tpu.memory_space<vmem_shared>>) dst(%dma_wait3A_194 : memref<128x64xf32, #tpu.memory_space<vmem>>)
      %mul3A_201 = arith.constant 128 : i32
      %mul3A_202 = arith.muli %while3A_145, %mul3A_201 : i32
      %add3A_203 = arith.addi %mul3A_3, %mul3A_202 : i32
      %jit3A_204 = arith.constant 4 : i32
      %eq3A_205 = arith.constant 0 : i32
      %eq3A_206 = arith.cmpi eq, %jit3A_204, %eq3A_205 : i32
      %jit3A_207 = arith.constant 1 : i32
      %select_n3A_208 = arith.select %eq3A_206, %jit3A_207, %jit3A_204 : i32
      %rem3A_209 = arith.remsi %while3A_145, %select_n3A_208 : i32
      %ne3A_210 = arith.constant 0 : i32
      %ne3A_211 = arith.cmpi ne, %rem3A_209, %ne3A_210 : i32
      %lt3A_212 = arith.constant 0 : i32
      %lt3A_213 = arith.cmpi slt, %rem3A_209, %lt3A_212 : i32
      %lt3A_214 = arith.constant 0 : i32
      %lt3A_215 = arith.cmpi slt, %select_n3A_208, %lt3A_214 : i32
      %ne3A_216 = arith.xori %lt3A_213, %lt3A_215 : i1
      %and3A_217 = arith.andi %ne3A_216, %ne3A_211 : i1
      %add3A_218 = arith.addi %rem3A_209, %select_n3A_208 : i32
      %select_n3A_219 = arith.select %and3A_217, %add3A_218, %rem3A_209 : i32
      %dma_wait3A_220 = arith.constant 1 : i32
      %dma_wait3A_221 = arith.constant 0 : i32
      %dma_wait3A_222 = tpu.memref_slice %arg6[%while3A_145, %dma_wait3A_221] : memref<80x128xi32, #tpu.memory_space<vmem>> -> memref<1x128xi32, #tpu.memory_space<vmem>>
      %dma_wait3A_223 = tpu.memref_squeeze %dma_wait3A_222 : memref<1x128xi32, #tpu.memory_space<vmem>> -> memref<128xi32, #tpu.memory_space<vmem>>
      %dma_wait3A_224 = tpu.memref_slice %arg2[%dma_wait3A_220, %add3A_203] : memref<2x320000xi32, #tpu.memory_space<hbm>> -> memref<1x128xi32, #tpu.memory_space<hbm>>
      %dma_wait3A_225 = tpu.memref_squeeze %dma_wait3A_224 : memref<1x128xi32, #tpu.memory_space<hbm>> -> memref<128xi32, #tpu.memory_space<hbm>>
      %dma_wait3A_226 = tpu.memref_slice %arg12[%select_n3A_219] : memref<4x!tpu.dma_semaphore, #tpu.memory_space<semaphore_mem>> -> memref<1x!tpu.dma_semaphore, #tpu.memory_space<semaphore_mem>>
      %dma_wait3A_227 = tpu.memref_squeeze %dma_wait3A_226 : memref<1x!tpu.dma_semaphore, #tpu.memory_space<semaphore_mem>> -> memref<!tpu.dma_semaphore, #tpu.memory_space<semaphore_mem>>
      %dma_wait3A_228 = arith.constant 0 : i32
      %dma_wait3A_229 = tpu.memref_slice %arg6[%while3A_145, %dma_wait3A_228] : memref<80x128xi32, #tpu.memory_space<vmem>> -> memref<1x128xi32, #tpu.memory_space<vmem>>
      %dma_wait3A_230 = tpu.memref_squeeze %dma_wait3A_229 : memref<1x128xi32, #tpu.memory_space<vmem>> -> memref<128xi32, #tpu.memory_space<vmem>>
      %dma_wait3A_231 = tpu.memref_slice %arg2[%dma_wait3A_220, %add3A_203] : memref<2x320000xi32, #tpu.memory_space<hbm>> -> memref<1x128xi32, #tpu.memory_space<hbm>>
      %dma_wait3A_232 = tpu.memref_squeeze %dma_wait3A_231 : memref<1x128xi32, #tpu.memory_space<hbm>> -> memref<128xi32, #tpu.memory_space<hbm>>
      tpu.wait_dma2 semaphore(%dma_wait3A_227 : memref<!tpu.dma_semaphore, #tpu.memory_space<semaphore_mem>>) src(%dma_wait3A_232 : memref<128xi32, #tpu.memory_space<hbm>>) dst(%dma_wait3A_230 : memref<128xi32, #tpu.memory_space<vmem>>)
      %dma_start3A_233 = arith.constant 0 : i32
      %dma_start3A_234 = arith.constant 0 : i32
      %dma_start3A_235 = tpu.memref_slice %arg7[%select_n3A_158, %dma_start3A_233, %dma_start3A_234] : memref<2x128x64xf32, #tpu.memory_space<vmem>> -> memref<1x128x64xf32, #tpu.memory_space<vmem>>
      %dma_start3A_236 = tpu.memref_squeeze %dma_start3A_235 : memref<1x128x64xf32, #tpu.memory_space<vmem>> -> memref<128x64xf32, #tpu.memory_space<vmem>>
      %dma_start3A_237 = arith.constant 0 : i32
      %dma_start3A_238 = tpu.memref_slice %arg6[%while3A_145, %dma_start3A_237] : memref<80x128xi32, #tpu.memory_space<vmem>> -> memref<1x128xi32, #tpu.memory_space<vmem>>
      %dma_start3A_239 = tpu.memref_squeeze %dma_start3A_238 : memref<1x128xi32, #tpu.memory_space<vmem>> -> memref<128xi32, #tpu.memory_space<vmem>>
      %dma_start3A_240 = arith.constant 0 : i32
      %dma_start3A_241 = arith.constant 0 : i32
      %dma_start3A_242 = tpu.memref_slice %arg9[%dma_start3A_240, %dma_start3A_241] : memref<10112x64xf32, #tpu.memory_space<vmem_shared>> -> memref<10112x64xf32, #tpu.memory_space<vmem_shared>>
      %dma_start3A_243 = tpu.memref_slice %arg11[%select_n3A_158] : memref<2x!tpu.dma_semaphore, #tpu.memory_space<semaphore_mem>> -> memref<1x!tpu.dma_semaphore, #tpu.memory_space<semaphore_mem>>
      %dma_start3A_244 = tpu.memref_squeeze %dma_start3A_243 : memref<1x!tpu.dma_semaphore, #tpu.memory_space<semaphore_mem>> -> memref<!tpu.dma_semaphore, #tpu.memory_space<semaphore_mem>>
      tpu.enqueue_indirect_dma source(%dma_start3A_236 : memref<128x64xf32, #tpu.memory_space<vmem>>) target(%dma_start3A_242 : memref<10112x64xf32, #tpu.memory_space<vmem_shared>>) offsets(%dma_start3A_239 : memref<128xi32, #tpu.memory_space<vmem>>) semaphore(%dma_start3A_244 : memref<!tpu.dma_semaphore, #tpu.memory_space<semaphore_mem>>) {add = true}
    }
    %sub3A = arith.constant 2 : i32
    %sub3A_110 = arith.subi %select_n3A, %sub3A : i32
    %dma_wait3A = arith.constant 0 : i32
    %dma_wait3A_111 = arith.constant 0 : i32
    %dma_wait3A_112 = arith.constant 0 : i32
    %dma_wait3A_113 = arith.constant 0 : i32
    %dma_wait3A_114 = tpu.memref_slice %arg7[%dma_wait3A, %dma_wait3A_112, %dma_wait3A_113] : memref<2x128x64xf32, #tpu.memory_space<vmem>> -> memref<1x128x64xf32, #tpu.memory_space<vmem>>
    %dma_wait3A_115 = tpu.memref_squeeze %dma_wait3A_114 : memref<1x128x64xf32, #tpu.memory_space<vmem>> -> memref<128x64xf32, #tpu.memory_space<vmem>>
    %dma_wait3A_116 = arith.constant 0 : i32
    %dma_wait3A_117 = tpu.memref_slice %arg6[%sub3A_110, %dma_wait3A_116] : memref<80x128xi32, #tpu.memory_space<vmem>> -> memref<1x128xi32, #tpu.memory_space<vmem>>
    %dma_wait3A_118 = tpu.memref_squeeze %dma_wait3A_117 : memref<1x128xi32, #tpu.memory_space<vmem>> -> memref<128xi32, #tpu.memory_space<vmem>>
    %dma_wait3A_119 = arith.constant 0 : i32
    %dma_wait3A_120 = arith.constant 0 : i32
    %dma_wait3A_121 = tpu.memref_slice %arg9[%dma_wait3A_119, %dma_wait3A_120] : memref<10112x64xf32, #tpu.memory_space<vmem_shared>> -> memref<10112x64xf32, #tpu.memory_space<vmem_shared>>
    %dma_wait3A_122 = tpu.memref_slice %arg11[%dma_wait3A_111] : memref<2x!tpu.dma_semaphore, #tpu.memory_space<semaphore_mem>> -> memref<1x!tpu.dma_semaphore, #tpu.memory_space<semaphore_mem>>
    %dma_wait3A_123 = tpu.memref_squeeze %dma_wait3A_122 : memref<1x!tpu.dma_semaphore, #tpu.memory_space<semaphore_mem>> -> memref<!tpu.dma_semaphore, #tpu.memory_space<semaphore_mem>>
    tpu.wait_indirect_dma semaphore(%dma_wait3A_123 : memref<!tpu.dma_semaphore, #tpu.memory_space<semaphore_mem>>) src(%dma_wait3A_115 : memref<128x64xf32, #tpu.memory_space<vmem>>) dst(%dma_wait3A_121 : memref<10112x64xf32, #tpu.memory_space<vmem_shared>>)
    %sub3A_124 = arith.constant 1 : i32
    %sub3A_125 = arith.subi %select_n3A, %sub3A_124 : i32
    %dma_wait3A_126 = arith.constant 1 : i32
    %dma_wait3A_127 = arith.constant 1 : i32
    %dma_wait3A_128 = arith.constant 0 : i32
    %dma_wait3A_129 = arith.constant 0 : i32
    %dma_wait3A_130 = tpu.memref_slice %arg7[%dma_wait3A_126, %dma_wait3A_128, %dma_wait3A_129] : memref<2x128x64xf32, #tpu.memory_space<vmem>> -> memref<1x128x64xf32, #tpu.memory_space<vmem>>
    %dma_wait3A_131 = tpu.memref_squeeze %dma_wait3A_130 : memref<1x128x64xf32, #tpu.memory_space<vmem>> -> memref<128x64xf32, #tpu.memory_space<vmem>>
    %dma_wait3A_132 = arith.constant 0 : i32
    %dma_wait3A_133 = tpu.memref_slice %arg6[%sub3A_125, %dma_wait3A_132] : memref<80x128xi32, #tpu.memory_space<vmem>> -> memref<1x128xi32, #tpu.memory_space<vmem>>
    %dma_wait3A_134 = tpu.memref_squeeze %dma_wait3A_133 : memref<1x128xi32, #tpu.memory_space<vmem>> -> memref<128xi32, #tpu.memory_space<vmem>>
    %dma_wait3A_135 = arith.constant 0 : i32
    %dma_wait3A_136 = arith.constant 0 : i32
    %dma_wait3A_137 = tpu.memref_slice %arg9[%dma_wait3A_135, %dma_wait3A_136] : memref<10112x64xf32, #tpu.memory_space<vmem_shared>> -> memref<10112x64xf32, #tpu.memory_space<vmem_shared>>
    %dma_wait3A_138 = tpu.memref_slice %arg11[%dma_wait3A_127] : memref<2x!tpu.dma_semaphore, #tpu.memory_space<semaphore_mem>> -> memref<1x!tpu.dma_semaphore, #tpu.memory_space<semaphore_mem>>
    %dma_wait3A_139 = tpu.memref_squeeze %dma_wait3A_138 : memref<1x!tpu.dma_semaphore, #tpu.memory_space<semaphore_mem>> -> memref<!tpu.dma_semaphore, #tpu.memory_space<semaphore_mem>>
    tpu.wait_indirect_dma semaphore(%dma_wait3A_139 : memref<!tpu.dma_semaphore, #tpu.memory_space<semaphore_mem>>) src(%dma_wait3A_131 : memref<128x64xf32, #tpu.memory_space<vmem>>) dst(%dma_wait3A_137 : memref<10112x64xf32, #tpu.memory_space<vmem_shared>>)
    %barrier3A_140 = arith.constant 0 : index
    tpu.barrier barrier_id(%barrier3A_140)
    %mul3A_141 = arith.constant 632 : i32
    %mul3A_142 = arith.muli %arg1, %mul3A_141 : i32
    %mul3A_143 = arith.constant 632 : i32
    %mul3A_144 = arith.muli %arg1, %mul3A_143 : i32
    "tpu.region"() ({
      %run_scoped3A_145 = tpu.sem_alloc : memref<!tpu.dma_semaphore, #tpu.memory_space<semaphore_mem>>
      %dma_start3A_146 = arith.constant 0 : i32
      %dma_start3A_147 = tpu.memref_slice %arg4[%arg0, %mul3A_144, %dma_start3A_146] : memref<2x10112x64xf32, #tpu.memory_space<hbm>> -> memref<1x632x64xf32, #tpu.memory_space<hbm>>
      %dma_start3A_148 = tpu.memref_squeeze %dma_start3A_147 : memref<1x632x64xf32, #tpu.memory_space<hbm>> -> memref<632x64xf32, #tpu.memory_space<hbm>>
      %dma_start3A_149 = arith.constant 0 : i32
      %dma_start3A_150 = tpu.memref_slice %arg9[%mul3A_142, %dma_start3A_149] : memref<10112x64xf32, #tpu.memory_space<vmem_shared>> -> memref<632x64xf32, #tpu.memory_space<vmem_shared>>
      tpu.enqueue_dma source(%dma_start3A_150 : memref<632x64xf32, #tpu.memory_space<vmem_shared>>) target(%dma_start3A_148 : memref<632x64xf32, #tpu.memory_space<hbm>>) target_semaphore(%run_scoped3A_145 : memref<!tpu.dma_semaphore, #tpu.memory_space<semaphore_mem>>)
      %dma_wait3A_151 = arith.constant 0 : i32
      %dma_wait3A_152 = tpu.memref_slice %arg4[%arg0, %mul3A_144, %dma_wait3A_151] : memref<2x10112x64xf32, #tpu.memory_space<hbm>> -> memref<1x632x64xf32, #tpu.memory_space<hbm>>
      %dma_wait3A_153 = tpu.memref_squeeze %dma_wait3A_152 : memref<1x632x64xf32, #tpu.memory_space<hbm>> -> memref<632x64xf32, #tpu.memory_space<hbm>>
      %dma_wait3A_154 = arith.constant 0 : i32
      %dma_wait3A_155 = tpu.memref_slice %arg9[%mul3A_142, %dma_wait3A_154] : memref<10112x64xf32, #tpu.memory_space<vmem_shared>> -> memref<632x64xf32, #tpu.memory_space<vmem_shared>>
      tpu.wait_dma2 semaphore(%run_scoped3A_145 : memref<!tpu.dma_semaphore, #tpu.memory_space<semaphore_mem>>) src(%dma_wait3A_155 : memref<632x64xf32, #tpu.memory_space<vmem_shared>>) dst(%dma_wait3A_153 : memref<632x64xf32, #tpu.memory_space<hbm>>)
      tpu.yield
    }) : () -> ()
    return
  }
}

#map = affine_map<(d0, d1) -> (0, 0)>
#map1 = affine_map<(d0, d1) -> (0)>
#map2 = affine_map<(d0, d1) -> (0, 0, 0)>
module attributes {stable_mosaic.version = 14 : i64} {
  func.func @_deg_body(%arg0: i32, %arg1: i32, %arg2: memref<2x320000xi32, #tpu.memory_space<hbm>>, %arg3: memref<320000xf32, #tpu.memory_space<hbm>>, %arg4: memref<2x10112x16xf32, #tpu.memory_space<hbm>>, %arg5: memref<10256xf32, #tpu.memory_space<vmem>>, %arg6: memref<80x128xi32, #tpu.memory_space<vmem>>, %arg7: memref<3x128x16xf32, #tpu.memory_space<vmem>>, %arg8: memref<10112x16xf32, #tpu.memory_space<vmem_shared>>, %arg9: memref<3x!tpu.dma_semaphore, #tpu.memory_space<semaphore_mem>>, %arg10: memref<4x!tpu.dma_semaphore, #tpu.memory_space<semaphore_mem>>) attributes {dimension_semantics = [#tpu.dimension_semantics<core_parallel>, #tpu.dimension_semantics<subcore_parallel>], iteration_bounds = array<i64: 2, 16>, scalar_prefetch = 0 : i64, scratch_operands = 6 : i64, tpu.core_type = #tpu.core_type<sc_vector_subcore>, window_params = [{transform_indices = #map}, {transform_indices = #map1}, {transform_indices = #map2}]} {
    %iota3A = tpu.iota {dimensions = array<i32: 0>} : vector<16xi32>
    %eq3A = arith.constant 1 : i32
    %eq3A_0 = vector.broadcast %eq3A : i32 to vector<16xi32>
    %eq3A_1 = arith.cmpi eq, %iota3A, %eq3A_0 : vector<16xi32>
    %jit3A = arith.constant 1.000000e+00 : f32
    %jit3A_2 = arith.constant 0.000000e+00 : f32
    %broadcast_in_dim3A = vector.broadcast %jit3A : f32 to vector<16xf32>
    %broadcast_in_dim3A_3 = vector.broadcast %jit3A_2 : f32 to vector<16xf32>
    %select_n3A = arith.select %eq3A_1, %broadcast_in_dim3A, %broadcast_in_dim3A_3 : vector<16xi1>, vector<16xf32>
    %broadcast_in_dim3A_4 = arith.constant 0.000000e+00 : f32
    %broadcast_in_dim3A_5 = vector.broadcast %broadcast_in_dim3A_4 : f32 to vector<16xf32>
    %mul3A = arith.constant 16 : i32
    %mul3A_6 = arith.muli %arg0, %mul3A : i32
    %add3A = arith.addi %mul3A_6, %arg1 : i32
    %mul3A_7 = arith.constant 10240 : i32
    %mul3A_8 = arith.muli %add3A, %mul3A_7 : i32
    %lt3A = arith.constant 31 : i32
    %lt3A_9 = arith.cmpi slt, %add3A, %lt3A : i32
    %jit3A_10 = arith.constant 80 : i32
    %jit3A_11 = arith.constant 20 : i32
    %select_n3A_12 = arith.select %lt3A_9, %jit3A_10, %jit3A_11 : i32
    %lt3A_13 = arith.constant 31 : i32
    %lt3A_14 = arith.cmpi slt, %add3A, %lt3A_13 : i32
    %convert_element_type3A = arith.extui %lt3A_14 : i1 to i32
    %cond3A = arith.constant 0 : i32
    %cond3A_15 = arith.cmpi ne, %convert_element_type3A, %cond3A : i32
    scf.if %cond3A_15 {
      "tpu.region"() ({
        %run_scoped3A_158 = tpu.sem_alloc : memref<!tpu.dma_semaphore, #tpu.memory_space<semaphore_mem>>
        %dma_start3A_159 = arith.constant 0 : i32
        %dma_start3A_160 = tpu.memref_slice %arg5[%dma_start3A_159] : memref<10256xf32, #tpu.memory_space<vmem>> -> memref<10240xf32, #tpu.memory_space<vmem>>
        %dma_start3A_161 = tpu.memref_slice %arg3[%mul3A_8] : memref<320000xf32, #tpu.memory_space<hbm>> -> memref<10240xf32, #tpu.memory_space<hbm>>
        %dma_start3A_162 = arith.constant 0 : i32
        %dma_start3A_163 = tpu.memref_slice %arg5[%dma_start3A_162] : memref<10256xf32, #tpu.memory_space<vmem>> -> memref<10240xf32, #tpu.memory_space<vmem>>
        %dma_start3A_164 = tpu.memref_slice %arg3[%mul3A_8] : memref<320000xf32, #tpu.memory_space<hbm>> -> memref<10240xf32, #tpu.memory_space<hbm>>
        tpu.enqueue_dma source(%dma_start3A_164 : memref<10240xf32, #tpu.memory_space<hbm>>) target(%dma_start3A_163 : memref<10240xf32, #tpu.memory_space<vmem>>) target_semaphore(%run_scoped3A_158 : memref<!tpu.dma_semaphore, #tpu.memory_space<semaphore_mem>>)
        %dma_wait3A_165 = arith.constant 0 : i32
        %dma_wait3A_166 = tpu.memref_slice %arg5[%dma_wait3A_165] : memref<10256xf32, #tpu.memory_space<vmem>> -> memref<10240xf32, #tpu.memory_space<vmem>>
        %dma_wait3A_167 = tpu.memref_slice %arg3[%mul3A_8] : memref<320000xf32, #tpu.memory_space<hbm>> -> memref<10240xf32, #tpu.memory_space<hbm>>
        %dma_wait3A_168 = arith.constant 0 : i32
        %dma_wait3A_169 = tpu.memref_slice %arg5[%dma_wait3A_168] : memref<10256xf32, #tpu.memory_space<vmem>> -> memref<10240xf32, #tpu.memory_space<vmem>>
        %dma_wait3A_170 = tpu.memref_slice %arg3[%mul3A_8] : memref<320000xf32, #tpu.memory_space<hbm>> -> memref<10240xf32, #tpu.memory_space<hbm>>
        tpu.wait_dma2 semaphore(%run_scoped3A_158 : memref<!tpu.dma_semaphore, #tpu.memory_space<semaphore_mem>>) src(%dma_wait3A_170 : memref<10240xf32, #tpu.memory_space<hbm>>) dst(%dma_wait3A_169 : memref<10240xf32, #tpu.memory_space<vmem>>)
        tpu.yield
      }) : () -> ()
    } else {
    }
    %eq3A_16 = arith.constant 31 : i32
    %eq3A_17 = arith.cmpi eq, %add3A, %eq3A_16 : i32
    %convert_element_type3A_18 = arith.extui %eq3A_17 : i1 to i32
    %cond3A_19 = arith.constant 0 : i32
    %cond3A_20 = arith.cmpi ne, %convert_element_type3A_18, %cond3A_19 : i32
    scf.if %cond3A_20 {
      "tpu.region"() ({
        %run_scoped3A_158 = tpu.sem_alloc : memref<!tpu.dma_semaphore, #tpu.memory_space<semaphore_mem>>
        %dma_start3A_159 = arith.constant 0 : i32
        %dma_start3A_160 = tpu.memref_slice %arg5[%dma_start3A_159] : memref<10256xf32, #tpu.memory_space<vmem>> -> memref<2560xf32, #tpu.memory_space<vmem>>
        %dma_start3A_161 = tpu.memref_slice %arg3[%mul3A_8] : memref<320000xf32, #tpu.memory_space<hbm>> -> memref<2560xf32, #tpu.memory_space<hbm>>
        %dma_start3A_162 = arith.constant 0 : i32
        %dma_start3A_163 = tpu.memref_slice %arg5[%dma_start3A_162] : memref<10256xf32, #tpu.memory_space<vmem>> -> memref<2560xf32, #tpu.memory_space<vmem>>
        %dma_start3A_164 = tpu.memref_slice %arg3[%mul3A_8] : memref<320000xf32, #tpu.memory_space<hbm>> -> memref<2560xf32, #tpu.memory_space<hbm>>
        tpu.enqueue_dma source(%dma_start3A_164 : memref<2560xf32, #tpu.memory_space<hbm>>) target(%dma_start3A_163 : memref<2560xf32, #tpu.memory_space<vmem>>) target_semaphore(%run_scoped3A_158 : memref<!tpu.dma_semaphore, #tpu.memory_space<semaphore_mem>>)
        %dma_wait3A_165 = arith.constant 0 : i32
        %dma_wait3A_166 = tpu.memref_slice %arg5[%dma_wait3A_165] : memref<10256xf32, #tpu.memory_space<vmem>> -> memref<2560xf32, #tpu.memory_space<vmem>>
        %dma_wait3A_167 = tpu.memref_slice %arg3[%mul3A_8] : memref<320000xf32, #tpu.memory_space<hbm>> -> memref<2560xf32, #tpu.memory_space<hbm>>
        %dma_wait3A_168 = arith.constant 0 : i32
        %dma_wait3A_169 = tpu.memref_slice %arg5[%dma_wait3A_168] : memref<10256xf32, #tpu.memory_space<vmem>> -> memref<2560xf32, #tpu.memory_space<vmem>>
        %dma_wait3A_170 = tpu.memref_slice %arg3[%mul3A_8] : memref<320000xf32, #tpu.memory_space<hbm>> -> memref<2560xf32, #tpu.memory_space<hbm>>
        tpu.wait_dma2 semaphore(%run_scoped3A_158 : memref<!tpu.dma_semaphore, #tpu.memory_space<semaphore_mem>>) src(%dma_wait3A_170 : memref<2560xf32, #tpu.memory_space<hbm>>) dst(%dma_wait3A_169 : memref<2560xf32, #tpu.memory_space<vmem>>)
        tpu.yield
      }) : () -> ()
    } else {
    }
    %add3A_21 = arith.constant 0 : i32
    %add3A_22 = arith.addi %mul3A_8, %add3A_21 : i32
    %dma_start3A = arith.constant 1 : i32
    %dma_start3A_23 = arith.constant 0 : i32
    %dma_start3A_24 = arith.constant 0 : i32
    %dma_start3A_25 = arith.constant 0 : i32
    %dma_start3A_26 = tpu.memref_slice %arg6[%dma_start3A_23, %dma_start3A_25] : memref<80x128xi32, #tpu.memory_space<vmem>> -> memref<1x128xi32, #tpu.memory_space<vmem>>
    %dma_start3A_27 = tpu.memref_squeeze %dma_start3A_26 : memref<1x128xi32, #tpu.memory_space<vmem>> -> memref<128xi32, #tpu.memory_space<vmem>>
    %dma_start3A_28 = tpu.memref_slice %arg2[%dma_start3A, %add3A_22] : memref<2x320000xi32, #tpu.memory_space<hbm>> -> memref<1x128xi32, #tpu.memory_space<hbm>>
    %dma_start3A_29 = tpu.memref_squeeze %dma_start3A_28 : memref<1x128xi32, #tpu.memory_space<hbm>> -> memref<128xi32, #tpu.memory_space<hbm>>
    %dma_start3A_30 = tpu.memref_slice %arg10[%dma_start3A_24] : memref<4x!tpu.dma_semaphore, #tpu.memory_space<semaphore_mem>> -> memref<1x!tpu.dma_semaphore, #tpu.memory_space<semaphore_mem>>
    %dma_start3A_31 = tpu.memref_squeeze %dma_start3A_30 : memref<1x!tpu.dma_semaphore, #tpu.memory_space<semaphore_mem>> -> memref<!tpu.dma_semaphore, #tpu.memory_space<semaphore_mem>>
    %dma_start3A_32 = arith.constant 0 : i32
    %dma_start3A_33 = tpu.memref_slice %arg6[%dma_start3A_23, %dma_start3A_32] : memref<80x128xi32, #tpu.memory_space<vmem>> -> memref<1x128xi32, #tpu.memory_space<vmem>>
    %dma_start3A_34 = tpu.memref_squeeze %dma_start3A_33 : memref<1x128xi32, #tpu.memory_space<vmem>> -> memref<128xi32, #tpu.memory_space<vmem>>
    %dma_start3A_35 = tpu.memref_slice %arg2[%dma_start3A, %add3A_22] : memref<2x320000xi32, #tpu.memory_space<hbm>> -> memref<1x128xi32, #tpu.memory_space<hbm>>
    %dma_start3A_36 = tpu.memref_squeeze %dma_start3A_35 : memref<1x128xi32, #tpu.memory_space<hbm>> -> memref<128xi32, #tpu.memory_space<hbm>>
    tpu.enqueue_dma source(%dma_start3A_36 : memref<128xi32, #tpu.memory_space<hbm>>) target(%dma_start3A_34 : memref<128xi32, #tpu.memory_space<vmem>>) target_semaphore(%dma_start3A_31 : memref<!tpu.dma_semaphore, #tpu.memory_space<semaphore_mem>>)
    %add3A_37 = arith.constant 128 : i32
    %add3A_38 = arith.addi %mul3A_8, %add3A_37 : i32
    %dma_start3A_39 = arith.constant 1 : i32
    %dma_start3A_40 = arith.constant 1 : i32
    %dma_start3A_41 = arith.constant 1 : i32
    %dma_start3A_42 = arith.constant 0 : i32
    %dma_start3A_43 = tpu.memref_slice %arg6[%dma_start3A_40, %dma_start3A_42] : memref<80x128xi32, #tpu.memory_space<vmem>> -> memref<1x128xi32, #tpu.memory_space<vmem>>
    %dma_start3A_44 = tpu.memref_squeeze %dma_start3A_43 : memref<1x128xi32, #tpu.memory_space<vmem>> -> memref<128xi32, #tpu.memory_space<vmem>>
    %dma_start3A_45 = tpu.memref_slice %arg2[%dma_start3A_39, %add3A_38] : memref<2x320000xi32, #tpu.memory_space<hbm>> -> memref<1x128xi32, #tpu.memory_space<hbm>>
    %dma_start3A_46 = tpu.memref_squeeze %dma_start3A_45 : memref<1x128xi32, #tpu.memory_space<hbm>> -> memref<128xi32, #tpu.memory_space<hbm>>
    %dma_start3A_47 = tpu.memref_slice %arg10[%dma_start3A_41] : memref<4x!tpu.dma_semaphore, #tpu.memory_space<semaphore_mem>> -> memref<1x!tpu.dma_semaphore, #tpu.memory_space<semaphore_mem>>
    %dma_start3A_48 = tpu.memref_squeeze %dma_start3A_47 : memref<1x!tpu.dma_semaphore, #tpu.memory_space<semaphore_mem>> -> memref<!tpu.dma_semaphore, #tpu.memory_space<semaphore_mem>>
    %dma_start3A_49 = arith.constant 0 : i32
    %dma_start3A_50 = tpu.memref_slice %arg6[%dma_start3A_40, %dma_start3A_49] : memref<80x128xi32, #tpu.memory_space<vmem>> -> memref<1x128xi32, #tpu.memory_space<vmem>>
    %dma_start3A_51 = tpu.memref_squeeze %dma_start3A_50 : memref<1x128xi32, #tpu.memory_space<vmem>> -> memref<128xi32, #tpu.memory_space<vmem>>
    %dma_start3A_52 = tpu.memref_slice %arg2[%dma_start3A_39, %add3A_38] : memref<2x320000xi32, #tpu.memory_space<hbm>> -> memref<1x128xi32, #tpu.memory_space<hbm>>
    %dma_start3A_53 = tpu.memref_squeeze %dma_start3A_52 : memref<1x128xi32, #tpu.memory_space<hbm>> -> memref<128xi32, #tpu.memory_space<hbm>>
    tpu.enqueue_dma source(%dma_start3A_53 : memref<128xi32, #tpu.memory_space<hbm>>) target(%dma_start3A_51 : memref<128xi32, #tpu.memory_space<vmem>>) target_semaphore(%dma_start3A_48 : memref<!tpu.dma_semaphore, #tpu.memory_space<semaphore_mem>>)
    %add3A_54 = arith.constant 256 : i32
    %add3A_55 = arith.addi %mul3A_8, %add3A_54 : i32
    %dma_start3A_56 = arith.constant 1 : i32
    %dma_start3A_57 = arith.constant 2 : i32
    %dma_start3A_58 = arith.constant 2 : i32
    %dma_start3A_59 = arith.constant 0 : i32
    %dma_start3A_60 = tpu.memref_slice %arg6[%dma_start3A_57, %dma_start3A_59] : memref<80x128xi32, #tpu.memory_space<vmem>> -> memref<1x128xi32, #tpu.memory_space<vmem>>
    %dma_start3A_61 = tpu.memref_squeeze %dma_start3A_60 : memref<1x128xi32, #tpu.memory_space<vmem>> -> memref<128xi32, #tpu.memory_space<vmem>>
    %dma_start3A_62 = tpu.memref_slice %arg2[%dma_start3A_56, %add3A_55] : memref<2x320000xi32, #tpu.memory_space<hbm>> -> memref<1x128xi32, #tpu.memory_space<hbm>>
    %dma_start3A_63 = tpu.memref_squeeze %dma_start3A_62 : memref<1x128xi32, #tpu.memory_space<hbm>> -> memref<128xi32, #tpu.memory_space<hbm>>
    %dma_start3A_64 = tpu.memref_slice %arg10[%dma_start3A_58] : memref<4x!tpu.dma_semaphore, #tpu.memory_space<semaphore_mem>> -> memref<1x!tpu.dma_semaphore, #tpu.memory_space<semaphore_mem>>
    %dma_start3A_65 = tpu.memref_squeeze %dma_start3A_64 : memref<1x!tpu.dma_semaphore, #tpu.memory_space<semaphore_mem>> -> memref<!tpu.dma_semaphore, #tpu.memory_space<semaphore_mem>>
    %dma_start3A_66 = arith.constant 0 : i32
    %dma_start3A_67 = tpu.memref_slice %arg6[%dma_start3A_57, %dma_start3A_66] : memref<80x128xi32, #tpu.memory_space<vmem>> -> memref<1x128xi32, #tpu.memory_space<vmem>>
    %dma_start3A_68 = tpu.memref_squeeze %dma_start3A_67 : memref<1x128xi32, #tpu.memory_space<vmem>> -> memref<128xi32, #tpu.memory_space<vmem>>
    %dma_start3A_69 = tpu.memref_slice %arg2[%dma_start3A_56, %add3A_55] : memref<2x320000xi32, #tpu.memory_space<hbm>> -> memref<1x128xi32, #tpu.memory_space<hbm>>
    %dma_start3A_70 = tpu.memref_squeeze %dma_start3A_69 : memref<1x128xi32, #tpu.memory_space<hbm>> -> memref<128xi32, #tpu.memory_space<hbm>>
    tpu.enqueue_dma source(%dma_start3A_70 : memref<128xi32, #tpu.memory_space<hbm>>) target(%dma_start3A_68 : memref<128xi32, #tpu.memory_space<vmem>>) target_semaphore(%dma_start3A_65 : memref<!tpu.dma_semaphore, #tpu.memory_space<semaphore_mem>>)
    %scan3A = arith.constant 0 : i32
    %scan3A_71 = arith.constant 0 : i32
    %scan3A_72 = arith.constant 128 : i32
    %scan3A_73 = arith.addi %scan3A_71, %scan3A_72 : i32
    %scan3A_74 = arith.constant 1 : i32
    scf.for %scan3A_158 = %scan3A_71 to %scan3A_73 step %scan3A_74  : i32 {
      %swap3A = arith.constant 0 : i32
      %swap3A_159 = arith.index_cast %swap3A : i32 to index
      %swap3A_160 = arith.index_cast %scan3A_158 : i32 to index
      %swap3A_161 = arith.constant 0 : index
      %swap3A_162 = tpu.vector_load %arg7[%swap3A_159, %swap3A_160, %swap3A_161] {strides = array<i32>} : memref<3x128x16xf32, #tpu.memory_space<vmem>>, vector<1x1x16xf32>,
      %swap3A_163 = vector.shape_cast %swap3A_162 : vector<1x1x16xf32> to vector<16xf32>
      %swap3A_164 = vector.shape_cast %broadcast_in_dim3A_5 : vector<16xf32> to vector<1x1x16xf32>
      tpu.vector_store %arg7[%swap3A_159, %swap3A_160, %swap3A_161], %swap3A_164 {strides = array<i32>} : memref<3x128x16xf32, #tpu.memory_space<vmem>>, vector<1x1x16xf32>,
    }
    %scan3A_75 = arith.constant 128 : i32
    %mul3A_76 = arith.constant 632 : i32
    %mul3A_77 = arith.muli %arg1, %mul3A_76 : i32
    %add3A_78 = arith.constant 0 : i32
    %add3A_79 = arith.addi %mul3A_77, %add3A_78 : i32
    %run_scoped3A = arith.constant 0 : i32
    "tpu.region"() ({
      %run_scoped3A_158 = tpu.sem_alloc : memref<!tpu.dma_semaphore, #tpu.memory_space<semaphore_mem>>
      %dma_start3A_159 = arith.constant 0 : i32
      %dma_start3A_160 = arith.constant 0 : i32
      %dma_start3A_161 = tpu.memref_slice %arg7[%run_scoped3A, %dma_start3A_159, %dma_start3A_160] : memref<3x128x16xf32, #tpu.memory_space<vmem>> -> memref<1x128x16xf32, #tpu.memory_space<vmem>>
      %dma_start3A_162 = tpu.memref_squeeze %dma_start3A_161 : memref<1x128x16xf32, #tpu.memory_space<vmem>> -> memref<128x16xf32, #tpu.memory_space<vmem>>
      %dma_start3A_163 = arith.constant 0 : i32
      %dma_start3A_164 = tpu.memref_slice %arg8[%add3A_79, %dma_start3A_163] : memref<10112x16xf32, #tpu.memory_space<vmem_shared>> -> memref<128x16xf32, #tpu.memory_space<vmem_shared>>
      %dma_start3A_165 = arith.constant 0 : i32
      %dma_start3A_166 = tpu.memref_slice %arg8[%add3A_79, %dma_start3A_165] : memref<10112x16xf32, #tpu.memory_space<vmem_shared>> -> memref<128x16xf32, #tpu.memory_space<vmem_shared>>
      %dma_start3A_167 = arith.constant 0 : i32
      %dma_start3A_168 = arith.constant 0 : i32
      %dma_start3A_169 = tpu.memref_slice %arg7[%run_scoped3A, %dma_start3A_167, %dma_start3A_168] : memref<3x128x16xf32, #tpu.memory_space<vmem>> -> memref<1x128x16xf32, #tpu.memory_space<vmem>>
      %dma_start3A_170 = tpu.memref_squeeze %dma_start3A_169 : memref<1x128x16xf32, #tpu.memory_space<vmem>> -> memref<128x16xf32, #tpu.memory_space<vmem>>
      tpu.enqueue_dma source(%dma_start3A_170 : memref<128x16xf32, #tpu.memory_space<vmem>>) target(%dma_start3A_166 : memref<128x16xf32, #tpu.memory_space<vmem_shared>>) target_semaphore(%run_scoped3A_158 : memref<!tpu.dma_semaphore, #tpu.memory_space<semaphore_mem>>)
      %dma_wait3A_171 = arith.constant 0 : i32
      %dma_wait3A_172 = arith.constant 0 : i32
      %dma_wait3A_173 = tpu.memref_slice %arg7[%run_scoped3A, %dma_wait3A_171, %dma_wait3A_172] : memref<3x128x16xf32, #tpu.memory_space<vmem>> -> memref<1x128x16xf32, #tpu.memory_space<vmem>>
      %dma_wait3A_174 = tpu.memref_squeeze %dma_wait3A_173 : memref<1x128x16xf32, #tpu.memory_space<vmem>> -> memref<128x16xf32, #tpu.memory_space<vmem>>
      %dma_wait3A_175 = arith.constant 0 : i32
      %dma_wait3A_176 = tpu.memref_slice %arg8[%add3A_79, %dma_wait3A_175] : memref<10112x16xf32, #tpu.memory_space<vmem_shared>> -> memref<128x16xf32, #tpu.memory_space<vmem_shared>>
      %dma_wait3A_177 = arith.constant 0 : i32
      %dma_wait3A_178 = tpu.memref_slice %arg8[%add3A_79, %dma_wait3A_177] : memref<10112x16xf32, #tpu.memory_space<vmem_shared>> -> memref<128x16xf32, #tpu.memory_space<vmem_shared>>
      %dma_wait3A_179 = arith.constant 0 : i32
      %dma_wait3A_180 = arith.constant 0 : i32
      %dma_wait3A_181 = tpu.memref_slice %arg7[%run_scoped3A, %dma_wait3A_179, %dma_wait3A_180] : memref<3x128x16xf32, #tpu.memory_space<vmem>> -> memref<1x128x16xf32, #tpu.memory_space<vmem>>
      %dma_wait3A_182 = tpu.memref_squeeze %dma_wait3A_181 : memref<1x128x16xf32, #tpu.memory_space<vmem>> -> memref<128x16xf32, #tpu.memory_space<vmem>>
      tpu.wait_dma2 semaphore(%run_scoped3A_158 : memref<!tpu.dma_semaphore, #tpu.memory_space<semaphore_mem>>) src(%dma_wait3A_182 : memref<128x16xf32, #tpu.memory_space<vmem>>) dst(%dma_wait3A_178 : memref<128x16xf32, #tpu.memory_space<vmem_shared>>)
      tpu.yield
    }) : () -> ()
    %add3A_80 = arith.constant 128 : i32
    %add3A_81 = arith.addi %mul3A_77, %add3A_80 : i32
    %run_scoped3A_82 = arith.constant 0 : i32
    "tpu.region"() ({
      %run_scoped3A_158 = tpu.sem_alloc : memref<!tpu.dma_semaphore, #tpu.memory_space<semaphore_mem>>
      %dma_start3A_159 = arith.constant 0 : i32
      %dma_start3A_160 = arith.constant 0 : i32
      %dma_start3A_161 = tpu.memref_slice %arg7[%run_scoped3A_82, %dma_start3A_159, %dma_start3A_160] : memref<3x128x16xf32, #tpu.memory_space<vmem>> -> memref<1x128x16xf32, #tpu.memory_space<vmem>>
      %dma_start3A_162 = tpu.memref_squeeze %dma_start3A_161 : memref<1x128x16xf32, #tpu.memory_space<vmem>> -> memref<128x16xf32, #tpu.memory_space<vmem>>
      %dma_start3A_163 = arith.constant 0 : i32
      %dma_start3A_164 = tpu.memref_slice %arg8[%add3A_81, %dma_start3A_163] : memref<10112x16xf32, #tpu.memory_space<vmem_shared>> -> memref<128x16xf32, #tpu.memory_space<vmem_shared>>
      %dma_start3A_165 = arith.constant 0 : i32
      %dma_start3A_166 = tpu.memref_slice %arg8[%add3A_81, %dma_start3A_165] : memref<10112x16xf32, #tpu.memory_space<vmem_shared>> -> memref<128x16xf32, #tpu.memory_space<vmem_shared>>
      %dma_start3A_167 = arith.constant 0 : i32
      %dma_start3A_168 = arith.constant 0 : i32
      %dma_start3A_169 = tpu.memref_slice %arg7[%run_scoped3A_82, %dma_start3A_167, %dma_start3A_168] : memref<3x128x16xf32, #tpu.memory_space<vmem>> -> memref<1x128x16xf32, #tpu.memory_space<vmem>>
      %dma_start3A_170 = tpu.memref_squeeze %dma_start3A_169 : memref<1x128x16xf32, #tpu.memory_space<vmem>> -> memref<128x16xf32, #tpu.memory_space<vmem>>
      tpu.enqueue_dma source(%dma_start3A_170 : memref<128x16xf32, #tpu.memory_space<vmem>>) target(%dma_start3A_166 : memref<128x16xf32, #tpu.memory_space<vmem_shared>>) target_semaphore(%run_scoped3A_158 : memref<!tpu.dma_semaphore, #tpu.memory_space<semaphore_mem>>)
      %dma_wait3A_171 = arith.constant 0 : i32
      %dma_wait3A_172 = arith.constant 0 : i32
      %dma_wait3A_173 = tpu.memref_slice %arg7[%run_scoped3A_82, %dma_wait3A_171, %dma_wait3A_172] : memref<3x128x16xf32, #tpu.memory_space<vmem>> -> memref<1x128x16xf32, #tpu.memory_space<vmem>>
      %dma_wait3A_174 = tpu.memref_squeeze %dma_wait3A_173 : memref<1x128x16xf32, #tpu.memory_space<vmem>> -> memref<128x16xf32, #tpu.memory_space<vmem>>
      %dma_wait3A_175 = arith.constant 0 : i32
      %dma_wait3A_176 = tpu.memref_slice %arg8[%add3A_81, %dma_wait3A_175] : memref<10112x16xf32, #tpu.memory_space<vmem_shared>> -> memref<128x16xf32, #tpu.memory_space<vmem_shared>>
      %dma_wait3A_177 = arith.constant 0 : i32
      %dma_wait3A_178 = tpu.memref_slice %arg8[%add3A_81, %dma_wait3A_177] : memref<10112x16xf32, #tpu.memory_space<vmem_shared>> -> memref<128x16xf32, #tpu.memory_space<vmem_shared>>
      %dma_wait3A_179 = arith.constant 0 : i32
      %dma_wait3A_180 = arith.constant 0 : i32
      %dma_wait3A_181 = tpu.memref_slice %arg7[%run_scoped3A_82, %dma_wait3A_179, %dma_wait3A_180] : memref<3x128x16xf32, #tpu.memory_space<vmem>> -> memref<1x128x16xf32, #tpu.memory_space<vmem>>
      %dma_wait3A_182 = tpu.memref_squeeze %dma_wait3A_181 : memref<1x128x16xf32, #tpu.memory_space<vmem>> -> memref<128x16xf32, #tpu.memory_space<vmem>>
      tpu.wait_dma2 semaphore(%run_scoped3A_158 : memref<!tpu.dma_semaphore, #tpu.memory_space<semaphore_mem>>) src(%dma_wait3A_182 : memref<128x16xf32, #tpu.memory_space<vmem>>) dst(%dma_wait3A_178 : memref<128x16xf32, #tpu.memory_space<vmem_shared>>)
      tpu.yield
    }) : () -> ()
    %add3A_83 = arith.constant 256 : i32
    %add3A_84 = arith.addi %mul3A_77, %add3A_83 : i32
    %run_scoped3A_85 = arith.constant 0 : i32
    "tpu.region"() ({
      %run_scoped3A_158 = tpu.sem_alloc : memref<!tpu.dma_semaphore, #tpu.memory_space<semaphore_mem>>
      %dma_start3A_159 = arith.constant 0 : i32
      %dma_start3A_160 = arith.constant 0 : i32
      %dma_start3A_161 = tpu.memref_slice %arg7[%run_scoped3A_85, %dma_start3A_159, %dma_start3A_160] : memref<3x128x16xf32, #tpu.memory_space<vmem>> -> memref<1x128x16xf32, #tpu.memory_space<vmem>>
      %dma_start3A_162 = tpu.memref_squeeze %dma_start3A_161 : memref<1x128x16xf32, #tpu.memory_space<vmem>> -> memref<128x16xf32, #tpu.memory_space<vmem>>
      %dma_start3A_163 = arith.constant 0 : i32
      %dma_start3A_164 = tpu.memref_slice %arg8[%add3A_84, %dma_start3A_163] : memref<10112x16xf32, #tpu.memory_space<vmem_shared>> -> memref<128x16xf32, #tpu.memory_space<vmem_shared>>
      %dma_start3A_165 = arith.constant 0 : i32
      %dma_start3A_166 = tpu.memref_slice %arg8[%add3A_84, %dma_start3A_165] : memref<10112x16xf32, #tpu.memory_space<vmem_shared>> -> memref<128x16xf32, #tpu.memory_space<vmem_shared>>
      %dma_start3A_167 = arith.constant 0 : i32
      %dma_start3A_168 = arith.constant 0 : i32
      %dma_start3A_169 = tpu.memref_slice %arg7[%run_scoped3A_85, %dma_start3A_167, %dma_start3A_168] : memref<3x128x16xf32, #tpu.memory_space<vmem>> -> memref<1x128x16xf32, #tpu.memory_space<vmem>>
      %dma_start3A_170 = tpu.memref_squeeze %dma_start3A_169 : memref<1x128x16xf32, #tpu.memory_space<vmem>> -> memref<128x16xf32, #tpu.memory_space<vmem>>
      tpu.enqueue_dma source(%dma_start3A_170 : memref<128x16xf32, #tpu.memory_space<vmem>>) target(%dma_start3A_166 : memref<128x16xf32, #tpu.memory_space<vmem_shared>>) target_semaphore(%run_scoped3A_158 : memref<!tpu.dma_semaphore, #tpu.memory_space<semaphore_mem>>)
      %dma_wait3A_171 = arith.constant 0 : i32
      %dma_wait3A_172 = arith.constant 0 : i32
      %dma_wait3A_173 = tpu.memref_slice %arg7[%run_scoped3A_85, %dma_wait3A_171, %dma_wait3A_172] : memref<3x128x16xf32, #tpu.memory_space<vmem>> -> memref<1x128x16xf32, #tpu.memory_space<vmem>>
      %dma_wait3A_174 = tpu.memref_squeeze %dma_wait3A_173 : memref<1x128x16xf32, #tpu.memory_space<vmem>> -> memref<128x16xf32, #tpu.memory_space<vmem>>
      %dma_wait3A_175 = arith.constant 0 : i32
      %dma_wait3A_176 = tpu.memref_slice %arg8[%add3A_84, %dma_wait3A_175] : memref<10112x16xf32, #tpu.memory_space<vmem_shared>> -> memref<128x16xf32, #tpu.memory_space<vmem_shared>>
      %dma_wait3A_177 = arith.constant 0 : i32
      %dma_wait3A_178 = tpu.memref_slice %arg8[%add3A_84, %dma_wait3A_177] : memref<10112x16xf32, #tpu.memory_space<vmem_shared>> -> memref<128x16xf32, #tpu.memory_space<vmem_shared>>
      %dma_wait3A_179 = arith.constant 0 : i32
      %dma_wait3A_180 = arith.constant 0 : i32
      %dma_wait3A_181 = tpu.memref_slice %arg7[%run_scoped3A_85, %dma_wait3A_179, %dma_wait3A_180] : memref<3x128x16xf32, #tpu.memory_space<vmem>> -> memref<1x128x16xf32, #tpu.memory_space<vmem>>
      %dma_wait3A_182 = tpu.memref_squeeze %dma_wait3A_181 : memref<1x128x16xf32, #tpu.memory_space<vmem>> -> memref<128x16xf32, #tpu.memory_space<vmem>>
      tpu.wait_dma2 semaphore(%run_scoped3A_158 : memref<!tpu.dma_semaphore, #tpu.memory_space<semaphore_mem>>) src(%dma_wait3A_182 : memref<128x16xf32, #tpu.memory_space<vmem>>) dst(%dma_wait3A_178 : memref<128x16xf32, #tpu.memory_space<vmem_shared>>)
      tpu.yield
    }) : () -> ()
    %add3A_86 = arith.constant 384 : i32
    %add3A_87 = arith.addi %mul3A_77, %add3A_86 : i32
    %run_scoped3A_88 = arith.constant 0 : i32
    "tpu.region"() ({
      %run_scoped3A_158 = tpu.sem_alloc : memref<!tpu.dma_semaphore, #tpu.memory_space<semaphore_mem>>
      %dma_start3A_159 = arith.constant 0 : i32
      %dma_start3A_160 = arith.constant 0 : i32
      %dma_start3A_161 = tpu.memref_slice %arg7[%run_scoped3A_88, %dma_start3A_159, %dma_start3A_160] : memref<3x128x16xf32, #tpu.memory_space<vmem>> -> memref<1x128x16xf32, #tpu.memory_space<vmem>>
      %dma_start3A_162 = tpu.memref_squeeze %dma_start3A_161 : memref<1x128x16xf32, #tpu.memory_space<vmem>> -> memref<128x16xf32, #tpu.memory_space<vmem>>
      %dma_start3A_163 = arith.constant 0 : i32
      %dma_start3A_164 = tpu.memref_slice %arg8[%add3A_87, %dma_start3A_163] : memref<10112x16xf32, #tpu.memory_space<vmem_shared>> -> memref<128x16xf32, #tpu.memory_space<vmem_shared>>
      %dma_start3A_165 = arith.constant 0 : i32
      %dma_start3A_166 = tpu.memref_slice %arg8[%add3A_87, %dma_start3A_165] : memref<10112x16xf32, #tpu.memory_space<vmem_shared>> -> memref<128x16xf32, #tpu.memory_space<vmem_shared>>
      %dma_start3A_167 = arith.constant 0 : i32
      %dma_start3A_168 = arith.constant 0 : i32
      %dma_start3A_169 = tpu.memref_slice %arg7[%run_scoped3A_88, %dma_start3A_167, %dma_start3A_168] : memref<3x128x16xf32, #tpu.memory_space<vmem>> -> memref<1x128x16xf32, #tpu.memory_space<vmem>>
      %dma_start3A_170 = tpu.memref_squeeze %dma_start3A_169 : memref<1x128x16xf32, #tpu.memory_space<vmem>> -> memref<128x16xf32, #tpu.memory_space<vmem>>
      tpu.enqueue_dma source(%dma_start3A_170 : memref<128x16xf32, #tpu.memory_space<vmem>>) target(%dma_start3A_166 : memref<128x16xf32, #tpu.memory_space<vmem_shared>>) target_semaphore(%run_scoped3A_158 : memref<!tpu.dma_semaphore, #tpu.memory_space<semaphore_mem>>)
      %dma_wait3A_171 = arith.constant 0 : i32
      %dma_wait3A_172 = arith.constant 0 : i32
      %dma_wait3A_173 = tpu.memref_slice %arg7[%run_scoped3A_88, %dma_wait3A_171, %dma_wait3A_172] : memref<3x128x16xf32, #tpu.memory_space<vmem>> -> memref<1x128x16xf32, #tpu.memory_space<vmem>>
      %dma_wait3A_174 = tpu.memref_squeeze %dma_wait3A_173 : memref<1x128x16xf32, #tpu.memory_space<vmem>> -> memref<128x16xf32, #tpu.memory_space<vmem>>
      %dma_wait3A_175 = arith.constant 0 : i32
      %dma_wait3A_176 = tpu.memref_slice %arg8[%add3A_87, %dma_wait3A_175] : memref<10112x16xf32, #tpu.memory_space<vmem_shared>> -> memref<128x16xf32, #tpu.memory_space<vmem_shared>>
      %dma_wait3A_177 = arith.constant 0 : i32
      %dma_wait3A_178 = tpu.memref_slice %arg8[%add3A_87, %dma_wait3A_177] : memref<10112x16xf32, #tpu.memory_space<vmem_shared>> -> memref<128x16xf32, #tpu.memory_space<vmem_shared>>
      %dma_wait3A_179 = arith.constant 0 : i32
      %dma_wait3A_180 = arith.constant 0 : i32
      %dma_wait3A_181 = tpu.memref_slice %arg7[%run_scoped3A_88, %dma_wait3A_179, %dma_wait3A_180] : memref<3x128x16xf32, #tpu.memory_space<vmem>> -> memref<1x128x16xf32, #tpu.memory_space<vmem>>
      %dma_wait3A_182 = tpu.memref_squeeze %dma_wait3A_181 : memref<1x128x16xf32, #tpu.memory_space<vmem>> -> memref<128x16xf32, #tpu.memory_space<vmem>>
      tpu.wait_dma2 semaphore(%run_scoped3A_158 : memref<!tpu.dma_semaphore, #tpu.memory_space<semaphore_mem>>) src(%dma_wait3A_182 : memref<128x16xf32, #tpu.memory_space<vmem>>) dst(%dma_wait3A_178 : memref<128x16xf32, #tpu.memory_space<vmem_shared>>)
      tpu.yield
    }) : () -> ()
    %add3A_89 = arith.constant 512 : i32
    %add3A_90 = arith.addi %mul3A_77, %add3A_89 : i32
    %run_scoped3A_91 = arith.constant 0 : i32
    "tpu.region"() ({
      %run_scoped3A_158 = tpu.sem_alloc : memref<!tpu.dma_semaphore, #tpu.memory_space<semaphore_mem>>
      %dma_start3A_159 = arith.constant 0 : i32
      %dma_start3A_160 = arith.constant 0 : i32
      %dma_start3A_161 = tpu.memref_slice %arg7[%run_scoped3A_91, %dma_start3A_159, %dma_start3A_160] : memref<3x128x16xf32, #tpu.memory_space<vmem>> -> memref<1x120x16xf32, #tpu.memory_space<vmem>>
      %dma_start3A_162 = tpu.memref_squeeze %dma_start3A_161 : memref<1x120x16xf32, #tpu.memory_space<vmem>> -> memref<120x16xf32, #tpu.memory_space<vmem>>
      %dma_start3A_163 = arith.constant 0 : i32
      %dma_start3A_164 = tpu.memref_slice %arg8[%add3A_90, %dma_start3A_163] : memref<10112x16xf32, #tpu.memory_space<vmem_shared>> -> memref<120x16xf32, #tpu.memory_space<vmem_shared>>
      %dma_start3A_165 = arith.constant 0 : i32
      %dma_start3A_166 = tpu.memref_slice %arg8[%add3A_90, %dma_start3A_165] : memref<10112x16xf32, #tpu.memory_space<vmem_shared>> -> memref<120x16xf32, #tpu.memory_space<vmem_shared>>
      %dma_start3A_167 = arith.constant 0 : i32
      %dma_start3A_168 = arith.constant 0 : i32
      %dma_start3A_169 = tpu.memref_slice %arg7[%run_scoped3A_91, %dma_start3A_167, %dma_start3A_168] : memref<3x128x16xf32, #tpu.memory_space<vmem>> -> memref<1x120x16xf32, #tpu.memory_space<vmem>>
      %dma_start3A_170 = tpu.memref_squeeze %dma_start3A_169 : memref<1x120x16xf32, #tpu.memory_space<vmem>> -> memref<120x16xf32, #tpu.memory_space<vmem>>
      tpu.enqueue_dma source(%dma_start3A_170 : memref<120x16xf32, #tpu.memory_space<vmem>>) target(%dma_start3A_166 : memref<120x16xf32, #tpu.memory_space<vmem_shared>>) target_semaphore(%run_scoped3A_158 : memref<!tpu.dma_semaphore, #tpu.memory_space<semaphore_mem>>)
      %dma_wait3A_171 = arith.constant 0 : i32
      %dma_wait3A_172 = arith.constant 0 : i32
      %dma_wait3A_173 = tpu.memref_slice %arg7[%run_scoped3A_91, %dma_wait3A_171, %dma_wait3A_172] : memref<3x128x16xf32, #tpu.memory_space<vmem>> -> memref<1x120x16xf32, #tpu.memory_space<vmem>>
      %dma_wait3A_174 = tpu.memref_squeeze %dma_wait3A_173 : memref<1x120x16xf32, #tpu.memory_space<vmem>> -> memref<120x16xf32, #tpu.memory_space<vmem>>
      %dma_wait3A_175 = arith.constant 0 : i32
      %dma_wait3A_176 = tpu.memref_slice %arg8[%add3A_90, %dma_wait3A_175] : memref<10112x16xf32, #tpu.memory_space<vmem_shared>> -> memref<120x16xf32, #tpu.memory_space<vmem_shared>>
      %dma_wait3A_177 = arith.constant 0 : i32
      %dma_wait3A_178 = tpu.memref_slice %arg8[%add3A_90, %dma_wait3A_177] : memref<10112x16xf32, #tpu.memory_space<vmem_shared>> -> memref<120x16xf32, #tpu.memory_space<vmem_shared>>
      %dma_wait3A_179 = arith.constant 0 : i32
      %dma_wait3A_180 = arith.constant 0 : i32
      %dma_wait3A_181 = tpu.memref_slice %arg7[%run_scoped3A_91, %dma_wait3A_179, %dma_wait3A_180] : memref<3x128x16xf32, #tpu.memory_space<vmem>> -> memref<1x120x16xf32, #tpu.memory_space<vmem>>
      %dma_wait3A_182 = tpu.memref_squeeze %dma_wait3A_181 : memref<1x120x16xf32, #tpu.memory_space<vmem>> -> memref<120x16xf32, #tpu.memory_space<vmem>>
      tpu.wait_dma2 semaphore(%run_scoped3A_158 : memref<!tpu.dma_semaphore, #tpu.memory_space<semaphore_mem>>) src(%dma_wait3A_182 : memref<120x16xf32, #tpu.memory_space<vmem>>) dst(%dma_wait3A_178 : memref<120x16xf32, #tpu.memory_space<vmem_shared>>)
      tpu.yield
    }) : () -> ()
    %barrier3A = arith.constant 0 : index
    tpu.barrier barrier_id(%barrier3A)
    %while3A = arith.constant 0 : i32
    %while3A_92 = arith.constant 0 : i32
    %while3A_93 = arith.subi %select_n3A_12, %while3A_92 : i32
    %while3A_94 = arith.addi %while3A_92, %while3A_93 : i32
    %while3A_95 = arith.constant 1 : i32
    %while3A_96 = arith.divsi %while3A_93, %while3A_95 : i32
    %while3A_97 = arith.muli %while3A_96, %while3A_95 : i32
    %while3A_98 = arith.addi %while3A_92, %while3A_97 : i32
    %while3A_99 = arith.constant 1 : i32
    scf.for %while3A_158 = %while3A_92 to %while3A_98 step %while3A_99  : i32 {
      %jit3A_159 = arith.constant 3 : i32
      %eq3A_160 = arith.constant 0 : i32
      %eq3A_161 = arith.cmpi eq, %jit3A_159, %eq3A_160 : i32
      %jit3A_162 = arith.constant 1 : i32
      %select_n3A_163 = arith.select %eq3A_161, %jit3A_162, %jit3A_159 : i32
      %rem3A = arith.remsi %while3A_158, %select_n3A_163 : i32
      %ne3A = arith.constant 0 : i32
      %ne3A_164 = arith.cmpi ne, %rem3A, %ne3A : i32
      %lt3A_165 = arith.constant 0 : i32
      %lt3A_166 = arith.cmpi slt, %rem3A, %lt3A_165 : i32
      %lt3A_167 = arith.constant 0 : i32
      %lt3A_168 = arith.cmpi slt, %select_n3A_163, %lt3A_167 : i32
      %ne3A_169 = arith.xori %lt3A_166, %lt3A_168 : i1
      %and3A = arith.andi %ne3A_169, %ne3A_164 : i1
      %add3A_170 = arith.addi %rem3A, %select_n3A_163 : i32
      %select_n3A_171 = arith.select %and3A, %add3A_170, %rem3A : i32
      %ge3A = arith.constant 3 : i32
      %ge3A_172 = arith.cmpi sge, %while3A_158, %ge3A : i32
      %convert_element_type3A_173 = arith.extui %ge3A_172 : i1 to i32
      %cond3A_174 = arith.constant 0 : i32
      %cond3A_175 = arith.cmpi ne, %convert_element_type3A_173, %cond3A_174 : i32
      scf.if %cond3A_175 {
        %sub3A_228 = arith.constant 3 : i32
        %sub3A_229 = arith.subi %while3A_158, %sub3A_228 : i32
        %dma_wait3A_230 = arith.constant 0 : i32
        %dma_wait3A_231 = arith.constant 0 : i32
        %dma_wait3A_232 = tpu.memref_slice %arg7[%select_n3A_171, %dma_wait3A_230, %dma_wait3A_231] : memref<3x128x16xf32, #tpu.memory_space<vmem>> -> memref<1x128x16xf32, #tpu.memory_space<vmem>>
        %dma_wait3A_233 = tpu.memref_squeeze %dma_wait3A_232 : memref<1x128x16xf32, #tpu.memory_space<vmem>> -> memref<128x16xf32, #tpu.memory_space<vmem>>
        %dma_wait3A_234 = arith.constant 0 : i32
        %dma_wait3A_235 = tpu.memref_slice %arg6[%sub3A_229, %dma_wait3A_234] : memref<80x128xi32, #tpu.memory_space<vmem>> -> memref<1x128xi32, #tpu.memory_space<vmem>>
        %dma_wait3A_236 = tpu.memref_squeeze %dma_wait3A_235 : memref<1x128xi32, #tpu.memory_space<vmem>> -> memref<128xi32, #tpu.memory_space<vmem>>
        %dma_wait3A_237 = arith.constant 0 : i32
        %dma_wait3A_238 = arith.constant 0 : i32
        %dma_wait3A_239 = tpu.memref_slice %arg8[%dma_wait3A_237, %dma_wait3A_238] : memref<10112x16xf32, #tpu.memory_space<vmem_shared>> -> memref<10112x16xf32, #tpu.memory_space<vmem_shared>>
        %dma_wait3A_240 = tpu.memref_slice %arg9[%select_n3A_171] : memref<3x!tpu.dma_semaphore, #tpu.memory_space<semaphore_mem>> -> memref<1x!tpu.dma_semaphore, #tpu.memory_space<semaphore_mem>>
        %dma_wait3A_241 = tpu.memref_squeeze %dma_wait3A_240 : memref<1x!tpu.dma_semaphore, #tpu.memory_space<semaphore_mem>> -> memref<!tpu.dma_semaphore, #tpu.memory_space<semaphore_mem>>
        tpu.wait_indirect_dma semaphore(%dma_wait3A_241 : memref<!tpu.dma_semaphore, #tpu.memory_space<semaphore_mem>>) src(%dma_wait3A_233 : memref<128x16xf32, #tpu.memory_space<vmem>>) dst(%dma_wait3A_239 : memref<10112x16xf32, #tpu.memory_space<vmem_shared>>)
      } else {
      }
      %add3A_176 = arith.constant 3 : i32
      %add3A_177 = arith.addi %while3A_158, %add3A_176 : i32
      %lt3A_178 = arith.cmpi slt, %add3A_177, %select_n3A_12 : i32
      %convert_element_type3A_179 = arith.extui %lt3A_178 : i1 to i32
      %cond3A_180 = arith.constant 0 : i32
      %cond3A_181 = arith.cmpi ne, %convert_element_type3A_179, %cond3A_180 : i32
      scf.if %cond3A_181 {
        %add3A_228 = arith.constant 3 : i32
        %add3A_229 = arith.addi %while3A_158, %add3A_228 : i32
        %mul3A_230 = arith.constant 128 : i32
        %mul3A_231 = arith.muli %add3A_229, %mul3A_230 : i32
        %add3A_232 = arith.addi %mul3A_8, %mul3A_231 : i32
        %jit3A_233 = arith.constant 4 : i32
        %eq3A_234 = arith.constant 0 : i32
        %eq3A_235 = arith.cmpi eq, %jit3A_233, %eq3A_234 : i32
        %jit3A_236 = arith.constant 1 : i32
        %select_n3A_237 = arith.select %eq3A_235, %jit3A_236, %jit3A_233 : i32
        %rem3A_238 = arith.remsi %add3A_229, %select_n3A_237 : i32
        %ne3A_239 = arith.constant 0 : i32
        %ne3A_240 = arith.cmpi ne, %rem3A_238, %ne3A_239 : i32
        %lt3A_241 = arith.constant 0 : i32
        %lt3A_242 = arith.cmpi slt, %rem3A_238, %lt3A_241 : i32
        %lt3A_243 = arith.constant 0 : i32
        %lt3A_244 = arith.cmpi slt, %select_n3A_237, %lt3A_243 : i32
        %ne3A_245 = arith.xori %lt3A_242, %lt3A_244 : i1
        %and3A_246 = arith.andi %ne3A_245, %ne3A_240 : i1
        %add3A_247 = arith.addi %rem3A_238, %select_n3A_237 : i32
        %select_n3A_248 = arith.select %and3A_246, %add3A_247, %rem3A_238 : i32
        %dma_start3A_249 = arith.constant 1 : i32
        %dma_start3A_250 = arith.constant 0 : i32
        %dma_start3A_251 = tpu.memref_slice %arg6[%add3A_229, %dma_start3A_250] : memref<80x128xi32, #tpu.memory_space<vmem>> -> memref<1x128xi32, #tpu.memory_space<vmem>>
        %dma_start3A_252 = tpu.memref_squeeze %dma_start3A_251 : memref<1x128xi32, #tpu.memory_space<vmem>> -> memref<128xi32, #tpu.memory_space<vmem>>
        %dma_start3A_253 = tpu.memref_slice %arg2[%dma_start3A_249, %add3A_232] : memref<2x320000xi32, #tpu.memory_space<hbm>> -> memref<1x128xi32, #tpu.memory_space<hbm>>
        %dma_start3A_254 = tpu.memref_squeeze %dma_start3A_253 : memref<1x128xi32, #tpu.memory_space<hbm>> -> memref<128xi32, #tpu.memory_space<hbm>>
        %dma_start3A_255 = tpu.memref_slice %arg10[%select_n3A_248] : memref<4x!tpu.dma_semaphore, #tpu.memory_space<semaphore_mem>> -> memref<1x!tpu.dma_semaphore, #tpu.memory_space<semaphore_mem>>
        %dma_start3A_256 = tpu.memref_squeeze %dma_start3A_255 : memref<1x!tpu.dma_semaphore, #tpu.memory_space<semaphore_mem>> -> memref<!tpu.dma_semaphore, #tpu.memory_space<semaphore_mem>>
        %dma_start3A_257 = arith.constant 0 : i32
        %dma_start3A_258 = tpu.memref_slice %arg6[%add3A_229, %dma_start3A_257] : memref<80x128xi32, #tpu.memory_space<vmem>> -> memref<1x128xi32, #tpu.memory_space<vmem>>
        %dma_start3A_259 = tpu.memref_squeeze %dma_start3A_258 : memref<1x128xi32, #tpu.memory_space<vmem>> -> memref<128xi32, #tpu.memory_space<vmem>>
        %dma_start3A_260 = tpu.memref_slice %arg2[%dma_start3A_249, %add3A_232] : memref<2x320000xi32, #tpu.memory_space<hbm>> -> memref<1x128xi32, #tpu.memory_space<hbm>>
        %dma_start3A_261 = tpu.memref_squeeze %dma_start3A_260 : memref<1x128xi32, #tpu.memory_space<hbm>> -> memref<128xi32, #tpu.memory_space<hbm>>
        tpu.enqueue_dma source(%dma_start3A_261 : memref<128xi32, #tpu.memory_space<hbm>>) target(%dma_start3A_259 : memref<128xi32, #tpu.memory_space<vmem>>) target_semaphore(%dma_start3A_256 : memref<!tpu.dma_semaphore, #tpu.memory_space<semaphore_mem>>)
      } else {
      }
      %parallel_loop3A = arith.constant 0 : i32
      %parallel_loop3A_182 = arith.constant 128 : i32
      %parallel_loop3A_183 = arith.constant 1 : i32
      scf.for %parallel_loop3A_228 = %parallel_loop3A to %parallel_loop3A_182 step %parallel_loop3A_183  : i32 {
        %parallel_loop3A_229 = arith.constant 128 : i32
        %parallel_loop3A_230 = arith.muli %while3A_158, %parallel_loop3A_229 : i32
        %parallel_loop3A_231 = arith.addi %parallel_loop3A_230, %parallel_loop3A_228 : i32
        %parallel_loop3A_232 = arith.index_cast %parallel_loop3A_231 : i32 to index
        %parallel_loop3A_233 = tpu.vector_load %arg5[%parallel_loop3A_232] {strides = array<i32>} : memref<10256xf32, #tpu.memory_space<vmem>>, vector<16xf32>,
        %parallel_loop3A_234 = vector.shape_cast %parallel_loop3A_233 : vector<16xf32> to vector<16xf32>
        %parallel_loop3A_235 = vector.extract_strided_slice %parallel_loop3A_234 {offsets = [0], sizes = [1], strides = [1]} : vector<16xf32> to vector<1xf32>
        %parallel_loop3A_236 = vector.extract %parallel_loop3A_235[0] : f32 from vector<1xf32>
        %parallel_loop3A_237 = vector.broadcast %parallel_loop3A_236 : f32 to vector<16xf32>
        %parallel_loop3A_238 = arith.constant 0 : i32
        %parallel_loop3A_239 = vector.broadcast %parallel_loop3A_238 : i32 to vector<16xi32>
        %parallel_loop3A_240 = arith.cmpi eq, %iota3A, %parallel_loop3A_239 : vector<16xi32>
        %parallel_loop3A_241 = arith.select %parallel_loop3A_240, %parallel_loop3A_237, %select_n3A : vector<16xi1>, vector<16xf32>
        %parallel_loop3A_242 = arith.index_cast %select_n3A_171 : i32 to index
        %parallel_loop3A_243 = arith.index_cast %parallel_loop3A_228 : i32 to index
        %parallel_loop3A_244 = arith.constant 0 : index
        %parallel_loop3A_245 = tpu.vector_load %arg7[%parallel_loop3A_242, %parallel_loop3A_243, %parallel_loop3A_244] {strides = array<i32>} : memref<3x128x16xf32, #tpu.memory_space<vmem>>, vector<1x1x16xf32>,
        %parallel_loop3A_246 = vector.shape_cast %parallel_loop3A_245 : vector<1x1x16xf32> to vector<16xf32>
        %parallel_loop3A_247 = vector.shape_cast %parallel_loop3A_241 : vector<16xf32> to vector<1x1x16xf32>
        tpu.vector_store %arg7[%parallel_loop3A_242, %parallel_loop3A_243, %parallel_loop3A_244], %parallel_loop3A_247 {strides = array<i32>} : memref<3x128x16xf32, #tpu.memory_space<vmem>>, vector<1x1x16xf32>,
      } {sc.loop_unroll_factor = 8 : i64, sc.parallel_access}
      %mul3A_184 = arith.constant 128 : i32
      %mul3A_185 = arith.muli %while3A_158, %mul3A_184 : i32
      %add3A_186 = arith.addi %mul3A_8, %mul3A_185 : i32
      %jit3A_187 = arith.constant 4 : i32
      %eq3A_188 = arith.constant 0 : i32
      %eq3A_189 = arith.cmpi eq, %jit3A_187, %eq3A_188 : i32
      %jit3A_190 = arith.constant 1 : i32
      %select_n3A_191 = arith.select %eq3A_189, %jit3A_190, %jit3A_187 : i32
      %rem3A_192 = arith.remsi %while3A_158, %select_n3A_191 : i32
      %ne3A_193 = arith.constant 0 : i32
      %ne3A_194 = arith.cmpi ne, %rem3A_192, %ne3A_193 : i32
      %lt3A_195 = arith.constant 0 : i32
      %lt3A_196 = arith.cmpi slt, %rem3A_192, %lt3A_195 : i32
      %lt3A_197 = arith.constant 0 : i32
      %lt3A_198 = arith.cmpi slt, %select_n3A_191, %lt3A_197 : i32
      %ne3A_199 = arith.xori %lt3A_196, %lt3A_198 : i1
      %and3A_200 = arith.andi %ne3A_199, %ne3A_194 : i1
      %add3A_201 = arith.addi %rem3A_192, %select_n3A_191 : i32
      %select_n3A_202 = arith.select %and3A_200, %add3A_201, %rem3A_192 : i32
      %dma_wait3A_203 = arith.constant 1 : i32
      %dma_wait3A_204 = arith.constant 0 : i32
      %dma_wait3A_205 = tpu.memref_slice %arg6[%while3A_158, %dma_wait3A_204] : memref<80x128xi32, #tpu.memory_space<vmem>> -> memref<1x128xi32, #tpu.memory_space<vmem>>
      %dma_wait3A_206 = tpu.memref_squeeze %dma_wait3A_205 : memref<1x128xi32, #tpu.memory_space<vmem>> -> memref<128xi32, #tpu.memory_space<vmem>>
      %dma_wait3A_207 = tpu.memref_slice %arg2[%dma_wait3A_203, %add3A_186] : memref<2x320000xi32, #tpu.memory_space<hbm>> -> memref<1x128xi32, #tpu.memory_space<hbm>>
      %dma_wait3A_208 = tpu.memref_squeeze %dma_wait3A_207 : memref<1x128xi32, #tpu.memory_space<hbm>> -> memref<128xi32, #tpu.memory_space<hbm>>
      %dma_wait3A_209 = tpu.memref_slice %arg10[%select_n3A_202] : memref<4x!tpu.dma_semaphore, #tpu.memory_space<semaphore_mem>> -> memref<1x!tpu.dma_semaphore, #tpu.memory_space<semaphore_mem>>
      %dma_wait3A_210 = tpu.memref_squeeze %dma_wait3A_209 : memref<1x!tpu.dma_semaphore, #tpu.memory_space<semaphore_mem>> -> memref<!tpu.dma_semaphore, #tpu.memory_space<semaphore_mem>>
      %dma_wait3A_211 = arith.constant 0 : i32
      %dma_wait3A_212 = tpu.memref_slice %arg6[%while3A_158, %dma_wait3A_211] : memref<80x128xi32, #tpu.memory_space<vmem>> -> memref<1x128xi32, #tpu.memory_space<vmem>>
      %dma_wait3A_213 = tpu.memref_squeeze %dma_wait3A_212 : memref<1x128xi32, #tpu.memory_space<vmem>> -> memref<128xi32, #tpu.memory_space<vmem>>
      %dma_wait3A_214 = tpu.memref_slice %arg2[%dma_wait3A_203, %add3A_186] : memref<2x320000xi32, #tpu.memory_space<hbm>> -> memref<1x128xi32, #tpu.memory_space<hbm>>
      %dma_wait3A_215 = tpu.memref_squeeze %dma_wait3A_214 : memref<1x128xi32, #tpu.memory_space<hbm>> -> memref<128xi32, #tpu.memory_space<hbm>>
      tpu.wait_dma2 semaphore(%dma_wait3A_210 : memref<!tpu.dma_semaphore, #tpu.memory_space<semaphore_mem>>) src(%dma_wait3A_215 : memref<128xi32, #tpu.memory_space<hbm>>) dst(%dma_wait3A_213 : memref<128xi32, #tpu.memory_space<vmem>>)
      %dma_start3A_216 = arith.constant 0 : i32
      %dma_start3A_217 = arith.constant 0 : i32
      %dma_start3A_218 = tpu.memref_slice %arg7[%select_n3A_171, %dma_start3A_216, %dma_start3A_217] : memref<3x128x16xf32, #tpu.memory_space<vmem>> -> memref<1x128x16xf32, #tpu.memory_space<vmem>>
      %dma_start3A_219 = tpu.memref_squeeze %dma_start3A_218 : memref<1x128x16xf32, #tpu.memory_space<vmem>> -> memref<128x16xf32, #tpu.memory_space<vmem>>
      %dma_start3A_220 = arith.constant 0 : i32
      %dma_start3A_221 = tpu.memref_slice %arg6[%while3A_158, %dma_start3A_220] : memref<80x128xi32, #tpu.memory_space<vmem>> -> memref<1x128xi32, #tpu.memory_space<vmem>>
      %dma_start3A_222 = tpu.memref_squeeze %dma_start3A_221 : memref<1x128xi32, #tpu.memory_space<vmem>> -> memref<128xi32, #tpu.memory_space<vmem>>
      %dma_start3A_223 = arith.constant 0 : i32
      %dma_start3A_224 = arith.constant 0 : i32
      %dma_start3A_225 = tpu.memref_slice %arg8[%dma_start3A_223, %dma_start3A_224] : memref<10112x16xf32, #tpu.memory_space<vmem_shared>> -> memref<10112x16xf32, #tpu.memory_space<vmem_shared>>
      %dma_start3A_226 = tpu.memref_slice %arg9[%select_n3A_171] : memref<3x!tpu.dma_semaphore, #tpu.memory_space<semaphore_mem>> -> memref<1x!tpu.dma_semaphore, #tpu.memory_space<semaphore_mem>>
      %dma_start3A_227 = tpu.memref_squeeze %dma_start3A_226 : memref<1x!tpu.dma_semaphore, #tpu.memory_space<semaphore_mem>> -> memref<!tpu.dma_semaphore, #tpu.memory_space<semaphore_mem>>
      tpu.enqueue_indirect_dma source(%dma_start3A_219 : memref<128x16xf32, #tpu.memory_space<vmem>>) target(%dma_start3A_225 : memref<10112x16xf32, #tpu.memory_space<vmem_shared>>) offsets(%dma_start3A_222 : memref<128xi32, #tpu.memory_space<vmem>>) semaphore(%dma_start3A_227 : memref<!tpu.dma_semaphore, #tpu.memory_space<semaphore_mem>>) {add = true}
    }
    %while3A_100 = arith.constant 1 : i32
    scf.for %while3A_158 = %while3A_98 to %while3A_94 step %while3A_100  : i32 {
      %jit3A_159 = arith.constant 3 : i32
      %eq3A_160 = arith.constant 0 : i32
      %eq3A_161 = arith.cmpi eq, %jit3A_159, %eq3A_160 : i32
      %jit3A_162 = arith.constant 1 : i32
      %select_n3A_163 = arith.select %eq3A_161, %jit3A_162, %jit3A_159 : i32
      %rem3A = arith.remsi %while3A_158, %select_n3A_163 : i32
      %ne3A = arith.constant 0 : i32
      %ne3A_164 = arith.cmpi ne, %rem3A, %ne3A : i32
      %lt3A_165 = arith.constant 0 : i32
      %lt3A_166 = arith.cmpi slt, %rem3A, %lt3A_165 : i32
      %lt3A_167 = arith.constant 0 : i32
      %lt3A_168 = arith.cmpi slt, %select_n3A_163, %lt3A_167 : i32
      %ne3A_169 = arith.xori %lt3A_166, %lt3A_168 : i1
      %and3A = arith.andi %ne3A_169, %ne3A_164 : i1
      %add3A_170 = arith.addi %rem3A, %select_n3A_163 : i32
      %select_n3A_171 = arith.select %and3A, %add3A_170, %rem3A : i32
      %ge3A = arith.constant 3 : i32
      %ge3A_172 = arith.cmpi sge, %while3A_158, %ge3A : i32
      %convert_element_type3A_173 = arith.extui %ge3A_172 : i1 to i32
      %cond3A_174 = arith.constant 0 : i32
      %cond3A_175 = arith.cmpi ne, %convert_element_type3A_173, %cond3A_174 : i32
      scf.if %cond3A_175 {
        %sub3A_228 = arith.constant 3 : i32
        %sub3A_229 = arith.subi %while3A_158, %sub3A_228 : i32
        %dma_wait3A_230 = arith.constant 0 : i32
        %dma_wait3A_231 = arith.constant 0 : i32
        %dma_wait3A_232 = tpu.memref_slice %arg7[%select_n3A_171, %dma_wait3A_230, %dma_wait3A_231] : memref<3x128x16xf32, #tpu.memory_space<vmem>> -> memref<1x128x16xf32, #tpu.memory_space<vmem>>
        %dma_wait3A_233 = tpu.memref_squeeze %dma_wait3A_232 : memref<1x128x16xf32, #tpu.memory_space<vmem>> -> memref<128x16xf32, #tpu.memory_space<vmem>>
        %dma_wait3A_234 = arith.constant 0 : i32
        %dma_wait3A_235 = tpu.memref_slice %arg6[%sub3A_229, %dma_wait3A_234] : memref<80x128xi32, #tpu.memory_space<vmem>> -> memref<1x128xi32, #tpu.memory_space<vmem>>
        %dma_wait3A_236 = tpu.memref_squeeze %dma_wait3A_235 : memref<1x128xi32, #tpu.memory_space<vmem>> -> memref<128xi32, #tpu.memory_space<vmem>>
        %dma_wait3A_237 = arith.constant 0 : i32
        %dma_wait3A_238 = arith.constant 0 : i32
        %dma_wait3A_239 = tpu.memref_slice %arg8[%dma_wait3A_237, %dma_wait3A_238] : memref<10112x16xf32, #tpu.memory_space<vmem_shared>> -> memref<10112x16xf32, #tpu.memory_space<vmem_shared>>
        %dma_wait3A_240 = tpu.memref_slice %arg9[%select_n3A_171] : memref<3x!tpu.dma_semaphore, #tpu.memory_space<semaphore_mem>> -> memref<1x!tpu.dma_semaphore, #tpu.memory_space<semaphore_mem>>
        %dma_wait3A_241 = tpu.memref_squeeze %dma_wait3A_240 : memref<1x!tpu.dma_semaphore, #tpu.memory_space<semaphore_mem>> -> memref<!tpu.dma_semaphore, #tpu.memory_space<semaphore_mem>>
        tpu.wait_indirect_dma semaphore(%dma_wait3A_241 : memref<!tpu.dma_semaphore, #tpu.memory_space<semaphore_mem>>) src(%dma_wait3A_233 : memref<128x16xf32, #tpu.memory_space<vmem>>) dst(%dma_wait3A_239 : memref<10112x16xf32, #tpu.memory_space<vmem_shared>>)
      } else {
      }
      %add3A_176 = arith.constant 3 : i32
      %add3A_177 = arith.addi %while3A_158, %add3A_176 : i32
      %lt3A_178 = arith.cmpi slt, %add3A_177, %select_n3A_12 : i32
      %convert_element_type3A_179 = arith.extui %lt3A_178 : i1 to i32
      %cond3A_180 = arith.constant 0 : i32
      %cond3A_181 = arith.cmpi ne, %convert_element_type3A_179, %cond3A_180 : i32
      scf.if %cond3A_181 {
        %add3A_228 = arith.constant 3 : i32
        %add3A_229 = arith.addi %while3A_158, %add3A_228 : i32
        %mul3A_230 = arith.constant 128 : i32
        %mul3A_231 = arith.muli %add3A_229, %mul3A_230 : i32
        %add3A_232 = arith.addi %mul3A_8, %mul3A_231 : i32
        %jit3A_233 = arith.constant 4 : i32
        %eq3A_234 = arith.constant 0 : i32
        %eq3A_235 = arith.cmpi eq, %jit3A_233, %eq3A_234 : i32
        %jit3A_236 = arith.constant 1 : i32
        %select_n3A_237 = arith.select %eq3A_235, %jit3A_236, %jit3A_233 : i32
        %rem3A_238 = arith.remsi %add3A_229, %select_n3A_237 : i32
        %ne3A_239 = arith.constant 0 : i32
        %ne3A_240 = arith.cmpi ne, %rem3A_238, %ne3A_239 : i32
        %lt3A_241 = arith.constant 0 : i32
        %lt3A_242 = arith.cmpi slt, %rem3A_238, %lt3A_241 : i32
        %lt3A_243 = arith.constant 0 : i32
        %lt3A_244 = arith.cmpi slt, %select_n3A_237, %lt3A_243 : i32
        %ne3A_245 = arith.xori %lt3A_242, %lt3A_244 : i1
        %and3A_246 = arith.andi %ne3A_245, %ne3A_240 : i1
        %add3A_247 = arith.addi %rem3A_238, %select_n3A_237 : i32
        %select_n3A_248 = arith.select %and3A_246, %add3A_247, %rem3A_238 : i32
        %dma_start3A_249 = arith.constant 1 : i32
        %dma_start3A_250 = arith.constant 0 : i32
        %dma_start3A_251 = tpu.memref_slice %arg6[%add3A_229, %dma_start3A_250] : memref<80x128xi32, #tpu.memory_space<vmem>> -> memref<1x128xi32, #tpu.memory_space<vmem>>
        %dma_start3A_252 = tpu.memref_squeeze %dma_start3A_251 : memref<1x128xi32, #tpu.memory_space<vmem>> -> memref<128xi32, #tpu.memory_space<vmem>>
        %dma_start3A_253 = tpu.memref_slice %arg2[%dma_start3A_249, %add3A_232] : memref<2x320000xi32, #tpu.memory_space<hbm>> -> memref<1x128xi32, #tpu.memory_space<hbm>>
        %dma_start3A_254 = tpu.memref_squeeze %dma_start3A_253 : memref<1x128xi32, #tpu.memory_space<hbm>> -> memref<128xi32, #tpu.memory_space<hbm>>
        %dma_start3A_255 = tpu.memref_slice %arg10[%select_n3A_248] : memref<4x!tpu.dma_semaphore, #tpu.memory_space<semaphore_mem>> -> memref<1x!tpu.dma_semaphore, #tpu.memory_space<semaphore_mem>>
        %dma_start3A_256 = tpu.memref_squeeze %dma_start3A_255 : memref<1x!tpu.dma_semaphore, #tpu.memory_space<semaphore_mem>> -> memref<!tpu.dma_semaphore, #tpu.memory_space<semaphore_mem>>
        %dma_start3A_257 = arith.constant 0 : i32
        %dma_start3A_258 = tpu.memref_slice %arg6[%add3A_229, %dma_start3A_257] : memref<80x128xi32, #tpu.memory_space<vmem>> -> memref<1x128xi32, #tpu.memory_space<vmem>>
        %dma_start3A_259 = tpu.memref_squeeze %dma_start3A_258 : memref<1x128xi32, #tpu.memory_space<vmem>> -> memref<128xi32, #tpu.memory_space<vmem>>
        %dma_start3A_260 = tpu.memref_slice %arg2[%dma_start3A_249, %add3A_232] : memref<2x320000xi32, #tpu.memory_space<hbm>> -> memref<1x128xi32, #tpu.memory_space<hbm>>
        %dma_start3A_261 = tpu.memref_squeeze %dma_start3A_260 : memref<1x128xi32, #tpu.memory_space<hbm>> -> memref<128xi32, #tpu.memory_space<hbm>>
        tpu.enqueue_dma source(%dma_start3A_261 : memref<128xi32, #tpu.memory_space<hbm>>) target(%dma_start3A_259 : memref<128xi32, #tpu.memory_space<vmem>>) target_semaphore(%dma_start3A_256 : memref<!tpu.dma_semaphore, #tpu.memory_space<semaphore_mem>>)
      } else {
      }
      %parallel_loop3A = arith.constant 0 : i32
      %parallel_loop3A_182 = arith.constant 128 : i32
      %parallel_loop3A_183 = arith.constant 1 : i32
      scf.for %parallel_loop3A_228 = %parallel_loop3A to %parallel_loop3A_182 step %parallel_loop3A_183  : i32 {
        %parallel_loop3A_229 = arith.constant 128 : i32
        %parallel_loop3A_230 = arith.muli %while3A_158, %parallel_loop3A_229 : i32
        %parallel_loop3A_231 = arith.addi %parallel_loop3A_230, %parallel_loop3A_228 : i32
        %parallel_loop3A_232 = arith.index_cast %parallel_loop3A_231 : i32 to index
        %parallel_loop3A_233 = tpu.vector_load %arg5[%parallel_loop3A_232] {strides = array<i32>} : memref<10256xf32, #tpu.memory_space<vmem>>, vector<16xf32>,
        %parallel_loop3A_234 = vector.shape_cast %parallel_loop3A_233 : vector<16xf32> to vector<16xf32>
        %parallel_loop3A_235 = vector.extract_strided_slice %parallel_loop3A_234 {offsets = [0], sizes = [1], strides = [1]} : vector<16xf32> to vector<1xf32>
        %parallel_loop3A_236 = vector.extract %parallel_loop3A_235[0] : f32 from vector<1xf32>
        %parallel_loop3A_237 = vector.broadcast %parallel_loop3A_236 : f32 to vector<16xf32>
        %parallel_loop3A_238 = arith.constant 0 : i32
        %parallel_loop3A_239 = vector.broadcast %parallel_loop3A_238 : i32 to vector<16xi32>
        %parallel_loop3A_240 = arith.cmpi eq, %iota3A, %parallel_loop3A_239 : vector<16xi32>
        %parallel_loop3A_241 = arith.select %parallel_loop3A_240, %parallel_loop3A_237, %select_n3A : vector<16xi1>, vector<16xf32>
        %parallel_loop3A_242 = arith.index_cast %select_n3A_171 : i32 to index
        %parallel_loop3A_243 = arith.index_cast %parallel_loop3A_228 : i32 to index
        %parallel_loop3A_244 = arith.constant 0 : index
        %parallel_loop3A_245 = tpu.vector_load %arg7[%parallel_loop3A_242, %parallel_loop3A_243, %parallel_loop3A_244] {strides = array<i32>} : memref<3x128x16xf32, #tpu.memory_space<vmem>>, vector<1x1x16xf32>,
        %parallel_loop3A_246 = vector.shape_cast %parallel_loop3A_245 : vector<1x1x16xf32> to vector<16xf32>
        %parallel_loop3A_247 = vector.shape_cast %parallel_loop3A_241 : vector<16xf32> to vector<1x1x16xf32>
        tpu.vector_store %arg7[%parallel_loop3A_242, %parallel_loop3A_243, %parallel_loop3A_244], %parallel_loop3A_247 {strides = array<i32>} : memref<3x128x16xf32, #tpu.memory_space<vmem>>, vector<1x1x16xf32>,
      } {sc.loop_unroll_factor = 8 : i64, sc.parallel_access}
      %mul3A_184 = arith.constant 128 : i32
      %mul3A_185 = arith.muli %while3A_158, %mul3A_184 : i32
      %add3A_186 = arith.addi %mul3A_8, %mul3A_185 : i32
      %jit3A_187 = arith.constant 4 : i32
      %eq3A_188 = arith.constant 0 : i32
      %eq3A_189 = arith.cmpi eq, %jit3A_187, %eq3A_188 : i32
      %jit3A_190 = arith.constant 1 : i32
      %select_n3A_191 = arith.select %eq3A_189, %jit3A_190, %jit3A_187 : i32
      %rem3A_192 = arith.remsi %while3A_158, %select_n3A_191 : i32
      %ne3A_193 = arith.constant 0 : i32
      %ne3A_194 = arith.cmpi ne, %rem3A_192, %ne3A_193 : i32
      %lt3A_195 = arith.constant 0 : i32
      %lt3A_196 = arith.cmpi slt, %rem3A_192, %lt3A_195 : i32
      %lt3A_197 = arith.constant 0 : i32
      %lt3A_198 = arith.cmpi slt, %select_n3A_191, %lt3A_197 : i32
      %ne3A_199 = arith.xori %lt3A_196, %lt3A_198 : i1
      %and3A_200 = arith.andi %ne3A_199, %ne3A_194 : i1
      %add3A_201 = arith.addi %rem3A_192, %select_n3A_191 : i32
      %select_n3A_202 = arith.select %and3A_200, %add3A_201, %rem3A_192 : i32
      %dma_wait3A_203 = arith.constant 1 : i32
      %dma_wait3A_204 = arith.constant 0 : i32
      %dma_wait3A_205 = tpu.memref_slice %arg6[%while3A_158, %dma_wait3A_204] : memref<80x128xi32, #tpu.memory_space<vmem>> -> memref<1x128xi32, #tpu.memory_space<vmem>>
      %dma_wait3A_206 = tpu.memref_squeeze %dma_wait3A_205 : memref<1x128xi32, #tpu.memory_space<vmem>> -> memref<128xi32, #tpu.memory_space<vmem>>
      %dma_wait3A_207 = tpu.memref_slice %arg2[%dma_wait3A_203, %add3A_186] : memref<2x320000xi32, #tpu.memory_space<hbm>> -> memref<1x128xi32, #tpu.memory_space<hbm>>
      %dma_wait3A_208 = tpu.memref_squeeze %dma_wait3A_207 : memref<1x128xi32, #tpu.memory_space<hbm>> -> memref<128xi32, #tpu.memory_space<hbm>>
      %dma_wait3A_209 = tpu.memref_slice %arg10[%select_n3A_202] : memref<4x!tpu.dma_semaphore, #tpu.memory_space<semaphore_mem>> -> memref<1x!tpu.dma_semaphore, #tpu.memory_space<semaphore_mem>>
      %dma_wait3A_210 = tpu.memref_squeeze %dma_wait3A_209 : memref<1x!tpu.dma_semaphore, #tpu.memory_space<semaphore_mem>> -> memref<!tpu.dma_semaphore, #tpu.memory_space<semaphore_mem>>
      %dma_wait3A_211 = arith.constant 0 : i32
      %dma_wait3A_212 = tpu.memref_slice %arg6[%while3A_158, %dma_wait3A_211] : memref<80x128xi32, #tpu.memory_space<vmem>> -> memref<1x128xi32, #tpu.memory_space<vmem>>
      %dma_wait3A_213 = tpu.memref_squeeze %dma_wait3A_212 : memref<1x128xi32, #tpu.memory_space<vmem>> -> memref<128xi32, #tpu.memory_space<vmem>>
      %dma_wait3A_214 = tpu.memref_slice %arg2[%dma_wait3A_203, %add3A_186] : memref<2x320000xi32, #tpu.memory_space<hbm>> -> memref<1x128xi32, #tpu.memory_space<hbm>>
      %dma_wait3A_215 = tpu.memref_squeeze %dma_wait3A_214 : memref<1x128xi32, #tpu.memory_space<hbm>> -> memref<128xi32, #tpu.memory_space<hbm>>
      tpu.wait_dma2 semaphore(%dma_wait3A_210 : memref<!tpu.dma_semaphore, #tpu.memory_space<semaphore_mem>>) src(%dma_wait3A_215 : memref<128xi32, #tpu.memory_space<hbm>>) dst(%dma_wait3A_213 : memref<128xi32, #tpu.memory_space<vmem>>)
      %dma_start3A_216 = arith.constant 0 : i32
      %dma_start3A_217 = arith.constant 0 : i32
      %dma_start3A_218 = tpu.memref_slice %arg7[%select_n3A_171, %dma_start3A_216, %dma_start3A_217] : memref<3x128x16xf32, #tpu.memory_space<vmem>> -> memref<1x128x16xf32, #tpu.memory_space<vmem>>
      %dma_start3A_219 = tpu.memref_squeeze %dma_start3A_218 : memref<1x128x16xf32, #tpu.memory_space<vmem>> -> memref<128x16xf32, #tpu.memory_space<vmem>>
      %dma_start3A_220 = arith.constant 0 : i32
      %dma_start3A_221 = tpu.memref_slice %arg6[%while3A_158, %dma_start3A_220] : memref<80x128xi32, #tpu.memory_space<vmem>> -> memref<1x128xi32, #tpu.memory_space<vmem>>
      %dma_start3A_222 = tpu.memref_squeeze %dma_start3A_221 : memref<1x128xi32, #tpu.memory_space<vmem>> -> memref<128xi32, #tpu.memory_space<vmem>>
      %dma_start3A_223 = arith.constant 0 : i32
      %dma_start3A_224 = arith.constant 0 : i32
      %dma_start3A_225 = tpu.memref_slice %arg8[%dma_start3A_223, %dma_start3A_224] : memref<10112x16xf32, #tpu.memory_space<vmem_shared>> -> memref<10112x16xf32, #tpu.memory_space<vmem_shared>>
      %dma_start3A_226 = tpu.memref_slice %arg9[%select_n3A_171] : memref<3x!tpu.dma_semaphore, #tpu.memory_space<semaphore_mem>> -> memref<1x!tpu.dma_semaphore, #tpu.memory_space<semaphore_mem>>
      %dma_start3A_227 = tpu.memref_squeeze %dma_start3A_226 : memref<1x!tpu.dma_semaphore, #tpu.memory_space<semaphore_mem>> -> memref<!tpu.dma_semaphore, #tpu.memory_space<semaphore_mem>>
      tpu.enqueue_indirect_dma source(%dma_start3A_219 : memref<128x16xf32, #tpu.memory_space<vmem>>) target(%dma_start3A_225 : memref<10112x16xf32, #tpu.memory_space<vmem_shared>>) offsets(%dma_start3A_222 : memref<128xi32, #tpu.memory_space<vmem>>) semaphore(%dma_start3A_227 : memref<!tpu.dma_semaphore, #tpu.memory_space<semaphore_mem>>) {add = true}
    }
    %sub3A = arith.constant 3 : i32
    %sub3A_101 = arith.subi %select_n3A_12, %sub3A : i32
    %add3A_102 = arith.constant 0 : i32
    %add3A_103 = arith.addi %sub3A_101, %add3A_102 : i32
    %dma_wait3A = arith.constant 2 : i32
    %dma_wait3A_104 = arith.constant 2 : i32
    %dma_wait3A_105 = arith.constant 0 : i32
    %dma_wait3A_106 = arith.constant 0 : i32
    %dma_wait3A_107 = tpu.memref_slice %arg7[%dma_wait3A, %dma_wait3A_105, %dma_wait3A_106] : memref<3x128x16xf32, #tpu.memory_space<vmem>> -> memref<1x128x16xf32, #tpu.memory_space<vmem>>
    %dma_wait3A_108 = tpu.memref_squeeze %dma_wait3A_107 : memref<1x128x16xf32, #tpu.memory_space<vmem>> -> memref<128x16xf32, #tpu.memory_space<vmem>>
    %dma_wait3A_109 = arith.constant 0 : i32
    %dma_wait3A_110 = tpu.memref_slice %arg6[%add3A_103, %dma_wait3A_109] : memref<80x128xi32, #tpu.memory_space<vmem>> -> memref<1x128xi32, #tpu.memory_space<vmem>>
    %dma_wait3A_111 = tpu.memref_squeeze %dma_wait3A_110 : memref<1x128xi32, #tpu.memory_space<vmem>> -> memref<128xi32, #tpu.memory_space<vmem>>
    %dma_wait3A_112 = arith.constant 0 : i32
    %dma_wait3A_113 = arith.constant 0 : i32
    %dma_wait3A_114 = tpu.memref_slice %arg8[%dma_wait3A_112, %dma_wait3A_113] : memref<10112x16xf32, #tpu.memory_space<vmem_shared>> -> memref<10112x16xf32, #tpu.memory_space<vmem_shared>>
    %dma_wait3A_115 = tpu.memref_slice %arg9[%dma_wait3A_104] : memref<3x!tpu.dma_semaphore, #tpu.memory_space<semaphore_mem>> -> memref<1x!tpu.dma_semaphore, #tpu.memory_space<semaphore_mem>>
    %dma_wait3A_116 = tpu.memref_squeeze %dma_wait3A_115 : memref<1x!tpu.dma_semaphore, #tpu.memory_space<semaphore_mem>> -> memref<!tpu.dma_semaphore, #tpu.memory_space<semaphore_mem>>
    tpu.wait_indirect_dma semaphore(%dma_wait3A_116 : memref<!tpu.dma_semaphore, #tpu.memory_space<semaphore_mem>>) src(%dma_wait3A_108 : memref<128x16xf32, #tpu.memory_space<vmem>>) dst(%dma_wait3A_114 : memref<10112x16xf32, #tpu.memory_space<vmem_shared>>)
    %sub3A_117 = arith.constant 3 : i32
    %sub3A_118 = arith.subi %select_n3A_12, %sub3A_117 : i32
    %add3A_119 = arith.constant 1 : i32
    %add3A_120 = arith.addi %sub3A_118, %add3A_119 : i32
    %dma_wait3A_121 = arith.constant 0 : i32
    %dma_wait3A_122 = arith.constant 0 : i32
    %dma_wait3A_123 = arith.constant 0 : i32
    %dma_wait3A_124 = arith.constant 0 : i32
    %dma_wait3A_125 = tpu.memref_slice %arg7[%dma_wait3A_121, %dma_wait3A_123, %dma_wait3A_124] : memref<3x128x16xf32, #tpu.memory_space<vmem>> -> memref<1x128x16xf32, #tpu.memory_space<vmem>>
    %dma_wait3A_126 = tpu.memref_squeeze %dma_wait3A_125 : memref<1x128x16xf32, #tpu.memory_space<vmem>> -> memref<128x16xf32, #tpu.memory_space<vmem>>
    %dma_wait3A_127 = arith.constant 0 : i32
    %dma_wait3A_128 = tpu.memref_slice %arg6[%add3A_120, %dma_wait3A_127] : memref<80x128xi32, #tpu.memory_space<vmem>> -> memref<1x128xi32, #tpu.memory_space<vmem>>
    %dma_wait3A_129 = tpu.memref_squeeze %dma_wait3A_128 : memref<1x128xi32, #tpu.memory_space<vmem>> -> memref<128xi32, #tpu.memory_space<vmem>>
    %dma_wait3A_130 = arith.constant 0 : i32
    %dma_wait3A_131 = arith.constant 0 : i32
    %dma_wait3A_132 = tpu.memref_slice %arg8[%dma_wait3A_130, %dma_wait3A_131] : memref<10112x16xf32, #tpu.memory_space<vmem_shared>> -> memref<10112x16xf32, #tpu.memory_space<vmem_shared>>
    %dma_wait3A_133 = tpu.memref_slice %arg9[%dma_wait3A_122] : memref<3x!tpu.dma_semaphore, #tpu.memory_space<semaphore_mem>> -> memref<1x!tpu.dma_semaphore, #tpu.memory_space<semaphore_mem>>
    %dma_wait3A_134 = tpu.memref_squeeze %dma_wait3A_133 : memref<1x!tpu.dma_semaphore, #tpu.memory_space<semaphore_mem>> -> memref<!tpu.dma_semaphore, #tpu.memory_space<semaphore_mem>>
    tpu.wait_indirect_dma semaphore(%dma_wait3A_134 : memref<!tpu.dma_semaphore, #tpu.memory_space<semaphore_mem>>) src(%dma_wait3A_126 : memref<128x16xf32, #tpu.memory_space<vmem>>) dst(%dma_wait3A_132 : memref<10112x16xf32, #tpu.memory_space<vmem_shared>>)
    %sub3A_135 = arith.constant 3 : i32
    %sub3A_136 = arith.subi %select_n3A_12, %sub3A_135 : i32
    %add3A_137 = arith.constant 2 : i32
    %add3A_138 = arith.addi %sub3A_136, %add3A_137 : i32
    %dma_wait3A_139 = arith.constant 1 : i32
    %dma_wait3A_140 = arith.constant 1 : i32
    %dma_wait3A_141 = arith.constant 0 : i32
    %dma_wait3A_142 = arith.constant 0 : i32
    %dma_wait3A_143 = tpu.memref_slice %arg7[%dma_wait3A_139, %dma_wait3A_141, %dma_wait3A_142] : memref<3x128x16xf32, #tpu.memory_space<vmem>> -> memref<1x128x16xf32, #tpu.memory_space<vmem>>
    %dma_wait3A_144 = tpu.memref_squeeze %dma_wait3A_143 : memref<1x128x16xf32, #tpu.memory_space<vmem>> -> memref<128x16xf32, #tpu.memory_space<vmem>>
    %dma_wait3A_145 = arith.constant 0 : i32
    %dma_wait3A_146 = tpu.memref_slice %arg6[%add3A_138, %dma_wait3A_145] : memref<80x128xi32, #tpu.memory_space<vmem>> -> memref<1x128xi32, #tpu.memory_space<vmem>>
    %dma_wait3A_147 = tpu.memref_squeeze %dma_wait3A_146 : memref<1x128xi32, #tpu.memory_space<vmem>> -> memref<128xi32, #tpu.memory_space<vmem>>
    %dma_wait3A_148 = arith.constant 0 : i32
    %dma_wait3A_149 = arith.constant 0 : i32
    %dma_wait3A_150 = tpu.memref_slice %arg8[%dma_wait3A_148, %dma_wait3A_149] : memref<10112x16xf32, #tpu.memory_space<vmem_shared>> -> memref<10112x16xf32, #tpu.memory_space<vmem_shared>>
    %dma_wait3A_151 = tpu.memref_slice %arg9[%dma_wait3A_140] : memref<3x!tpu.dma_semaphore, #tpu.memory_space<semaphore_mem>> -> memref<1x!tpu.dma_semaphore, #tpu.memory_space<semaphore_mem>>
    %dma_wait3A_152 = tpu.memref_squeeze %dma_wait3A_151 : memref<1x!tpu.dma_semaphore, #tpu.memory_space<semaphore_mem>> -> memref<!tpu.dma_semaphore, #tpu.memory_space<semaphore_mem>>
    tpu.wait_indirect_dma semaphore(%dma_wait3A_152 : memref<!tpu.dma_semaphore, #tpu.memory_space<semaphore_mem>>) src(%dma_wait3A_144 : memref<128x16xf32, #tpu.memory_space<vmem>>) dst(%dma_wait3A_150 : memref<10112x16xf32, #tpu.memory_space<vmem_shared>>)
    %barrier3A_153 = arith.constant 0 : index
    tpu.barrier barrier_id(%barrier3A_153)
    %mul3A_154 = arith.constant 632 : i32
    %mul3A_155 = arith.muli %arg1, %mul3A_154 : i32
    %mul3A_156 = arith.constant 632 : i32
    %mul3A_157 = arith.muli %arg1, %mul3A_156 : i32
    "tpu.region"() ({
      %run_scoped3A_158 = tpu.sem_alloc : memref<!tpu.dma_semaphore, #tpu.memory_space<semaphore_mem>>
      %dma_start3A_159 = arith.constant 0 : i32
      %dma_start3A_160 = tpu.memref_slice %arg4[%arg0, %mul3A_157, %dma_start3A_159] : memref<2x10112x16xf32, #tpu.memory_space<hbm>> -> memref<1x632x16xf32, #tpu.memory_space<hbm>>
      %dma_start3A_161 = tpu.memref_squeeze %dma_start3A_160 : memref<1x632x16xf32, #tpu.memory_space<hbm>> -> memref<632x16xf32, #tpu.memory_space<hbm>>
      %dma_start3A_162 = arith.constant 0 : i32
      %dma_start3A_163 = tpu.memref_slice %arg8[%mul3A_155, %dma_start3A_162] : memref<10112x16xf32, #tpu.memory_space<vmem_shared>> -> memref<632x16xf32, #tpu.memory_space<vmem_shared>>
      tpu.enqueue_dma source(%dma_start3A_163 : memref<632x16xf32, #tpu.memory_space<vmem_shared>>) target(%dma_start3A_161 : memref<632x16xf32, #tpu.memory_space<hbm>>) target_semaphore(%run_scoped3A_158 : memref<!tpu.dma_semaphore, #tpu.memory_space<semaphore_mem>>)
      %dma_wait3A_164 = arith.constant 0 : i32
      %dma_wait3A_165 = tpu.memref_slice %arg4[%arg0, %mul3A_157, %dma_wait3A_164] : memref<2x10112x16xf32, #tpu.memory_space<hbm>> -> memref<1x632x16xf32, #tpu.memory_space<hbm>>
      %dma_wait3A_166 = tpu.memref_squeeze %dma_wait3A_165 : memref<1x632x16xf32, #tpu.memory_space<hbm>> -> memref<632x16xf32, #tpu.memory_space<hbm>>
      %dma_wait3A_167 = arith.constant 0 : i32
      %dma_wait3A_168 = tpu.memref_slice %arg8[%mul3A_155, %dma_wait3A_167] : memref<10112x16xf32, #tpu.memory_space<vmem_shared>> -> memref<632x16xf32, #tpu.memory_space<vmem_shared>>
      tpu.wait_dma2 semaphore(%run_scoped3A_158 : memref<!tpu.dma_semaphore, #tpu.memory_space<semaphore_mem>>) src(%dma_wait3A_168 : memref<632x16xf32, #tpu.memory_space<vmem_shared>>) dst(%dma_wait3A_166 : memref<632x16xf32, #tpu.memory_space<hbm>>)
      tpu.yield
    }) : () -> ()
    return
  }
}

#map = affine_map<(d0, d1) -> (0, 0)>
#map1 = affine_map<(d0, d1) -> (0)>
#map2 = affine_map<(d0, d1) -> (0, 0, 0)>
module attributes {stable_mosaic.version = 14 : i64} {
  func.func @_agg_body(%arg0: i32, %arg1: i32, %arg2: memref<2x320000xi32, #tpu.memory_space<hbm>>, %arg3: memref<320000xf32, #tpu.memory_space<hbm>>, %arg4: memref<10112x64xf32, #tpu.memory_space<hbm>>, %arg5: memref<2x10112x64xf32, #tpu.memory_space<hbm>>, %arg6: memref<10240xi32, #tpu.memory_space<vmem>>, %arg7: memref<80x128xi32, #tpu.memory_space<vmem>>, %arg8: memref<10256xf32, #tpu.memory_space<vmem>>, %arg9: memref<2x128x64xf32, #tpu.memory_space<vmem>>, %arg10: memref<10112x64xf32, #tpu.memory_space<vmem_shared>>, %arg11: memref<10112x64xf32, #tpu.memory_space<vmem_shared>>, %arg12: memref<2x!tpu.dma_semaphore, #tpu.memory_space<semaphore_mem>>, %arg13: memref<2x!tpu.dma_semaphore, #tpu.memory_space<semaphore_mem>>, %arg14: memref<4x!tpu.dma_semaphore, #tpu.memory_space<semaphore_mem>>) attributes {dimension_semantics = [#tpu.dimension_semantics<core_parallel>, #tpu.dimension_semantics<subcore_parallel>], iteration_bounds = array<i64: 2, 16>, scalar_prefetch = 0 : i64, scratch_operands = 9 : i64, tpu.core_type = #tpu.core_type<sc_vector_subcore>, window_params = [{transform_indices = #map}, {transform_indices = #map1}, {transform_indices = #map}, {transform_indices = #map2}]} {
    %broadcast_in_dim3A = arith.constant 0.000000e+00 : f32
    %broadcast_in_dim3A_0 = vector.broadcast %broadcast_in_dim3A : f32 to vector<16xf32>
    %mul3A = arith.constant 16 : i32
    %mul3A_1 = arith.muli %arg0, %mul3A : i32
    %add3A = arith.addi %mul3A_1, %arg1 : i32
    %mul3A_2 = arith.constant 10240 : i32
    %mul3A_3 = arith.muli %add3A, %mul3A_2 : i32
    %lt3A = arith.constant 31 : i32
    %lt3A_4 = arith.cmpi slt, %add3A, %lt3A : i32
    %jit3A = arith.constant 80 : i32
    %jit3A_5 = arith.constant 20 : i32
    %select_n3A = arith.select %lt3A_4, %jit3A, %jit3A_5 : i32
    %mul3A_6 = arith.constant 632 : i32
    %mul3A_7 = arith.muli %arg1, %mul3A_6 : i32
    %mul3A_8 = arith.constant 632 : i32
    %mul3A_9 = arith.muli %arg1, %mul3A_8 : i32
    "tpu.region"() ({
      %run_scoped3A_145 = tpu.sem_alloc : memref<!tpu.dma_semaphore, #tpu.memory_space<semaphore_mem>>
      %dma_start3A_146 = arith.constant 0 : i32
      %dma_start3A_147 = tpu.memref_slice %arg10[%mul3A_9, %dma_start3A_146] : memref<10112x64xf32, #tpu.memory_space<vmem_shared>> -> memref<632x64xf32, #tpu.memory_space<vmem_shared>>
      %dma_start3A_148 = arith.constant 0 : i32
      %dma_start3A_149 = tpu.memref_slice %arg4[%mul3A_7, %dma_start3A_148] : memref<10112x64xf32, #tpu.memory_space<hbm>> -> memref<632x64xf32, #tpu.memory_space<hbm>>
      tpu.enqueue_dma source(%dma_start3A_149 : memref<632x64xf32, #tpu.memory_space<hbm>>) target(%dma_start3A_147 : memref<632x64xf32, #tpu.memory_space<vmem_shared>>) target_semaphore(%run_scoped3A_145 : memref<!tpu.dma_semaphore, #tpu.memory_space<semaphore_mem>>)
      %dma_wait3A_150 = arith.constant 0 : i32
      %dma_wait3A_151 = tpu.memref_slice %arg10[%mul3A_9, %dma_wait3A_150] : memref<10112x64xf32, #tpu.memory_space<vmem_shared>> -> memref<632x64xf32, #tpu.memory_space<vmem_shared>>
      %dma_wait3A_152 = arith.constant 0 : i32
      %dma_wait3A_153 = tpu.memref_slice %arg4[%mul3A_7, %dma_wait3A_152] : memref<10112x64xf32, #tpu.memory_space<hbm>> -> memref<632x64xf32, #tpu.memory_space<hbm>>
      tpu.wait_dma2 semaphore(%run_scoped3A_145 : memref<!tpu.dma_semaphore, #tpu.memory_space<semaphore_mem>>) src(%dma_wait3A_153 : memref<632x64xf32, #tpu.memory_space<hbm>>) dst(%dma_wait3A_151 : memref<632x64xf32, #tpu.memory_space<vmem_shared>>)
      tpu.yield
    }) : () -> ()
    %lt3A_10 = arith.constant 31 : i32
    %lt3A_11 = arith.cmpi slt, %add3A, %lt3A_10 : i32
    %convert_element_type3A = arith.extui %lt3A_11 : i1 to i32
    %cond3A = arith.constant 0 : i32
    %cond3A_12 = arith.cmpi ne, %convert_element_type3A, %cond3A : i32
    scf.if %cond3A_12 {
      %run_scoped3A_145 = arith.constant 0 : i32
      "tpu.region"() ({
        %run_scoped3A_146 = tpu.sem_alloc : memref<!tpu.dma_semaphore, #tpu.memory_space<semaphore_mem>>
        %dma_start3A_147 = tpu.memref_slice %arg2[%run_scoped3A_145, %mul3A_3] : memref<2x320000xi32, #tpu.memory_space<hbm>> -> memref<1x10240xi32, #tpu.memory_space<hbm>>
        %dma_start3A_148 = tpu.memref_squeeze %dma_start3A_147 : memref<1x10240xi32, #tpu.memory_space<hbm>> -> memref<10240xi32, #tpu.memory_space<hbm>>
        %dma_start3A_149 = tpu.memref_slice %arg2[%run_scoped3A_145, %mul3A_3] : memref<2x320000xi32, #tpu.memory_space<hbm>> -> memref<1x10240xi32, #tpu.memory_space<hbm>>
        %dma_start3A_150 = tpu.memref_squeeze %dma_start3A_149 : memref<1x10240xi32, #tpu.memory_space<hbm>> -> memref<10240xi32, #tpu.memory_space<hbm>>
        tpu.enqueue_dma source(%dma_start3A_150 : memref<10240xi32, #tpu.memory_space<hbm>>) target(%arg6 : memref<10240xi32, #tpu.memory_space<vmem>>) target_semaphore(%run_scoped3A_146 : memref<!tpu.dma_semaphore, #tpu.memory_space<semaphore_mem>>)
        %dma_wait3A_151 = tpu.memref_slice %arg2[%run_scoped3A_145, %mul3A_3] : memref<2x320000xi32, #tpu.memory_space<hbm>> -> memref<1x10240xi32, #tpu.memory_space<hbm>>
        %dma_wait3A_152 = tpu.memref_squeeze %dma_wait3A_151 : memref<1x10240xi32, #tpu.memory_space<hbm>> -> memref<10240xi32, #tpu.memory_space<hbm>>
        %dma_wait3A_153 = tpu.memref_slice %arg2[%run_scoped3A_145, %mul3A_3] : memref<2x320000xi32, #tpu.memory_space<hbm>> -> memref<1x10240xi32, #tpu.memory_space<hbm>>
        %dma_wait3A_154 = tpu.memref_squeeze %dma_wait3A_153 : memref<1x10240xi32, #tpu.memory_space<hbm>> -> memref<10240xi32, #tpu.memory_space<hbm>>
        tpu.wait_dma2 semaphore(%run_scoped3A_146 : memref<!tpu.dma_semaphore, #tpu.memory_space<semaphore_mem>>) src(%dma_wait3A_154 : memref<10240xi32, #tpu.memory_space<hbm>>) dst(%arg6 : memref<10240xi32, #tpu.memory_space<vmem>>)
        tpu.yield
      }) : () -> ()
      "tpu.region"() ({
        %run_scoped3A_146 = tpu.sem_alloc : memref<!tpu.dma_semaphore, #tpu.memory_space<semaphore_mem>>
        %dma_start3A_147 = arith.constant 0 : i32
        %dma_start3A_148 = tpu.memref_slice %arg8[%dma_start3A_147] : memref<10256xf32, #tpu.memory_space<vmem>> -> memref<10240xf32, #tpu.memory_space<vmem>>
        %dma_start3A_149 = tpu.memref_slice %arg3[%mul3A_3] : memref<320000xf32, #tpu.memory_space<hbm>> -> memref<10240xf32, #tpu.memory_space<hbm>>
        %dma_start3A_150 = arith.constant 0 : i32
        %dma_start3A_151 = tpu.memref_slice %arg8[%dma_start3A_150] : memref<10256xf32, #tpu.memory_space<vmem>> -> memref<10240xf32, #tpu.memory_space<vmem>>
        %dma_start3A_152 = tpu.memref_slice %arg3[%mul3A_3] : memref<320000xf32, #tpu.memory_space<hbm>> -> memref<10240xf32, #tpu.memory_space<hbm>>
        tpu.enqueue_dma source(%dma_start3A_152 : memref<10240xf32, #tpu.memory_space<hbm>>) target(%dma_start3A_151 : memref<10240xf32, #tpu.memory_space<vmem>>) target_semaphore(%run_scoped3A_146 : memref<!tpu.dma_semaphore, #tpu.memory_space<semaphore_mem>>)
        %dma_wait3A_153 = arith.constant 0 : i32
        %dma_wait3A_154 = tpu.memref_slice %arg8[%dma_wait3A_153] : memref<10256xf32, #tpu.memory_space<vmem>> -> memref<10240xf32, #tpu.memory_space<vmem>>
        %dma_wait3A_155 = tpu.memref_slice %arg3[%mul3A_3] : memref<320000xf32, #tpu.memory_space<hbm>> -> memref<10240xf32, #tpu.memory_space<hbm>>
        %dma_wait3A_156 = arith.constant 0 : i32
        %dma_wait3A_157 = tpu.memref_slice %arg8[%dma_wait3A_156] : memref<10256xf32, #tpu.memory_space<vmem>> -> memref<10240xf32, #tpu.memory_space<vmem>>
        %dma_wait3A_158 = tpu.memref_slice %arg3[%mul3A_3] : memref<320000xf32, #tpu.memory_space<hbm>> -> memref<10240xf32, #tpu.memory_space<hbm>>
        tpu.wait_dma2 semaphore(%run_scoped3A_146 : memref<!tpu.dma_semaphore, #tpu.memory_space<semaphore_mem>>) src(%dma_wait3A_158 : memref<10240xf32, #tpu.memory_space<hbm>>) dst(%dma_wait3A_157 : memref<10240xf32, #tpu.memory_space<vmem>>)
        tpu.yield
      }) : () -> ()
    } else {
    }
    %eq3A = arith.constant 31 : i32
    %eq3A_13 = arith.cmpi eq, %add3A, %eq3A : i32
    %convert_element_type3A_14 = arith.extui %eq3A_13 : i1 to i32
    %cond3A_15 = arith.constant 0 : i32
    %cond3A_16 = arith.cmpi ne, %convert_element_type3A_14, %cond3A_15 : i32
    scf.if %cond3A_16 {
      %run_scoped3A_145 = arith.constant 0 : i32
      "tpu.region"() ({
        %run_scoped3A_146 = tpu.sem_alloc : memref<!tpu.dma_semaphore, #tpu.memory_space<semaphore_mem>>
        %dma_start3A_147 = arith.constant 0 : i32
        %dma_start3A_148 = tpu.memref_slice %arg6[%dma_start3A_147] : memref<10240xi32, #tpu.memory_space<vmem>> -> memref<2560xi32, #tpu.memory_space<vmem>>
        %dma_start3A_149 = tpu.memref_slice %arg2[%run_scoped3A_145, %mul3A_3] : memref<2x320000xi32, #tpu.memory_space<hbm>> -> memref<1x2560xi32, #tpu.memory_space<hbm>>
        %dma_start3A_150 = tpu.memref_squeeze %dma_start3A_149 : memref<1x2560xi32, #tpu.memory_space<hbm>> -> memref<2560xi32, #tpu.memory_space<hbm>>
        %dma_start3A_151 = arith.constant 0 : i32
        %dma_start3A_152 = tpu.memref_slice %arg6[%dma_start3A_151] : memref<10240xi32, #tpu.memory_space<vmem>> -> memref<2560xi32, #tpu.memory_space<vmem>>
        %dma_start3A_153 = tpu.memref_slice %arg2[%run_scoped3A_145, %mul3A_3] : memref<2x320000xi32, #tpu.memory_space<hbm>> -> memref<1x2560xi32, #tpu.memory_space<hbm>>
        %dma_start3A_154 = tpu.memref_squeeze %dma_start3A_153 : memref<1x2560xi32, #tpu.memory_space<hbm>> -> memref<2560xi32, #tpu.memory_space<hbm>>
        tpu.enqueue_dma source(%dma_start3A_154 : memref<2560xi32, #tpu.memory_space<hbm>>) target(%dma_start3A_152 : memref<2560xi32, #tpu.memory_space<vmem>>) target_semaphore(%run_scoped3A_146 : memref<!tpu.dma_semaphore, #tpu.memory_space<semaphore_mem>>)
        %dma_wait3A_155 = arith.constant 0 : i32
        %dma_wait3A_156 = tpu.memref_slice %arg6[%dma_wait3A_155] : memref<10240xi32, #tpu.memory_space<vmem>> -> memref<2560xi32, #tpu.memory_space<vmem>>
        %dma_wait3A_157 = tpu.memref_slice %arg2[%run_scoped3A_145, %mul3A_3] : memref<2x320000xi32, #tpu.memory_space<hbm>> -> memref<1x2560xi32, #tpu.memory_space<hbm>>
        %dma_wait3A_158 = tpu.memref_squeeze %dma_wait3A_157 : memref<1x2560xi32, #tpu.memory_space<hbm>> -> memref<2560xi32, #tpu.memory_space<hbm>>
        %dma_wait3A_159 = arith.constant 0 : i32
        %dma_wait3A_160 = tpu.memref_slice %arg6[%dma_wait3A_159] : memref<10240xi32, #tpu.memory_space<vmem>> -> memref<2560xi32, #tpu.memory_space<vmem>>
        %dma_wait3A_161 = tpu.memref_slice %arg2[%run_scoped3A_145, %mul3A_3] : memref<2x320000xi32, #tpu.memory_space<hbm>> -> memref<1x2560xi32, #tpu.memory_space<hbm>>
        %dma_wait3A_162 = tpu.memref_squeeze %dma_wait3A_161 : memref<1x2560xi32, #tpu.memory_space<hbm>> -> memref<2560xi32, #tpu.memory_space<hbm>>
        tpu.wait_dma2 semaphore(%run_scoped3A_146 : memref<!tpu.dma_semaphore, #tpu.memory_space<semaphore_mem>>) src(%dma_wait3A_162 : memref<2560xi32, #tpu.memory_space<hbm>>) dst(%dma_wait3A_160 : memref<2560xi32, #tpu.memory_space<vmem>>)
        tpu.yield
      }) : () -> ()
      "tpu.region"() ({
        %run_scoped3A_146 = tpu.sem_alloc : memref<!tpu.dma_semaphore, #tpu.memory_space<semaphore_mem>>
        %dma_start3A_147 = arith.constant 0 : i32
        %dma_start3A_148 = tpu.memref_slice %arg8[%dma_start3A_147] : memref<10256xf32, #tpu.memory_space<vmem>> -> memref<2560xf32, #tpu.memory_space<vmem>>
        %dma_start3A_149 = tpu.memref_slice %arg3[%mul3A_3] : memref<320000xf32, #tpu.memory_space<hbm>> -> memref<2560xf32, #tpu.memory_space<hbm>>
        %dma_start3A_150 = arith.constant 0 : i32
        %dma_start3A_151 = tpu.memref_slice %arg8[%dma_start3A_150] : memref<10256xf32, #tpu.memory_space<vmem>> -> memref<2560xf32, #tpu.memory_space<vmem>>
        %dma_start3A_152 = tpu.memref_slice %arg3[%mul3A_3] : memref<320000xf32, #tpu.memory_space<hbm>> -> memref<2560xf32, #tpu.memory_space<hbm>>
        tpu.enqueue_dma source(%dma_start3A_152 : memref<2560xf32, #tpu.memory_space<hbm>>) target(%dma_start3A_151 : memref<2560xf32, #tpu.memory_space<vmem>>) target_semaphore(%run_scoped3A_146 : memref<!tpu.dma_semaphore, #tpu.memory_space<semaphore_mem>>)
        %dma_wait3A_153 = arith.constant 0 : i32
        %dma_wait3A_154 = tpu.memref_slice %arg8[%dma_wait3A_153] : memref<10256xf32, #tpu.memory_space<vmem>> -> memref<2560xf32, #tpu.memory_space<vmem>>
        %dma_wait3A_155 = tpu.memref_slice %arg3[%mul3A_3] : memref<320000xf32, #tpu.memory_space<hbm>> -> memref<2560xf32, #tpu.memory_space<hbm>>
        %dma_wait3A_156 = arith.constant 0 : i32
        %dma_wait3A_157 = tpu.memref_slice %arg8[%dma_wait3A_156] : memref<10256xf32, #tpu.memory_space<vmem>> -> memref<2560xf32, #tpu.memory_space<vmem>>
        %dma_wait3A_158 = tpu.memref_slice %arg3[%mul3A_3] : memref<320000xf32, #tpu.memory_space<hbm>> -> memref<2560xf32, #tpu.memory_space<hbm>>
        tpu.wait_dma2 semaphore(%run_scoped3A_146 : memref<!tpu.dma_semaphore, #tpu.memory_space<semaphore_mem>>) src(%dma_wait3A_158 : memref<2560xf32, #tpu.memory_space<hbm>>) dst(%dma_wait3A_157 : memref<2560xf32, #tpu.memory_space<vmem>>)
        tpu.yield
      }) : () -> ()
    } else {
    }
    %add3A_17 = arith.constant 0 : i32
    %add3A_18 = arith.addi %mul3A_3, %add3A_17 : i32
    %dma_start3A = arith.constant 1 : i32
    %dma_start3A_19 = arith.constant 0 : i32
    %dma_start3A_20 = arith.constant 0 : i32
    %dma_start3A_21 = arith.constant 0 : i32
    %dma_start3A_22 = tpu.memref_slice %arg7[%dma_start3A_19, %dma_start3A_21] : memref<80x128xi32, #tpu.memory_space<vmem>> -> memref<1x128xi32, #tpu.memory_space<vmem>>
    %dma_start3A_23 = tpu.memref_squeeze %dma_start3A_22 : memref<1x128xi32, #tpu.memory_space<vmem>> -> memref<128xi32, #tpu.memory_space<vmem>>
    %dma_start3A_24 = tpu.memref_slice %arg2[%dma_start3A, %add3A_18] : memref<2x320000xi32, #tpu.memory_space<hbm>> -> memref<1x128xi32, #tpu.memory_space<hbm>>
    %dma_start3A_25 = tpu.memref_squeeze %dma_start3A_24 : memref<1x128xi32, #tpu.memory_space<hbm>> -> memref<128xi32, #tpu.memory_space<hbm>>
    %dma_start3A_26 = tpu.memref_slice %arg14[%dma_start3A_20] : memref<4x!tpu.dma_semaphore, #tpu.memory_space<semaphore_mem>> -> memref<1x!tpu.dma_semaphore, #tpu.memory_space<semaphore_mem>>
    %dma_start3A_27 = tpu.memref_squeeze %dma_start3A_26 : memref<1x!tpu.dma_semaphore, #tpu.memory_space<semaphore_mem>> -> memref<!tpu.dma_semaphore, #tpu.memory_space<semaphore_mem>>
    %dma_start3A_28 = arith.constant 0 : i32
    %dma_start3A_29 = tpu.memref_slice %arg7[%dma_start3A_19, %dma_start3A_28] : memref<80x128xi32, #tpu.memory_space<vmem>> -> memref<1x128xi32, #tpu.memory_space<vmem>>
    %dma_start3A_30 = tpu.memref_squeeze %dma_start3A_29 : memref<1x128xi32, #tpu.memory_space<vmem>> -> memref<128xi32, #tpu.memory_space<vmem>>
    %dma_start3A_31 = tpu.memref_slice %arg2[%dma_start3A, %add3A_18] : memref<2x320000xi32, #tpu.memory_space<hbm>> -> memref<1x128xi32, #tpu.memory_space<hbm>>
    %dma_start3A_32 = tpu.memref_squeeze %dma_start3A_31 : memref<1x128xi32, #tpu.memory_space<hbm>> -> memref<128xi32, #tpu.memory_space<hbm>>
    tpu.enqueue_dma source(%dma_start3A_32 : memref<128xi32, #tpu.memory_space<hbm>>) target(%dma_start3A_30 : memref<128xi32, #tpu.memory_space<vmem>>) target_semaphore(%dma_start3A_27 : memref<!tpu.dma_semaphore, #tpu.memory_space<semaphore_mem>>)
    %add3A_33 = arith.constant 128 : i32
    %add3A_34 = arith.addi %mul3A_3, %add3A_33 : i32
    %dma_start3A_35 = arith.constant 1 : i32
    %dma_start3A_36 = arith.constant 1 : i32
    %dma_start3A_37 = arith.constant 1 : i32
    %dma_start3A_38 = arith.constant 0 : i32
    %dma_start3A_39 = tpu.memref_slice %arg7[%dma_start3A_36, %dma_start3A_38] : memref<80x128xi32, #tpu.memory_space<vmem>> -> memref<1x128xi32, #tpu.memory_space<vmem>>
    %dma_start3A_40 = tpu.memref_squeeze %dma_start3A_39 : memref<1x128xi32, #tpu.memory_space<vmem>> -> memref<128xi32, #tpu.memory_space<vmem>>
    %dma_start3A_41 = tpu.memref_slice %arg2[%dma_start3A_35, %add3A_34] : memref<2x320000xi32, #tpu.memory_space<hbm>> -> memref<1x128xi32, #tpu.memory_space<hbm>>
    %dma_start3A_42 = tpu.memref_squeeze %dma_start3A_41 : memref<1x128xi32, #tpu.memory_space<hbm>> -> memref<128xi32, #tpu.memory_space<hbm>>
    %dma_start3A_43 = tpu.memref_slice %arg14[%dma_start3A_37] : memref<4x!tpu.dma_semaphore, #tpu.memory_space<semaphore_mem>> -> memref<1x!tpu.dma_semaphore, #tpu.memory_space<semaphore_mem>>
    %dma_start3A_44 = tpu.memref_squeeze %dma_start3A_43 : memref<1x!tpu.dma_semaphore, #tpu.memory_space<semaphore_mem>> -> memref<!tpu.dma_semaphore, #tpu.memory_space<semaphore_mem>>
    %dma_start3A_45 = arith.constant 0 : i32
    %dma_start3A_46 = tpu.memref_slice %arg7[%dma_start3A_36, %dma_start3A_45] : memref<80x128xi32, #tpu.memory_space<vmem>> -> memref<1x128xi32, #tpu.memory_space<vmem>>
    %dma_start3A_47 = tpu.memref_squeeze %dma_start3A_46 : memref<1x128xi32, #tpu.memory_space<vmem>> -> memref<128xi32, #tpu.memory_space<vmem>>
    %dma_start3A_48 = tpu.memref_slice %arg2[%dma_start3A_35, %add3A_34] : memref<2x320000xi32, #tpu.memory_space<hbm>> -> memref<1x128xi32, #tpu.memory_space<hbm>>
    %dma_start3A_49 = tpu.memref_squeeze %dma_start3A_48 : memref<1x128xi32, #tpu.memory_space<hbm>> -> memref<128xi32, #tpu.memory_space<hbm>>
    tpu.enqueue_dma source(%dma_start3A_49 : memref<128xi32, #tpu.memory_space<hbm>>) target(%dma_start3A_47 : memref<128xi32, #tpu.memory_space<vmem>>) target_semaphore(%dma_start3A_44 : memref<!tpu.dma_semaphore, #tpu.memory_space<semaphore_mem>>)
    %add3A_50 = arith.constant 256 : i32
    %add3A_51 = arith.addi %mul3A_3, %add3A_50 : i32
    %dma_start3A_52 = arith.constant 1 : i32
    %dma_start3A_53 = arith.constant 2 : i32
    %dma_start3A_54 = arith.constant 2 : i32
    %dma_start3A_55 = arith.constant 0 : i32
    %dma_start3A_56 = tpu.memref_slice %arg7[%dma_start3A_53, %dma_start3A_55] : memref<80x128xi32, #tpu.memory_space<vmem>> -> memref<1x128xi32, #tpu.memory_space<vmem>>
    %dma_start3A_57 = tpu.memref_squeeze %dma_start3A_56 : memref<1x128xi32, #tpu.memory_space<vmem>> -> memref<128xi32, #tpu.memory_space<vmem>>
    %dma_start3A_58 = tpu.memref_slice %arg2[%dma_start3A_52, %add3A_51] : memref<2x320000xi32, #tpu.memory_space<hbm>> -> memref<1x128xi32, #tpu.memory_space<hbm>>
    %dma_start3A_59 = tpu.memref_squeeze %dma_start3A_58 : memref<1x128xi32, #tpu.memory_space<hbm>> -> memref<128xi32, #tpu.memory_space<hbm>>
    %dma_start3A_60 = tpu.memref_slice %arg14[%dma_start3A_54] : memref<4x!tpu.dma_semaphore, #tpu.memory_space<semaphore_mem>> -> memref<1x!tpu.dma_semaphore, #tpu.memory_space<semaphore_mem>>
    %dma_start3A_61 = tpu.memref_squeeze %dma_start3A_60 : memref<1x!tpu.dma_semaphore, #tpu.memory_space<semaphore_mem>> -> memref<!tpu.dma_semaphore, #tpu.memory_space<semaphore_mem>>
    %dma_start3A_62 = arith.constant 0 : i32
    %dma_start3A_63 = tpu.memref_slice %arg7[%dma_start3A_53, %dma_start3A_62] : memref<80x128xi32, #tpu.memory_space<vmem>> -> memref<1x128xi32, #tpu.memory_space<vmem>>
    %dma_start3A_64 = tpu.memref_squeeze %dma_start3A_63 : memref<1x128xi32, #tpu.memory_space<vmem>> -> memref<128xi32, #tpu.memory_space<vmem>>
    %dma_start3A_65 = tpu.memref_slice %arg2[%dma_start3A_52, %add3A_51] : memref<2x320000xi32, #tpu.memory_space<hbm>> -> memref<1x128xi32, #tpu.memory_space<hbm>>
    %dma_start3A_66 = tpu.memref_squeeze %dma_start3A_65 : memref<1x128xi32, #tpu.memory_space<hbm>> -> memref<128xi32, #tpu.memory_space<hbm>>
    tpu.enqueue_dma source(%dma_start3A_66 : memref<128xi32, #tpu.memory_space<hbm>>) target(%dma_start3A_64 : memref<128xi32, #tpu.memory_space<vmem>>) target_semaphore(%dma_start3A_61 : memref<!tpu.dma_semaphore, #tpu.memory_space<semaphore_mem>>)
    %scan3A = arith.constant 0 : i32
    %scan3A_67 = arith.constant 0 : i32
    %scan3A_68 = arith.constant 128 : i32
    %scan3A_69 = arith.addi %scan3A_67, %scan3A_68 : i32
    %scan3A_70 = arith.constant 1 : i32
    scf.for %scan3A_145 = %scan3A_67 to %scan3A_69 step %scan3A_70  : i32 {
      %swap3A = arith.constant 0 : i32
      %swap3A_146 = arith.index_cast %swap3A : i32 to index
      %swap3A_147 = arith.index_cast %scan3A_145 : i32 to index
      %swap3A_148 = arith.constant 0 : index
      %swap3A_149 = tpu.vector_load %arg9[%swap3A_146, %swap3A_147, %swap3A_148] {strides = array<i32>} : memref<2x128x64xf32, #tpu.memory_space<vmem>>, vector<1x1x16xf32>,
      %swap3A_150 = vector.shape_cast %swap3A_149 : vector<1x1x16xf32> to vector<16xf32>
      %swap3A_151 = vector.shape_cast %broadcast_in_dim3A_0 : vector<16xf32> to vector<1x1x16xf32>
      tpu.vector_store %arg9[%swap3A_146, %swap3A_147, %swap3A_148], %swap3A_151 {strides = array<i32>} : memref<2x128x64xf32, #tpu.memory_space<vmem>>, vector<1x1x16xf32>,
      %swap3A_152 = arith.constant 0 : i32
      %swap3A_153 = arith.index_cast %swap3A_152 : i32 to index
      %swap3A_154 = arith.index_cast %scan3A_145 : i32 to index
      %swap3A_155 = arith.constant 16 : index
      %swap3A_156 = tpu.vector_load %arg9[%swap3A_153, %swap3A_154, %swap3A_155] {strides = array<i32>} : memref<2x128x64xf32, #tpu.memory_space<vmem>>, vector<1x1x16xf32>,
      %swap3A_157 = vector.shape_cast %swap3A_156 : vector<1x1x16xf32> to vector<16xf32>
      %swap3A_158 = vector.shape_cast %broadcast_in_dim3A_0 : vector<16xf32> to vector<1x1x16xf32>
      tpu.vector_store %arg9[%swap3A_153, %swap3A_154, %swap3A_155], %swap3A_158 {strides = array<i32>} : memref<2x128x64xf32, #tpu.memory_space<vmem>>, vector<1x1x16xf32>,
      %swap3A_159 = arith.constant 0 : i32
      %swap3A_160 = arith.index_cast %swap3A_159 : i32 to index
      %swap3A_161 = arith.index_cast %scan3A_145 : i32 to index
      %swap3A_162 = arith.constant 32 : index
      %swap3A_163 = tpu.vector_load %arg9[%swap3A_160, %swap3A_161, %swap3A_162] {strides = array<i32>} : memref<2x128x64xf32, #tpu.memory_space<vmem>>, vector<1x1x16xf32>,
      %swap3A_164 = vector.shape_cast %swap3A_163 : vector<1x1x16xf32> to vector<16xf32>
      %swap3A_165 = vector.shape_cast %broadcast_in_dim3A_0 : vector<16xf32> to vector<1x1x16xf32>
      tpu.vector_store %arg9[%swap3A_160, %swap3A_161, %swap3A_162], %swap3A_165 {strides = array<i32>} : memref<2x128x64xf32, #tpu.memory_space<vmem>>, vector<1x1x16xf32>,
      %swap3A_166 = arith.constant 0 : i32
      %swap3A_167 = arith.index_cast %swap3A_166 : i32 to index
      %swap3A_168 = arith.index_cast %scan3A_145 : i32 to index
      %swap3A_169 = arith.constant 48 : index
      %swap3A_170 = tpu.vector_load %arg9[%swap3A_167, %swap3A_168, %swap3A_169] {strides = array<i32>} : memref<2x128x64xf32, #tpu.memory_space<vmem>>, vector<1x1x16xf32>,
      %swap3A_171 = vector.shape_cast %swap3A_170 : vector<1x1x16xf32> to vector<16xf32>
      %swap3A_172 = vector.shape_cast %broadcast_in_dim3A_0 : vector<16xf32> to vector<1x1x16xf32>
      tpu.vector_store %arg9[%swap3A_167, %swap3A_168, %swap3A_169], %swap3A_172 {strides = array<i32>} : memref<2x128x64xf32, #tpu.memory_space<vmem>>, vector<1x1x16xf32>,
    }
    %scan3A_71 = arith.constant 128 : i32
    %mul3A_72 = arith.constant 632 : i32
    %mul3A_73 = arith.muli %arg1, %mul3A_72 : i32
    %add3A_74 = arith.constant 0 : i32
    %add3A_75 = arith.addi %mul3A_73, %add3A_74 : i32
    %run_scoped3A = arith.constant 0 : i32
    "tpu.region"() ({
      %run_scoped3A_145 = tpu.sem_alloc : memref<!tpu.dma_semaphore, #tpu.memory_space<semaphore_mem>>
      %dma_start3A_146 = arith.constant 0 : i32
      %dma_start3A_147 = arith.constant 0 : i32
      %dma_start3A_148 = tpu.memref_slice %arg9[%run_scoped3A, %dma_start3A_146, %dma_start3A_147] : memref<2x128x64xf32, #tpu.memory_space<vmem>> -> memref<1x128x64xf32, #tpu.memory_space<vmem>>
      %dma_start3A_149 = tpu.memref_squeeze %dma_start3A_148 : memref<1x128x64xf32, #tpu.memory_space<vmem>> -> memref<128x64xf32, #tpu.memory_space<vmem>>
      %dma_start3A_150 = arith.constant 0 : i32
      %dma_start3A_151 = tpu.memref_slice %arg11[%add3A_75, %dma_start3A_150] : memref<10112x64xf32, #tpu.memory_space<vmem_shared>> -> memref<128x64xf32, #tpu.memory_space<vmem_shared>>
      %dma_start3A_152 = arith.constant 0 : i32
      %dma_start3A_153 = tpu.memref_slice %arg11[%add3A_75, %dma_start3A_152] : memref<10112x64xf32, #tpu.memory_space<vmem_shared>> -> memref<128x64xf32, #tpu.memory_space<vmem_shared>>
      %dma_start3A_154 = arith.constant 0 : i32
      %dma_start3A_155 = arith.constant 0 : i32
      %dma_start3A_156 = tpu.memref_slice %arg9[%run_scoped3A, %dma_start3A_154, %dma_start3A_155] : memref<2x128x64xf32, #tpu.memory_space<vmem>> -> memref<1x128x64xf32, #tpu.memory_space<vmem>>
      %dma_start3A_157 = tpu.memref_squeeze %dma_start3A_156 : memref<1x128x64xf32, #tpu.memory_space<vmem>> -> memref<128x64xf32, #tpu.memory_space<vmem>>
      tpu.enqueue_dma source(%dma_start3A_157 : memref<128x64xf32, #tpu.memory_space<vmem>>) target(%dma_start3A_153 : memref<128x64xf32, #tpu.memory_space<vmem_shared>>) target_semaphore(%run_scoped3A_145 : memref<!tpu.dma_semaphore, #tpu.memory_space<semaphore_mem>>)
      %dma_wait3A_158 = arith.constant 0 : i32
      %dma_wait3A_159 = arith.constant 0 : i32
      %dma_wait3A_160 = tpu.memref_slice %arg9[%run_scoped3A, %dma_wait3A_158, %dma_wait3A_159] : memref<2x128x64xf32, #tpu.memory_space<vmem>> -> memref<1x128x64xf32, #tpu.memory_space<vmem>>
      %dma_wait3A_161 = tpu.memref_squeeze %dma_wait3A_160 : memref<1x128x64xf32, #tpu.memory_space<vmem>> -> memref<128x64xf32, #tpu.memory_space<vmem>>
      %dma_wait3A_162 = arith.constant 0 : i32
      %dma_wait3A_163 = tpu.memref_slice %arg11[%add3A_75, %dma_wait3A_162] : memref<10112x64xf32, #tpu.memory_space<vmem_shared>> -> memref<128x64xf32, #tpu.memory_space<vmem_shared>>
      %dma_wait3A_164 = arith.constant 0 : i32
      %dma_wait3A_165 = tpu.memref_slice %arg11[%add3A_75, %dma_wait3A_164] : memref<10112x64xf32, #tpu.memory_space<vmem_shared>> -> memref<128x64xf32, #tpu.memory_space<vmem_shared>>
      %dma_wait3A_166 = arith.constant 0 : i32
      %dma_wait3A_167 = arith.constant 0 : i32
      %dma_wait3A_168 = tpu.memref_slice %arg9[%run_scoped3A, %dma_wait3A_166, %dma_wait3A_167] : memref<2x128x64xf32, #tpu.memory_space<vmem>> -> memref<1x128x64xf32, #tpu.memory_space<vmem>>
      %dma_wait3A_169 = tpu.memref_squeeze %dma_wait3A_168 : memref<1x128x64xf32, #tpu.memory_space<vmem>> -> memref<128x64xf32, #tpu.memory_space<vmem>>
      tpu.wait_dma2 semaphore(%run_scoped3A_145 : memref<!tpu.dma_semaphore, #tpu.memory_space<semaphore_mem>>) src(%dma_wait3A_169 : memref<128x64xf32, #tpu.memory_space<vmem>>) dst(%dma_wait3A_165 : memref<128x64xf32, #tpu.memory_space<vmem_shared>>)
      tpu.yield
    }) : () -> ()
    %add3A_76 = arith.constant 128 : i32
    %add3A_77 = arith.addi %mul3A_73, %add3A_76 : i32
    %run_scoped3A_78 = arith.constant 0 : i32
    "tpu.region"() ({
      %run_scoped3A_145 = tpu.sem_alloc : memref<!tpu.dma_semaphore, #tpu.memory_space<semaphore_mem>>
      %dma_start3A_146 = arith.constant 0 : i32
      %dma_start3A_147 = arith.constant 0 : i32
      %dma_start3A_148 = tpu.memref_slice %arg9[%run_scoped3A_78, %dma_start3A_146, %dma_start3A_147] : memref<2x128x64xf32, #tpu.memory_space<vmem>> -> memref<1x128x64xf32, #tpu.memory_space<vmem>>
      %dma_start3A_149 = tpu.memref_squeeze %dma_start3A_148 : memref<1x128x64xf32, #tpu.memory_space<vmem>> -> memref<128x64xf32, #tpu.memory_space<vmem>>
      %dma_start3A_150 = arith.constant 0 : i32
      %dma_start3A_151 = tpu.memref_slice %arg11[%add3A_77, %dma_start3A_150] : memref<10112x64xf32, #tpu.memory_space<vmem_shared>> -> memref<128x64xf32, #tpu.memory_space<vmem_shared>>
      %dma_start3A_152 = arith.constant 0 : i32
      %dma_start3A_153 = tpu.memref_slice %arg11[%add3A_77, %dma_start3A_152] : memref<10112x64xf32, #tpu.memory_space<vmem_shared>> -> memref<128x64xf32, #tpu.memory_space<vmem_shared>>
      %dma_start3A_154 = arith.constant 0 : i32
      %dma_start3A_155 = arith.constant 0 : i32
      %dma_start3A_156 = tpu.memref_slice %arg9[%run_scoped3A_78, %dma_start3A_154, %dma_start3A_155] : memref<2x128x64xf32, #tpu.memory_space<vmem>> -> memref<1x128x64xf32, #tpu.memory_space<vmem>>
      %dma_start3A_157 = tpu.memref_squeeze %dma_start3A_156 : memref<1x128x64xf32, #tpu.memory_space<vmem>> -> memref<128x64xf32, #tpu.memory_space<vmem>>
      tpu.enqueue_dma source(%dma_start3A_157 : memref<128x64xf32, #tpu.memory_space<vmem>>) target(%dma_start3A_153 : memref<128x64xf32, #tpu.memory_space<vmem_shared>>) target_semaphore(%run_scoped3A_145 : memref<!tpu.dma_semaphore, #tpu.memory_space<semaphore_mem>>)
      %dma_wait3A_158 = arith.constant 0 : i32
      %dma_wait3A_159 = arith.constant 0 : i32
      %dma_wait3A_160 = tpu.memref_slice %arg9[%run_scoped3A_78, %dma_wait3A_158, %dma_wait3A_159] : memref<2x128x64xf32, #tpu.memory_space<vmem>> -> memref<1x128x64xf32, #tpu.memory_space<vmem>>
      %dma_wait3A_161 = tpu.memref_squeeze %dma_wait3A_160 : memref<1x128x64xf32, #tpu.memory_space<vmem>> -> memref<128x64xf32, #tpu.memory_space<vmem>>
      %dma_wait3A_162 = arith.constant 0 : i32
      %dma_wait3A_163 = tpu.memref_slice %arg11[%add3A_77, %dma_wait3A_162] : memref<10112x64xf32, #tpu.memory_space<vmem_shared>> -> memref<128x64xf32, #tpu.memory_space<vmem_shared>>
      %dma_wait3A_164 = arith.constant 0 : i32
      %dma_wait3A_165 = tpu.memref_slice %arg11[%add3A_77, %dma_wait3A_164] : memref<10112x64xf32, #tpu.memory_space<vmem_shared>> -> memref<128x64xf32, #tpu.memory_space<vmem_shared>>
      %dma_wait3A_166 = arith.constant 0 : i32
      %dma_wait3A_167 = arith.constant 0 : i32
      %dma_wait3A_168 = tpu.memref_slice %arg9[%run_scoped3A_78, %dma_wait3A_166, %dma_wait3A_167] : memref<2x128x64xf32, #tpu.memory_space<vmem>> -> memref<1x128x64xf32, #tpu.memory_space<vmem>>
      %dma_wait3A_169 = tpu.memref_squeeze %dma_wait3A_168 : memref<1x128x64xf32, #tpu.memory_space<vmem>> -> memref<128x64xf32, #tpu.memory_space<vmem>>
      tpu.wait_dma2 semaphore(%run_scoped3A_145 : memref<!tpu.dma_semaphore, #tpu.memory_space<semaphore_mem>>) src(%dma_wait3A_169 : memref<128x64xf32, #tpu.memory_space<vmem>>) dst(%dma_wait3A_165 : memref<128x64xf32, #tpu.memory_space<vmem_shared>>)
      tpu.yield
    }) : () -> ()
    %add3A_79 = arith.constant 256 : i32
    %add3A_80 = arith.addi %mul3A_73, %add3A_79 : i32
    %run_scoped3A_81 = arith.constant 0 : i32
    "tpu.region"() ({
      %run_scoped3A_145 = tpu.sem_alloc : memref<!tpu.dma_semaphore, #tpu.memory_space<semaphore_mem>>
      %dma_start3A_146 = arith.constant 0 : i32
      %dma_start3A_147 = arith.constant 0 : i32
      %dma_start3A_148 = tpu.memref_slice %arg9[%run_scoped3A_81, %dma_start3A_146, %dma_start3A_147] : memref<2x128x64xf32, #tpu.memory_space<vmem>> -> memref<1x128x64xf32, #tpu.memory_space<vmem>>
      %dma_start3A_149 = tpu.memref_squeeze %dma_start3A_148 : memref<1x128x64xf32, #tpu.memory_space<vmem>> -> memref<128x64xf32, #tpu.memory_space<vmem>>
      %dma_start3A_150 = arith.constant 0 : i32
      %dma_start3A_151 = tpu.memref_slice %arg11[%add3A_80, %dma_start3A_150] : memref<10112x64xf32, #tpu.memory_space<vmem_shared>> -> memref<128x64xf32, #tpu.memory_space<vmem_shared>>
      %dma_start3A_152 = arith.constant 0 : i32
      %dma_start3A_153 = tpu.memref_slice %arg11[%add3A_80, %dma_start3A_152] : memref<10112x64xf32, #tpu.memory_space<vmem_shared>> -> memref<128x64xf32, #tpu.memory_space<vmem_shared>>
      %dma_start3A_154 = arith.constant 0 : i32
      %dma_start3A_155 = arith.constant 0 : i32
      %dma_start3A_156 = tpu.memref_slice %arg9[%run_scoped3A_81, %dma_start3A_154, %dma_start3A_155] : memref<2x128x64xf32, #tpu.memory_space<vmem>> -> memref<1x128x64xf32, #tpu.memory_space<vmem>>
      %dma_start3A_157 = tpu.memref_squeeze %dma_start3A_156 : memref<1x128x64xf32, #tpu.memory_space<vmem>> -> memref<128x64xf32, #tpu.memory_space<vmem>>
      tpu.enqueue_dma source(%dma_start3A_157 : memref<128x64xf32, #tpu.memory_space<vmem>>) target(%dma_start3A_153 : memref<128x64xf32, #tpu.memory_space<vmem_shared>>) target_semaphore(%run_scoped3A_145 : memref<!tpu.dma_semaphore, #tpu.memory_space<semaphore_mem>>)
      %dma_wait3A_158 = arith.constant 0 : i32
      %dma_wait3A_159 = arith.constant 0 : i32
      %dma_wait3A_160 = tpu.memref_slice %arg9[%run_scoped3A_81, %dma_wait3A_158, %dma_wait3A_159] : memref<2x128x64xf32, #tpu.memory_space<vmem>> -> memref<1x128x64xf32, #tpu.memory_space<vmem>>
      %dma_wait3A_161 = tpu.memref_squeeze %dma_wait3A_160 : memref<1x128x64xf32, #tpu.memory_space<vmem>> -> memref<128x64xf32, #tpu.memory_space<vmem>>
      %dma_wait3A_162 = arith.constant 0 : i32
      %dma_wait3A_163 = tpu.memref_slice %arg11[%add3A_80, %dma_wait3A_162] : memref<10112x64xf32, #tpu.memory_space<vmem_shared>> -> memref<128x64xf32, #tpu.memory_space<vmem_shared>>
      %dma_wait3A_164 = arith.constant 0 : i32
      %dma_wait3A_165 = tpu.memref_slice %arg11[%add3A_80, %dma_wait3A_164] : memref<10112x64xf32, #tpu.memory_space<vmem_shared>> -> memref<128x64xf32, #tpu.memory_space<vmem_shared>>
      %dma_wait3A_166 = arith.constant 0 : i32
      %dma_wait3A_167 = arith.constant 0 : i32
      %dma_wait3A_168 = tpu.memref_slice %arg9[%run_scoped3A_81, %dma_wait3A_166, %dma_wait3A_167] : memref<2x128x64xf32, #tpu.memory_space<vmem>> -> memref<1x128x64xf32, #tpu.memory_space<vmem>>
      %dma_wait3A_169 = tpu.memref_squeeze %dma_wait3A_168 : memref<1x128x64xf32, #tpu.memory_space<vmem>> -> memref<128x64xf32, #tpu.memory_space<vmem>>
      tpu.wait_dma2 semaphore(%run_scoped3A_145 : memref<!tpu.dma_semaphore, #tpu.memory_space<semaphore_mem>>) src(%dma_wait3A_169 : memref<128x64xf32, #tpu.memory_space<vmem>>) dst(%dma_wait3A_165 : memref<128x64xf32, #tpu.memory_space<vmem_shared>>)
      tpu.yield
    }) : () -> ()
    %add3A_82 = arith.constant 384 : i32
    %add3A_83 = arith.addi %mul3A_73, %add3A_82 : i32
    %run_scoped3A_84 = arith.constant 0 : i32
    "tpu.region"() ({
      %run_scoped3A_145 = tpu.sem_alloc : memref<!tpu.dma_semaphore, #tpu.memory_space<semaphore_mem>>
      %dma_start3A_146 = arith.constant 0 : i32
      %dma_start3A_147 = arith.constant 0 : i32
      %dma_start3A_148 = tpu.memref_slice %arg9[%run_scoped3A_84, %dma_start3A_146, %dma_start3A_147] : memref<2x128x64xf32, #tpu.memory_space<vmem>> -> memref<1x128x64xf32, #tpu.memory_space<vmem>>
      %dma_start3A_149 = tpu.memref_squeeze %dma_start3A_148 : memref<1x128x64xf32, #tpu.memory_space<vmem>> -> memref<128x64xf32, #tpu.memory_space<vmem>>
      %dma_start3A_150 = arith.constant 0 : i32
      %dma_start3A_151 = tpu.memref_slice %arg11[%add3A_83, %dma_start3A_150] : memref<10112x64xf32, #tpu.memory_space<vmem_shared>> -> memref<128x64xf32, #tpu.memory_space<vmem_shared>>
      %dma_start3A_152 = arith.constant 0 : i32
      %dma_start3A_153 = tpu.memref_slice %arg11[%add3A_83, %dma_start3A_152] : memref<10112x64xf32, #tpu.memory_space<vmem_shared>> -> memref<128x64xf32, #tpu.memory_space<vmem_shared>>
      %dma_start3A_154 = arith.constant 0 : i32
      %dma_start3A_155 = arith.constant 0 : i32
      %dma_start3A_156 = tpu.memref_slice %arg9[%run_scoped3A_84, %dma_start3A_154, %dma_start3A_155] : memref<2x128x64xf32, #tpu.memory_space<vmem>> -> memref<1x128x64xf32, #tpu.memory_space<vmem>>
      %dma_start3A_157 = tpu.memref_squeeze %dma_start3A_156 : memref<1x128x64xf32, #tpu.memory_space<vmem>> -> memref<128x64xf32, #tpu.memory_space<vmem>>
      tpu.enqueue_dma source(%dma_start3A_157 : memref<128x64xf32, #tpu.memory_space<vmem>>) target(%dma_start3A_153 : memref<128x64xf32, #tpu.memory_space<vmem_shared>>) target_semaphore(%run_scoped3A_145 : memref<!tpu.dma_semaphore, #tpu.memory_space<semaphore_mem>>)
      %dma_wait3A_158 = arith.constant 0 : i32
      %dma_wait3A_159 = arith.constant 0 : i32
      %dma_wait3A_160 = tpu.memref_slice %arg9[%run_scoped3A_84, %dma_wait3A_158, %dma_wait3A_159] : memref<2x128x64xf32, #tpu.memory_space<vmem>> -> memref<1x128x64xf32, #tpu.memory_space<vmem>>
      %dma_wait3A_161 = tpu.memref_squeeze %dma_wait3A_160 : memref<1x128x64xf32, #tpu.memory_space<vmem>> -> memref<128x64xf32, #tpu.memory_space<vmem>>
      %dma_wait3A_162 = arith.constant 0 : i32
      %dma_wait3A_163 = tpu.memref_slice %arg11[%add3A_83, %dma_wait3A_162] : memref<10112x64xf32, #tpu.memory_space<vmem_shared>> -> memref<128x64xf32, #tpu.memory_space<vmem_shared>>
      %dma_wait3A_164 = arith.constant 0 : i32
      %dma_wait3A_165 = tpu.memref_slice %arg11[%add3A_83, %dma_wait3A_164] : memref<10112x64xf32, #tpu.memory_space<vmem_shared>> -> memref<128x64xf32, #tpu.memory_space<vmem_shared>>
      %dma_wait3A_166 = arith.constant 0 : i32
      %dma_wait3A_167 = arith.constant 0 : i32
      %dma_wait3A_168 = tpu.memref_slice %arg9[%run_scoped3A_84, %dma_wait3A_166, %dma_wait3A_167] : memref<2x128x64xf32, #tpu.memory_space<vmem>> -> memref<1x128x64xf32, #tpu.memory_space<vmem>>
      %dma_wait3A_169 = tpu.memref_squeeze %dma_wait3A_168 : memref<1x128x64xf32, #tpu.memory_space<vmem>> -> memref<128x64xf32, #tpu.memory_space<vmem>>
      tpu.wait_dma2 semaphore(%run_scoped3A_145 : memref<!tpu.dma_semaphore, #tpu.memory_space<semaphore_mem>>) src(%dma_wait3A_169 : memref<128x64xf32, #tpu.memory_space<vmem>>) dst(%dma_wait3A_165 : memref<128x64xf32, #tpu.memory_space<vmem_shared>>)
      tpu.yield
    }) : () -> ()
    %add3A_85 = arith.constant 512 : i32
    %add3A_86 = arith.addi %mul3A_73, %add3A_85 : i32
    %run_scoped3A_87 = arith.constant 0 : i32
    "tpu.region"() ({
      %run_scoped3A_145 = tpu.sem_alloc : memref<!tpu.dma_semaphore, #tpu.memory_space<semaphore_mem>>
      %dma_start3A_146 = arith.constant 0 : i32
      %dma_start3A_147 = arith.constant 0 : i32
      %dma_start3A_148 = tpu.memref_slice %arg9[%run_scoped3A_87, %dma_start3A_146, %dma_start3A_147] : memref<2x128x64xf32, #tpu.memory_space<vmem>> -> memref<1x120x64xf32, #tpu.memory_space<vmem>>
      %dma_start3A_149 = tpu.memref_squeeze %dma_start3A_148 : memref<1x120x64xf32, #tpu.memory_space<vmem>> -> memref<120x64xf32, #tpu.memory_space<vmem>>
      %dma_start3A_150 = arith.constant 0 : i32
      %dma_start3A_151 = tpu.memref_slice %arg11[%add3A_86, %dma_start3A_150] : memref<10112x64xf32, #tpu.memory_space<vmem_shared>> -> memref<120x64xf32, #tpu.memory_space<vmem_shared>>
      %dma_start3A_152 = arith.constant 0 : i32
      %dma_start3A_153 = tpu.memref_slice %arg11[%add3A_86, %dma_start3A_152] : memref<10112x64xf32, #tpu.memory_space<vmem_shared>> -> memref<120x64xf32, #tpu.memory_space<vmem_shared>>
      %dma_start3A_154 = arith.constant 0 : i32
      %dma_start3A_155 = arith.constant 0 : i32
      %dma_start3A_156 = tpu.memref_slice %arg9[%run_scoped3A_87, %dma_start3A_154, %dma_start3A_155] : memref<2x128x64xf32, #tpu.memory_space<vmem>> -> memref<1x120x64xf32, #tpu.memory_space<vmem>>
      %dma_start3A_157 = tpu.memref_squeeze %dma_start3A_156 : memref<1x120x64xf32, #tpu.memory_space<vmem>> -> memref<120x64xf32, #tpu.memory_space<vmem>>
      tpu.enqueue_dma source(%dma_start3A_157 : memref<120x64xf32, #tpu.memory_space<vmem>>) target(%dma_start3A_153 : memref<120x64xf32, #tpu.memory_space<vmem_shared>>) target_semaphore(%run_scoped3A_145 : memref<!tpu.dma_semaphore, #tpu.memory_space<semaphore_mem>>)
      %dma_wait3A_158 = arith.constant 0 : i32
      %dma_wait3A_159 = arith.constant 0 : i32
      %dma_wait3A_160 = tpu.memref_slice %arg9[%run_scoped3A_87, %dma_wait3A_158, %dma_wait3A_159] : memref<2x128x64xf32, #tpu.memory_space<vmem>> -> memref<1x120x64xf32, #tpu.memory_space<vmem>>
      %dma_wait3A_161 = tpu.memref_squeeze %dma_wait3A_160 : memref<1x120x64xf32, #tpu.memory_space<vmem>> -> memref<120x64xf32, #tpu.memory_space<vmem>>
      %dma_wait3A_162 = arith.constant 0 : i32
      %dma_wait3A_163 = tpu.memref_slice %arg11[%add3A_86, %dma_wait3A_162] : memref<10112x64xf32, #tpu.memory_space<vmem_shared>> -> memref<120x64xf32, #tpu.memory_space<vmem_shared>>
      %dma_wait3A_164 = arith.constant 0 : i32
      %dma_wait3A_165 = tpu.memref_slice %arg11[%add3A_86, %dma_wait3A_164] : memref<10112x64xf32, #tpu.memory_space<vmem_shared>> -> memref<120x64xf32, #tpu.memory_space<vmem_shared>>
      %dma_wait3A_166 = arith.constant 0 : i32
      %dma_wait3A_167 = arith.constant 0 : i32
      %dma_wait3A_168 = tpu.memref_slice %arg9[%run_scoped3A_87, %dma_wait3A_166, %dma_wait3A_167] : memref<2x128x64xf32, #tpu.memory_space<vmem>> -> memref<1x120x64xf32, #tpu.memory_space<vmem>>
      %dma_wait3A_169 = tpu.memref_squeeze %dma_wait3A_168 : memref<1x120x64xf32, #tpu.memory_space<vmem>> -> memref<120x64xf32, #tpu.memory_space<vmem>>
      tpu.wait_dma2 semaphore(%run_scoped3A_145 : memref<!tpu.dma_semaphore, #tpu.memory_space<semaphore_mem>>) src(%dma_wait3A_169 : memref<120x64xf32, #tpu.memory_space<vmem>>) dst(%dma_wait3A_165 : memref<120x64xf32, #tpu.memory_space<vmem_shared>>)
      tpu.yield
    }) : () -> ()
    %barrier3A = arith.constant 0 : index
    tpu.barrier barrier_id(%barrier3A)
    %dma_start3A_88 = arith.constant 0 : i32
    %dma_start3A_89 = arith.constant 0 : i32
    %dma_start3A_90 = arith.constant 0 : i32
    %dma_start3A_91 = arith.constant 0 : i32
    %dma_start3A_92 = tpu.memref_slice %arg9[%dma_start3A_88, %dma_start3A_90, %dma_start3A_91] : memref<2x128x64xf32, #tpu.memory_space<vmem>> -> memref<1x128x64xf32, #tpu.memory_space<vmem>>
    %dma_start3A_93 = tpu.memref_squeeze %dma_start3A_92 : memref<1x128x64xf32, #tpu.memory_space<vmem>> -> memref<128x64xf32, #tpu.memory_space<vmem>>
    %dma_start3A_94 = arith.constant 0 : i32
    %dma_start3A_95 = tpu.memref_slice %arg6[%dma_start3A_94] : memref<10240xi32, #tpu.memory_space<vmem>> -> memref<128xi32, #tpu.memory_space<vmem>>
    %dma_start3A_96 = arith.constant 0 : i32
    %dma_start3A_97 = arith.constant 0 : i32
    %dma_start3A_98 = tpu.memref_slice %arg10[%dma_start3A_96, %dma_start3A_97] : memref<10112x64xf32, #tpu.memory_space<vmem_shared>> -> memref<10112x64xf32, #tpu.memory_space<vmem_shared>>
    %dma_start3A_99 = tpu.memref_slice %arg12[%dma_start3A_89] : memref<2x!tpu.dma_semaphore, #tpu.memory_space<semaphore_mem>> -> memref<1x!tpu.dma_semaphore, #tpu.memory_space<semaphore_mem>>
    %dma_start3A_100 = tpu.memref_squeeze %dma_start3A_99 : memref<1x!tpu.dma_semaphore, #tpu.memory_space<semaphore_mem>> -> memref<!tpu.dma_semaphore, #tpu.memory_space<semaphore_mem>>
    tpu.enqueue_indirect_dma source(%dma_start3A_98 : memref<10112x64xf32, #tpu.memory_space<vmem_shared>>) target(%dma_start3A_93 : memref<128x64xf32, #tpu.memory_space<vmem>>) offsets(%dma_start3A_95 : memref<128xi32, #tpu.memory_space<vmem>>) semaphore(%dma_start3A_100 : memref<!tpu.dma_semaphore, #tpu.memory_space<semaphore_mem>>)
    %while3A = arith.constant 0 : i32
    %while3A_101 = arith.constant 0 : i32
    %while3A_102 = arith.subi %select_n3A, %while3A_101 : i32
    %while3A_103 = arith.addi %while3A_101, %while3A_102 : i32
    %while3A_104 = arith.constant 1 : i32
    %while3A_105 = arith.divsi %while3A_102, %while3A_104 : i32
    %while3A_106 = arith.muli %while3A_105, %while3A_104 : i32
    %while3A_107 = arith.addi %while3A_101, %while3A_106 : i32
    %while3A_108 = arith.constant 1 : i32
    scf.for %while3A_145 = %while3A_101 to %while3A_107 step %while3A_108  : i32 {
      %jit3A_146 = arith.constant 2 : i32
      %eq3A_147 = arith.constant 0 : i32
      %eq3A_148 = arith.cmpi eq, %jit3A_146, %eq3A_147 : i32
      %jit3A_149 = arith.constant 1 : i32
      %select_n3A_150 = arith.select %eq3A_148, %jit3A_149, %jit3A_146 : i32
      %rem3A = arith.remsi %while3A_145, %select_n3A_150 : i32
      %ne3A = arith.constant 0 : i32
      %ne3A_151 = arith.cmpi ne, %rem3A, %ne3A : i32
      %lt3A_152 = arith.constant 0 : i32
      %lt3A_153 = arith.cmpi slt, %rem3A, %lt3A_152 : i32
      %lt3A_154 = arith.constant 0 : i32
      %lt3A_155 = arith.cmpi slt, %select_n3A_150, %lt3A_154 : i32
      %ne3A_156 = arith.xori %lt3A_153, %lt3A_155 : i1
      %and3A = arith.andi %ne3A_156, %ne3A_151 : i1
      %add3A_157 = arith.addi %rem3A, %select_n3A_150 : i32
      %select_n3A_158 = arith.select %and3A, %add3A_157, %rem3A : i32
      %add3A_159 = arith.constant 1 : i32
      %add3A_160 = arith.addi %while3A_145, %add3A_159 : i32
      %jit3A_161 = arith.constant 2 : i32
      %eq3A_162 = arith.constant 0 : i32
      %eq3A_163 = arith.cmpi eq, %jit3A_161, %eq3A_162 : i32
      %jit3A_164 = arith.constant 1 : i32
      %select_n3A_165 = arith.select %eq3A_163, %jit3A_164, %jit3A_161 : i32
      %rem3A_166 = arith.remsi %add3A_160, %select_n3A_165 : i32
      %ne3A_167 = arith.constant 0 : i32
      %ne3A_168 = arith.cmpi ne, %rem3A_166, %ne3A_167 : i32
      %lt3A_169 = arith.constant 0 : i32
      %lt3A_170 = arith.cmpi slt, %rem3A_166, %lt3A_169 : i32
      %lt3A_171 = arith.constant 0 : i32
      %lt3A_172 = arith.cmpi slt, %select_n3A_165, %lt3A_171 : i32
      %ne3A_173 = arith.xori %lt3A_170, %lt3A_172 : i1
      %and3A_174 = arith.andi %ne3A_173, %ne3A_168 : i1
      %add3A_175 = arith.addi %rem3A_166, %select_n3A_165 : i32
      %select_n3A_176 = arith.select %and3A_174, %add3A_175, %rem3A_166 : i32
      %add3A_177 = arith.constant 1 : i32
      %add3A_178 = arith.addi %while3A_145, %add3A_177 : i32
      %lt3A_179 = arith.cmpi slt, %add3A_178, %select_n3A : i32
      %convert_element_type3A_180 = arith.extui %lt3A_179 : i1 to i32
      %cond3A_181 = arith.constant 0 : i32
      %cond3A_182 = arith.cmpi ne, %convert_element_type3A_180, %cond3A_181 : i32
      scf.if %cond3A_182 {
        %ge3A = arith.constant 1 : i32
        %ge3A_247 = arith.cmpi sge, %while3A_145, %ge3A : i32
        %convert_element_type3A_248 = arith.extui %ge3A_247 : i1 to i32
        %cond3A_249 = arith.constant 0 : i32
        %cond3A_250 = arith.cmpi ne, %convert_element_type3A_248, %cond3A_249 : i32
        scf.if %cond3A_250 {
          %sub3A_265 = arith.constant 1 : i32
          %sub3A_266 = arith.subi %while3A_145, %sub3A_265 : i32
          %dma_wait3A_267 = arith.constant 0 : i32
          %dma_wait3A_268 = arith.constant 0 : i32
          %dma_wait3A_269 = tpu.memref_slice %arg9[%select_n3A_176, %dma_wait3A_267, %dma_wait3A_268] : memref<2x128x64xf32, #tpu.memory_space<vmem>> -> memref<1x128x64xf32, #tpu.memory_space<vmem>>
          %dma_wait3A_270 = tpu.memref_squeeze %dma_wait3A_269 : memref<1x128x64xf32, #tpu.memory_space<vmem>> -> memref<128x64xf32, #tpu.memory_space<vmem>>
          %dma_wait3A_271 = arith.constant 0 : i32
          %dma_wait3A_272 = tpu.memref_slice %arg7[%sub3A_266, %dma_wait3A_271] : memref<80x128xi32, #tpu.memory_space<vmem>> -> memref<1x128xi32, #tpu.memory_space<vmem>>
          %dma_wait3A_273 = tpu.memref_squeeze %dma_wait3A_272 : memref<1x128xi32, #tpu.memory_space<vmem>> -> memref<128xi32, #tpu.memory_space<vmem>>
          %dma_wait3A_274 = arith.constant 0 : i32
          %dma_wait3A_275 = arith.constant 0 : i32
          %dma_wait3A_276 = tpu.memref_slice %arg11[%dma_wait3A_274, %dma_wait3A_275] : memref<10112x64xf32, #tpu.memory_space<vmem_shared>> -> memref<10112x64xf32, #tpu.memory_space<vmem_shared>>
          %dma_wait3A_277 = tpu.memref_slice %arg13[%select_n3A_176] : memref<2x!tpu.dma_semaphore, #tpu.memory_space<semaphore_mem>> -> memref<1x!tpu.dma_semaphore, #tpu.memory_space<semaphore_mem>>
          %dma_wait3A_278 = tpu.memref_squeeze %dma_wait3A_277 : memref<1x!tpu.dma_semaphore, #tpu.memory_space<semaphore_mem>> -> memref<!tpu.dma_semaphore, #tpu.memory_space<semaphore_mem>>
          tpu.wait_indirect_dma semaphore(%dma_wait3A_278 : memref<!tpu.dma_semaphore, #tpu.memory_space<semaphore_mem>>) src(%dma_wait3A_270 : memref<128x64xf32, #tpu.memory_space<vmem>>) dst(%dma_wait3A_276 : memref<10112x64xf32, #tpu.memory_space<vmem_shared>>)
        } else {
        }
        %add3A_251 = arith.constant 1 : i32
        %add3A_252 = arith.addi %while3A_145, %add3A_251 : i32
        %mul3A_253 = arith.constant 128 : i32
        %mul3A_254 = arith.muli %add3A_252, %mul3A_253 : i32
        %dma_start3A_255 = arith.constant 0 : i32
        %dma_start3A_256 = arith.constant 0 : i32
        %dma_start3A_257 = tpu.memref_slice %arg9[%select_n3A_176, %dma_start3A_255, %dma_start3A_256] : memref<2x128x64xf32, #tpu.memory_space<vmem>> -> memref<1x128x64xf32, #tpu.memory_space<vmem>>
        %dma_start3A_258 = tpu.memref_squeeze %dma_start3A_257 : memref<1x128x64xf32, #tpu.memory_space<vmem>> -> memref<128x64xf32, #tpu.memory_space<vmem>>
        %dma_start3A_259 = tpu.memref_slice %arg6[%mul3A_254] : memref<10240xi32, #tpu.memory_space<vmem>> -> memref<128xi32, #tpu.memory_space<vmem>>
        %dma_start3A_260 = arith.constant 0 : i32
        %dma_start3A_261 = arith.constant 0 : i32
        %dma_start3A_262 = tpu.memref_slice %arg10[%dma_start3A_260, %dma_start3A_261] : memref<10112x64xf32, #tpu.memory_space<vmem_shared>> -> memref<10112x64xf32, #tpu.memory_space<vmem_shared>>
        %dma_start3A_263 = tpu.memref_slice %arg12[%select_n3A_176] : memref<2x!tpu.dma_semaphore, #tpu.memory_space<semaphore_mem>> -> memref<1x!tpu.dma_semaphore, #tpu.memory_space<semaphore_mem>>
        %dma_start3A_264 = tpu.memref_squeeze %dma_start3A_263 : memref<1x!tpu.dma_semaphore, #tpu.memory_space<semaphore_mem>> -> memref<!tpu.dma_semaphore, #tpu.memory_space<semaphore_mem>>
        tpu.enqueue_indirect_dma source(%dma_start3A_262 : memref<10112x64xf32, #tpu.memory_space<vmem_shared>>) target(%dma_start3A_258 : memref<128x64xf32, #tpu.memory_space<vmem>>) offsets(%dma_start3A_259 : memref<128xi32, #tpu.memory_space<vmem>>) semaphore(%dma_start3A_264 : memref<!tpu.dma_semaphore, #tpu.memory_space<semaphore_mem>>)
      } else {
      }
      %add3A_183 = arith.constant 3 : i32
      %add3A_184 = arith.addi %while3A_145, %add3A_183 : i32
      %lt3A_185 = arith.cmpi slt, %add3A_184, %select_n3A : i32
      %convert_element_type3A_186 = arith.extui %lt3A_185 : i1 to i32
      %cond3A_187 = arith.constant 0 : i32
      %cond3A_188 = arith.cmpi ne, %convert_element_type3A_186, %cond3A_187 : i32
      scf.if %cond3A_188 {
        %add3A_247 = arith.constant 3 : i32
        %add3A_248 = arith.addi %while3A_145, %add3A_247 : i32
        %mul3A_249 = arith.constant 128 : i32
        %mul3A_250 = arith.muli %add3A_248, %mul3A_249 : i32
        %add3A_251 = arith.addi %mul3A_3, %mul3A_250 : i32
        %jit3A_252 = arith.constant 4 : i32
        %eq3A_253 = arith.constant 0 : i32
        %eq3A_254 = arith.cmpi eq, %jit3A_252, %eq3A_253 : i32
        %jit3A_255 = arith.constant 1 : i32
        %select_n3A_256 = arith.select %eq3A_254, %jit3A_255, %jit3A_252 : i32
        %rem3A_257 = arith.remsi %add3A_248, %select_n3A_256 : i32
        %ne3A_258 = arith.constant 0 : i32
        %ne3A_259 = arith.cmpi ne, %rem3A_257, %ne3A_258 : i32
        %lt3A_260 = arith.constant 0 : i32
        %lt3A_261 = arith.cmpi slt, %rem3A_257, %lt3A_260 : i32
        %lt3A_262 = arith.constant 0 : i32
        %lt3A_263 = arith.cmpi slt, %select_n3A_256, %lt3A_262 : i32
        %ne3A_264 = arith.xori %lt3A_261, %lt3A_263 : i1
        %and3A_265 = arith.andi %ne3A_264, %ne3A_259 : i1
        %add3A_266 = arith.addi %rem3A_257, %select_n3A_256 : i32
        %select_n3A_267 = arith.select %and3A_265, %add3A_266, %rem3A_257 : i32
        %dma_start3A_268 = arith.constant 1 : i32
        %dma_start3A_269 = arith.constant 0 : i32
        %dma_start3A_270 = tpu.memref_slice %arg7[%add3A_248, %dma_start3A_269] : memref<80x128xi32, #tpu.memory_space<vmem>> -> memref<1x128xi32, #tpu.memory_space<vmem>>
        %dma_start3A_271 = tpu.memref_squeeze %dma_start3A_270 : memref<1x128xi32, #tpu.memory_space<vmem>> -> memref<128xi32, #tpu.memory_space<vmem>>
        %dma_start3A_272 = tpu.memref_slice %arg2[%dma_start3A_268, %add3A_251] : memref<2x320000xi32, #tpu.memory_space<hbm>> -> memref<1x128xi32, #tpu.memory_space<hbm>>
        %dma_start3A_273 = tpu.memref_squeeze %dma_start3A_272 : memref<1x128xi32, #tpu.memory_space<hbm>> -> memref<128xi32, #tpu.memory_space<hbm>>
        %dma_start3A_274 = tpu.memref_slice %arg14[%select_n3A_267] : memref<4x!tpu.dma_semaphore, #tpu.memory_space<semaphore_mem>> -> memref<1x!tpu.dma_semaphore, #tpu.memory_space<semaphore_mem>>
        %dma_start3A_275 = tpu.memref_squeeze %dma_start3A_274 : memref<1x!tpu.dma_semaphore, #tpu.memory_space<semaphore_mem>> -> memref<!tpu.dma_semaphore, #tpu.memory_space<semaphore_mem>>
        %dma_start3A_276 = arith.constant 0 : i32
        %dma_start3A_277 = tpu.memref_slice %arg7[%add3A_248, %dma_start3A_276] : memref<80x128xi32, #tpu.memory_space<vmem>> -> memref<1x128xi32, #tpu.memory_space<vmem>>
        %dma_start3A_278 = tpu.memref_squeeze %dma_start3A_277 : memref<1x128xi32, #tpu.memory_space<vmem>> -> memref<128xi32, #tpu.memory_space<vmem>>
        %dma_start3A_279 = tpu.memref_slice %arg2[%dma_start3A_268, %add3A_251] : memref<2x320000xi32, #tpu.memory_space<hbm>> -> memref<1x128xi32, #tpu.memory_space<hbm>>
        %dma_start3A_280 = tpu.memref_squeeze %dma_start3A_279 : memref<1x128xi32, #tpu.memory_space<hbm>> -> memref<128xi32, #tpu.memory_space<hbm>>
        tpu.enqueue_dma source(%dma_start3A_280 : memref<128xi32, #tpu.memory_space<hbm>>) target(%dma_start3A_278 : memref<128xi32, #tpu.memory_space<vmem>>) target_semaphore(%dma_start3A_275 : memref<!tpu.dma_semaphore, #tpu.memory_space<semaphore_mem>>)
      } else {
      }
      %mul3A_189 = arith.constant 128 : i32
      %mul3A_190 = arith.muli %while3A_145, %mul3A_189 : i32
      %dma_wait3A_191 = arith.constant 0 : i32
      %dma_wait3A_192 = arith.constant 0 : i32
      %dma_wait3A_193 = tpu.memref_slice %arg9[%select_n3A_158, %dma_wait3A_191, %dma_wait3A_192] : memref<2x128x64xf32, #tpu.memory_space<vmem>> -> memref<1x128x64xf32, #tpu.memory_space<vmem>>
      %dma_wait3A_194 = tpu.memref_squeeze %dma_wait3A_193 : memref<1x128x64xf32, #tpu.memory_space<vmem>> -> memref<128x64xf32, #tpu.memory_space<vmem>>
      %dma_wait3A_195 = tpu.memref_slice %arg6[%mul3A_190] : memref<10240xi32, #tpu.memory_space<vmem>> -> memref<128xi32, #tpu.memory_space<vmem>>
      %dma_wait3A_196 = arith.constant 0 : i32
      %dma_wait3A_197 = arith.constant 0 : i32
      %dma_wait3A_198 = tpu.memref_slice %arg10[%dma_wait3A_196, %dma_wait3A_197] : memref<10112x64xf32, #tpu.memory_space<vmem_shared>> -> memref<10112x64xf32, #tpu.memory_space<vmem_shared>>
      %dma_wait3A_199 = tpu.memref_slice %arg12[%select_n3A_158] : memref<2x!tpu.dma_semaphore, #tpu.memory_space<semaphore_mem>> -> memref<1x!tpu.dma_semaphore, #tpu.memory_space<semaphore_mem>>
      %dma_wait3A_200 = tpu.memref_squeeze %dma_wait3A_199 : memref<1x!tpu.dma_semaphore, #tpu.memory_space<semaphore_mem>> -> memref<!tpu.dma_semaphore, #tpu.memory_space<semaphore_mem>>
      tpu.wait_indirect_dma semaphore(%dma_wait3A_200 : memref<!tpu.dma_semaphore, #tpu.memory_space<semaphore_mem>>) src(%dma_wait3A_198 : memref<10112x64xf32, #tpu.memory_space<vmem_shared>>) dst(%dma_wait3A_194 : memref<128x64xf32, #tpu.memory_space<vmem>>)
      %parallel_loop3A = arith.constant 0 : i32
      %parallel_loop3A_201 = arith.constant 128 : i32
      %parallel_loop3A_202 = arith.constant 1 : i32
      scf.for %parallel_loop3A_247 = %parallel_loop3A to %parallel_loop3A_201 step %parallel_loop3A_202  : i32 {
        %parallel_loop3A_248 = arith.constant 128 : i32
        %parallel_loop3A_249 = arith.muli %while3A_145, %parallel_loop3A_248 : i32
        %parallel_loop3A_250 = arith.addi %parallel_loop3A_249, %parallel_loop3A_247 : i32
        %parallel_loop3A_251 = arith.index_cast %parallel_loop3A_250 : i32 to index
        %parallel_loop3A_252 = tpu.vector_load %arg8[%parallel_loop3A_251] {strides = array<i32>} : memref<10256xf32, #tpu.memory_space<vmem>>, vector<16xf32>,
        %parallel_loop3A_253 = vector.shape_cast %parallel_loop3A_252 : vector<16xf32> to vector<16xf32>
        %parallel_loop3A_254 = vector.extract_strided_slice %parallel_loop3A_253 {offsets = [0], sizes = [1], strides = [1]} : vector<16xf32> to vector<1xf32>
        %parallel_loop3A_255 = vector.extract %parallel_loop3A_254[0] : f32 from vector<1xf32>
        %parallel_loop3A_256 = vector.broadcast %parallel_loop3A_255 : f32 to vector<16xf32>
        %parallel_loop3A_257 = arith.index_cast %select_n3A_158 : i32 to index
        %parallel_loop3A_258 = arith.index_cast %parallel_loop3A_247 : i32 to index
        %parallel_loop3A_259 = arith.constant 0 : index
        %parallel_loop3A_260 = tpu.vector_load %arg9[%parallel_loop3A_257, %parallel_loop3A_258, %parallel_loop3A_259] {strides = array<i32>} : memref<2x128x64xf32, #tpu.memory_space<vmem>>, vector<1x1x16xf32>,
        %parallel_loop3A_261 = vector.shape_cast %parallel_loop3A_260 : vector<1x1x16xf32> to vector<16xf32>
        %parallel_loop3A_262 = arith.mulf %parallel_loop3A_261, %parallel_loop3A_256 : vector<16xf32>
        %parallel_loop3A_263 = arith.index_cast %select_n3A_158 : i32 to index
        %parallel_loop3A_264 = arith.index_cast %parallel_loop3A_247 : i32 to index
        %parallel_loop3A_265 = arith.constant 0 : index
        %parallel_loop3A_266 = tpu.vector_load %arg9[%parallel_loop3A_263, %parallel_loop3A_264, %parallel_loop3A_265] {strides = array<i32>} : memref<2x128x64xf32, #tpu.memory_space<vmem>>, vector<1x1x16xf32>,
        %parallel_loop3A_267 = vector.shape_cast %parallel_loop3A_266 : vector<1x1x16xf32> to vector<16xf32>
        %parallel_loop3A_268 = vector.shape_cast %parallel_loop3A_262 : vector<16xf32> to vector<1x1x16xf32>
        tpu.vector_store %arg9[%parallel_loop3A_263, %parallel_loop3A_264, %parallel_loop3A_265], %parallel_loop3A_268 {strides = array<i32>} : memref<2x128x64xf32, #tpu.memory_space<vmem>>, vector<1x1x16xf32>,
        %parallel_loop3A_269 = arith.index_cast %select_n3A_158 : i32 to index
        %parallel_loop3A_270 = arith.index_cast %parallel_loop3A_247 : i32 to index
        %parallel_loop3A_271 = arith.constant 16 : index
        %parallel_loop3A_272 = tpu.vector_load %arg9[%parallel_loop3A_269, %parallel_loop3A_270, %parallel_loop3A_271] {strides = array<i32>} : memref<2x128x64xf32, #tpu.memory_space<vmem>>, vector<1x1x16xf32>,
        %parallel_loop3A_273 = vector.shape_cast %parallel_loop3A_272 : vector<1x1x16xf32> to vector<16xf32>
        %parallel_loop3A_274 = arith.mulf %parallel_loop3A_273, %parallel_loop3A_256 : vector<16xf32>
        %parallel_loop3A_275 = arith.index_cast %select_n3A_158 : i32 to index
        %parallel_loop3A_276 = arith.index_cast %parallel_loop3A_247 : i32 to index
        %parallel_loop3A_277 = arith.constant 16 : index
        %parallel_loop3A_278 = tpu.vector_load %arg9[%parallel_loop3A_275, %parallel_loop3A_276, %parallel_loop3A_277] {strides = array<i32>} : memref<2x128x64xf32, #tpu.memory_space<vmem>>, vector<1x1x16xf32>,
        %parallel_loop3A_279 = vector.shape_cast %parallel_loop3A_278 : vector<1x1x16xf32> to vector<16xf32>
        %parallel_loop3A_280 = vector.shape_cast %parallel_loop3A_274 : vector<16xf32> to vector<1x1x16xf32>
        tpu.vector_store %arg9[%parallel_loop3A_275, %parallel_loop3A_276, %parallel_loop3A_277], %parallel_loop3A_280 {strides = array<i32>} : memref<2x128x64xf32, #tpu.memory_space<vmem>>, vector<1x1x16xf32>,
        %parallel_loop3A_281 = arith.index_cast %select_n3A_158 : i32 to index
        %parallel_loop3A_282 = arith.index_cast %parallel_loop3A_247 : i32 to index
        %parallel_loop3A_283 = arith.constant 32 : index
        %parallel_loop3A_284 = tpu.vector_load %arg9[%parallel_loop3A_281, %parallel_loop3A_282, %parallel_loop3A_283] {strides = array<i32>} : memref<2x128x64xf32, #tpu.memory_space<vmem>>, vector<1x1x16xf32>,
        %parallel_loop3A_285 = vector.shape_cast %parallel_loop3A_284 : vector<1x1x16xf32> to vector<16xf32>
        %parallel_loop3A_286 = arith.mulf %parallel_loop3A_285, %parallel_loop3A_256 : vector<16xf32>
        %parallel_loop3A_287 = arith.index_cast %select_n3A_158 : i32 to index
        %parallel_loop3A_288 = arith.index_cast %parallel_loop3A_247 : i32 to index
        %parallel_loop3A_289 = arith.constant 32 : index
        %parallel_loop3A_290 = tpu.vector_load %arg9[%parallel_loop3A_287, %parallel_loop3A_288, %parallel_loop3A_289] {strides = array<i32>} : memref<2x128x64xf32, #tpu.memory_space<vmem>>, vector<1x1x16xf32>,
        %parallel_loop3A_291 = vector.shape_cast %parallel_loop3A_290 : vector<1x1x16xf32> to vector<16xf32>
        %parallel_loop3A_292 = vector.shape_cast %parallel_loop3A_286 : vector<16xf32> to vector<1x1x16xf32>
        tpu.vector_store %arg9[%parallel_loop3A_287, %parallel_loop3A_288, %parallel_loop3A_289], %parallel_loop3A_292 {strides = array<i32>} : memref<2x128x64xf32, #tpu.memory_space<vmem>>, vector<1x1x16xf32>,
        %parallel_loop3A_293 = arith.index_cast %select_n3A_158 : i32 to index
        %parallel_loop3A_294 = arith.index_cast %parallel_loop3A_247 : i32 to index
        %parallel_loop3A_295 = arith.constant 48 : index
        %parallel_loop3A_296 = tpu.vector_load %arg9[%parallel_loop3A_293, %parallel_loop3A_294, %parallel_loop3A_295] {strides = array<i32>} : memref<2x128x64xf32, #tpu.memory_space<vmem>>, vector<1x1x16xf32>,
        %parallel_loop3A_297 = vector.shape_cast %parallel_loop3A_296 : vector<1x1x16xf32> to vector<16xf32>
        %parallel_loop3A_298 = arith.mulf %parallel_loop3A_297, %parallel_loop3A_256 : vector<16xf32>
        %parallel_loop3A_299 = arith.index_cast %select_n3A_158 : i32 to index
        %parallel_loop3A_300 = arith.index_cast %parallel_loop3A_247 : i32 to index
        %parallel_loop3A_301 = arith.constant 48 : index
        %parallel_loop3A_302 = tpu.vector_load %arg9[%parallel_loop3A_299, %parallel_loop3A_300, %parallel_loop3A_301] {strides = array<i32>} : memref<2x128x64xf32, #tpu.memory_space<vmem>>, vector<1x1x16xf32>,
        %parallel_loop3A_303 = vector.shape_cast %parallel_loop3A_302 : vector<1x1x16xf32> to vector<16xf32>
        %parallel_loop3A_304 = vector.shape_cast %parallel_loop3A_298 : vector<16xf32> to vector<1x1x16xf32>
        tpu.vector_store %arg9[%parallel_loop3A_299, %parallel_loop3A_300, %parallel_loop3A_301], %parallel_loop3A_304 {strides = array<i32>} : memref<2x128x64xf32, #tpu.memory_space<vmem>>, vector<1x1x16xf32>,
      } {sc.loop_unroll_factor = 8 : i64, sc.parallel_access}
      %mul3A_203 = arith.constant 128 : i32
      %mul3A_204 = arith.muli %while3A_145, %mul3A_203 : i32
      %add3A_205 = arith.addi %mul3A_3, %mul3A_204 : i32
      %jit3A_206 = arith.constant 4 : i32
      %eq3A_207 = arith.constant 0 : i32
      %eq3A_208 = arith.cmpi eq, %jit3A_206, %eq3A_207 : i32
      %jit3A_209 = arith.constant 1 : i32
      %select_n3A_210 = arith.select %eq3A_208, %jit3A_209, %jit3A_206 : i32
      %rem3A_211 = arith.remsi %while3A_145, %select_n3A_210 : i32
      %ne3A_212 = arith.constant 0 : i32
      %ne3A_213 = arith.cmpi ne, %rem3A_211, %ne3A_212 : i32
      %lt3A_214 = arith.constant 0 : i32
      %lt3A_215 = arith.cmpi slt, %rem3A_211, %lt3A_214 : i32
      %lt3A_216 = arith.constant 0 : i32
      %lt3A_217 = arith.cmpi slt, %select_n3A_210, %lt3A_216 : i32
      %ne3A_218 = arith.xori %lt3A_215, %lt3A_217 : i1
      %and3A_219 = arith.andi %ne3A_218, %ne3A_213 : i1
      %add3A_220 = arith.addi %rem3A_211, %select_n3A_210 : i32
      %select_n3A_221 = arith.select %and3A_219, %add3A_220, %rem3A_211 : i32
      %dma_wait3A_222 = arith.constant 1 : i32
      %dma_wait3A_223 = arith.constant 0 : i32
      %dma_wait3A_224 = tpu.memref_slice %arg7[%while3A_145, %dma_wait3A_223] : memref<80x128xi32, #tpu.memory_space<vmem>> -> memref<1x128xi32, #tpu.memory_space<vmem>>
      %dma_wait3A_225 = tpu.memref_squeeze %dma_wait3A_224 : memref<1x128xi32, #tpu.memory_space<vmem>> -> memref<128xi32, #tpu.memory_space<vmem>>
      %dma_wait3A_226 = tpu.memref_slice %arg2[%dma_wait3A_222, %add3A_205] : memref<2x320000xi32, #tpu.memory_space<hbm>> -> memref<1x128xi32, #tpu.memory_space<hbm>>
      %dma_wait3A_227 = tpu.memref_squeeze %dma_wait3A_226 : memref<1x128xi32, #tpu.memory_space<hbm>> -> memref<128xi32, #tpu.memory_space<hbm>>
      %dma_wait3A_228 = tpu.memref_slice %arg14[%select_n3A_221] : memref<4x!tpu.dma_semaphore, #tpu.memory_space<semaphore_mem>> -> memref<1x!tpu.dma_semaphore, #tpu.memory_space<semaphore_mem>>
      %dma_wait3A_229 = tpu.memref_squeeze %dma_wait3A_228 : memref<1x!tpu.dma_semaphore, #tpu.memory_space<semaphore_mem>> -> memref<!tpu.dma_semaphore, #tpu.memory_space<semaphore_mem>>
      %dma_wait3A_230 = arith.constant 0 : i32
      %dma_wait3A_231 = tpu.memref_slice %arg7[%while3A_145, %dma_wait3A_230] : memref<80x128xi32, #tpu.memory_space<vmem>> -> memref<1x128xi32, #tpu.memory_space<vmem>>
      %dma_wait3A_232 = tpu.memref_squeeze %dma_wait3A_231 : memref<1x128xi32, #tpu.memory_space<vmem>> -> memref<128xi32, #tpu.memory_space<vmem>>
      %dma_wait3A_233 = tpu.memref_slice %arg2[%dma_wait3A_222, %add3A_205] : memref<2x320000xi32, #tpu.memory_space<hbm>> -> memref<1x128xi32, #tpu.memory_space<hbm>>
      %dma_wait3A_234 = tpu.memref_squeeze %dma_wait3A_233 : memref<1x128xi32, #tpu.memory_space<hbm>> -> memref<128xi32, #tpu.memory_space<hbm>>
      tpu.wait_dma2 semaphore(%dma_wait3A_229 : memref<!tpu.dma_semaphore, #tpu.memory_space<semaphore_mem>>) src(%dma_wait3A_234 : memref<128xi32, #tpu.memory_space<hbm>>) dst(%dma_wait3A_232 : memref<128xi32, #tpu.memory_space<vmem>>)
      %dma_start3A_235 = arith.constant 0 : i32
      %dma_start3A_236 = arith.constant 0 : i32
      %dma_start3A_237 = tpu.memref_slice %arg9[%select_n3A_158, %dma_start3A_235, %dma_start3A_236] : memref<2x128x64xf32, #tpu.memory_space<vmem>> -> memref<1x128x64xf32, #tpu.memory_space<vmem>>
      %dma_start3A_238 = tpu.memref_squeeze %dma_start3A_237 : memref<1x128x64xf32, #tpu.memory_space<vmem>> -> memref<128x64xf32, #tpu.memory_space<vmem>>
      %dma_start3A_239 = arith.constant 0 : i32
      %dma_start3A_240 = tpu.memref_slice %arg7[%while3A_145, %dma_start3A_239] : memref<80x128xi32, #tpu.memory_space<vmem>> -> memref<1x128xi32, #tpu.memory_space<vmem>>
      %dma_start3A_241 = tpu.memref_squeeze %dma_start3A_240 : memref<1x128xi32, #tpu.memory_space<vmem>> -> memref<128xi32, #tpu.memory_space<vmem>>
      %dma_start3A_242 = arith.constant 0 : i32
      %dma_start3A_243 = arith.constant 0 : i32
      %dma_start3A_244 = tpu.memref_slice %arg11[%dma_start3A_242, %dma_start3A_243] : memref<10112x64xf32, #tpu.memory_space<vmem_shared>> -> memref<10112x64xf32, #tpu.memory_space<vmem_shared>>
      %dma_start3A_245 = tpu.memref_slice %arg13[%select_n3A_158] : memref<2x!tpu.dma_semaphore, #tpu.memory_space<semaphore_mem>> -> memref<1x!tpu.dma_semaphore, #tpu.memory_space<semaphore_mem>>
      %dma_start3A_246 = tpu.memref_squeeze %dma_start3A_245 : memref<1x!tpu.dma_semaphore, #tpu.memory_space<semaphore_mem>> -> memref<!tpu.dma_semaphore, #tpu.memory_space<semaphore_mem>>
      tpu.enqueue_indirect_dma source(%dma_start3A_238 : memref<128x64xf32, #tpu.memory_space<vmem>>) target(%dma_start3A_244 : memref<10112x64xf32, #tpu.memory_space<vmem_shared>>) offsets(%dma_start3A_241 : memref<128xi32, #tpu.memory_space<vmem>>) semaphore(%dma_start3A_246 : memref<!tpu.dma_semaphore, #tpu.memory_space<semaphore_mem>>) {add = true}
    }
    %while3A_109 = arith.constant 1 : i32
    scf.for %while3A_145 = %while3A_107 to %while3A_103 step %while3A_109  : i32 {
      %jit3A_146 = arith.constant 2 : i32
      %eq3A_147 = arith.constant 0 : i32
      %eq3A_148 = arith.cmpi eq, %jit3A_146, %eq3A_147 : i32
      %jit3A_149 = arith.constant 1 : i32
      %select_n3A_150 = arith.select %eq3A_148, %jit3A_149, %jit3A_146 : i32
      %rem3A = arith.remsi %while3A_145, %select_n3A_150 : i32
      %ne3A = arith.constant 0 : i32
      %ne3A_151 = arith.cmpi ne, %rem3A, %ne3A : i32
      %lt3A_152 = arith.constant 0 : i32
      %lt3A_153 = arith.cmpi slt, %rem3A, %lt3A_152 : i32
      %lt3A_154 = arith.constant 0 : i32
      %lt3A_155 = arith.cmpi slt, %select_n3A_150, %lt3A_154 : i32
      %ne3A_156 = arith.xori %lt3A_153, %lt3A_155 : i1
      %and3A = arith.andi %ne3A_156, %ne3A_151 : i1
      %add3A_157 = arith.addi %rem3A, %select_n3A_150 : i32
      %select_n3A_158 = arith.select %and3A, %add3A_157, %rem3A : i32
      %add3A_159 = arith.constant 1 : i32
      %add3A_160 = arith.addi %while3A_145, %add3A_159 : i32
      %jit3A_161 = arith.constant 2 : i32
      %eq3A_162 = arith.constant 0 : i32
      %eq3A_163 = arith.cmpi eq, %jit3A_161, %eq3A_162 : i32
      %jit3A_164 = arith.constant 1 : i32
      %select_n3A_165 = arith.select %eq3A_163, %jit3A_164, %jit3A_161 : i32
      %rem3A_166 = arith.remsi %add3A_160, %select_n3A_165 : i32
      %ne3A_167 = arith.constant 0 : i32
      %ne3A_168 = arith.cmpi ne, %rem3A_166, %ne3A_167 : i32
      %lt3A_169 = arith.constant 0 : i32
      %lt3A_170 = arith.cmpi slt, %rem3A_166, %lt3A_169 : i32
      %lt3A_171 = arith.constant 0 : i32
      %lt3A_172 = arith.cmpi slt, %select_n3A_165, %lt3A_171 : i32
      %ne3A_173 = arith.xori %lt3A_170, %lt3A_172 : i1
      %and3A_174 = arith.andi %ne3A_173, %ne3A_168 : i1
      %add3A_175 = arith.addi %rem3A_166, %select_n3A_165 : i32
      %select_n3A_176 = arith.select %and3A_174, %add3A_175, %rem3A_166 : i32
      %add3A_177 = arith.constant 1 : i32
      %add3A_178 = arith.addi %while3A_145, %add3A_177 : i32
      %lt3A_179 = arith.cmpi slt, %add3A_178, %select_n3A : i32
      %convert_element_type3A_180 = arith.extui %lt3A_179 : i1 to i32
      %cond3A_181 = arith.constant 0 : i32
      %cond3A_182 = arith.cmpi ne, %convert_element_type3A_180, %cond3A_181 : i32
      scf.if %cond3A_182 {
        %ge3A = arith.constant 1 : i32
        %ge3A_247 = arith.cmpi sge, %while3A_145, %ge3A : i32
        %convert_element_type3A_248 = arith.extui %ge3A_247 : i1 to i32
        %cond3A_249 = arith.constant 0 : i32
        %cond3A_250 = arith.cmpi ne, %convert_element_type3A_248, %cond3A_249 : i32
        scf.if %cond3A_250 {
          %sub3A_265 = arith.constant 1 : i32
          %sub3A_266 = arith.subi %while3A_145, %sub3A_265 : i32
          %dma_wait3A_267 = arith.constant 0 : i32
          %dma_wait3A_268 = arith.constant 0 : i32
          %dma_wait3A_269 = tpu.memref_slice %arg9[%select_n3A_176, %dma_wait3A_267, %dma_wait3A_268] : memref<2x128x64xf32, #tpu.memory_space<vmem>> -> memref<1x128x64xf32, #tpu.memory_space<vmem>>
          %dma_wait3A_270 = tpu.memref_squeeze %dma_wait3A_269 : memref<1x128x64xf32, #tpu.memory_space<vmem>> -> memref<128x64xf32, #tpu.memory_space<vmem>>
          %dma_wait3A_271 = arith.constant 0 : i32
          %dma_wait3A_272 = tpu.memref_slice %arg7[%sub3A_266, %dma_wait3A_271] : memref<80x128xi32, #tpu.memory_space<vmem>> -> memref<1x128xi32, #tpu.memory_space<vmem>>
          %dma_wait3A_273 = tpu.memref_squeeze %dma_wait3A_272 : memref<1x128xi32, #tpu.memory_space<vmem>> -> memref<128xi32, #tpu.memory_space<vmem>>
          %dma_wait3A_274 = arith.constant 0 : i32
          %dma_wait3A_275 = arith.constant 0 : i32
          %dma_wait3A_276 = tpu.memref_slice %arg11[%dma_wait3A_274, %dma_wait3A_275] : memref<10112x64xf32, #tpu.memory_space<vmem_shared>> -> memref<10112x64xf32, #tpu.memory_space<vmem_shared>>
          %dma_wait3A_277 = tpu.memref_slice %arg13[%select_n3A_176] : memref<2x!tpu.dma_semaphore, #tpu.memory_space<semaphore_mem>> -> memref<1x!tpu.dma_semaphore, #tpu.memory_space<semaphore_mem>>
          %dma_wait3A_278 = tpu.memref_squeeze %dma_wait3A_277 : memref<1x!tpu.dma_semaphore, #tpu.memory_space<semaphore_mem>> -> memref<!tpu.dma_semaphore, #tpu.memory_space<semaphore_mem>>
          tpu.wait_indirect_dma semaphore(%dma_wait3A_278 : memref<!tpu.dma_semaphore, #tpu.memory_space<semaphore_mem>>) src(%dma_wait3A_270 : memref<128x64xf32, #tpu.memory_space<vmem>>) dst(%dma_wait3A_276 : memref<10112x64xf32, #tpu.memory_space<vmem_shared>>)
        } else {
        }
        %add3A_251 = arith.constant 1 : i32
        %add3A_252 = arith.addi %while3A_145, %add3A_251 : i32
        %mul3A_253 = arith.constant 128 : i32
        %mul3A_254 = arith.muli %add3A_252, %mul3A_253 : i32
        %dma_start3A_255 = arith.constant 0 : i32
        %dma_start3A_256 = arith.constant 0 : i32
        %dma_start3A_257 = tpu.memref_slice %arg9[%select_n3A_176, %dma_start3A_255, %dma_start3A_256] : memref<2x128x64xf32, #tpu.memory_space<vmem>> -> memref<1x128x64xf32, #tpu.memory_space<vmem>>
        %dma_start3A_258 = tpu.memref_squeeze %dma_start3A_257 : memref<1x128x64xf32, #tpu.memory_space<vmem>> -> memref<128x64xf32, #tpu.memory_space<vmem>>
        %dma_start3A_259 = tpu.memref_slice %arg6[%mul3A_254] : memref<10240xi32, #tpu.memory_space<vmem>> -> memref<128xi32, #tpu.memory_space<vmem>>
        %dma_start3A_260 = arith.constant 0 : i32
        %dma_start3A_261 = arith.constant 0 : i32
        %dma_start3A_262 = tpu.memref_slice %arg10[%dma_start3A_260, %dma_start3A_261] : memref<10112x64xf32, #tpu.memory_space<vmem_shared>> -> memref<10112x64xf32, #tpu.memory_space<vmem_shared>>
        %dma_start3A_263 = tpu.memref_slice %arg12[%select_n3A_176] : memref<2x!tpu.dma_semaphore, #tpu.memory_space<semaphore_mem>> -> memref<1x!tpu.dma_semaphore, #tpu.memory_space<semaphore_mem>>
        %dma_start3A_264 = tpu.memref_squeeze %dma_start3A_263 : memref<1x!tpu.dma_semaphore, #tpu.memory_space<semaphore_mem>> -> memref<!tpu.dma_semaphore, #tpu.memory_space<semaphore_mem>>
        tpu.enqueue_indirect_dma source(%dma_start3A_262 : memref<10112x64xf32, #tpu.memory_space<vmem_shared>>) target(%dma_start3A_258 : memref<128x64xf32, #tpu.memory_space<vmem>>) offsets(%dma_start3A_259 : memref<128xi32, #tpu.memory_space<vmem>>) semaphore(%dma_start3A_264 : memref<!tpu.dma_semaphore, #tpu.memory_space<semaphore_mem>>)
      } else {
      }
      %add3A_183 = arith.constant 3 : i32
      %add3A_184 = arith.addi %while3A_145, %add3A_183 : i32
      %lt3A_185 = arith.cmpi slt, %add3A_184, %select_n3A : i32
      %convert_element_type3A_186 = arith.extui %lt3A_185 : i1 to i32
      %cond3A_187 = arith.constant 0 : i32
      %cond3A_188 = arith.cmpi ne, %convert_element_type3A_186, %cond3A_187 : i32
      scf.if %cond3A_188 {
        %add3A_247 = arith.constant 3 : i32
        %add3A_248 = arith.addi %while3A_145, %add3A_247 : i32
        %mul3A_249 = arith.constant 128 : i32
        %mul3A_250 = arith.muli %add3A_248, %mul3A_249 : i32
        %add3A_251 = arith.addi %mul3A_3, %mul3A_250 : i32
        %jit3A_252 = arith.constant 4 : i32
        %eq3A_253 = arith.constant 0 : i32
        %eq3A_254 = arith.cmpi eq, %jit3A_252, %eq3A_253 : i32
        %jit3A_255 = arith.constant 1 : i32
        %select_n3A_256 = arith.select %eq3A_254, %jit3A_255, %jit3A_252 : i32
        %rem3A_257 = arith.remsi %add3A_248, %select_n3A_256 : i32
        %ne3A_258 = arith.constant 0 : i32
        %ne3A_259 = arith.cmpi ne, %rem3A_257, %ne3A_258 : i32
        %lt3A_260 = arith.constant 0 : i32
        %lt3A_261 = arith.cmpi slt, %rem3A_257, %lt3A_260 : i32
        %lt3A_262 = arith.constant 0 : i32
        %lt3A_263 = arith.cmpi slt, %select_n3A_256, %lt3A_262 : i32
        %ne3A_264 = arith.xori %lt3A_261, %lt3A_263 : i1
        %and3A_265 = arith.andi %ne3A_264, %ne3A_259 : i1
        %add3A_266 = arith.addi %rem3A_257, %select_n3A_256 : i32
        %select_n3A_267 = arith.select %and3A_265, %add3A_266, %rem3A_257 : i32
        %dma_start3A_268 = arith.constant 1 : i32
        %dma_start3A_269 = arith.constant 0 : i32
        %dma_start3A_270 = tpu.memref_slice %arg7[%add3A_248, %dma_start3A_269] : memref<80x128xi32, #tpu.memory_space<vmem>> -> memref<1x128xi32, #tpu.memory_space<vmem>>
        %dma_start3A_271 = tpu.memref_squeeze %dma_start3A_270 : memref<1x128xi32, #tpu.memory_space<vmem>> -> memref<128xi32, #tpu.memory_space<vmem>>
        %dma_start3A_272 = tpu.memref_slice %arg2[%dma_start3A_268, %add3A_251] : memref<2x320000xi32, #tpu.memory_space<hbm>> -> memref<1x128xi32, #tpu.memory_space<hbm>>
        %dma_start3A_273 = tpu.memref_squeeze %dma_start3A_272 : memref<1x128xi32, #tpu.memory_space<hbm>> -> memref<128xi32, #tpu.memory_space<hbm>>
        %dma_start3A_274 = tpu.memref_slice %arg14[%select_n3A_267] : memref<4x!tpu.dma_semaphore, #tpu.memory_space<semaphore_mem>> -> memref<1x!tpu.dma_semaphore, #tpu.memory_space<semaphore_mem>>
        %dma_start3A_275 = tpu.memref_squeeze %dma_start3A_274 : memref<1x!tpu.dma_semaphore, #tpu.memory_space<semaphore_mem>> -> memref<!tpu.dma_semaphore, #tpu.memory_space<semaphore_mem>>
        %dma_start3A_276 = arith.constant 0 : i32
        %dma_start3A_277 = tpu.memref_slice %arg7[%add3A_248, %dma_start3A_276] : memref<80x128xi32, #tpu.memory_space<vmem>> -> memref<1x128xi32, #tpu.memory_space<vmem>>
        %dma_start3A_278 = tpu.memref_squeeze %dma_start3A_277 : memref<1x128xi32, #tpu.memory_space<vmem>> -> memref<128xi32, #tpu.memory_space<vmem>>
        %dma_start3A_279 = tpu.memref_slice %arg2[%dma_start3A_268, %add3A_251] : memref<2x320000xi32, #tpu.memory_space<hbm>> -> memref<1x128xi32, #tpu.memory_space<hbm>>
        %dma_start3A_280 = tpu.memref_squeeze %dma_start3A_279 : memref<1x128xi32, #tpu.memory_space<hbm>> -> memref<128xi32, #tpu.memory_space<hbm>>
        tpu.enqueue_dma source(%dma_start3A_280 : memref<128xi32, #tpu.memory_space<hbm>>) target(%dma_start3A_278 : memref<128xi32, #tpu.memory_space<vmem>>) target_semaphore(%dma_start3A_275 : memref<!tpu.dma_semaphore, #tpu.memory_space<semaphore_mem>>)
      } else {
      }
      %mul3A_189 = arith.constant 128 : i32
      %mul3A_190 = arith.muli %while3A_145, %mul3A_189 : i32
      %dma_wait3A_191 = arith.constant 0 : i32
      %dma_wait3A_192 = arith.constant 0 : i32
      %dma_wait3A_193 = tpu.memref_slice %arg9[%select_n3A_158, %dma_wait3A_191, %dma_wait3A_192] : memref<2x128x64xf32, #tpu.memory_space<vmem>> -> memref<1x128x64xf32, #tpu.memory_space<vmem>>
      %dma_wait3A_194 = tpu.memref_squeeze %dma_wait3A_193 : memref<1x128x64xf32, #tpu.memory_space<vmem>> -> memref<128x64xf32, #tpu.memory_space<vmem>>
      %dma_wait3A_195 = tpu.memref_slice %arg6[%mul3A_190] : memref<10240xi32, #tpu.memory_space<vmem>> -> memref<128xi32, #tpu.memory_space<vmem>>
      %dma_wait3A_196 = arith.constant 0 : i32
      %dma_wait3A_197 = arith.constant 0 : i32
      %dma_wait3A_198 = tpu.memref_slice %arg10[%dma_wait3A_196, %dma_wait3A_197] : memref<10112x64xf32, #tpu.memory_space<vmem_shared>> -> memref<10112x64xf32, #tpu.memory_space<vmem_shared>>
      %dma_wait3A_199 = tpu.memref_slice %arg12[%select_n3A_158] : memref<2x!tpu.dma_semaphore, #tpu.memory_space<semaphore_mem>> -> memref<1x!tpu.dma_semaphore, #tpu.memory_space<semaphore_mem>>
      %dma_wait3A_200 = tpu.memref_squeeze %dma_wait3A_199 : memref<1x!tpu.dma_semaphore, #tpu.memory_space<semaphore_mem>> -> memref<!tpu.dma_semaphore, #tpu.memory_space<semaphore_mem>>
      tpu.wait_indirect_dma semaphore(%dma_wait3A_200 : memref<!tpu.dma_semaphore, #tpu.memory_space<semaphore_mem>>) src(%dma_wait3A_198 : memref<10112x64xf32, #tpu.memory_space<vmem_shared>>) dst(%dma_wait3A_194 : memref<128x64xf32, #tpu.memory_space<vmem>>)
      %parallel_loop3A = arith.constant 0 : i32
      %parallel_loop3A_201 = arith.constant 128 : i32
      %parallel_loop3A_202 = arith.constant 1 : i32
      scf.for %parallel_loop3A_247 = %parallel_loop3A to %parallel_loop3A_201 step %parallel_loop3A_202  : i32 {
        %parallel_loop3A_248 = arith.constant 128 : i32
        %parallel_loop3A_249 = arith.muli %while3A_145, %parallel_loop3A_248 : i32
        %parallel_loop3A_250 = arith.addi %parallel_loop3A_249, %parallel_loop3A_247 : i32
        %parallel_loop3A_251 = arith.index_cast %parallel_loop3A_250 : i32 to index
        %parallel_loop3A_252 = tpu.vector_load %arg8[%parallel_loop3A_251] {strides = array<i32>} : memref<10256xf32, #tpu.memory_space<vmem>>, vector<16xf32>,
        %parallel_loop3A_253 = vector.shape_cast %parallel_loop3A_252 : vector<16xf32> to vector<16xf32>
        %parallel_loop3A_254 = vector.extract_strided_slice %parallel_loop3A_253 {offsets = [0], sizes = [1], strides = [1]} : vector<16xf32> to vector<1xf32>
        %parallel_loop3A_255 = vector.extract %parallel_loop3A_254[0] : f32 from vector<1xf32>
        %parallel_loop3A_256 = vector.broadcast %parallel_loop3A_255 : f32 to vector<16xf32>
        %parallel_loop3A_257 = arith.index_cast %select_n3A_158 : i32 to index
        %parallel_loop3A_258 = arith.index_cast %parallel_loop3A_247 : i32 to index
        %parallel_loop3A_259 = arith.constant 0 : index
        %parallel_loop3A_260 = tpu.vector_load %arg9[%parallel_loop3A_257, %parallel_loop3A_258, %parallel_loop3A_259] {strides = array<i32>} : memref<2x128x64xf32, #tpu.memory_space<vmem>>, vector<1x1x16xf32>,
        %parallel_loop3A_261 = vector.shape_cast %parallel_loop3A_260 : vector<1x1x16xf32> to vector<16xf32>
        %parallel_loop3A_262 = arith.mulf %parallel_loop3A_261, %parallel_loop3A_256 : vector<16xf32>
        %parallel_loop3A_263 = arith.index_cast %select_n3A_158 : i32 to index
        %parallel_loop3A_264 = arith.index_cast %parallel_loop3A_247 : i32 to index
        %parallel_loop3A_265 = arith.constant 0 : index
        %parallel_loop3A_266 = tpu.vector_load %arg9[%parallel_loop3A_263, %parallel_loop3A_264, %parallel_loop3A_265] {strides = array<i32>} : memref<2x128x64xf32, #tpu.memory_space<vmem>>, vector<1x1x16xf32>,
        %parallel_loop3A_267 = vector.shape_cast %parallel_loop3A_266 : vector<1x1x16xf32> to vector<16xf32>
        %parallel_loop3A_268 = vector.shape_cast %parallel_loop3A_262 : vector<16xf32> to vector<1x1x16xf32>
        tpu.vector_store %arg9[%parallel_loop3A_263, %parallel_loop3A_264, %parallel_loop3A_265], %parallel_loop3A_268 {strides = array<i32>} : memref<2x128x64xf32, #tpu.memory_space<vmem>>, vector<1x1x16xf32>,
        %parallel_loop3A_269 = arith.index_cast %select_n3A_158 : i32 to index
        %parallel_loop3A_270 = arith.index_cast %parallel_loop3A_247 : i32 to index
        %parallel_loop3A_271 = arith.constant 16 : index
        %parallel_loop3A_272 = tpu.vector_load %arg9[%parallel_loop3A_269, %parallel_loop3A_270, %parallel_loop3A_271] {strides = array<i32>} : memref<2x128x64xf32, #tpu.memory_space<vmem>>, vector<1x1x16xf32>,
        %parallel_loop3A_273 = vector.shape_cast %parallel_loop3A_272 : vector<1x1x16xf32> to vector<16xf32>
        %parallel_loop3A_274 = arith.mulf %parallel_loop3A_273, %parallel_loop3A_256 : vector<16xf32>
        %parallel_loop3A_275 = arith.index_cast %select_n3A_158 : i32 to index
        %parallel_loop3A_276 = arith.index_cast %parallel_loop3A_247 : i32 to index
        %parallel_loop3A_277 = arith.constant 16 : index
        %parallel_loop3A_278 = tpu.vector_load %arg9[%parallel_loop3A_275, %parallel_loop3A_276, %parallel_loop3A_277] {strides = array<i32>} : memref<2x128x64xf32, #tpu.memory_space<vmem>>, vector<1x1x16xf32>,
        %parallel_loop3A_279 = vector.shape_cast %parallel_loop3A_278 : vector<1x1x16xf32> to vector<16xf32>
        %parallel_loop3A_280 = vector.shape_cast %parallel_loop3A_274 : vector<16xf32> to vector<1x1x16xf32>
        tpu.vector_store %arg9[%parallel_loop3A_275, %parallel_loop3A_276, %parallel_loop3A_277], %parallel_loop3A_280 {strides = array<i32>} : memref<2x128x64xf32, #tpu.memory_space<vmem>>, vector<1x1x16xf32>,
        %parallel_loop3A_281 = arith.index_cast %select_n3A_158 : i32 to index
        %parallel_loop3A_282 = arith.index_cast %parallel_loop3A_247 : i32 to index
        %parallel_loop3A_283 = arith.constant 32 : index
        %parallel_loop3A_284 = tpu.vector_load %arg9[%parallel_loop3A_281, %parallel_loop3A_282, %parallel_loop3A_283] {strides = array<i32>} : memref<2x128x64xf32, #tpu.memory_space<vmem>>, vector<1x1x16xf32>,
        %parallel_loop3A_285 = vector.shape_cast %parallel_loop3A_284 : vector<1x1x16xf32> to vector<16xf32>
        %parallel_loop3A_286 = arith.mulf %parallel_loop3A_285, %parallel_loop3A_256 : vector<16xf32>
        %parallel_loop3A_287 = arith.index_cast %select_n3A_158 : i32 to index
        %parallel_loop3A_288 = arith.index_cast %parallel_loop3A_247 : i32 to index
        %parallel_loop3A_289 = arith.constant 32 : index
        %parallel_loop3A_290 = tpu.vector_load %arg9[%parallel_loop3A_287, %parallel_loop3A_288, %parallel_loop3A_289] {strides = array<i32>} : memref<2x128x64xf32, #tpu.memory_space<vmem>>, vector<1x1x16xf32>,
        %parallel_loop3A_291 = vector.shape_cast %parallel_loop3A_290 : vector<1x1x16xf32> to vector<16xf32>
        %parallel_loop3A_292 = vector.shape_cast %parallel_loop3A_286 : vector<16xf32> to vector<1x1x16xf32>
        tpu.vector_store %arg9[%parallel_loop3A_287, %parallel_loop3A_288, %parallel_loop3A_289], %parallel_loop3A_292 {strides = array<i32>} : memref<2x128x64xf32, #tpu.memory_space<vmem>>, vector<1x1x16xf32>,
        %parallel_loop3A_293 = arith.index_cast %select_n3A_158 : i32 to index
        %parallel_loop3A_294 = arith.index_cast %parallel_loop3A_247 : i32 to index
        %parallel_loop3A_295 = arith.constant 48 : index
        %parallel_loop3A_296 = tpu.vector_load %arg9[%parallel_loop3A_293, %parallel_loop3A_294, %parallel_loop3A_295] {strides = array<i32>} : memref<2x128x64xf32, #tpu.memory_space<vmem>>, vector<1x1x16xf32>,
        %parallel_loop3A_297 = vector.shape_cast %parallel_loop3A_296 : vector<1x1x16xf32> to vector<16xf32>
        %parallel_loop3A_298 = arith.mulf %parallel_loop3A_297, %parallel_loop3A_256 : vector<16xf32>
        %parallel_loop3A_299 = arith.index_cast %select_n3A_158 : i32 to index
        %parallel_loop3A_300 = arith.index_cast %parallel_loop3A_247 : i32 to index
        %parallel_loop3A_301 = arith.constant 48 : index
        %parallel_loop3A_302 = tpu.vector_load %arg9[%parallel_loop3A_299, %parallel_loop3A_300, %parallel_loop3A_301] {strides = array<i32>} : memref<2x128x64xf32, #tpu.memory_space<vmem>>, vector<1x1x16xf32>,
        %parallel_loop3A_303 = vector.shape_cast %parallel_loop3A_302 : vector<1x1x16xf32> to vector<16xf32>
        %parallel_loop3A_304 = vector.shape_cast %parallel_loop3A_298 : vector<16xf32> to vector<1x1x16xf32>
        tpu.vector_store %arg9[%parallel_loop3A_299, %parallel_loop3A_300, %parallel_loop3A_301], %parallel_loop3A_304 {strides = array<i32>} : memref<2x128x64xf32, #tpu.memory_space<vmem>>, vector<1x1x16xf32>,
      } {sc.loop_unroll_factor = 8 : i64, sc.parallel_access}
      %mul3A_203 = arith.constant 128 : i32
      %mul3A_204 = arith.muli %while3A_145, %mul3A_203 : i32
      %add3A_205 = arith.addi %mul3A_3, %mul3A_204 : i32
      %jit3A_206 = arith.constant 4 : i32
      %eq3A_207 = arith.constant 0 : i32
      %eq3A_208 = arith.cmpi eq, %jit3A_206, %eq3A_207 : i32
      %jit3A_209 = arith.constant 1 : i32
      %select_n3A_210 = arith.select %eq3A_208, %jit3A_209, %jit3A_206 : i32
      %rem3A_211 = arith.remsi %while3A_145, %select_n3A_210 : i32
      %ne3A_212 = arith.constant 0 : i32
      %ne3A_213 = arith.cmpi ne, %rem3A_211, %ne3A_212 : i32
      %lt3A_214 = arith.constant 0 : i32
      %lt3A_215 = arith.cmpi slt, %rem3A_211, %lt3A_214 : i32
      %lt3A_216 = arith.constant 0 : i32
      %lt3A_217 = arith.cmpi slt, %select_n3A_210, %lt3A_216 : i32
      %ne3A_218 = arith.xori %lt3A_215, %lt3A_217 : i1
      %and3A_219 = arith.andi %ne3A_218, %ne3A_213 : i1
      %add3A_220 = arith.addi %rem3A_211, %select_n3A_210 : i32
      %select_n3A_221 = arith.select %and3A_219, %add3A_220, %rem3A_211 : i32
      %dma_wait3A_222 = arith.constant 1 : i32
      %dma_wait3A_223 = arith.constant 0 : i32
      %dma_wait3A_224 = tpu.memref_slice %arg7[%while3A_145, %dma_wait3A_223] : memref<80x128xi32, #tpu.memory_space<vmem>> -> memref<1x128xi32, #tpu.memory_space<vmem>>
      %dma_wait3A_225 = tpu.memref_squeeze %dma_wait3A_224 : memref<1x128xi32, #tpu.memory_space<vmem>> -> memref<128xi32, #tpu.memory_space<vmem>>
      %dma_wait3A_226 = tpu.memref_slice %arg2[%dma_wait3A_222, %add3A_205] : memref<2x320000xi32, #tpu.memory_space<hbm>> -> memref<1x128xi32, #tpu.memory_space<hbm>>
      %dma_wait3A_227 = tpu.memref_squeeze %dma_wait3A_226 : memref<1x128xi32, #tpu.memory_space<hbm>> -> memref<128xi32, #tpu.memory_space<hbm>>
      %dma_wait3A_228 = tpu.memref_slice %arg14[%select_n3A_221] : memref<4x!tpu.dma_semaphore, #tpu.memory_space<semaphore_mem>> -> memref<1x!tpu.dma_semaphore, #tpu.memory_space<semaphore_mem>>
      %dma_wait3A_229 = tpu.memref_squeeze %dma_wait3A_228 : memref<1x!tpu.dma_semaphore, #tpu.memory_space<semaphore_mem>> -> memref<!tpu.dma_semaphore, #tpu.memory_space<semaphore_mem>>
      %dma_wait3A_230 = arith.constant 0 : i32
      %dma_wait3A_231 = tpu.memref_slice %arg7[%while3A_145, %dma_wait3A_230] : memref<80x128xi32, #tpu.memory_space<vmem>> -> memref<1x128xi32, #tpu.memory_space<vmem>>
      %dma_wait3A_232 = tpu.memref_squeeze %dma_wait3A_231 : memref<1x128xi32, #tpu.memory_space<vmem>> -> memref<128xi32, #tpu.memory_space<vmem>>
      %dma_wait3A_233 = tpu.memref_slice %arg2[%dma_wait3A_222, %add3A_205] : memref<2x320000xi32, #tpu.memory_space<hbm>> -> memref<1x128xi32, #tpu.memory_space<hbm>>
      %dma_wait3A_234 = tpu.memref_squeeze %dma_wait3A_233 : memref<1x128xi32, #tpu.memory_space<hbm>> -> memref<128xi32, #tpu.memory_space<hbm>>
      tpu.wait_dma2 semaphore(%dma_wait3A_229 : memref<!tpu.dma_semaphore, #tpu.memory_space<semaphore_mem>>) src(%dma_wait3A_234 : memref<128xi32, #tpu.memory_space<hbm>>) dst(%dma_wait3A_232 : memref<128xi32, #tpu.memory_space<vmem>>)
      %dma_start3A_235 = arith.constant 0 : i32
      %dma_start3A_236 = arith.constant 0 : i32
      %dma_start3A_237 = tpu.memref_slice %arg9[%select_n3A_158, %dma_start3A_235, %dma_start3A_236] : memref<2x128x64xf32, #tpu.memory_space<vmem>> -> memref<1x128x64xf32, #tpu.memory_space<vmem>>
      %dma_start3A_238 = tpu.memref_squeeze %dma_start3A_237 : memref<1x128x64xf32, #tpu.memory_space<vmem>> -> memref<128x64xf32, #tpu.memory_space<vmem>>
      %dma_start3A_239 = arith.constant 0 : i32
      %dma_start3A_240 = tpu.memref_slice %arg7[%while3A_145, %dma_start3A_239] : memref<80x128xi32, #tpu.memory_space<vmem>> -> memref<1x128xi32, #tpu.memory_space<vmem>>
      %dma_start3A_241 = tpu.memref_squeeze %dma_start3A_240 : memref<1x128xi32, #tpu.memory_space<vmem>> -> memref<128xi32, #tpu.memory_space<vmem>>
      %dma_start3A_242 = arith.constant 0 : i32
      %dma_start3A_243 = arith.constant 0 : i32
      %dma_start3A_244 = tpu.memref_slice %arg11[%dma_start3A_242, %dma_start3A_243] : memref<10112x64xf32, #tpu.memory_space<vmem_shared>> -> memref<10112x64xf32, #tpu.memory_space<vmem_shared>>
      %dma_start3A_245 = tpu.memref_slice %arg13[%select_n3A_158] : memref<2x!tpu.dma_semaphore, #tpu.memory_space<semaphore_mem>> -> memref<1x!tpu.dma_semaphore, #tpu.memory_space<semaphore_mem>>
      %dma_start3A_246 = tpu.memref_squeeze %dma_start3A_245 : memref<1x!tpu.dma_semaphore, #tpu.memory_space<semaphore_mem>> -> memref<!tpu.dma_semaphore, #tpu.memory_space<semaphore_mem>>
      tpu.enqueue_indirect_dma source(%dma_start3A_238 : memref<128x64xf32, #tpu.memory_space<vmem>>) target(%dma_start3A_244 : memref<10112x64xf32, #tpu.memory_space<vmem_shared>>) offsets(%dma_start3A_241 : memref<128xi32, #tpu.memory_space<vmem>>) semaphore(%dma_start3A_246 : memref<!tpu.dma_semaphore, #tpu.memory_space<semaphore_mem>>) {add = true}
    }
    %sub3A = arith.constant 2 : i32
    %sub3A_110 = arith.subi %select_n3A, %sub3A : i32
    %dma_wait3A = arith.constant 0 : i32
    %dma_wait3A_111 = arith.constant 0 : i32
    %dma_wait3A_112 = arith.constant 0 : i32
    %dma_wait3A_113 = arith.constant 0 : i32
    %dma_wait3A_114 = tpu.memref_slice %arg9[%dma_wait3A, %dma_wait3A_112, %dma_wait3A_113] : memref<2x128x64xf32, #tpu.memory_space<vmem>> -> memref<1x128x64xf32, #tpu.memory_space<vmem>>
    %dma_wait3A_115 = tpu.memref_squeeze %dma_wait3A_114 : memref<1x128x64xf32, #tpu.memory_space<vmem>> -> memref<128x64xf32, #tpu.memory_space<vmem>>
    %dma_wait3A_116 = arith.constant 0 : i32
    %dma_wait3A_117 = tpu.memref_slice %arg7[%sub3A_110, %dma_wait3A_116] : memref<80x128xi32, #tpu.memory_space<vmem>> -> memref<1x128xi32, #tpu.memory_space<vmem>>
    %dma_wait3A_118 = tpu.memref_squeeze %dma_wait3A_117 : memref<1x128xi32, #tpu.memory_space<vmem>> -> memref<128xi32, #tpu.memory_space<vmem>>
    %dma_wait3A_119 = arith.constant 0 : i32
    %dma_wait3A_120 = arith.constant 0 : i32
    %dma_wait3A_121 = tpu.memref_slice %arg11[%dma_wait3A_119, %dma_wait3A_120] : memref<10112x64xf32, #tpu.memory_space<vmem_shared>> -> memref<10112x64xf32, #tpu.memory_space<vmem_shared>>
    %dma_wait3A_122 = tpu.memref_slice %arg13[%dma_wait3A_111] : memref<2x!tpu.dma_semaphore, #tpu.memory_space<semaphore_mem>> -> memref<1x!tpu.dma_semaphore, #tpu.memory_space<semaphore_mem>>
    %dma_wait3A_123 = tpu.memref_squeeze %dma_wait3A_122 : memref<1x!tpu.dma_semaphore, #tpu.memory_space<semaphore_mem>> -> memref<!tpu.dma_semaphore, #tpu.memory_space<semaphore_mem>>
    tpu.wait_indirect_dma semaphore(%dma_wait3A_123 : memref<!tpu.dma_semaphore, #tpu.memory_space<semaphore_mem>>) src(%dma_wait3A_115 : memref<128x64xf32, #tpu.memory_space<vmem>>) dst(%dma_wait3A_121 : memref<10112x64xf32, #tpu.memory_space<vmem_shared>>)
    %sub3A_124 = arith.constant 1 : i32
    %sub3A_125 = arith.subi %select_n3A, %sub3A_124 : i32
    %dma_wait3A_126 = arith.constant 1 : i32
    %dma_wait3A_127 = arith.constant 1 : i32
    %dma_wait3A_128 = arith.constant 0 : i32
    %dma_wait3A_129 = arith.constant 0 : i32
    %dma_wait3A_130 = tpu.memref_slice %arg9[%dma_wait3A_126, %dma_wait3A_128, %dma_wait3A_129] : memref<2x128x64xf32, #tpu.memory_space<vmem>> -> memref<1x128x64xf32, #tpu.memory_space<vmem>>
    %dma_wait3A_131 = tpu.memref_squeeze %dma_wait3A_130 : memref<1x128x64xf32, #tpu.memory_space<vmem>> -> memref<128x64xf32, #tpu.memory_space<vmem>>
    %dma_wait3A_132 = arith.constant 0 : i32
    %dma_wait3A_133 = tpu.memref_slice %arg7[%sub3A_125, %dma_wait3A_132] : memref<80x128xi32, #tpu.memory_space<vmem>> -> memref<1x128xi32, #tpu.memory_space<vmem>>
    %dma_wait3A_134 = tpu.memref_squeeze %dma_wait3A_133 : memref<1x128xi32, #tpu.memory_space<vmem>> -> memref<128xi32, #tpu.memory_space<vmem>>
    %dma_wait3A_135 = arith.constant 0 : i32
    %dma_wait3A_136 = arith.constant 0 : i32
    %dma_wait3A_137 = tpu.memref_slice %arg11[%dma_wait3A_135, %dma_wait3A_136] : memref<10112x64xf32, #tpu.memory_space<vmem_shared>> -> memref<10112x64xf32, #tpu.memory_space<vmem_shared>>
    %dma_wait3A_138 = tpu.memref_slice %arg13[%dma_wait3A_127] : memref<2x!tpu.dma_semaphore, #tpu.memory_space<semaphore_mem>> -> memref<1x!tpu.dma_semaphore, #tpu.memory_space<semaphore_mem>>
    %dma_wait3A_139 = tpu.memref_squeeze %dma_wait3A_138 : memref<1x!tpu.dma_semaphore, #tpu.memory_space<semaphore_mem>> -> memref<!tpu.dma_semaphore, #tpu.memory_space<semaphore_mem>>
    tpu.wait_indirect_dma semaphore(%dma_wait3A_139 : memref<!tpu.dma_semaphore, #tpu.memory_space<semaphore_mem>>) src(%dma_wait3A_131 : memref<128x64xf32, #tpu.memory_space<vmem>>) dst(%dma_wait3A_137 : memref<10112x64xf32, #tpu.memory_space<vmem_shared>>)
    %barrier3A_140 = arith.constant 0 : index
    tpu.barrier barrier_id(%barrier3A_140)
    %mul3A_141 = arith.constant 632 : i32
    %mul3A_142 = arith.muli %arg1, %mul3A_141 : i32
    %mul3A_143 = arith.constant 632 : i32
    %mul3A_144 = arith.muli %arg1, %mul3A_143 : i32
    "tpu.region"() ({
      %run_scoped3A_145 = tpu.sem_alloc : memref<!tpu.dma_semaphore, #tpu.memory_space<semaphore_mem>>
      %dma_start3A_146 = arith.constant 0 : i32
      %dma_start3A_147 = tpu.memref_slice %arg5[%arg0, %mul3A_144, %dma_start3A_146] : memref<2x10112x64xf32, #tpu.memory_space<hbm>> -> memref<1x632x64xf32, #tpu.memory_space<hbm>>
      %dma_start3A_148 = tpu.memref_squeeze %dma_start3A_147 : memref<1x632x64xf32, #tpu.memory_space<hbm>> -> memref<632x64xf32, #tpu.memory_space<hbm>>
      %dma_start3A_149 = arith.constant 0 : i32
      %dma_start3A_150 = tpu.memref_slice %arg11[%mul3A_142, %dma_start3A_149] : memref<10112x64xf32, #tpu.memory_space<vmem_shared>> -> memref<632x64xf32, #tpu.memory_space<vmem_shared>>
      tpu.enqueue_dma source(%dma_start3A_150 : memref<632x64xf32, #tpu.memory_space<vmem_shared>>) target(%dma_start3A_148 : memref<632x64xf32, #tpu.memory_space<hbm>>) target_semaphore(%run_scoped3A_145 : memref<!tpu.dma_semaphore, #tpu.memory_space<semaphore_mem>>)
      %dma_wait3A_151 = arith.constant 0 : i32
      %dma_wait3A_152 = tpu.memref_slice %arg5[%arg0, %mul3A_144, %dma_wait3A_151] : memref<2x10112x64xf32, #tpu.memory_space<hbm>> -> memref<1x632x64xf32, #tpu.memory_space<hbm>>
      %dma_wait3A_153 = tpu.memref_squeeze %dma_wait3A_152 : memref<1x632x64xf32, #tpu.memory_space<hbm>> -> memref<632x64xf32, #tpu.memory_space<hbm>>
      %dma_wait3A_154 = arith.constant 0 : i32
      %dma_wait3A_155 = tpu.memref_slice %arg11[%mul3A_142, %dma_wait3A_154] : memref<10112x64xf32, #tpu.memory_space<vmem_shared>> -> memref<632x64xf32, #tpu.memory_space<vmem_shared>>
      tpu.wait_dma2 semaphore(%run_scoped3A_145 : memref<!tpu.dma_semaphore, #tpu.memory_space<semaphore_mem>>) src(%dma_wait3A_155 : memref<632x64xf32, #tpu.memory_space<vmem_shared>>) dst(%dma_wait3A_153 : memref<632x64xf32, #tpu.memory_space<hbm>>)
      tpu.yield
    }) : () -> ()
    return
  }
}

module attributes {stable_mosaic.version = 14 : i64} {
  func.func @_tc1a_body(%arg0: memref<10000x128xf32, #tpu.memory_space<vmem>>, %arg1: memref<128x64xf32, #tpu.memory_space<vmem>>, %arg2: memref<10000x64xf32, #tpu.memory_space<vmem>>) attributes {dimension_semantics = [], scalar_prefetch = 0 : i64, scratch_operands = 0 : i64, tpu.core_type = #tpu.core_type<tc>} {
    %get3A = arith.constant 0 : index
    %get3A_0 = arith.constant 0 : index
    %get3A_1 = vector.load %arg0[%get3A, %get3A_0] : memref<10000x128xf32, #tpu.memory_space<vmem>>, vector<10000x128xf32>
    %get3A_2 = arith.constant 0 : index
    %get3A_3 = arith.constant 0 : index
    %get3A_4 = vector.load %arg1[%get3A_2, %get3A_3] : memref<128x64xf32, #tpu.memory_space<vmem>>, vector<128x64xf32>
    %dot_general3A = arith.constant dense<0.000000e+00> : vector<10000x64xf32>
    %dot_general3A_5 = tpu.matmul %get3A_1, %get3A_4, %dot_general3A {dimension_numbers = #tpu.dot_dimension_numbers<[1], [0], [0], [1], [0, 0, 1, 1], [], []>, transpose_lhs_hint = false} : vector<10000x128xf32>, vector<128x64xf32>, vector<10000x64xf32> -> vector<10000x64xf32>
    %swap3A = arith.constant 0 : index
    %swap3A_6 = arith.constant 0 : index
    %swap3A_7 = vector.load %arg2[%swap3A, %swap3A_6] : memref<10000x64xf32, #tpu.memory_space<vmem>>, vector<10000x64xf32>
    tpu.vector_store %arg2[%swap3A, %swap3A_6], %dot_general3A_5 {strides = array<i32>} : memref<10000x64xf32, #tpu.memory_space<vmem>>, vector<10000x64xf32>,
    return
  }
}

module attributes {stable_mosaic.version = 14 : i64} {
  func.func @_tc1b_body(%arg0: memref<2x10112x16xf32, #tpu.memory_space<vmem>>, %arg1: memref<10000x64xf32, #tpu.memory_space<vmem>>, %arg2: memref<10112x64xf32, #tpu.memory_space<vmem>>, %arg3: memref<10112x8xf32, #tpu.memory_space<vmem>>) attributes {dimension_semantics = [], scalar_prefetch = 0 : i64, scratch_operands = 0 : i64, tpu.core_type = #tpu.core_type<tc>} {
    %get3A = arith.constant 0 : index
    %get3A_0 = arith.constant 0 : index
    %get3A_1 = arith.constant 0 : index
    %get3A_2 = vector.load %arg0[%get3A, %get3A_0, %get3A_1] : memref<2x10112x16xf32, #tpu.memory_space<vmem>>, vector<1x10000x16xf32>
    %get3A_3 = vector.shape_cast %get3A_2 : vector<1x10000x16xf32> to vector<10000x16xf32>
    %get3A_4 = arith.constant 1 : index
    %get3A_5 = arith.constant 0 : index
    %get3A_6 = arith.constant 0 : index
    %get3A_7 = vector.load %arg0[%get3A_4, %get3A_5, %get3A_6] : memref<2x10112x16xf32, #tpu.memory_space<vmem>>, vector<1x10000x16xf32>
    %get3A_8 = vector.shape_cast %get3A_7 : vector<1x10000x16xf32> to vector<10000x16xf32>
    %add3A = arith.addf %get3A_3, %get3A_8 : vector<10000x16xf32>
    %slice3A = vector.extract_strided_slice %add3A {offsets = [0, 0], sizes = [10000, 1], strides = [1, 1]} : vector<10000x16xf32> to vector<10000x1xf32>
    %slice3A_9 = vector.extract_strided_slice %add3A {offsets = [0, 1], sizes = [10000, 1], strides = [1, 1]} : vector<10000x16xf32> to vector<10000x1xf32>
    %gt3A = arith.constant 0.000000e+00 : f32
    %gt3A_10 = vector.broadcast %gt3A : f32 to vector<10000x1xf32>
    %gt3A_11 = arith.cmpf ogt, %slice3A, %gt3A_10 : vector<10000x1xf32>
    %gt3A_12 = arith.constant 0.000000e+00 : f32
    %gt3A_13 = vector.broadcast %gt3A_12 : f32 to vector<10000x1xf32>
    %gt3A_14 = arith.cmpf ogt, %slice3A, %gt3A_13 : vector<10000x1xf32>
    %jit3A = arith.constant 1.000000e+00 : f32
    %broadcast_in_dim3A = vector.broadcast %jit3A : f32 to vector<10000x1xf32>
    %select_n3A = arith.select %gt3A_14, %slice3A, %broadcast_in_dim3A : vector<10000x1xi1>, vector<10000x1xf32>
    %rsqrt3A = math.rsqrt %select_n3A : vector<10000x1xf32>
    %jit3A_15 = arith.constant 0.000000e+00 : f32
    %broadcast_in_dim3A_16 = vector.broadcast %jit3A_15 : f32 to vector<10000x1xf32>
    %select_n3A_17 = arith.select %gt3A_11, %rsqrt3A, %broadcast_in_dim3A_16 : vector<10000x1xi1>, vector<10000x1xf32>
    %gt3A_18 = arith.constant 0.000000e+00 : f32
    %gt3A_19 = vector.broadcast %gt3A_18 : f32 to vector<10000x1xf32>
    %gt3A_20 = arith.cmpf ogt, %slice3A_9, %gt3A_19 : vector<10000x1xf32>
    %gt3A_21 = arith.constant 0.000000e+00 : f32
    %gt3A_22 = vector.broadcast %gt3A_21 : f32 to vector<10000x1xf32>
    %gt3A_23 = arith.cmpf ogt, %slice3A_9, %gt3A_22 : vector<10000x1xf32>
    %jit3A_24 = arith.constant 1.000000e+00 : f32
    %broadcast_in_dim3A_25 = vector.broadcast %jit3A_24 : f32 to vector<10000x1xf32>
    %select_n3A_26 = arith.select %gt3A_23, %slice3A_9, %broadcast_in_dim3A_25 : vector<10000x1xi1>, vector<10000x1xf32>
    %rsqrt3A_27 = math.rsqrt %select_n3A_26 : vector<10000x1xf32>
    %jit3A_28 = arith.constant 0.000000e+00 : f32
    %broadcast_in_dim3A_29 = vector.broadcast %jit3A_28 : f32 to vector<10000x1xf32>
    %select_n3A_30 = arith.select %gt3A_20, %rsqrt3A_27, %broadcast_in_dim3A_29 : vector<10000x1xi1>, vector<10000x1xf32>
    %get3A_31 = arith.constant 0 : index
    %get3A_32 = arith.constant 0 : index
    %get3A_33 = vector.load %arg1[%get3A_31, %get3A_32] : memref<10000x64xf32, #tpu.memory_space<vmem>>, vector<10000x64xf32>
    %mul3A = vector.broadcast %select_n3A_17 : vector<10000x1xf32> to vector<10000x64xf32>
    %mul3A_34 = arith.mulf %get3A_33, %mul3A : vector<10000x64xf32>
    %swap3A = arith.constant 0 : index
    %swap3A_35 = arith.constant 0 : index
    %swap3A_36 = vector.load %arg2[%swap3A, %swap3A_35] : memref<10112x64xf32, #tpu.memory_space<vmem>>, vector<10000x64xf32>
    tpu.vector_store %arg2[%swap3A, %swap3A_35], %mul3A_34 {strides = array<i32>} : memref<10112x64xf32, #tpu.memory_space<vmem>>, vector<10000x64xf32>,
    %broadcast_in_dim3A_37 = arith.constant 0.000000e+00 : f32
    %broadcast_in_dim3A_38 = vector.broadcast %broadcast_in_dim3A_37 : f32 to vector<10000x1xf32>
    %concatenate3A = tpu.concatenate %select_n3A_17, %select_n3A_30, %broadcast_in_dim3A_38, %broadcast_in_dim3A_38, %broadcast_in_dim3A_38, %broadcast_in_dim3A_38, %broadcast_in_dim3A_38, %broadcast_in_dim3A_38 in 1 : vector<10000x1xf32>, vector<10000x1xf32>, vector<10000x1xf32>, vector<10000x1xf32>, vector<10000x1xf32>, vector<10000x1xf32>, vector<10000x1xf32>, vector<10000x1xf32> -> vector<10000x8xf32>
    %swap3A_39 = arith.constant 0 : index
    %swap3A_40 = arith.constant 0 : index
    %swap3A_41 = vector.load %arg3[%swap3A_39, %swap3A_40] : memref<10112x8xf32, #tpu.memory_space<vmem>>, vector<10000x8xf32>
    tpu.vector_store %arg3[%swap3A_39, %swap3A_40], %concatenate3A {strides = array<i32>} : memref<10112x8xf32, #tpu.memory_space<vmem>>, vector<10000x8xf32>,
    return
  }
}

module attributes {stable_mosaic.version = 14 : i64} {
  func.func @_tc2_body(%arg0: memref<2x10112x64xf32, #tpu.memory_space<vmem>>, %arg1: memref<10112x8xf32, #tpu.memory_space<vmem>>, %arg2: memref<1x64xf32, #tpu.memory_space<vmem>>, %arg3: memref<10112x64xf32, #tpu.memory_space<vmem>>) attributes {dimension_semantics = [], scalar_prefetch = 0 : i64, scratch_operands = 0 : i64, tpu.core_type = #tpu.core_type<tc>} {
    %get3A = arith.constant 0 : index
    %get3A_0 = arith.constant 0 : index
    %get3A_1 = arith.constant 0 : index
    %get3A_2 = vector.load %arg0[%get3A, %get3A_0, %get3A_1] : memref<2x10112x64xf32, #tpu.memory_space<vmem>>, vector<1x10112x64xf32>
    %get3A_3 = vector.shape_cast %get3A_2 : vector<1x10112x64xf32> to vector<10112x64xf32>
    %get3A_4 = arith.constant 1 : index
    %get3A_5 = arith.constant 0 : index
    %get3A_6 = arith.constant 0 : index
    %get3A_7 = vector.load %arg0[%get3A_4, %get3A_5, %get3A_6] : memref<2x10112x64xf32, #tpu.memory_space<vmem>>, vector<1x10112x64xf32>
    %get3A_8 = vector.shape_cast %get3A_7 : vector<1x10112x64xf32> to vector<10112x64xf32>
    %add3A = arith.addf %get3A_3, %get3A_8 : vector<10112x64xf32>
    %get3A_9 = arith.constant 0 : index
    %get3A_10 = arith.constant 0 : index
    %get3A_11 = vector.load %arg1[%get3A_9, %get3A_10] : memref<10112x8xf32, #tpu.memory_space<vmem>>, vector<10112x1xf32>
    %get3A_12 = arith.constant 0 : index
    %get3A_13 = arith.constant 1 : index
    %get3A_14 = vector.load %arg1[%get3A_12, %get3A_13] : memref<10112x8xf32, #tpu.memory_space<vmem>>, vector<10112x1xf32>
    %mul3A = vector.broadcast %get3A_11 : vector<10112x1xf32> to vector<10112x64xf32>
    %mul3A_15 = arith.mulf %add3A, %mul3A : vector<10112x64xf32>
    %get3A_16 = arith.constant 0 : index
    %get3A_17 = arith.constant 0 : index
    %get3A_18 = vector.load %arg2[%get3A_16, %get3A_17] : memref<1x64xf32, #tpu.memory_space<vmem>>, vector<1x64xf32>
    %add3A_19 = vector.broadcast %get3A_18 : vector<1x64xf32> to vector<10112x64xf32>
    %add3A_20 = arith.addf %mul3A_15, %add3A_19 : vector<10112x64xf32>
    %max3A = arith.constant 0.000000e+00 : f32
    %max3A_21 = vector.broadcast %max3A : f32 to vector<10112x64xf32>
    %max3A_22 = arith.maximumf %add3A_20, %max3A_21 : vector<10112x64xf32>
    %mul3A_23 = vector.broadcast %get3A_14 : vector<10112x1xf32> to vector<10112x64xf32>
    %mul3A_24 = arith.mulf %max3A_22, %mul3A_23 : vector<10112x64xf32>
    %swap3A = arith.constant 0 : index
    %swap3A_25 = arith.constant 0 : index
    %swap3A_26 = vector.load %arg3[%swap3A, %swap3A_25] : memref<10112x64xf32, #tpu.memory_space<vmem>>, vector<10112x64xf32>
    tpu.vector_store %arg3[%swap3A, %swap3A_25], %mul3A_24 {strides = array<i32>} : memref<10112x64xf32, #tpu.memory_space<vmem>>, vector<10112x64xf32>,
    return
  }
}

module attributes {stable_mosaic.version = 14 : i64} {
  func.func @_tc3_body(%arg0: i32, %arg1: memref<2x1000x64xf32, #tpu.memory_space<vmem>>, %arg2: memref<1000x8xf32, #tpu.memory_space<vmem>>, %arg3: memref<64x128xf32, #tpu.memory_space<vmem>>, %arg4: memref<1x128xf32, #tpu.memory_space<vmem>>, %arg5: memref<1000x128xf32, #tpu.memory_space<vmem>>) attributes {dimension_semantics = [#tpu.dimension_semantics<arbitrary>], iteration_bounds = array<i64: 10>, scalar_prefetch = 0 : i64, scratch_operands = 0 : i64, tpu.core_type = #tpu.core_type<tc>, window_params = [{transform_indices = @transform_0, window_bounds = array<i64: 2, 1000, 64>}, {transform_indices = @transform_1, window_bounds = array<i64: 1000, 8>}, {pipeline_mode = #tpu.pipeline_mode<synchronous>, transform_indices = @transform_2, window_bounds = array<i64: 64, 128>}, {pipeline_mode = #tpu.pipeline_mode<synchronous>, transform_indices = @transform_3, window_bounds = array<i64: 1, 128>}, {transform_indices = @transform_4, window_bounds = array<i64: 1000, 128>}]} {
    %get3A = arith.constant 0 : index
    %get3A_0 = arith.constant 0 : index
    %get3A_1 = arith.constant 0 : index
    %get3A_2 = vector.load %arg1[%get3A, %get3A_0, %get3A_1] : memref<2x1000x64xf32, #tpu.memory_space<vmem>>, vector<1x1000x64xf32>
    %get3A_3 = vector.shape_cast %get3A_2 : vector<1x1000x64xf32> to vector<1000x64xf32>
    %get3A_4 = arith.constant 1 : index
    %get3A_5 = arith.constant 0 : index
    %get3A_6 = arith.constant 0 : index
    %get3A_7 = vector.load %arg1[%get3A_4, %get3A_5, %get3A_6] : memref<2x1000x64xf32, #tpu.memory_space<vmem>>, vector<1x1000x64xf32>
    %get3A_8 = vector.shape_cast %get3A_7 : vector<1x1000x64xf32> to vector<1000x64xf32>
    %add3A = arith.addf %get3A_3, %get3A_8 : vector<1000x64xf32>
    %get3A_9 = arith.constant 0 : index
    %get3A_10 = arith.constant 1 : index
    %get3A_11 = vector.load %arg2[%get3A_9, %get3A_10] : memref<1000x8xf32, #tpu.memory_space<vmem>>, vector<1000x1xf32>
    %mul3A = vector.broadcast %get3A_11 : vector<1000x1xf32> to vector<1000x64xf32>
    %mul3A_12 = arith.mulf %add3A, %mul3A : vector<1000x64xf32>
    %get3A_13 = arith.constant 0 : index
    %get3A_14 = arith.constant 0 : index
    %get3A_15 = vector.load %arg3[%get3A_13, %get3A_14] : memref<64x128xf32, #tpu.memory_space<vmem>>, vector<64x128xf32>
    %dot_general3A = arith.constant dense<0.000000e+00> : vector<1000x128xf32>
    %dot_general3A_16 = tpu.matmul %mul3A_12, %get3A_15, %dot_general3A {dimension_numbers = #tpu.dot_dimension_numbers<[1], [0], [0], [1], [0, 0, 1, 1], [], []>, transpose_lhs_hint = false} : vector<1000x64xf32>, vector<64x128xf32>, vector<1000x128xf32> -> vector<1000x128xf32>
    %get3A_17 = arith.constant 0 : index
    %get3A_18 = arith.constant 0 : index
    %get3A_19 = vector.load %arg4[%get3A_17, %get3A_18] : memref<1x128xf32, #tpu.memory_space<vmem>>, vector<1x128xf32>
    %add3A_20 = vector.broadcast %get3A_19 : vector<1x128xf32> to vector<1000x128xf32>
    %add3A_21 = arith.addf %dot_general3A_16, %add3A_20 : vector<1000x128xf32>
    %swap3A = arith.constant 0 : index
    %swap3A_22 = arith.constant 0 : index
    %swap3A_23 = vector.load %arg5[%swap3A, %swap3A_22] : memref<1000x128xf32, #tpu.memory_space<vmem>>, vector<1000x128xf32>
    tpu.vector_store %arg5[%swap3A, %swap3A_22], %add3A_21 {strides = array<i32>} : memref<1000x128xf32, #tpu.memory_space<vmem>>, vector<1000x128xf32>,
    return
  }
  func.func @transform_0(%arg0: i32) -> (i32, i32, i32) {
    %c0_i32 = arith.constant 0 : i32
    %c0_i32_0 = arith.constant 0 : i32
    %c0_i32_1 = arith.constant 0 : i32
    return %c0_i32, %arg0, %c0_i32_0 : i32, i32, i32
  }
  func.func @transform_1(%arg0: i32) -> (i32, i32) {
    %c0_i32 = arith.constant 0 : i32
    %c0_i32_0 = arith.constant 0 : i32
    return %arg0, %c0_i32 : i32, i32
  }
  func.func @transform_2(%arg0: i32) -> (i32, i32) {
    %c0_i32 = arith.constant 0 : i32
    %c0_i32_0 = arith.constant 0 : i32
    %c0_i32_1 = arith.constant 0 : i32
    return %c0_i32, %c0_i32_0 : i32, i32
  }
  func.func @transform_3(%arg0: i32) -> (i32, i32) {
    %c0_i32 = arith.constant 0 : i32
    %c0_i32_0 = arith.constant 0 : i32
    %c0_i32_1 = arith.constant 0 : i32
    return %c0_i32, %c0_i32_0 : i32, i32
  }
  func.func @transform_4(%arg0: i32) -> (i32, i32) {
    %c0_i32 = arith.constant 0 : i32
    %c0_i32_0 = arith.constant 0 : i32
    return %arg0, %c0_i32 : i32, i32
  }
}

</mosaic_0001>

<sc_bundles>
// kernel: kernel.12.cloned.1.call-start
scs
__scs_entry_jumppad:
0x0: {  	(pc) =	sbr.rel $0x88, $3  }
0x1: {  	(tag) =	ssettag $0x0;
	lr =	simm.s32 $0x1  }
0x2: {  	[smem:$0x3F9A] =	sst lr;
	_ =	strace $0xD0000000  }
0x3: {  	_ = 	snop  }
0x4: {  	_ = 	snop  }
0x5: {  	_ = 	snop  }
0x6: {  	_ = 	snop  }
0x7: {  	_ = 	snop  }
__scs_overlays_trampoline_lowered:
0x8: {  	[smem:$0x3FA9] =	sst s0  }
0x9: {  	[smem:$0x3FAA] =	sst s1  }
0xa: {  	[smem:$0x3FAB] =	sst s2  }
0xb: {  	[smem:$0x3FAC] =	sst s3  }
0xc: {  	[smem:$0x3FAD] =	sst s4  }
0xd: {  	[smem:$0x3FAE] =	sst s5  }
0xe: {  	[smem:$0x3FAF] =	sst s6  }
0xf: {  	[smem:$0x3FB0] =	sst s7  }
0x10: {  	[smem:$0x3FB1] =	sst s8  }
0x11: {  	[smem:$0x3FB2] =	sst s9;
	s0 =	simm.s32 @!p0 $0x0  }
0x12: {  	s1 =	sld [smem:$0x3F98];
	s0 =	simm.s32 @p0 $0x1  }
0x13: {  	[smem:$0x3FB3] =	sst s0;
	s0 =	simm.s32 @!p1 $0x0  }
0x14: {  	s2 =	sld [smem:$0x3F97];
	s0 =	simm.s32 @p1 $0x1  }
0x15: {  	[smem:$0x3FB4] =	sst s0;
	s0 =	simm.s32 @!p2 $0x0  }
0x16: {  	s3 =	sld [smem:$0x3FDB];
	s0 =	simm.s32 @p2 $0x1  }
0x17: {  	s4 =	simm.s32 $0x1BF5;
	[smem:$0x3FB6] =	sst s0  }
0x18: {  	s0 =	sld [smem:$0x3F99];
	_ =	swait.ge [sflag:s4], $0x0  }
0x19: {  	s7 =	sld [smem:$0x3F9A]  }
0x1a: {  	s8 =	sadd.s32 $0xFFFFE003, lr  }
0x1b: {  	s9 =	sadd.s32 $0xFFFFFEF7, lr;
	s5 =	simm.s32 $0xFFFFFFFF;
	p2 =	slt.u32 s8, $0xFFFFF086  }
0x1c: {  	p1 =	slt.u32 s9, $0xF7A;
	s5 =	simm.s32 @!p2 $0x0  }
0x1d: {  	s5 =	simm.s32 @p1 $0x1;
	p0 =	seq.s32 s7, s2  }
0x1e: {  	s7 =	smul.u32 @!p0 $0xF7A, s2;
	p2 =	seq.s32 @!p0 s5, $0x0  }
0x1f: {  	s9 =	smul.u32 $0xF7A, s1;
	s8 =	simm.s32 @!p0 $0x1BF5;
	p2 =	por !p2, p0  }
0x20: {  	[sflag:s8] =	ssyncset.s32 @!p0 $0xFFFFF086;
	s6 =	sadd.s32 @!p0 s3, s7;
	s7 =	simm.s32 @!p0 $0x108  }
0x21: {  	s3 =	sadd.s32 s3, s9;
	s6 =	sadd.s32 @!p0 $0x88, s6;
	s7 =	simm.s32 @p2 $0x1082  }
0x22: {  	[simem:s7], [sflag:s8] =	dma.local @!p0 [hbm:s6], $0xF7A  }
0x23: {  	s9 =	sor.u32 $0xD0000000, s2;
	s6 =	simm.s32 $0x108;
	_ =	swait.ge @!p0 [sflag:s8], $0x0  }
0x24: {  	s3 =	sadd.s32 $0x88, s3;
	s6 =	simm.s32 @!p1 $0x1082;
	[sflag:s4] =	ssyncset.s32 $0xFFFFF086  }
0x25: {  	[simem:s6], [sflag:s4] =	dma.local [hbm:s3], $0xF7A  }
0x26: {  	[smem:$0x3F9A] =	sst s1;
	(tag) =	ssettag s2;
	_ =	strace s9  }
0x27: {  	s1 =	sld [smem:$0x3FAA]  }
0x28: {  	s2 =	sld [smem:$0x3FAB]  }
0x29: {  	s4 =	sld [smem:$0x3FAD]  }
0x2a: {  	p0 =	seq.s32 s5, $0x0;
	s5 =	sld [smem:$0x3FAE]  }
0x2b: {  	s6 =	sld [smem:$0x3FAF]  }
0x2c: {  	s7 =	sld [smem:$0x3FB0]  }
0x2d: {  	s3 =	simm.s32 $0x108;
	s8 =	sld [smem:$0x3FB1]  }
0x2e: {  	s3 =	simm.s32 @!p0 $0x1082;
	s9 =	sld [smem:$0x3FB2]  }
0x2f: {  	lr =	sadd.s32 s0, s3;
	s0 =	sld [smem:$0x3FA9]  }
0x30: {  	s3 =	sld [smem:$0x3FAC]  }
0x31: {  	[smem:$0x3FB5] =	sst s10  }
0x32: {  	s10 =	sld [smem:$0x3FB3];
	_ =	sdelay $0x3  }
0x33: {  	p0 =	seq.s32 s10, $0x1;
	s10 =	sld [smem:$0x3FB5];
	_ =	sdelay $0x3  }
0x34: {  	[smem:$0x3FB5] =	sst s10  }
0x35: {  	s10 =	sld [smem:$0x3FB4];
	_ =	sdelay $0x3  }
0x36: {  	p1 =	seq.s32 s10, $0x1;
	s10 =	sld [smem:$0x3FB5];
	_ =	sdelay $0x3  }
0x37: {  	[smem:$0x3FB5] =	sst s10  }
0x38: {  	s10 =	sld [smem:$0x3FB6]  }
0x39: {  	_ = 	snop;
	(pc) =	sbr.ind lr, $3  }
0x3a: {  	_ = 	snop  }
0x3b: {  	_ = 	snop  }
0x3c: {  	p2 =	seq.s32 s10, $0x1;
	s10 =	sld [smem:$0x3FB5]  }
0x3d: {  	_ =	shalt  }
0x3e: {  	_ =	shalt  }
0x3f: {  	_ =	shalt  }
0x40: {  	_ =	shalt  }
0x41: {  	_ =	shalt  }
0x42: {  	_ =	shalt  }
0x43: {  	_ =	shalt  }
0x44: {  	_ =	shalt  }
0x45: {  	_ =	shalt  }
0x46: {  	_ =	shalt  }
0x47: {  	_ =	shalt  }
0x48: {  	_ =	shalt  }
0x49: {  	_ =	shalt  }
0x4a: {  	_ =	shalt  }
0x4b: {  	_ =	shalt  }
0x4c: {  	_ =	shalt  }
0x4d: {  	_ =	shalt  }
0x4e: {  	_ =	shalt  }
0x4f: {  	_ =	shalt  }
0x50: {  	_ =	shalt  }
0x51: {  	_ =	shalt  }
0x52: {  	_ =	shalt  }
0x53: {  	_ =	shalt  }
0x54: {  	_ =	shalt  }
0x55: {  	_ =	shalt  }
0x56: {  	_ =	shalt  }
0x57: {  	_ =	shalt  }
0x58: {  	_ =	shalt  }
0x59: {  	_ =	shalt  }
0x5a: {  	_ =	shalt  }
0x5b: {  	_ =	shalt  }
0x5c: {  	_ =	shalt  }
0x5d: {  	_ =	shalt  }
0x5e: {  	_ =	shalt  }
0x5f: {  	_ =	shalt  }
0x60: {  	_ =	shalt  }
0x61: {  	_ =	shalt  }
0x62: {  	_ =	shalt  }
0x63: {  	_ =	shalt  }
0x64: {  	_ =	shalt  }
0x65: {  	_ =	shalt  }
0x66: {  	_ =	shalt  }
0x67: {  	_ =	shalt  }
0x68: {  	_ =	shalt  }
0x69: {  	_ =	shalt  }
0x6a: {  	_ =	shalt  }
0x6b: {  	_ =	shalt  }
0x6c: {  	_ =	shalt  }
0x6d: {  	_ =	shalt  }
0x6e: {  	_ =	shalt  }
0x6f: {  	_ =	shalt  }
0x70: {  	_ =	shalt  }
0x71: {  	_ =	shalt  }
0x72: {  	_ =	shalt  }
0x73: {  	_ =	shalt  }
0x74: {  	_ =	shalt  }
0x75: {  	_ =	shalt  }
0x76: {  	_ =	shalt  }
0x77: {  	_ =	shalt  }
0x78: {  	_ =	shalt  }
0x79: {  	_ =	shalt  }
0x7a: {  	_ =	shalt  }
0x7b: {  	_ =	shalt  }
0x7c: {  	_ =	shalt  }
0x7d: {  	_ =	shalt  }
0x7e: {  	_ =	shalt  }
0x7f: {  	_ =	shalt  }
0x80: {  	_ =	shalt  }
0x81: {  	_ =	shalt  }
0x82: {  	_ =	shalt  }
0x83: {  	_ =	shalt  }
0x84: {  	_ =	shalt  }
0x85: {  	_ =	shalt  }
0x86: {  	_ =	shalt  }
0x87: {  	_ =	shalt  }
.Lfunc_end0:
.L_simem_size_0:
called_computation.1_lowered:
.L_overlay_start_0:
0x88: {  	s2 =	sld [smem:$0x3FD9]  }
0x89: {  	s3 =	sld [smem:$0x3FFE];
	_ =	sdelay $0x1  }
0x8a: {  	s1 =	srdreg.scid  }
0x8b: {  	s0 =	sand.u32 $0x1, s1  }
0x8c: {  	s17 =	sshll.u32 s0, $0xA;
	s2 =	sadd.s32 s3, s2  }
0x8d: {  	s2 =	sadd.s32 s2, s17  }
0x8e: {  	[smem:$0x3FC1] =	sst s2  }
0x8f: {  	_ = 	snop  }
0x90: {  	s2 =	sld [smem:$0x3FC8]  }
0x91: {  	s18 =	sld [smem:$0x3FD0];
	(tm) =	ssettm $0x1  }
0x92: {  	s4 =	sld [smem:$0x3FFB];
	_ =	sdelay $0x3  }
0x93: {  	_ =	strace s4  }
0x94: {  	s4 =	sld [smem:$0x3FFC];
	_ =	sdelay $0x3  }
0x95: {  	_ =	strace s4  }
0x96: {  	s4 =	sld [smem:$0x3FFD];
	_ =	sdelay $0x3  }
0x97: {  	_ =	strace s4  }
0x98: {  	_ =	strace $0x8FFFFFFF  }
0x99: {  	s19 =	sld [smem:$0x3FDB];
	_ =	sdelay $0x1  }
0x9a: {  	s5 =	simm.s32 $_scs_section_size  }
0x9b: {  	s6 =	simm.s32 $_size__tile_overlayer_lowered;
	s7 =	simm.s32 $_tile_overlayer_lowered  }
0x9c: {  	s22 =	simm.s32 $0x1BFF;
	s21 =	sshll.u32 s7, $0x1;
	s4 =	sadd.s32 s5, s19  }
0x9d: {  	s8 =	simm.s32 $0x0;
	s20 =	sshll.u32 s6, $0x1;
	s6 =	sadd.s32 s21, s4  }
0x9e: {  	[timem:s8], [sflag:s22] =	dma.local [hbm:s6], s20  }
0x9f: {  	_ =	swait.ge [sflag:s22], s20  }
0xa0: {  	s5 =	ssub.s32 $0x0, s20;
	[sflag:s22] =	ssyncset.done $0x0  }
0xa1: {  	[sflag:s22] =	ssyncadd.s32 s5;
	_ =	sdelay $0x1  }
0xa2: {  	s23 =	simm.s32 $0x1B8B  }
0xa3: {  	_ =	swait.ge [sflag:s23], $0x1  }
0xa4: {  	[sflag:s23] =	ssyncset.done $0x0  }
0xa5: {  	s25 =	simm.s32 $0x1B8E;
	s24 =	sld [smem:$0x3FFE];
	[sflag:s23] =	ssyncadd.s32 $0xFFFFFFFF  }
0xa6: {  	s26 =	simm.s32 $execute0_lowered;
	[smem:$0x3FD2] =	sst s25  }
0xa7: {  	s6 =	sshll.u32 s26, $0x1;
	_ =	strace $0x80000049;
	[dreg:$0x1] =	wrdreg $0xFFFFFFFF  }
0xa8: {  	s28 =	simm.s32 $_size_execute0_lowered;
	s4 =	sadd.s32 s4, s6;
	[dreg:$0x0] =	wrdreg $0x0  }
0xa9: {  	s6 =	sshll.u32 s28, $0x1;
	[dreg:$0x2] =	wrdreg s4  }
0xaa: {  	[dreg:$0x3] =	wrdreg s6  }
0xab: {  	[dreg:$0x4] =	wrdreg $0xC0  }
0xac: {  	_ =	task [dreg:s8], $0x5FFFF  }
0xad: {  	[dreg:$0x1] =	wrdreg $0xFFFFFFFF  }
0xae: {  	[dreg:$0x0] =	wrdreg $0x60  }
0xaf: {  	[dreg:$0x2] =	wrdreg s24  }
0xb0: {  	[dreg:$0x3] =	wrdreg s2  }
0xb1: {  	[dreg:$0x4] =	wrdreg s18  }
0xb2: {  	[dreg:$0x5] =	wrdreg $0xB8100  }
0xb3: {  	[dreg:$0x6] =	wrdreg $0x156100  }
0xb4: {  	[dreg:$0x7] =	wrdreg $0x9  }
0xb5: {  	_ =	task.clear_ibuf [dreg:s8], $0x8FFFF;
	_ =	strace $0x90000049  }
0xb6: {  	s29 =	simm.s32 $0x9;
	_ =	strace $0x8000004B  }
0xb7: {  	_ =	swait.ge [sflag:s29], $0x1  }
0xb8: {  	[sflag:s29] =	ssyncadd.s32 $0xFFFFFFFF  }
0xb9: {  	_ =	strace $0x9000004B  }
0xba: {  	_ =	sfence  }
0xbb: {  	s30 =	sld [smem:$0x0];
	_ =	sdelay $0x2  }
0xbc: {  	s31 =	sshll.u32 s1, $0xD;
	s1 =	sshrl.u32 s1, $0x2  }
0xbd: {  	s3 =	sand.u32 $0x4000, s31;
	s1 =	sadd.s32 s1, s30  }
0xbe: {  	s0 =	sor.u32 s3, s0;
	s1 =	sshll.u32 s1, $0x11  }
0xbf: {  	s0 =	sor.u32 s1, s0  }
0xc0: {  	s0 =	sadd.s32 $0x8F2B, s0  }
0xc1: {  	[sflag:s0] =	ssyncadd.remote.s32 $0x1  }
0xc2: {  	_ =	sfence.sel $0xFFFF  }
0xc3: {  	[dreg:$0x0] =	wrdreg $0xFFFFFFFF;
	(pc) =	sbr.abs _section_cstart, $3  }
0xc4: {  	[dreg:$0x1] =	wrdreg $0xFFFFFFFF  }
0xc5: {  	_ =	task.clear_ibuf [dreg:s8], $0x2FFFF;
	_ =	strace $0x9FFFFFFF  }
0xc6: {  	(tm) =	ssettm $0x7FFFFFFF  }
0xc7: {  	_ =	shalt  }
tec
execute0_lowered:
.L_overlay_start_1:
0x0: {  	(tag) =	ssettag $0x1  }
0x1: {  	s0 =	rddreg [dreg:$0x0]  }
0x2: {  	s1 =	rddreg [dreg:$0x1]  }
0x3: {  	s7 =	rddreg [dreg:$0x2]  }
0x4: {  	s2 =	rddreg [dreg:$0x3]  }
0x5: {  	s3 =	rddreg [dreg:$0x4];
	s5 =	srdreg.scid  }
0x6: {  	s16 =	stileid.u32;
	s4 =	simm.s32 $0x0;
	s30 =	simm.s32 $0x7810  }
0x7: {  	s31 =	simm.s32 $0x80;
	s6 =	sand.u32 $0x1, s5;
	s10 =	smul.u32 $0x9E00, s16  }
0x8: {  	[smem:$0x7FF] =	sst s4;
	s5 =	sadd.s32 $0x1E00, s0;
	s21 =	smul.u32 $0x27800, s16  }
0x9: {  	s20 =	sshll.u32 s16, $0x6;
	s22 =	sadd.s32 $0x9B00, s1;
	s8 =	smul.u32 $0x9E000, s6  }
0xa: {  	_ =	strace $0x8000004A;
	s9 =	ssub.s32 $0x2, s6;
	s6 =	sshll.u32 s6, $0x4  }
0xb: {  	[dreg:$0x9] =	wrdreg s22;
	s11 =	sshrl.u32 s9, $0x1;
	s6 =	sor.u32 s16, s6  }
0xc: {  	s14 =	sadd.s32 s10, s2;
	s19 =	sshrl.u32 s10, $0x3;
	s24 =	sshrl.u32 s21, $0x2  }
0xd: {  	s17 =	sadd.s32 s10, s3;
	s8 =	sadd.s32 s10, s8;
	s11 =	ssub.s32 s9, s11  }
0xe: {  	s12 =	smul.u32 $0x2800, s6;
	p0 =	seq.s32 s6, $0x1F;
	s6 =	simm.s32 $0x14  }
0xf: {  	s7 =	sadd.s32 s7, s19;
	s26 =	sadd.s32 s24, s3;
	s24 =	sshrl.u32 s14, $0x3  }
0x10: {  	s8 =	sshrl.u32 s8, $0x3;
	s6 =	simm.s32 @!p0 $0x50;
	[dreg:$0x6] =	wrdreg s7  }
0x11: {  	s29 =	sadd.s32 $0x2000, s26;
	s19 =	sadd.s32 $0x4000, s26;
	s21 =	sadd.s32 $0x8000, s26  }
0x12: {  	s13 =	sadd.s32 s8, s0;
	s15 =	sshrl.u32 s12, $0x3;
	s8 =	sor.u32 $0x1C09, s20  }
0x13: {  	s0 =	sadd.s32 $0xB900, s0;
	s12 =	sadd.s32 $0x4E200, s12;
	[dreg:$0xd] =	wrdreg s29  }
0x14: {  	s20 =	sadd.s32 $0x6000, s26;
	s26 =	simm.s32 $0x0;
	s9 =	sadd.s32 s5, s15  }
0x15: {  	s15 =	sadd.s32 s1, s15;
	[dreg:$0x8] =	wrdreg s0;
	s23 =	sshrl.u32 s12, $0x3  }
0x16: {  	s22 =	sadd.s32 $0x15800, s13;
	[dreg:$0x7] =	wrdreg s15;
	s0 =	sadd.s32 s5, s23  }
0x17: {  	s1 =	simm.s32 $0x4;
	s25 =	sadd.s32 $0x9C50, s9;
	[dreg:$0xa] =	wrdreg s0  }
0x18: {  	s28 =	sadd.s32 $0x9C60, s9;
	s23 =	smax.u32 s11, $0x1;
	[dreg:$0xb] =	wrdreg s25  }
0x19: {  	v0 =	vimm.f32 $0.0e+00;
	[dreg:$0xc] =	wrdreg s28;
	s25 =	simm.s32 $0x9;
	s0 =	simm.s32 $0x3  }
.LBB2_1:
0x1a: {  	s7 =	rddreg [dreg:$0x6]  }
0x1b: {  	[spmem:s24], [sflag:s8] =	dma.local [hbm:s7], $0x13C0  }
0x1c: {  	_ =	swait.ge [sflag:s25], $0x13C0  }
0x1d: {  	[sflag:s25] =	ssyncset.done $0x0  }
0x1e: {  	s7 =	simm.s32 @p0 $0x0;
	s10 =	rddreg [dreg:$0x8];
	[sflag:s25] =	ssyncadd.s32 $0xFFFFEC40  }
0x1f: {  	[tilespmem:s7], [sflag:$0x9] =	stream.linear.gather @p0 [hbm4b:s10+s7], $0xA00, $0x38;
	[tilespmem:$0x1F410] =	vst v63  }
0x20: {  	s10 =	simm.s32 @p0 $0x9  }
0x21: {  	_ =	swait.ge @p0 [sflag:s10], $0xA00  }
0x22: {  	[sflag:s10] =	ssyncset.done @p0 $0x0  }
0x23: {  	s11 =	simm.s32 @p0 $0x5000;
	s13 =	rddreg [dreg:$0x9];
	[sflag:s10] =	ssyncadd.s32 @p0 $0xFFFFF600  }
0x24: {  	[tilespmem:s11], [sflag:$0x9] =	stream.linear.gather @p0 [hbm4b:s13+s7], $0xA00, $0x38;
	[tilespmem:$0x1F410] =	vst v63  }
0x25: {  	_ =	swait.ge @p0 [sflag:s10], $0xA00  }
0x26: {  	[sflag:s10] =	ssyncset.done @p0 $0x0  }
0x27: {  	s7 =	simm.s32 @!p0 $0x0;
	[sflag:s10] =	ssyncadd.s32 @p0 $0xFFFFF600;
	s10 =	simm.s32 @!p0 $0x9  }
0x28: {  	[tilespmem:s7], [sflag:$0x9] =	stream.linear.gather @!p0 [hbm4b:s9+s7], $0x2800, $0x38;
	[tilespmem:$0x1F410] =	vst v63  }
0x29: {  	_ =	swait.ge @!p0 [sflag:s10], $0x2800  }
0x2a: {  	[sflag:s10] =	ssyncset.done @!p0 $0x0  }
0x2b: {  	s11 =	simm.s32 @!p0 $0x5000;
	s13 =	rddreg [dreg:$0x7];
	[sflag:s10] =	ssyncadd.s32 @!p0 $0xFFFFD800  }
0x2c: {  	[tilespmem:s11], [sflag:$0x9] =	stream.linear.gather @!p0 [hbm4b:s13+s7], $0x2800, $0x38;
	[tilespmem:$0x1F410] =	vst v63  }
0x2d: {  	_ =	swait.ge @!p0 [sflag:s10], $0x2800  }
0x2e: {  	[sflag:s10] =	ssyncset.done @!p0 $0x0  }
0x2f: {  	s15 =	simm.s32 $0x2800;
	s14 =	rddreg [dreg:$0xa];
	[sflag:s10] =	ssyncadd.s32 @!p0 $0xFFFFD800  }
0x30: {  	[tilespmem:s15], [sflag:$0x5] =	stream.linear.gather [hbm4b:s14+s4], $0x80, $0x38;
	[tilespmem:$0x1F410] =	vst v63  }
0x31: {  	s18 =	simm.s32 $0x2880;
	s29 =	simm.s32 $0x2900;
	s16 =	rddreg [dreg:$0xb]  }
0x32: {  	[tilespmem:s18], [sflag:$0x6] =	stream.linear.gather [hbm4b:s16+s4], $0x80, $0x38;
	[tilespmem:$0x1F410] =	vst v63  }
0x33: {  	s7 =	simm.s32 $0x0;
	s28 =	rddreg [dreg:$0xc];
	s10 =	simm.s32 $0x100  }
0x34: {  	[tilespmem:s29], [sflag:$0x7] =	stream.linear.gather [hbm4b:s28+s4], $0x80, $0x38;
	[tilespmem:$0x1F410] =	vst v63  }
.LBB2_2:
0x35: {  	p1 =	sne.s32 s10, $0x7F00;
	[tilespmem:s7+$0x7840] =	vst v0;
	s11 =	smov.u32 s10;
	s10 =	sadd.s32 $0x100, s10  }
.Ltmp0:
0x36: {  	[tilespmem:s7+$0x7830] =	vst v0;
	(pc) =	sbr.rel @p1 .LBB2_2-.Ltmp0, $3  }
0x37: {  	[tilespmem:s7+$0x7810] =	vst v0  }
0x38: {  	[tilespmem:s7+$0x7820] =	vst v0;
	_ =	sdelay $0x1  }
0x39: {  	s7 =	sshra.s32 s11, $0x2  }
0x3a: {  	[tilespmem:s7+$0x7840] =	vst v0  }
0x3b: {  	[tilespmem:s7+$0x7830] =	vst v0  }
0x3c: {  	[tilespmem:s7+$0x7810] =	vst v0  }
0x3d: {  	[tilespmem:s7+$0x7820] =	vst v0  }
0x3e: {  	[spmem:s17] =	stream.linear.scatter [tilespmem:s30], [sflag:$0x9], $0x2000, $0x38;
	[tilespmem:$0x1F410] =	vst v63  }
0x3f: {  	_ =	swait.ge [sflag:s25], $0x2000  }
0x40: {  	[sflag:s25] =	ssyncset.done $0x0  }
0x41: {  	s18 =	rddreg [dreg:$0xd];
	[sflag:s25] =	ssyncadd.s32 $0xFFFFE000  }
0x42: {  	[spmem:s18] =	stream.linear.scatter [tilespmem:s30], [sflag:$0x9], $0x2000, $0x38;
	[tilespmem:$0x1F410] =	vst v63  }
0x43: {  	_ =	swait.ge [sflag:s25], $0x2000  }
0x44: {  	[sflag:s25] =	ssyncset.done $0x0  }
0x45: {  	[sflag:s25] =	ssyncadd.s32 $0xFFFFE000  }
0x46: {  	[spmem:s19] =	stream.linear.scatter [tilespmem:s30], [sflag:$0x9], $0x2000, $0x38;
	[tilespmem:$0x1F410] =	vst v63  }
0x47: {  	_ =	swait.ge [sflag:s25], $0x2000  }
0x48: {  	[sflag:s25] =	ssyncset.done $0x0  }
0x49: {  	[sflag:s25] =	ssyncadd.s32 $0xFFFFE000  }
0x4a: {  	[spmem:s20] =	stream.linear.scatter [tilespmem:s30], [sflag:$0x9], $0x2000, $0x38;
	[tilespmem:$0x1F410] =	vst v63  }
0x4b: {  	_ =	swait.ge [sflag:s25], $0x2000  }
0x4c: {  	[sflag:s25] =	ssyncset.done $0x0  }
0x4d: {  	[sflag:s25] =	ssyncadd.s32 $0xFFFFE000  }
0x4e: {  	[spmem:s21] =	stream.linear.scatter [tilespmem:s30], [sflag:$0x9], $0x1E00, $0x38;
	[tilespmem:$0x1F410] =	vst v63  }
0x4f: {  	_ =	swait.ge [sflag:s25], $0x1E00  }
0x50: {  	[sflag:s25] =	ssyncset.done $0x0  }
0x51: {  	s29 =	simm.s32 $0x0;
	[sflag:s25] =	ssyncadd.s32 $0xFFFFE200  }
0x52: {  	p1 =	por $0x0, $0x0;
	s28 =	simm.s32 $0x5004;
	[bflag:$0x0] =	sbarrier.arrive $0xFFFF  }
0x53: {  	[tilespmem:s30], [sflag:$0x1] =	stream.indirect.gather [spmem:s2], $0x40, s29, s31, $0xb8;
	[tilespmem:$0x1F410] =	vst v63  }
.LBB2_4:
0x54: {  	s7 =	sadd.s32 $0x1, s29  }
0x55: {  	p2 =	sge.u32 s7, s6  }
0x56: {  	p3 =	seq.s32 @!p2 s29, $0x0  }
0x57: {  	s10 =	sand.u32 $0x1, s7;
	p3 =	por p3, p2  }
0x58: {  	s11 =	sadd.s32 @!p3 $0x3, s10  }
0x59: {  	_ =	swait.ge @!p3 [sflag:s11], $0x2000  }
0x5a: {  	s13 =	sshll.u32 @!p2 s10, $0xD;
	[sflag:s11] =	ssyncset.done @!p3 $0x0  }
0x5b: {  	[sflag:s11] =	ssyncadd.s32 @!p3 $0xFFFFE000;
	s11 =	sadd.s32 @!p2 $0x7810, s13;
	s13 =	sshll.u32 @!p2 s7, $0x7  }
0x5c: {  	s14 =	simm.s32 @!p2 $0x80;
	s10 =	sadd.s32 @!p2 $0x1, s10;
	s13 =	sand.u32 @!p2 $0x3FFFFF80, s13  }
0x5d: {  	[tilespmem:s11], [sflag:s10] =	stream.indirect.gather @!p2 [spmem:s2], $0x40, s13, s14, $0xb8;
	[tilespmem:$0x1F410] =	vst v63  }
0x5e: {  	s11 =	sadd.s32 $0x3, s29  }
0x5f: {  	p2 =	sge.u32 s11, s6  }
0x60: {  	s13 =	sshll.u32 @!p2 s11, $0x7  }
0x61: {  	s10 =	sand.u32 $0x1, s29;
	s14 =	sadd.s32 @!p2 s13, s12  }
0x62: {  	s11 =	sand.u32 @!p2 $0x3, s11;
	s15 =	simm.s32 @!p2 $0x0;
	s14 =	sshrl.u32 @!p2 s14, $0x3  }
0x63: {  	s13 =	sadd.s32 @!p2 $0x2800, s13;
	s11 =	sadd.s32 @!p2 $0x5, s11;
	s14 =	sadd.s32 @!p2 s5, s14  }
0x64: {  	[tilespmem:s13], [sflag:s11] =	stream.linear.gather @!p2 [hbm4b:s14+s15], $0x80, $0x38;
	[tilespmem:$0x1F410] =	vst v63  }
0x65: {  	s15 =	sadd.s32 $0x1, s10  }
0x66: {  	s13 =	simm.s32 $0x1;
	_ =	swait.ge [sflag:s15], $0x2000  }
0x67: {  	s13 =	simm.s32 @!p1 $0x0;
	[sflag:s15] =	ssyncset.done $0x0  }
0x68: {  	s13 =	sshll.u32 s13, $0xD;
	[sflag:s15] =	ssyncadd.s32 $0xFFFFE000  }
0x69: {  	s18 =	sadd.s32 $0x7910, s13;
	v1 =	vld.msk [tilespmem:s28+$0x3 ss:$0x0], $0xffff  }
0x6a: {  	v3 =	vld [tilespmem:s18+$0xF0]  }
0x6b: {  	v4 =	vld.msk [tilespmem:s28+$0xFFFFFFFD ss:$0x0], $0xffff  }
0x6c: {  	v5 =	vld.msk [tilespmem:s28+$0xFFFFFFFE ss:$0x0], $0xffff  }
0x6d: {  	v6 =	vld.msk [tilespmem:s28+$0xFFFFFFFF ss:$0x0], $0xffff  }
0x6e: {  	v7 =	vld.msk [tilespmem:s28+$0x0 ss:$0x0], $0xffff  }
0x6f: {  	v8 =	vld.msk [tilespmem:s28+$0x1 ss:$0x0], $0xffff  }
0x70: {  	v2 =	vld.msk [tilespmem:s28+$0x2 ss:$0x0], $0xffff  }
0x71: {  	v9 =	vld.msk [tilespmem:s28+$0xFFFFFFFC ss:$0x0], $0xffff  }
0x72: {  	v10 =	vld [tilespmem:s18+$0xFFFFFF00]  }
0x73: {  	v11 =	vld [tilespmem:s18+$0xFFFFFF10]  }
0x74: {  	v12 =	vld [tilespmem:s18+$0xFFFFFF20]  }
0x75: {  	v13 =	vld [tilespmem:s18+$0xFFFFFF30]  }
0x76: {  	v14 =	vld [tilespmem:s18+$0xFFFFFF40];
	v3 =	vmul.f32 v3, v1  }
0x77: {  	v15 =	vld [tilespmem:s18+$0xFFFFFF50];
	v10 =	vmul.f32 v9, v10  }
0x78: {  	[tilespmem:s18+$0xF0] =	vst v3;
	v3 =	vmul.f32 v11, v9;
	v11 =	vld [tilespmem:s18+$0xFFFFFF60]  }
0x79: {  	v59 =	vld [tilespmem:s18+$0xFFFFFF70];
	[tilespmem:s18+$0xFFFFFF00] =	vst v10;
	v10 =	vmul.f32 v12, v9  }
0x7a: {  	[tilespmem:s18+$0xFFFFFF10] =	vst v3;
	v3 =	vmul.f32 v13, v9;
	v9 =	vld [tilespmem:s18+$0xFFFFFF80]  }
0x7b: {  	v60 =	vld [tilespmem:s18+$0xFFFFFF90];
	[tilespmem:s18+$0xFFFFFF20] =	vst v10;
	v10 =	vmul.f32 v4, v14  }
0x7c: {  	v61 =	vld [tilespmem:s18+$0xFFFFFFA0];
	[tilespmem:s18+$0xFFFFFF30] =	vst v3;
	v3 =	vmul.f32 v15, v4  }
0x7d: {  	[tilespmem:s18+$0xFFFFFF40] =	vst v10;
	v10 =	vmul.f32 v11, v4;
	v11 =	vld [tilespmem:s18+$0xFFFFFFB0]  }
0x7e: {  	[tilespmem:s18+$0xFFFFFF50] =	vst v3;
	v3 =	vmul.f32 v59, v4;
	v4 =	vld [tilespmem:s18+$0xFFFFFFC0]  }
0x7f: {  	[tilespmem:s18+$0xFFFFFF60] =	vst v10;
	v9 =	vmul.f32 v5, v9;
	v10 =	vld [tilespmem:s18+$0xFFFFFFD0]  }
0x80: {  	v62 =	vld [tilespmem:s18+$0xFFFFFFE0];
	[tilespmem:s18+$0xFFFFFF70] =	vst v3;
	v3 =	vmul.f32 v60, v5  }
0x81: {  	v63 =	vld [tilespmem:s18+$0xFFFFFFF0];
	[tilespmem:s18+$0xFFFFFF80] =	vst v9;
	v9 =	vmul.f32 v61, v5  }
0x82: {  	[tilespmem:s18+$0xFFFFFF90] =	vst v3;
	v3 =	vmul.f32 v11, v5;
	v5 =	vld [tilespmem:s18+$0x0]  }
0x83: {  	[tilespmem:s18+$0xFFFFFFA0] =	vst v9;
	v4 =	vmul.f32 v6, v4;
	v9 =	vld [tilespmem:s18+$0x10]  }
0x84: {  	[tilespmem:s18+$0xFFFFFFB0] =	vst v3;
	v3 =	vmul.f32 v10, v6;
	v10 =	vld [tilespmem:s18+$0x20]  }
0x85: {  	v11 =	vld [tilespmem:s18+$0x30];
	[tilespmem:s18+$0xFFFFFFC0] =	vst v4;
	v4 =	vmul.f32 v62, v6  }
0x86: {  	[tilespmem:s18+$0xFFFFFFD0] =	vst v3;
	v3 =	vmul.f32 v63, v6;
	v6 =	vld [tilespmem:s18+$0x40]  }
0x87: {  	[tilespmem:s18+$0xFFFFFFE0] =	vst v4;
	v4 =	vmul.f32 v7, v5;
	v5 =	vld [tilespmem:s18+$0x50]  }
0x88: {  	[tilespmem:s18+$0xFFFFFFF0] =	vst v3;
	v3 =	vmul.f32 v9, v7;
	v9 =	vld [tilespmem:s18+$0x60]  }
0x89: {  	[tilespmem:s18+$0x0] =	vst v4;
	v4 =	vmul.f32 v10, v7;
	v10 =	vld [tilespmem:s18+$0x70]  }
0x8a: {  	[tilespmem:s18+$0x10] =	vst v3;
	v3 =	vmul.f32 v11, v7;
	v7 =	vld [tilespmem:s18+$0x80]  }
0x8b: {  	v11 =	vld [tilespmem:s18+$0x90];
	[tilespmem:s18+$0x20] =	vst v4;
	v6 =	vmul.f32 v8, v6  }
0x8c: {  	v4 =	vld [tilespmem:s18+$0xA0];
	[tilespmem:s18+$0x30] =	vst v3;
	v5 =	vmul.f32 v5, v8  }
0x8d: {  	v3 =	vld [tilespmem:s18+$0xB0];
	[tilespmem:s18+$0x40] =	vst v6;
	v6 =	vmul.f32 v9, v8  }
0x8e: {  	s16 =	sshll.u32 s10, $0xD;
	[tilespmem:s18+$0x50] =	vst v5;
	v8 =	vmul.f32 v10, v8;
	v5 =	vld [tilespmem:s18+$0xC0]  }
0x8f: {  	s14 =	sshll.u32 s29, $0x9;
	s13 =	sadd.s32 $0x7810, s16;
	[tilespmem:s18+$0x60] =	vst v6;
	v6 =	vld [tilespmem:s18+$0xD0];
	v9 =	vmul.f32 v2, v7  }
0x90: {  	s15 =	simm.s32 $0x0;
	s16 =	sadd.s32 $0x8, s28;
	s11 =	smov.u32 s18;
	v7 =	vld [tilespmem:s18+$0xE0];
	[tilespmem:s18+$0x70] =	vst v8;
	v8 =	vmul.f32 v11, v2  }
.LBB2_5:
0x91: {  	v10 =	vld.msk [tilespmem:s16+$0x3 ss:$0x0], $0xffff;
	s15 =	sadd.s32 $0x8, s15;
	[tilespmem:s18+$0x80] =	vst v9;
	v4 =	vmul.f32 v4, v2;
	s11 =	sadd.s32 $0x200, s11  }
0x92: {  	v9 =	vld [tilespmem:s11+$0xF0];
	p2 =	slt.u32 s15, $0x78;
	[tilespmem:s18+$0x90] =	vst v8;
	v2 =	vmul.f32 v3, v2  }
0x93: {  	v3 =	vld.msk [tilespmem:s16+$0xFFFFFFFD ss:$0x0], $0xffff;
	[tilespmem:s18+$0xA0] =	vst v4;
	v4 =	vmul.f32 v1, v5  }
0x94: {  	v5 =	vld.msk [tilespmem:s16+$0xFFFFFFFE ss:$0x0], $0xffff;
	[tilespmem:s18+$0xB0] =	vst v2;
	v2 =	vmul.f32 v6, v1  }
0x95: {  	v6 =	vld.msk [tilespmem:s16+$0xFFFFFFFF ss:$0x0], $0xffff;
	[tilespmem:s18+$0xC0] =	vst v4;
	v11 =	vmul.f32 v7, v1  }
0x96: {  	v4 =	vld.msk [tilespmem:s16+$0x0 ss:$0x0], $0xffff;
	[tilespmem:s18+$0xD0] =	vst v2  }
0x97: {  	v1 =	vmov v10;
	v7 =	vld.msk [tilespmem:s16+$0x1 ss:$0x0], $0xffff;
	v8 =	vmul.f32 v9, v10;
	[tilespmem:s18+$0xE0] =	vst v11;
	s18 =	smov.u32 s11  }
0x98: {  	v2 =	vld.msk [tilespmem:s16+$0x2 ss:$0x0], $0xffff  }
0x99: {  	v9 =	vld.msk [tilespmem:s16+$0xFFFFFFFC ss:$0x0], $0xffff;
	[tilespmem:s11+$0xF0] =	vst v8  }
0x9a: {  	v8 =	vld [tilespmem:s11+$0xFFFFFF00]  }
0x9b: {  	v10 =	vld [tilespmem:s11+$0xFFFFFF10]  }
0x9c: {  	v11 =	vld [tilespmem:s11+$0xFFFFFF20]  }
0x9d: {  	v12 =	vld [tilespmem:s11+$0xFFFFFF30]  }
0x9e: {  	v13 =	vld [tilespmem:s11+$0xFFFFFF40]  }
0x9f: {  	v8 =	vmul.f32 v9, v8;
	v14 =	vld [tilespmem:s11+$0xFFFFFF50]  }
0xa0: {  	v10 =	vmul.f32 v10, v9;
	v15 =	vld [tilespmem:s11+$0xFFFFFF60]  }
0xa1: {  	[tilespmem:s11+$0xFFFFFF00] =	vst v8;
	v8 =	vmul.f32 v11, v9;
	v11 =	vld [tilespmem:s11+$0xFFFFFF70]  }
0xa2: {  	[tilespmem:s11+$0xFFFFFF10] =	vst v10;
	v9 =	vmul.f32 v12, v9;
	v10 =	vld [tilespmem:s11+$0xFFFFFF80]  }
0xa3: {  	[tilespmem:s11+$0xFFFFFF20] =	vst v8;
	v8 =	vmul.f32 v3, v13;
	v12 =	vld [tilespmem:s11+$0xFFFFFF90]  }
0xa4: {  	[tilespmem:s11+$0xFFFFFF30] =	vst v9;
	v9 =	vmul.f32 v14, v3;
	v13 =	vld [tilespmem:s11+$0xFFFFFFA0]  }
0xa5: {  	[tilespmem:s11+$0xFFFFFF40] =	vst v8;
	v8 =	vmul.f32 v15, v3;
	v14 =	vld [tilespmem:s11+$0xFFFFFFB0]  }
0xa6: {  	[tilespmem:s11+$0xFFFFFF50] =	vst v9;
	v3 =	vmul.f32 v11, v3;
	v9 =	vld [tilespmem:s11+$0xFFFFFFC0]  }
0xa7: {  	[tilespmem:s11+$0xFFFFFF60] =	vst v8;
	v8 =	vmul.f32 v5, v10;
	v10 =	vld [tilespmem:s11+$0xFFFFFFD0]  }
0xa8: {  	[tilespmem:s11+$0xFFFFFF70] =	vst v3;
	v3 =	vmul.f32 v12, v5;
	v11 =	vld [tilespmem:s11+$0xFFFFFFE0]  }
0xa9: {  	[tilespmem:s11+$0xFFFFFF80] =	vst v8;
	v8 =	vmul.f32 v13, v5;
	v12 =	vld [tilespmem:s11+$0xFFFFFFF0]  }
0xaa: {  	[tilespmem:s11+$0xFFFFFF90] =	vst v3;
	v3 =	vmul.f32 v14, v5;
	v5 =	vld [tilespmem:s11+$0x0]  }
0xab: {  	[tilespmem:s11+$0xFFFFFFA0] =	vst v8;
	v8 =	vmul.f32 v6, v9;
	v9 =	vld [tilespmem:s11+$0x10]  }
0xac: {  	[tilespmem:s11+$0xFFFFFFB0] =	vst v3;
	v3 =	vmul.f32 v10, v6;
	v10 =	vld [tilespmem:s11+$0x20]  }
0xad: {  	[tilespmem:s11+$0xFFFFFFC0] =	vst v8;
	v8 =	vmul.f32 v11, v6;
	v11 =	vld [tilespmem:s11+$0x30]  }
0xae: {  	[tilespmem:s11+$0xFFFFFFD0] =	vst v3;
	v3 =	vmul.f32 v12, v6;
	v6 =	vld [tilespmem:s11+$0x40]  }
0xaf: {  	[tilespmem:s11+$0xFFFFFFE0] =	vst v8;
	v5 =	vmul.f32 v4, v5;
	v8 =	vld [tilespmem:s11+$0x50]  }
0xb0: {  	[tilespmem:s11+$0xFFFFFFF0] =	vst v3;
	v3 =	vmul.f32 v9, v4;
	v9 =	vld [tilespmem:s11+$0x60]  }
0xb1: {  	[tilespmem:s11+$0x0] =	vst v5;
	v5 =	vmul.f32 v10, v4;
	v10 =	vld [tilespmem:s11+$0x70]  }
0xb2: {  	[tilespmem:s11+$0x10] =	vst v3;
	v3 =	vmul.f32 v11, v4;
	v11 =	vld [tilespmem:s11+$0x80]  }
0xb3: {  	[tilespmem:s11+$0x20] =	vst v5;
	v5 =	vmul.f32 v7, v6;
	v12 =	vld [tilespmem:s11+$0x90]  }
.Ltmp1:
0xb4: {  	[tilespmem:s11+$0x30] =	vst v3;
	v6 =	vmul.f32 v8, v7;
	v4 =	vld [tilespmem:s11+$0xA0];
	(pc) =	sbr.rel @p2 .LBB2_5-.Ltmp1, $4  }
0xb5: {  	[tilespmem:s11+$0x40] =	vst v5;
	v8 =	vmul.f32 v9, v7;
	v3 =	vld [tilespmem:s11+$0xB0]  }
0xb6: {  	[tilespmem:s11+$0x50] =	vst v6;
	v7 =	vmul.f32 v10, v7;
	v5 =	vld [tilespmem:s11+$0xC0]  }
0xb7: {  	[tilespmem:s11+$0x60] =	vst v8;
	v9 =	vmul.f32 v2, v11;
	v6 =	vld [tilespmem:s11+$0xD0]  }
0xb8: {  	s16 =	sadd.s32 $0x8, s16;
	[tilespmem:s11+$0x70] =	vst v7;
	v8 =	vmul.f32 v12, v2;
	v7 =	vld [tilespmem:s11+$0xE0]  }
0xb9: {  	[tilespmem:s18+$0x80] =	vst v9;
	v4 =	vmul.f32 v4, v2  }
0xba: {  	[tilespmem:s18+$0x90] =	vst v8;
	v2 =	vmul.f32 v3, v2  }
0xbb: {  	[tilespmem:s18+$0xA0] =	vst v4;
	v3 =	vmul.f32 v1, v5  }
0xbc: {  	[tilespmem:s18+$0xB0] =	vst v2;
	v2 =	vmul.f32 v6, v1  }
0xbd: {  	[tilespmem:s18+$0xC0] =	vst v3;
	v1 =	vmul.f32 v7, v1  }
0xbe: {  	s11 =	sand.u32 $0x3, s29;
	p2 =	sne.s32 s7, s6;
	[tilespmem:s18+$0xD0] =	vst v2  }
.Ltmp2:
0xbf: {  	s11 =	sadd.s32 $0x5, s11;
	[tilespmem:s18+$0xE0] =	vst v1;
	(pc) =	sbr.rel @p2 .LBB2_4-.Ltmp2, $4  }
0xc0: {  	s14 =	sshra.s32 s14, $0x2;
	s10 =	sadd.s32 $0x3, s10;
	_ =	swait.ge [sflag:s11], $0x80  }
0xc1: {  	p1 =	por !p1, !p1;
	s28 =	sadd.s32 $0x80, s28;
	[sflag:s11] =	ssyncset.done $0x0  }
0xc2: {  	s29 =	smov.u32 s7;
	s14 =	sadd.s32 $0x2800, s14;
	[sflag:s11] =	ssyncadd.s32 $0xFFFFFF80  }
0xc3: {  	[spmem:s3] =	stream.indirect.scatter.add.f32 [tilespmem:s13], [sflag:s10], $0x40, s14, s31, $0xb8;
	[tilespmem:$0x1F410] =	vst v63  }
0xc4: {  	_ =	swait.ge [sflag:s0], $0x2000  }
0xc5: {  	[sflag:s0] =	ssyncset.done $0x0  }
0xc6: {  	[sflag:s0] =	ssyncadd.s32 $0xFFFFE000  }
0xc7: {  	_ =	swait.ge [sflag:s1], $0x2000  }
0xc8: {  	s26 =	sadd.s32 $0x1, s26;
	[sflag:s1] =	ssyncset.done $0x0  }
0xc9: {  	p1 =	sne.s32 s26, s23;
	[sflag:s1] =	ssyncadd.s32 $0xFFFFE000  }
.Ltmp3:
0xca: {  	s7 =	sshrl.u32 s17, $0x3;
	[bflag:$0x0] =	sbarrier.arrive $0xFFFF;
	(pc) =	sbr.rel @p1 .LBB2_1-.Ltmp3, $4  }
0xcb: {  	[hbm:s22], [sflag:s8] =	dma.local [spmem:s7], $0x13C0  }
0xcc: {  	_ =	swait.ge [sflag:s25], $0x13C0  }
0xcd: {  	[sflag:s25] =	ssyncset.done $0x0  }
0xce: {  	[sflag:s25] =	ssyncadd.s32 $0xFFFFEC40  }
0xcf: {  	_ =	sfence.sel $0x180000  }
0xd0: {  	[bflag:$0x0] =	sbarrier.arrive $0xFFFF  }
0xd1: {  	_ =	strace $0x9000004A  }
0xd2: {  	s0 =	stileid.u32;
	[bflag:$0x2] =	sbarrier.arrive $0xFFFF  }
0xd3: {  	p0 =	sne.s32 s0, $0x0;
	s0 =	rddreg [dreg:$0x5]  }
0xd4: {  	s0 =	sadd.s32 @!p0 $0x100000, s0  }
0xd5: {  	[sflag:s0] =	ssyncadd.tile.s32 @!p0 $0x1;
	_ =	shalt  }
.Lfunc_end2:
_tile_overlayer_lowered:
.L_overlay_start_2:
0xd6: {  	(tag) =	ssettag $0x2  }
0xd7: {  	s0 =	rddreg [dreg:$0x0];
	s2 =	stileid.u32  }
0xd8: {  	s1 =	rddreg [dreg:$0x1];
	p0 =	sne.s32 s2, $0x0  }
0xd9: {  	s3 =	rddreg [dreg:$0x2];
	[bflag:$0x3] =	sbarrier.arrive $0xFFFF;
	s2 =	simm.s32 @!p0 $0x1C09  }
0xda: {  	[timem:s3], [sflag:s2] =	dma.local @!p0 [hbm:s0], s1  }
0xdb: {  	s0 =	simm.s32 @!p0 $0x9  }
0xdc: {  	_ =	swait.ge @!p0 [sflag:s0], s1  }
0xdd: {  	s1 =	ssub.s32 @!p0 $0x0, s1;
	[sflag:s0] =	ssyncset.done @!p0 $0x0  }
0xde: {  	[sflag:s0] =	ssyncadd.s32 @!p0 s1  }
0xdf: {  	[bflag:$0x3] =	sbarrier.arrive $0xFFFF  }
0xe0: {  	_ =	shalt  }

// kernel: kernel.15.cloned.1.call-start
scs
__scs_entry_jumppad:
0x0: {  	(pc) =	sbr.rel $0x88, $3  }
0x1: {  	(tag) =	ssettag $0x0;
	lr =	simm.s32 $0x1  }
0x2: {  	[smem:$0x3F9A] =	sst lr;
	_ =	strace $0xD0000000  }
0x3: {  	_ = 	snop  }
0x4: {  	_ = 	snop  }
0x5: {  	_ = 	snop  }
0x6: {  	_ = 	snop  }
0x7: {  	_ = 	snop  }
__scs_overlays_trampoline_lowered:
0x8: {  	[smem:$0x3FA9] =	sst s0  }
0x9: {  	[smem:$0x3FAA] =	sst s1  }
0xa: {  	[smem:$0x3FAB] =	sst s2  }
0xb: {  	[smem:$0x3FAC] =	sst s3  }
0xc: {  	[smem:$0x3FAD] =	sst s4  }
0xd: {  	[smem:$0x3FAE] =	sst s5  }
0xe: {  	[smem:$0x3FAF] =	sst s6  }
0xf: {  	[smem:$0x3FB0] =	sst s7  }
0x10: {  	[smem:$0x3FB1] =	sst s8  }
0x11: {  	[smem:$0x3FB2] =	sst s9;
	s0 =	simm.s32 @!p0 $0x0  }
0x12: {  	s1 =	sld [smem:$0x3F98];
	s0 =	simm.s32 @p0 $0x1  }
0x13: {  	[smem:$0x3FB3] =	sst s0;
	s0 =	simm.s32 @!p1 $0x0  }
0x14: {  	s2 =	sld [smem:$0x3F97];
	s0 =	simm.s32 @p1 $0x1  }
0x15: {  	[smem:$0x3FB4] =	sst s0;
	s0 =	simm.s32 @!p2 $0x0  }
0x16: {  	s3 =	sld [smem:$0x3FDB];
	s0 =	simm.s32 @p2 $0x1  }
0x17: {  	s4 =	simm.s32 $0x1BF5;
	[smem:$0x3FB6] =	sst s0  }
0x18: {  	s0 =	sld [smem:$0x3F99];
	_ =	swait.ge [sflag:s4], $0x0  }
0x19: {  	s7 =	sld [smem:$0x3F9A]  }
0x1a: {  	s8 =	sadd.s32 $0xFFFFE003, lr  }
0x1b: {  	s9 =	sadd.s32 $0xFFFFFEF7, lr;
	s5 =	simm.s32 $0xFFFFFFFF;
	p2 =	slt.u32 s8, $0xFFFFF086  }
0x1c: {  	p1 =	slt.u32 s9, $0xF7A;
	s5 =	simm.s32 @!p2 $0x0  }
0x1d: {  	s5 =	simm.s32 @p1 $0x1;
	p0 =	seq.s32 s7, s2  }
0x1e: {  	s7 =	smul.u32 @!p0 $0xF7A, s2;
	p2 =	seq.s32 @!p0 s5, $0x0  }
0x1f: {  	s9 =	smul.u32 $0xF7A, s1;
	s8 =	simm.s32 @!p0 $0x1BF5;
	p2 =	por !p2, p0  }
0x20: {  	[sflag:s8] =	ssyncset.s32 @!p0 $0xFFFFF086;
	s6 =	sadd.s32 @!p0 s3, s7;
	s7 =	simm.s32 @!p0 $0x108  }
0x21: {  	s3 =	sadd.s32 s3, s9;
	s6 =	sadd.s32 @!p0 $0x88, s6;
	s7 =	simm.s32 @p2 $0x1082  }
0x22: {  	[simem:s7], [sflag:s8] =	dma.local @!p0 [hbm:s6], $0xF7A  }
0x23: {  	s9 =	sor.u32 $0xD0000000, s2;
	s6 =	simm.s32 $0x108;
	_ =	swait.ge @!p0 [sflag:s8], $0x0  }
0x24: {  	s3 =	sadd.s32 $0x88, s3;
	s6 =	simm.s32 @!p1 $0x1082;
	[sflag:s4] =	ssyncset.s32 $0xFFFFF086  }
0x25: {  	[simem:s6], [sflag:s4] =	dma.local [hbm:s3], $0xF7A  }
0x26: {  	[smem:$0x3F9A] =	sst s1;
	(tag) =	ssettag s2;
	_ =	strace s9  }
0x27: {  	s1 =	sld [smem:$0x3FAA]  }
0x28: {  	s2 =	sld [smem:$0x3FAB]  }
0x29: {  	s4 =	sld [smem:$0x3FAD]  }
0x2a: {  	p0 =	seq.s32 s5, $0x0;
	s5 =	sld [smem:$0x3FAE]  }
0x2b: {  	s6 =	sld [smem:$0x3FAF]  }
0x2c: {  	s7 =	sld [smem:$0x3FB0]  }
0x2d: {  	s3 =	simm.s32 $0x108;
	s8 =	sld [smem:$0x3FB1]  }
0x2e: {  	s3 =	simm.s32 @!p0 $0x1082;
	s9 =	sld [smem:$0x3FB2]  }
0x2f: {  	lr =	sadd.s32 s0, s3;
	s0 =	sld [smem:$0x3FA9]  }
0x30: {  	s3 =	sld [smem:$0x3FAC]  }
0x31: {  	[smem:$0x3FB5] =	sst s10  }
0x32: {  	s10 =	sld [smem:$0x3FB3];
	_ =	sdelay $0x3  }
0x33: {  	p0 =	seq.s32 s10, $0x1;
	s10 =	sld [smem:$0x3FB5];
	_ =	sdelay $0x3  }
0x34: {  	[smem:$0x3FB5] =	sst s10  }
0x35: {  	s10 =	sld [smem:$0x3FB4];
	_ =	sdelay $0x3  }
0x36: {  	p1 =	seq.s32 s10, $0x1;
	s10 =	sld [smem:$0x3FB5];
	_ =	sdelay $0x3  }
0x37: {  	[smem:$0x3FB5] =	sst s10  }
0x38: {  	s10 =	sld [smem:$0x3FB6]  }
0x39: {  	_ = 	snop;
	(pc) =	sbr.ind lr, $3  }
0x3a: {  	_ = 	snop  }
0x3b: {  	_ = 	snop  }
0x3c: {  	p2 =	seq.s32 s10, $0x1;
	s10 =	sld [smem:$0x3FB5]  }
0x3d: {  	_ =	shalt  }
0x3e: {  	_ =	shalt  }
0x3f: {  	_ =	shalt  }
0x40: {  	_ =	shalt  }
0x41: {  	_ =	shalt  }
0x42: {  	_ =	shalt  }
0x43: {  	_ =	shalt  }
0x44: {  	_ =	shalt  }
0x45: {  	_ =	shalt  }
0x46: {  	_ =	shalt  }
0x47: {  	_ =	shalt  }
0x48: {  	_ =	shalt  }
0x49: {  	_ =	shalt  }
0x4a: {  	_ =	shalt  }
0x4b: {  	_ =	shalt  }
0x4c: {  	_ =	shalt  }
0x4d: {  	_ =	shalt  }
0x4e: {  	_ =	shalt  }
0x4f: {  	_ =	shalt  }
0x50: {  	_ =	shalt  }
0x51: {  	_ =	shalt  }
0x52: {  	_ =	shalt  }
0x53: {  	_ =	shalt  }
0x54: {  	_ =	shalt  }
0x55: {  	_ =	shalt  }
0x56: {  	_ =	shalt  }
0x57: {  	_ =	shalt  }
0x58: {  	_ =	shalt  }
0x59: {  	_ =	shalt  }
0x5a: {  	_ =	shalt  }
0x5b: {  	_ =	shalt  }
0x5c: {  	_ =	shalt  }
0x5d: {  	_ =	shalt  }
0x5e: {  	_ =	shalt  }
0x5f: {  	_ =	shalt  }
0x60: {  	_ =	shalt  }
0x61: {  	_ =	shalt  }
0x62: {  	_ =	shalt  }
0x63: {  	_ =	shalt  }
0x64: {  	_ =	shalt  }
0x65: {  	_ =	shalt  }
0x66: {  	_ =	shalt  }
0x67: {  	_ =	shalt  }
0x68: {  	_ =	shalt  }
0x69: {  	_ =	shalt  }
0x6a: {  	_ =	shalt  }
0x6b: {  	_ =	shalt  }
0x6c: {  	_ =	shalt  }
0x6d: {  	_ =	shalt  }
0x6e: {  	_ =	shalt  }
0x6f: {  	_ =	shalt  }
0x70: {  	_ =	shalt  }
0x71: {  	_ =	shalt  }
0x72: {  	_ =	shalt  }
0x73: {  	_ =	shalt  }
0x74: {  	_ =	shalt  }
0x75: {  	_ =	shalt  }
0x76: {  	_ =	shalt  }
0x77: {  	_ =	shalt  }
0x78: {  	_ =	shalt  }
0x79: {  	_ =	shalt  }
0x7a: {  	_ =	shalt  }
0x7b: {  	_ =	shalt  }
0x7c: {  	_ =	shalt  }
0x7d: {  	_ =	shalt  }
0x7e: {  	_ =	shalt  }
0x7f: {  	_ =	shalt  }
0x80: {  	_ =	shalt  }
0x81: {  	_ =	shalt  }
0x82: {  	_ =	shalt  }
0x83: {  	_ =	shalt  }
0x84: {  	_ =	shalt  }
0x85: {  	_ =	shalt  }
0x86: {  	_ =	shalt  }
0x87: {  	_ =	shalt  }
.Lfunc_end0:
.L_simem_size_0:
called_computation.2_lowered:
.L_overlay_start_0:
0x88: {  	s2 =	sld [smem:$0x3FD9]  }
0x89: {  	s3 =	sld [smem:$0x3FFE];
	_ =	sdelay $0x1  }
0x8a: {  	s1 =	srdreg.scid  }
0x8b: {  	s0 =	sand.u32 $0x1, s1  }
0x8c: {  	s17 =	sshll.u32 s0, $0xA;
	s2 =	sadd.s32 s3, s2  }
0x8d: {  	s2 =	sadd.s32 s2, s17  }
0x8e: {  	[smem:$0x3FC1] =	sst s2  }
0x8f: {  	_ = 	snop  }
0x90: {  	s2 =	sld [smem:$0x3FD0];
	(tm) =	ssettm $0x1  }
0x91: {  	s18 =	sld [smem:$0x3FFB];
	_ =	sdelay $0x3  }
0x92: {  	_ =	strace s18  }
0x93: {  	s3 =	sld [smem:$0x3FFC];
	_ =	sdelay $0x3  }
0x94: {  	_ =	strace s3  }
0x95: {  	s3 =	sld [smem:$0x3FFD];
	_ =	sdelay $0x3  }
0x96: {  	_ =	strace s3  }
0x97: {  	_ =	strace $0x8FFFFFFF  }
0x98: {  	s19 =	sld [smem:$0x3FDB];
	_ =	sdelay $0x1  }
0x99: {  	s4 =	simm.s32 $_scs_section_size  }
0x9a: {  	s5 =	simm.s32 $_size__tile_overlayer_lowered;
	s6 =	simm.s32 $_tile_overlayer_lowered  }
0x9b: {  	s22 =	simm.s32 $0x1BFF;
	s21 =	sshll.u32 s6, $0x1;
	s3 =	sadd.s32 s4, s19  }
0x9c: {  	s7 =	simm.s32 $0x0;
	s20 =	sshll.u32 s5, $0x1;
	s5 =	sadd.s32 s21, s3  }
0x9d: {  	[timem:s7], [sflag:s22] =	dma.local [hbm:s5], s20  }
0x9e: {  	_ =	swait.ge [sflag:s22], s20  }
0x9f: {  	s4 =	ssub.s32 $0x0, s20;
	[sflag:s22] =	ssyncset.done $0x0  }
0xa0: {  	[sflag:s22] =	ssyncadd.s32 s4;
	_ =	sdelay $0x1  }
0xa1: {  	s23 =	simm.s32 $0x1B8B  }
0xa2: {  	_ =	swait.ge [sflag:s23], $0x1  }
0xa3: {  	[sflag:s23] =	ssyncset.done $0x0  }
0xa4: {  	s25 =	simm.s32 $0x1B8E;
	s24 =	sld [smem:$0x3FFE];
	[sflag:s23] =	ssyncadd.s32 $0xFFFFFFFF  }
0xa5: {  	s26 =	simm.s32 $execute0_lowered;
	[smem:$0x3FD2] =	sst s25  }
0xa6: {  	s5 =	sshll.u32 s26, $0x1;
	_ =	strace $0x8000004C;
	[dreg:$0x1] =	wrdreg $0xFFFFFFFF  }
0xa7: {  	s28 =	simm.s32 $_size_execute0_lowered;
	s3 =	sadd.s32 s3, s5;
	[dreg:$0x0] =	wrdreg $0x0  }
0xa8: {  	s5 =	sshll.u32 s28, $0x1;
	[dreg:$0x2] =	wrdreg s3  }
0xa9: {  	[dreg:$0x3] =	wrdreg s5  }
0xaa: {  	[dreg:$0x4] =	wrdreg $0xC0  }
0xab: {  	_ =	task [dreg:s7], $0x5FFFF  }
0xac: {  	[dreg:$0x1] =	wrdreg $0xFFFFFFFF  }
0xad: {  	[dreg:$0x0] =	wrdreg $0x60  }
0xae: {  	[dreg:$0x2] =	wrdreg s24  }
0xaf: {  	[dreg:$0x3] =	wrdreg s2  }
0xb0: {  	[dreg:$0x4] =	wrdreg $0x90000  }
0xb1: {  	[dreg:$0x5] =	wrdreg $0x12E000  }
0xb2: {  	[dreg:$0x6] =	wrdreg $0x9  }
0xb3: {  	_ =	task.clear_ibuf [dreg:s7], $0x7FFFF;
	_ =	strace $0x9000004C  }
0xb4: {  	s29 =	simm.s32 $0x9;
	_ =	strace $0x8000004E  }
0xb5: {  	_ =	swait.ge [sflag:s29], $0x1  }
0xb6: {  	[sflag:s29] =	ssyncadd.s32 $0xFFFFFFFF  }
0xb7: {  	_ =	strace $0x9000004E  }
0xb8: {  	_ =	sfence  }
0xb9: {  	s30 =	sld [smem:$0x0];
	_ =	sdelay $0x2  }
0xba: {  	s31 =	sshll.u32 s1, $0xD;
	s1 =	sshrl.u32 s1, $0x2  }
0xbb: {  	s3 =	sand.u32 $0x4000, s31;
	s1 =	sadd.s32 s1, s30  }
0xbc: {  	s0 =	sor.u32 s3, s0;
	s1 =	sshll.u32 s1, $0x11  }
0xbd: {  	s0 =	sor.u32 s1, s0  }
0xbe: {  	s0 =	sadd.s32 $0x8F2B, s0  }
0xbf: {  	[sflag:s0] =	ssyncadd.remote.s32 $0x1  }
0xc0: {  	_ =	sfence.sel $0xFFFF  }
0xc1: {  	[dreg:$0x0] =	wrdreg $0xFFFFFFFF;
	(pc) =	sbr.abs _section_cstart, $3  }
0xc2: {  	[dreg:$0x1] =	wrdreg $0xFFFFFFFF  }
0xc3: {  	_ =	task.clear_ibuf [dreg:s7], $0x2FFFF;
	_ =	strace $0x9FFFFFFF  }
0xc4: {  	(tm) =	ssettm $0x7FFFFFFF  }
0xc5: {  	_ =	shalt  }
tec
execute0_lowered:
.L_overlay_start_1:
0x0: {  	(tag) =	ssettag $0x1  }
0x1: {  	s0 =	rddreg [dreg:$0x0]  }
0x2: {  	s1 =	rddreg [dreg:$0x1]  }
0x3: {  	s2 =	rddreg [dreg:$0x2]  }
0x4: {  	s3 =	rddreg [dreg:$0x3]  }
0x5: {  	s5 =	srdreg.scid;
	s14 =	stileid.u32;
	s4 =	simm.s32 $0x0  }
0x6: {  	s30 =	simm.s32 $0x5000;
	s31 =	simm.s32 $0x80;
	s28 =	simm.s32 $0x1  }
0x7: {  	s29 =	simm.s32 $0x5;
	s6 =	sand.u32 $0x1, s5;
	s8 =	smul.u32 $0x9E00, s14  }
0x8: {  	[smem:$0x7FF] =	sst s4;
	s9 =	sadd.s32 $0x1E00, s0;
	s19 =	smul.u32 $0x2800, s14  }
0x9: {  	s25 =	sshll.u32 s14, $0x6;
	s5 =	smul.u32 $0x9E000, s6;
	_ =	strace $0x8000004D  }
0xa: {  	s7 =	ssub.s32 $0x2, s6;
	s11 =	sshll.u32 s6, $0x4;
	s17 =	smul.u32 $0x28000, s6  }
0xb: {  	s6 =	simm.s32 $0x0;
	s10 =	sshrl.u32 s7, $0x1;
	s23 =	sor.u32 s14, s11  }
0xc: {  	s11 =	sadd.s32 s8, s2;
	s13 =	sshrl.u32 s8, $0x3;
	s5 =	sadd.s32 s8, s5  }
0xd: {  	s10 =	ssub.s32 s7, s10;
	s24 =	smul.u32 $0x2800, s23;
	p0 =	seq.s32 s23, $0x1F  }
0xe: {  	s1 =	sadd.s32 s1, s13;
	s7 =	sor.u32 $0x1C09, s25;
	s13 =	smul.u32 $0x27800, s14  }
0xf: {  	s5 =	sshrl.u32 s5, $0x3;
	[dreg:$0x5] =	wrdreg s1;
	s25 =	smax.u32 s10, $0x1  }
0x10: {  	s12 =	sadd.s32 s5, s0;
	s5 =	simm.s32 $0x14;
	s26 =	sshrl.u32 s24, $0x3  }
0x11: {  	s0 =	sadd.s32 $0xB900, s0;
	s1 =	sshrl.u32 s13, $0x2;
	[dreg:$0x10] =	wrdreg s25  }
0x12: {  	s25 =	simm.s32 $0x9;
	[dreg:$0x7] =	wrdreg s0;
	s24 =	sadd.s32 $0x15800, s12  }
0x13: {  	s5 =	simm.s32 @!p0 $0x50;
	s15 =	sadd.s32 s9, s26;
	[dreg:$0xf] =	wrdreg s24  }
0x14: {  	s1 =	sadd.s32 s1, s3;
	s16 =	sadd.s32 $0x9C40, s15;
	[dreg:$0x6] =	wrdreg s15  }
0x15: {  	s0 =	sadd.s32 s19, s17;
	s18 =	sadd.s32 $0x9C50, s15;
	[dreg:$0x8] =	wrdreg s16  }
0x16: {  	s13 =	sadd.s32 $0x9C60, s15;
	s20 =	sadd.s32 $0x2000, s1;
	[dreg:$0x9] =	wrdreg s18  }
0x17: {  	s21 =	sadd.s32 $0x4000, s1;
	s22 =	sadd.s32 $0x6000, s1;
	[dreg:$0xa] =	wrdreg s13  }
0x18: {  	s1 =	sadd.s32 $0x8000, s1;
	s23 =	sadd.s32 $0x4E480, s0;
	[dreg:$0xb] =	wrdreg s20  }
0x19: {  	s26 =	sadd.s32 $0x9C70, s15;
	s0 =	sadd.s32 $0x4E400, s0;
	[dreg:$0xc] =	wrdreg s21  }
0x1a: {  	s24 =	sshrl.u32 s11, $0x3;
	s11 =	simm.s32 $0x2800;
	[dreg:$0xd] =	wrdreg s22  }
0x1b: {  	s13 =	sadd.s32 s8, s3;
	[dreg:$0xe] =	wrdreg s1;
	s1 =	sshrl.u32 s23, $0x3  }
0x1c: {  	[dreg:$0x11] =	wrdreg s26;
	s0 =	sshrl.u32 s0, $0x3;
	s1 =	sadd.s32 s1, s9  }
0x1d: {  	s22 =	ssub.s32 $0x2, s5;
	s17 =	sadd.s32 s0, s9;
	s1 =	ssub.s32 $0x10, s1  }
0x1e: {  	v0 =	vimm.f32 $0.0e+00;
	s0 =	simm.s32 $0x3;
	[dreg:$0x12] =	wrdreg s1;
	s1 =	simm.s32 $0x4  }
.LBB2_1:
0x1f: {  	s8 =	rddreg [dreg:$0x5]  }
0x20: {  	[spmem:s24], [sflag:s7] =	dma.local [hbm:s8], $0x13C0  }
0x21: {  	_ =	swait.ge [sflag:s25], $0x13C0  }
0x22: {  	[sflag:s25] =	ssyncset.done $0x0  }
0x23: {  	s8 =	simm.s32 @p0 $0x0;
	s9 =	rddreg [dreg:$0x7];
	[sflag:s25] =	ssyncadd.s32 $0xFFFFEC40  }
0x24: {  	[tilespmem:s8], [sflag:$0x9] =	stream.linear.gather @p0 [hbm4b:s9+s8], $0xA00, $0x38;
	[tilespmem:$0x1CC00] =	vst v63  }
0x25: {  	s8 =	simm.s32 @p0 $0x9  }
0x26: {  	_ =	swait.ge @p0 [sflag:s8], $0xA00  }
0x27: {  	[sflag:s8] =	ssyncset.done @p0 $0x0  }
0x28: {  	s9 =	rddreg [dreg:$0x6];
	[sflag:s8] =	ssyncadd.s32 @p0 $0xFFFFF600;
	s8 =	simm.s32 @!p0 $0x0  }
0x29: {  	[tilespmem:s8], [sflag:$0x9] =	stream.linear.gather @!p0 [hbm4b:s9+s8], $0x2800, $0x38;
	[tilespmem:$0x1CC00] =	vst v63  }
0x2a: {  	s8 =	simm.s32 @!p0 $0x9  }
0x2b: {  	_ =	swait.ge @!p0 [sflag:s8], $0x2800  }
0x2c: {  	[sflag:s8] =	ssyncset.done @!p0 $0x0  }
0x2d: {  	s19 =	rddreg [dreg:$0x8];
	[sflag:s8] =	ssyncadd.s32 @!p0 $0xFFFFD800  }
0x2e: {  	[tilespmem:s11], [sflag:$0x5] =	stream.linear.gather [hbm4b:s19+s4], $0x80, $0x38;
	[tilespmem:$0x1CC00] =	vst v63  }
0x2f: {  	s21 =	simm.s32 $0x2880;
	s26 =	simm.s32 $0x2900;
	s20 =	rddreg [dreg:$0x9]  }
0x30: {  	[tilespmem:s21], [sflag:$0x6] =	stream.linear.gather [hbm4b:s20+s4], $0x80, $0x38;
	[tilespmem:$0x1CC00] =	vst v63  }
0x31: {  	s9 =	simm.s32 $0x100;
	s23 =	rddreg [dreg:$0xa];
	s8 =	simm.s32 $0x0  }
0x32: {  	[tilespmem:s26], [sflag:$0x7] =	stream.linear.gather [hbm4b:s23+s4], $0x80, $0x38;
	[tilespmem:$0x1CC00] =	vst v63  }
.LBB2_2:
0x33: {  	p1 =	sne.s32 s9, $0x7F00;
	[tilespmem:s8+$0x5030] =	vst v0;
	s10 =	smov.u32 s9;
	s9 =	sadd.s32 $0x100, s9  }
.Ltmp0:
0x34: {  	[tilespmem:s8+$0x5020] =	vst v0;
	(pc) =	sbr.rel @p1 .LBB2_2-.Ltmp0, $3  }
0x35: {  	[tilespmem:s8+$0x5000] =	vst v0  }
0x36: {  	[tilespmem:s8+$0x5010] =	vst v0;
	_ =	sdelay $0x1  }
0x37: {  	s8 =	sshra.s32 s10, $0x2  }
0x38: {  	[tilespmem:s8+$0x5030] =	vst v0  }
0x39: {  	[tilespmem:s8+$0x5020] =	vst v0  }
0x3a: {  	[tilespmem:s8+$0x5000] =	vst v0  }
0x3b: {  	[tilespmem:s8+$0x5010] =	vst v0  }
0x3c: {  	[spmem:s13] =	stream.linear.scatter [tilespmem:s30], [sflag:$0x9], $0x2000, $0x38;
	[tilespmem:$0x1CC00] =	vst v63  }
0x3d: {  	_ =	swait.ge [sflag:s25], $0x2000  }
0x3e: {  	[sflag:s25] =	ssyncset.done $0x0  }
0x3f: {  	s18 =	rddreg [dreg:$0xb];
	[sflag:s25] =	ssyncadd.s32 $0xFFFFE000  }
0x40: {  	[spmem:s18] =	stream.linear.scatter [tilespmem:s30], [sflag:$0x9], $0x2000, $0x38;
	[tilespmem:$0x1CC00] =	vst v63  }
0x41: {  	_ =	swait.ge [sflag:s25], $0x2000  }
0x42: {  	[sflag:s25] =	ssyncset.done $0x0  }
0x43: {  	s19 =	rddreg [dreg:$0xc];
	[sflag:s25] =	ssyncadd.s32 $0xFFFFE000  }
0x44: {  	[spmem:s19] =	stream.linear.scatter [tilespmem:s30], [sflag:$0x9], $0x2000, $0x38;
	[tilespmem:$0x1CC00] =	vst v63  }
0x45: {  	_ =	swait.ge [sflag:s25], $0x2000  }
0x46: {  	[sflag:s25] =	ssyncset.done $0x0  }
0x47: {  	s20 =	rddreg [dreg:$0xd];
	[sflag:s25] =	ssyncadd.s32 $0xFFFFE000  }
0x48: {  	[spmem:s20] =	stream.linear.scatter [tilespmem:s30], [sflag:$0x9], $0x2000, $0x38;
	[tilespmem:$0x1CC00] =	vst v63  }
0x49: {  	_ =	swait.ge [sflag:s25], $0x2000  }
0x4a: {  	[sflag:s25] =	ssyncset.done $0x0  }
0x4b: {  	s21 =	rddreg [dreg:$0xe];
	[sflag:s25] =	ssyncadd.s32 $0xFFFFE000  }
0x4c: {  	[spmem:s21] =	stream.linear.scatter [tilespmem:s30], [sflag:$0x9], $0x1E00, $0x38;
	[tilespmem:$0x1CC00] =	vst v63  }
0x4d: {  	_ =	swait.ge [sflag:s25], $0x1E00  }
0x4e: {  	[sflag:s25] =	ssyncset.done $0x0  }
0x4f: {  	[sflag:s25] =	ssyncadd.s32 $0xFFFFE200  }
0x50: {  	[bflag:$0x0] =	sbarrier.arrive $0xFFFF  }
0x51: {  	[tilespmem:s30], [sflag:$0x1] =	stream.indirect.gather [spmem:s2], $0x40, s4, s31, $0xb8;
	[tilespmem:$0x1CC00] =	vst v63  }
0x52: {  	s23 =	simm.s32 $0x7000  }
0x53: {  	[tilespmem:s23], [sflag:$0x2] =	stream.indirect.gather [spmem:s2], $0x40, s31, s31, $0xb8;
	[tilespmem:$0x1CC00] =	vst v63  }
0x54: {  	s9 =	simm.s32 $0x2980;
	s26 =	rddreg [dreg:$0x11]  }
0x55: {  	[tilespmem:s9], [sflag:$0x8] =	stream.linear.gather [hbm4b:s26+s4], $0x80, $0x38;
	[tilespmem:$0x1CC00] =	vst v63  }
0x56: {  	_ =	swait.ge [sflag:s28], $0x2000  }
0x57: {  	[sflag:s28] =	ssyncset.done $0x0  }
0x58: {  	[sflag:s28] =	ssyncadd.s32 $0xFFFFE000  }
0x59: {  	s10 =	simm.s32 $0x4;
	_ =	swait.ge [sflag:s29], $0x80  }
0x5a: {  	s12 =	simm.s32 $0x100;
	s18 =	simm.s32 $0x2A00;
	[sflag:s29] =	ssyncset.done $0x0  }
0x5b: {  	s23 =	smov.u32 s17;
	s21 =	rddreg [dreg:$0x12];
	[sflag:s29] =	ssyncadd.s32 $0xFFFFFF80  }
0x5c: {  	[spmem:s3] =	stream.indirect.scatter.add.f32 [tilespmem:s30], [sflag:$0x3], $0x40, s11, s31, $0xb8;
	[tilespmem:$0x1CC00] =	vst v63  }
.LBB2_4:
0x5d: {  	s8 =	sadd.s32 $0xFFFFFFFE, s10  }
0x5e: {  	s8 =	sand.u32 $0x1, s8  }
0x5f: {  	p1 =	sge.u32 s10, s5;
	s9 =	sadd.s32 $0x3, s8  }
0x60: {  	s20 =	sadd.s32 $0xFFFFFFFD, s10;
	s16 =	smov.u32 s18;
	_ =	swait.ge [sflag:s9], $0x2000  }
0x61: {  	s14 =	sand.u32 @!p1 $0x3, s10;
	s11 =	sshll.u32 s8, $0xD;
	[sflag:s9] =	ssyncset.done $0x0  }
0x62: {  	s15 =	sadd.s32 $0x1, s8;
	s11 =	sor.u32 $0x5000, s11;
	[sflag:s9] =	ssyncadd.s32 $0xFFFFE000  }
0x63: {  	[tilespmem:s11], [sflag:s15] =	stream.indirect.gather [spmem:s2], $0x40, s12, s31, $0xb8;
	[tilespmem:$0x1CC00] =	vst v63  }
0x64: {  	s18 =	sand.u32 $0x1, s20;
	s19 =	simm.s32 @!p1 $0x0;
	s14 =	sadd.s32 @!p1 $0x5, s14  }
0x65: {  	[tilespmem:s16], [sflag:s14] =	stream.linear.gather @!p1 [hbm4b:s23+s19], $0x80, $0x38;
	[tilespmem:$0x1CC00] =	vst v63  }
0x66: {  	s19 =	sadd.s32 $0x1, s18  }
0x67: {  	_ =	swait.ge [sflag:s19], $0x2000  }
0x68: {  	s8 =	sand.u32 $0x3, s20;
	[sflag:s19] =	ssyncset.done $0x0  }
0x69: {  	s20 =	sadd.s32 $0x5, s8;
	[sflag:s19] =	ssyncadd.s32 $0xFFFFE000  }
0x6a: {  	s26 =	sshll.u32 s18, $0xD;
	_ =	swait.ge [sflag:s20], $0x80  }
0x6b: {  	s10 =	sadd.s32 $0x1, s10;
	s8 =	sor.u32 $0x5000, s26;
	[sflag:s20] =	ssyncset.done $0x0  }
0x6c: {  	s26 =	sadd.s32 $0xFFFFFE80, s16;
	s14 =	sadd.s32 $0x3, s18;
	[sflag:s20] =	ssyncadd.s32 $0xFFFFFF80  }
0x6d: {  	[spmem:s3] =	stream.indirect.scatter.add.f32 [tilespmem:s8], [sflag:s14], $0x40, s26, s31, $0xb8;
	[tilespmem:$0x1CC00] =	vst v63  }
0x6e: {  	s26 =	sadd.s32 s10, s22  }
0x6f: {  	p1 =	sne.s32 s26, $0x4  }
.Ltmp1:
0x70: {  	_ = 	snop;
	(pc) =	sbr.rel @p1 .LBB2_4-.Ltmp1, $3  }
0x71: {  	_ =	sdelay $0x1  }
0x72: {  	s21 =	sadd.s32 $0xFFFFFFF0, s21  }
0x73: {  	s12 =	sadd.s32 $0x80, s12;
	s18 =	sadd.s32 $0x80, s16;
	s23 =	sadd.s32 $0x10, s23  }
0x74: {  	s23 =	sadd.s32 $0xFFFFFFFE, s10  }
0x75: {  	p1 =	sge.u32 s23, s5  }
0x76: {  	_ =	swait.ge @!p1 [sflag:s14], $0x2000  }
0x77: {  	[sflag:s14] =	ssyncset.done @!p1 $0x0  }
0x78: {  	[sflag:s14] =	ssyncadd.s32 @!p1 $0xFFFFE000;
	s14 =	simm.s32 @!p1 $0x80  }
0x79: {  	[tilespmem:s8], [sflag:s19] =	stream.indirect.gather @!p1 [spmem:s2], $0x40, s12, s14, $0xb8;
	[tilespmem:$0x1CC00] =	vst v63  }
0x7a: {  	p1 =	sge.u32 s10, s5  }
0x7b: {  	s8 =	ssub.s32 @!p1 $0x0, s21;
	s12 =	simm.s32 @!p1 $0x0  }
0x7c: {  	[tilespmem:s18], [sflag:s20] =	stream.linear.gather @!p1 [hbm4b:s8+s12], $0x80, $0x38;
	[tilespmem:$0x1CC00] =	vst v63  }
0x7d: {  	s19 =	sadd.s32 $0xFFFFFFFD, s10;
	_ =	swait.ge [sflag:s15], $0x2000  }
0x7e: {  	s8 =	sand.u32 $0x3, s19;
	[sflag:s15] =	ssyncset.done $0x0  }
0x7f: {  	s8 =	sadd.s32 $0x5, s8;
	[sflag:s15] =	ssyncadd.s32 $0xFFFFE000  }
0x80: {  	_ =	swait.ge [sflag:s8], $0x80  }
0x81: {  	[sflag:s8] =	ssyncset.done $0x0  }
0x82: {  	s20 =	sadd.s32 $0xFFFFFF00, s16;
	[sflag:s8] =	ssyncadd.s32 $0xFFFFFF80  }
0x83: {  	[spmem:s3] =	stream.indirect.scatter.add.f32 [tilespmem:s11], [sflag:s9], $0x40, s20, s31, $0xb8;
	[tilespmem:$0x1CC00] =	vst v63  }
0x84: {  	_ =	swait.ge [sflag:s0], $0x2000  }
0x85: {  	[sflag:s0] =	ssyncset.done $0x0  }
0x86: {  	[sflag:s0] =	ssyncadd.s32 $0xFFFFE000  }
0x87: {  	_ =	swait.ge [sflag:s1], $0x2000  }
0x88: {  	[sflag:s1] =	ssyncset.done $0x0  }
0x89: {  	[sflag:s1] =	ssyncadd.s32 $0xFFFFE000  }
0x8a: {  	[bflag:$0x0] =	sbarrier.arrive $0xFFFF  }
0x8b: {  	s21 =	sshrl.u32 s13, $0x3;
	s23 =	rddreg [dreg:$0xf]  }
0x8c: {  	[hbm:s23], [sflag:s7] =	dma.local [spmem:s21], $0x13C0  }
0x8d: {  	_ =	swait.ge [sflag:s25], $0x13C0  }
0x8e: {  	s6 =	sadd.s32 $0x1, s6;
	s26 =	rddreg [dreg:$0x10]  }
0x8f: {  	p1 =	sne.s32 s6, s26  }
.Ltmp2:
0x90: {  	_ = 	snop;
	(pc) =	sbr.rel @p1 .LBB2_1-.Ltmp2, $3  }
0x91: {  	_ =	sdelay $0x1  }
0x92: {  	[sflag:s25] =	ssyncset.done $0x0  }
0x93: {  	s11 =	simm.s32 $0x2800;
	[sflag:s25] =	ssyncadd.s32 $0xFFFFEC40  }
0x94: {  	_ =	sfence.sel $0x180000  }
0x95: {  	[bflag:$0x0] =	sbarrier.arrive $0xFFFF  }
0x96: {  	_ =	strace $0x9000004D  }
0x97: {  	s0 =	stileid.u32;
	[bflag:$0x2] =	sbarrier.arrive $0xFFFF  }
0x98: {  	p0 =	sne.s32 s0, $0x0;
	s0 =	rddreg [dreg:$0x4]  }
0x99: {  	s0 =	sadd.s32 @!p0 $0x100000, s0  }
0x9a: {  	[sflag:s0] =	ssyncadd.tile.s32 @!p0 $0x1;
	_ =	shalt  }
.Lfunc_end2:
_tile_overlayer_lowered:
.L_overlay_start_2:
0x9b: {  	(tag) =	ssettag $0x2  }
0x9c: {  	s0 =	rddreg [dreg:$0x0];
	s2 =	stileid.u32  }
0x9d: {  	s1 =	rddreg [dreg:$0x1];
	p0 =	sne.s32 s2, $0x0  }
0x9e: {  	s3 =	rddreg [dreg:$0x2];
	[bflag:$0x3] =	sbarrier.arrive $0xFFFF;
	s2 =	simm.s32 @!p0 $0x1C09  }
0x9f: {  	[timem:s3], [sflag:s2] =	dma.local @!p0 [hbm:s0], s1  }
0xa0: {  	s0 =	simm.s32 @!p0 $0x9  }
0xa1: {  	_ =	swait.ge @!p0 [sflag:s0], s1  }
0xa2: {  	s1 =	ssub.s32 @!p0 $0x0, s1;
	[sflag:s0] =	ssyncset.done @!p0 $0x0  }
0xa3: {  	[sflag:s0] =	ssyncadd.s32 @!p0 s1  }
0xa4: {  	[bflag:$0x3] =	sbarrier.arrive $0xFFFF  }
0xa5: {  	_ =	shalt  }

// kernel: kernel.9.cloned.1.call-start
scs
__scs_entry_jumppad:
0x0: {  	(pc) =	sbr.rel $0x88, $3  }
0x1: {  	(tag) =	ssettag $0x0;
	lr =	simm.s32 $0x1  }
0x2: {  	[smem:$0x3F9A] =	sst lr;
	_ =	strace $0xD0000000  }
0x3: {  	_ = 	snop  }
0x4: {  	_ = 	snop  }
0x5: {  	_ = 	snop  }
0x6: {  	_ = 	snop  }
0x7: {  	_ = 	snop  }
__scs_overlays_trampoline_lowered:
0x8: {  	[smem:$0x3FA9] =	sst s0  }
0x9: {  	[smem:$0x3FAA] =	sst s1  }
0xa: {  	[smem:$0x3FAB] =	sst s2  }
0xb: {  	[smem:$0x3FAC] =	sst s3  }
0xc: {  	[smem:$0x3FAD] =	sst s4  }
0xd: {  	[smem:$0x3FAE] =	sst s5  }
0xe: {  	[smem:$0x3FAF] =	sst s6  }
0xf: {  	[smem:$0x3FB0] =	sst s7  }
0x10: {  	[smem:$0x3FB1] =	sst s8  }
0x11: {  	[smem:$0x3FB2] =	sst s9;
	s0 =	simm.s32 @!p0 $0x0  }
0x12: {  	s1 =	sld [smem:$0x3F98];
	s0 =	simm.s32 @p0 $0x1  }
0x13: {  	[smem:$0x3FB3] =	sst s0;
	s0 =	simm.s32 @!p1 $0x0  }
0x14: {  	s2 =	sld [smem:$0x3F97];
	s0 =	simm.s32 @p1 $0x1  }
0x15: {  	[smem:$0x3FB4] =	sst s0;
	s0 =	simm.s32 @!p2 $0x0  }
0x16: {  	s3 =	sld [smem:$0x3FDB];
	s0 =	simm.s32 @p2 $0x1  }
0x17: {  	s4 =	simm.s32 $0x1BF5;
	[smem:$0x3FB6] =	sst s0  }
0x18: {  	s0 =	sld [smem:$0x3F99];
	_ =	swait.ge [sflag:s4], $0x0  }
0x19: {  	s7 =	sld [smem:$0x3F9A]  }
0x1a: {  	s8 =	sadd.s32 $0xFFFFE003, lr  }
0x1b: {  	s9 =	sadd.s32 $0xFFFFFEF7, lr;
	s5 =	simm.s32 $0xFFFFFFFF;
	p2 =	slt.u32 s8, $0xFFFFF086  }
0x1c: {  	p1 =	slt.u32 s9, $0xF7A;
	s5 =	simm.s32 @!p2 $0x0  }
0x1d: {  	s5 =	simm.s32 @p1 $0x1;
	p0 =	seq.s32 s7, s2  }
0x1e: {  	s7 =	smul.u32 @!p0 $0xF7A, s2;
	p2 =	seq.s32 @!p0 s5, $0x0  }
0x1f: {  	s9 =	smul.u32 $0xF7A, s1;
	s8 =	simm.s32 @!p0 $0x1BF5;
	p2 =	por !p2, p0  }
0x20: {  	[sflag:s8] =	ssyncset.s32 @!p0 $0xFFFFF086;
	s6 =	sadd.s32 @!p0 s3, s7;
	s7 =	simm.s32 @!p0 $0x108  }
0x21: {  	s3 =	sadd.s32 s3, s9;
	s6 =	sadd.s32 @!p0 $0x88, s6;
	s7 =	simm.s32 @p2 $0x1082  }
0x22: {  	[simem:s7], [sflag:s8] =	dma.local @!p0 [hbm:s6], $0xF7A  }
0x23: {  	s9 =	sor.u32 $0xD0000000, s2;
	s6 =	simm.s32 $0x108;
	_ =	swait.ge @!p0 [sflag:s8], $0x0  }
0x24: {  	s3 =	sadd.s32 $0x88, s3;
	s6 =	simm.s32 @!p1 $0x1082;
	[sflag:s4] =	ssyncset.s32 $0xFFFFF086  }
0x25: {  	[simem:s6], [sflag:s4] =	dma.local [hbm:s3], $0xF7A  }
0x26: {  	[smem:$0x3F9A] =	sst s1;
	(tag) =	ssettag s2;
	_ =	strace s9  }
0x27: {  	s1 =	sld [smem:$0x3FAA]  }
0x28: {  	s2 =	sld [smem:$0x3FAB]  }
0x29: {  	s4 =	sld [smem:$0x3FAD]  }
0x2a: {  	p0 =	seq.s32 s5, $0x0;
	s5 =	sld [smem:$0x3FAE]  }
0x2b: {  	s6 =	sld [smem:$0x3FAF]  }
0x2c: {  	s7 =	sld [smem:$0x3FB0]  }
0x2d: {  	s3 =	simm.s32 $0x108;
	s8 =	sld [smem:$0x3FB1]  }
0x2e: {  	s3 =	simm.s32 @!p0 $0x1082;
	s9 =	sld [smem:$0x3FB2]  }
0x2f: {  	lr =	sadd.s32 s0, s3;
	s0 =	sld [smem:$0x3FA9]  }
0x30: {  	s3 =	sld [smem:$0x3FAC]  }
0x31: {  	[smem:$0x3FB5] =	sst s10  }
0x32: {  	s10 =	sld [smem:$0x3FB3];
	_ =	sdelay $0x3  }
0x33: {  	p0 =	seq.s32 s10, $0x1;
	s10 =	sld [smem:$0x3FB5];
	_ =	sdelay $0x3  }
0x34: {  	[smem:$0x3FB5] =	sst s10  }
0x35: {  	s10 =	sld [smem:$0x3FB4];
	_ =	sdelay $0x3  }
0x36: {  	p1 =	seq.s32 s10, $0x1;
	s10 =	sld [smem:$0x3FB5];
	_ =	sdelay $0x3  }
0x37: {  	[smem:$0x3FB5] =	sst s10  }
0x38: {  	s10 =	sld [smem:$0x3FB6]  }
0x39: {  	_ = 	snop;
	(pc) =	sbr.ind lr, $3  }
0x3a: {  	_ = 	snop  }
0x3b: {  	_ = 	snop  }
0x3c: {  	p2 =	seq.s32 s10, $0x1;
	s10 =	sld [smem:$0x3FB5]  }
0x3d: {  	_ =	shalt  }
0x3e: {  	_ =	shalt  }
0x3f: {  	_ =	shalt  }
0x40: {  	_ =	shalt  }
0x41: {  	_ =	shalt  }
0x42: {  	_ =	shalt  }
0x43: {  	_ =	shalt  }
0x44: {  	_ =	shalt  }
0x45: {  	_ =	shalt  }
0x46: {  	_ =	shalt  }
0x47: {  	_ =	shalt  }
0x48: {  	_ =	shalt  }
0x49: {  	_ =	shalt  }
0x4a: {  	_ =	shalt  }
0x4b: {  	_ =	shalt  }
0x4c: {  	_ =	shalt  }
0x4d: {  	_ =	shalt  }
0x4e: {  	_ =	shalt  }
0x4f: {  	_ =	shalt  }
0x50: {  	_ =	shalt  }
0x51: {  	_ =	shalt  }
0x52: {  	_ =	shalt  }
0x53: {  	_ =	shalt  }
0x54: {  	_ =	shalt  }
0x55: {  	_ =	shalt  }
0x56: {  	_ =	shalt  }
0x57: {  	_ =	shalt  }
0x58: {  	_ =	shalt  }
0x59: {  	_ =	shalt  }
0x5a: {  	_ =	shalt  }
0x5b: {  	_ =	shalt  }
0x5c: {  	_ =	shalt  }
0x5d: {  	_ =	shalt  }
0x5e: {  	_ =	shalt  }
0x5f: {  	_ =	shalt  }
0x60: {  	_ =	shalt  }
0x61: {  	_ =	shalt  }
0x62: {  	_ =	shalt  }
0x63: {  	_ =	shalt  }
0x64: {  	_ =	shalt  }
0x65: {  	_ =	shalt  }
0x66: {  	_ =	shalt  }
0x67: {  	_ =	shalt  }
0x68: {  	_ =	shalt  }
0x69: {  	_ =	shalt  }
0x6a: {  	_ =	shalt  }
0x6b: {  	_ =	shalt  }
0x6c: {  	_ =	shalt  }
0x6d: {  	_ =	shalt  }
0x6e: {  	_ =	shalt  }
0x6f: {  	_ =	shalt  }
0x70: {  	_ =	shalt  }
0x71: {  	_ =	shalt  }
0x72: {  	_ =	shalt  }
0x73: {  	_ =	shalt  }
0x74: {  	_ =	shalt  }
0x75: {  	_ =	shalt  }
0x76: {  	_ =	shalt  }
0x77: {  	_ =	shalt  }
0x78: {  	_ =	shalt  }
0x79: {  	_ =	shalt  }
0x7a: {  	_ =	shalt  }
0x7b: {  	_ =	shalt  }
0x7c: {  	_ =	shalt  }
0x7d: {  	_ =	shalt  }
0x7e: {  	_ =	shalt  }
0x7f: {  	_ =	shalt  }
0x80: {  	_ =	shalt  }
0x81: {  	_ =	shalt  }
0x82: {  	_ =	shalt  }
0x83: {  	_ =	shalt  }
0x84: {  	_ =	shalt  }
0x85: {  	_ =	shalt  }
0x86: {  	_ =	shalt  }
0x87: {  	_ =	shalt  }
.Lfunc_end0:
.L_simem_size_0:
called_computation_lowered:
.L_overlay_start_0:
0x88: {  	s2 =	sld [smem:$0x3FD9]  }
0x89: {  	s3 =	sld [smem:$0x3FFE];
	_ =	sdelay $0x1  }
0x8a: {  	s1 =	srdreg.scid  }
0x8b: {  	s0 =	sand.u32 $0x1, s1  }
0x8c: {  	s17 =	sshll.u32 s0, $0xA;
	s2 =	sadd.s32 s3, s2  }
0x8d: {  	s2 =	sadd.s32 s2, s17  }
0x8e: {  	[smem:$0x3FC1] =	sst s2  }
0x8f: {  	_ = 	snop  }
0x90: {  	s2 =	sld [smem:$0x3FC8]  }
0x91: {  	s18 =	sld [smem:$0x3FD0];
	(tm) =	ssettm $0x1  }
0x92: {  	s4 =	sld [smem:$0x3FFB];
	_ =	sdelay $0x3  }
0x93: {  	_ =	strace s4  }
0x94: {  	s4 =	sld [smem:$0x3FFC];
	_ =	sdelay $0x3  }
0x95: {  	_ =	strace s4  }
0x96: {  	s4 =	sld [smem:$0x3FFD];
	_ =	sdelay $0x3  }
0x97: {  	_ =	strace s4  }
0x98: {  	_ =	strace $0x8FFFFFFF  }
0x99: {  	s19 =	sld [smem:$0x3FDB];
	_ =	sdelay $0x1  }
0x9a: {  	s5 =	simm.s32 $_scs_section_size  }
0x9b: {  	s6 =	simm.s32 $_size__tile_overlayer_lowered;
	s7 =	simm.s32 $_tile_overlayer_lowered  }
0x9c: {  	s22 =	simm.s32 $0x1BFF;
	s21 =	sshll.u32 s7, $0x1;
	s4 =	sadd.s32 s5, s19  }
0x9d: {  	s8 =	simm.s32 $0x0;
	s20 =	sshll.u32 s6, $0x1;
	s6 =	sadd.s32 s21, s4  }
0x9e: {  	[timem:s8], [sflag:s22] =	dma.local [hbm:s6], s20  }
0x9f: {  	_ =	swait.ge [sflag:s22], s20  }
0xa0: {  	s5 =	ssub.s32 $0x0, s20;
	[sflag:s22] =	ssyncset.done $0x0  }
0xa1: {  	[sflag:s22] =	ssyncadd.s32 s5;
	_ =	sdelay $0x1  }
0xa2: {  	s23 =	simm.s32 $0x1B8B  }
0xa3: {  	_ =	swait.ge [sflag:s23], $0x1  }
0xa4: {  	[sflag:s23] =	ssyncset.done $0x0  }
0xa5: {  	s25 =	simm.s32 $0x1B8E;
	s24 =	sld [smem:$0x3FFE];
	[sflag:s23] =	ssyncadd.s32 $0xFFFFFFFF  }
0xa6: {  	s26 =	simm.s32 $execute0_lowered;
	[smem:$0x3FD2] =	sst s25  }
0xa7: {  	s6 =	sshll.u32 s26, $0x1;
	_ =	strace $0x80000046;
	[dreg:$0x1] =	wrdreg $0xFFFFFFFF  }
0xa8: {  	s28 =	simm.s32 $_size_execute0_lowered;
	s4 =	sadd.s32 s4, s6;
	[dreg:$0x0] =	wrdreg $0x0  }
0xa9: {  	s6 =	sshll.u32 s28, $0x1;
	[dreg:$0x2] =	wrdreg s4  }
0xaa: {  	[dreg:$0x3] =	wrdreg s6  }
0xab: {  	[dreg:$0x4] =	wrdreg $0xC0  }
0xac: {  	_ =	task [dreg:s8], $0x5FFFF  }
0xad: {  	[dreg:$0x1] =	wrdreg $0xFFFFFFFF  }
0xae: {  	[dreg:$0x0] =	wrdreg $0x60  }
0xaf: {  	[dreg:$0x2] =	wrdreg s24  }
0xb0: {  	[dreg:$0x3] =	wrdreg s2  }
0xb1: {  	[dreg:$0x4] =	wrdreg s18  }
0xb2: {  	[dreg:$0x5] =	wrdreg $0x68100  }
0xb3: {  	[dreg:$0x6] =	wrdreg $0x9  }
0xb4: {  	_ =	task.clear_ibuf [dreg:s8], $0x7FFFF;
	_ =	strace $0x90000046  }
0xb5: {  	s29 =	simm.s32 $0x9;
	_ =	strace $0x80000048  }
0xb6: {  	_ =	swait.ge [sflag:s29], $0x1  }
0xb7: {  	[sflag:s29] =	ssyncadd.s32 $0xFFFFFFFF  }
0xb8: {  	_ =	strace $0x90000048  }
0xb9: {  	_ =	sfence  }
0xba: {  	s30 =	sld [smem:$0x0];
	_ =	sdelay $0x2  }
0xbb: {  	s31 =	sshll.u32 s1, $0xD;
	s1 =	sshrl.u32 s1, $0x2  }
0xbc: {  	s3 =	sand.u32 $0x4000, s31;
	s1 =	sadd.s32 s1, s30  }
0xbd: {  	s0 =	sor.u32 s3, s0;
	s1 =	sshll.u32 s1, $0x11  }
0xbe: {  	s0 =	sor.u32 s1, s0  }
0xbf: {  	s0 =	sadd.s32 $0x8F2B, s0  }
0xc0: {  	[sflag:s0] =	ssyncadd.remote.s32 $0x1  }
0xc1: {  	_ =	sfence.sel $0xFFFF  }
0xc2: {  	[dreg:$0x0] =	wrdreg $0xFFFFFFFF;
	(pc) =	sbr.abs _section_cstart, $3  }
0xc3: {  	[dreg:$0x1] =	wrdreg $0xFFFFFFFF  }
0xc4: {  	_ =	task.clear_ibuf [dreg:s8], $0x2FFFF;
	_ =	strace $0x9FFFFFFF  }
0xc5: {  	(tm) =	ssettm $0x7FFFFFFF  }
tec
execute0_lowered:
.L_overlay_start_1:
0x0: {  	(tag) =	ssettag $0x1  }
0x1: {  	s0 =	rddreg [dreg:$0x0]  }
0x2: {  	s1 =	rddreg [dreg:$0x1]  }
0x3: {  	s6 =	rddreg [dreg:$0x2];
	s3 =	srdreg.scid  }
0x4: {  	s2 =	rddreg [dreg:$0x3];
	s13 =	stileid.u32;
	s28 =	simm.s32 $0x2  }
0x5: {  	s29 =	simm.s32 $0x0;
	s8 =	sand.u32 $0x1, s3;
	s12 =	smul.u32 $0x9E00, s13  }
0x6: {  	s3 =	simm.s32 $0x0;
	s15 =	smul.u32 $0x2780, s13;
	s4 =	sshll.u32 s8, $0x4  }
0x7: {  	s5 =	ssub.s32 $0x2, s8;
	[smem:$0x7FF] =	sst s3;
	s8 =	smul.u32 $0x27800, s8  }
0x8: {  	s7 =	sor.u32 s13, s4;
	s9 =	sshrl.u32 s5, $0x1;
	_ =	strace $0x80000047  }
0x9: {  	s4 =	sadd.s32 $0x1E00, s0;
	s26 =	sshrl.u32 s12, $0x2;
	s12 =	sadd.s32 s15, s2  }
0xa: {  	s10 =	smul.u32 $0x2800, s7;
	s22 =	ssub.s32 s5, s9;
	p0 =	seq.s32 s7, $0x1F  }
0xb: {  	s5 =	simm.s32 $0x14;
	s30 =	sadd.s32 s26, s2;
	s8 =	sadd.s32 s15, s8  }
0xc: {  	s26 =	simm.s32 $0x1;
	s5 =	simm.s32 @!p0 $0x50;
	s13 =	sadd.s32 $0x800, s30  }
0xd: {  	s14 =	sadd.s32 $0x1000, s30;
	s15 =	sadd.s32 $0x1800, s30;
	s16 =	sadd.s32 $0x2000, s30  }
0xe: {  	s31 =	sshrl.u32 s8, $0x3;
	s18 =	smax.u32 s22, $0x1;
	s11 =	sshrl.u32 s10, $0x3  }
0xf: {  	s22 =	simm.s32 $0x5010;
	s7 =	sadd.s32 $0x4E200, s10;
	s23 =	sadd.s32 s1, s11  }
0x10: {  	s17 =	sadd.s32 s6, s31;
	s1 =	sadd.s32 $0x9B00, s1;
	[dreg:$0x5] =	wrdreg s23  }
0x11: {  	s24 =	sshrl.u32 s7, $0x3;
	s25 =	sadd.s32 s4, s11;
	[dreg:$0x6] =	wrdreg s1  }
0x12: {  	v0 =	vimm.f32 $0.0e+00;
	vm0 =	vcmask $0x704;
	s9 =	sadd.s32 s4, s24;
	s10 =	sadd.s32 $0x9C50, s25;
	s11 =	sadd.s32 $0x9C60, s25  }
0x13: {  	v1 =	vsel vm0, $0x3F800000, v0;
	vm0 =	vmmov $0x1;
	s23 =	simm.s32 $0x8;
	s24 =	simm.s32 $0x80;
	s25 =	simm.s32 $0x3  }
.LBB2_1:
0x14: {  	s0 =	simm.s32 @p0 $0x0;
	s1 =	rddreg [dreg:$0x6]  }
0x15: {  	[tilespmem:s0], [sflag:$0x8] =	stream.linear.gather @p0 [hbm4b:s1+s0], $0xA00, $0x38;
	[tilespmem:$0x8F90] =	vst v63  }
0x16: {  	s0 =	simm.s32 @p0 $0x8  }
0x17: {  	_ =	swait.ge @p0 [sflag:s0], $0xA00  }
0x18: {  	[sflag:s0] =	ssyncset.done @p0 $0x0  }
0x19: {  	s1 =	rddreg [dreg:$0x5];
	[sflag:s0] =	ssyncadd.s32 @p0 $0xFFFFF600;
	s0 =	simm.s32 @!p0 $0x0  }
0x1a: {  	[tilespmem:s0], [sflag:$0x8] =	stream.linear.gather @!p0 [hbm4b:s1+s0], $0x2800, $0x38;
	[tilespmem:$0x8F90] =	vst v63  }
0x1b: {  	s0 =	simm.s32 @!p0 $0x8  }
0x1c: {  	_ =	swait.ge @!p0 [sflag:s0], $0x2800  }
0x1d: {  	[sflag:s0] =	ssyncset.done @!p0 $0x0  }
0x1e: {  	s21 =	simm.s32 $0x2810;
	[sflag:s0] =	ssyncadd.s32 @!p0 $0xFFFFD800  }
0x1f: {  	[tilespmem:s21], [sflag:$0x4] =	stream.linear.gather [hbm4b:s9+s3], $0x80, $0x38;
	[tilespmem:$0x8F90] =	vst v63  }
0x20: {  	s30 =	simm.s32 $0x2890  }
0x21: {  	[tilespmem:s30], [sflag:$0x5] =	stream.linear.gather [hbm4b:s10+s3], $0x80, $0x38;
	[tilespmem:$0x8F90] =	vst v63  }
0x22: {  	s31 =	simm.s32 $0x2910;
	s1 =	simm.s32 $0x0;
	s0 =	simm.s32 $0x40  }
0x23: {  	[tilespmem:s31], [sflag:$0x6] =	stream.linear.gather [hbm4b:s11+s3], $0x80, $0x38;
	[tilespmem:$0x8F90] =	vst v63  }
.LBB2_2:
0x24: {  	p1 =	sne.s32 s0, $0x1FC0;
	[tilespmem:s1+$0x5010] =	vst v0;
	s1 =	smov.u32 s0;
	s0 =	sadd.s32 $0x40, s0  }
.Ltmp0:
0x25: {  	(pc) =	sbr.rel @p1 .LBB2_2-.Ltmp0, $2  }
0x26: {  	_ =	sdelay $0x2  }
0x27: {  	s1 =	sshra.s32 s1, $0x2  }
0x28: {  	[tilespmem:s1+$0x5010] =	vst v0  }
0x29: {  	[spmem:s12] =	stream.linear.scatter [tilespmem:s22], [sflag:$0x8], $0x800, $0x38;
	[tilespmem:$0x8F90] =	vst v63  }
0x2a: {  	_ =	swait.ge [sflag:s23], $0x800  }
0x2b: {  	[sflag:s23] =	ssyncset.done $0x0  }
0x2c: {  	[sflag:s23] =	ssyncadd.s32 $0xFFFFF800  }
0x2d: {  	[spmem:s13] =	stream.linear.scatter [tilespmem:s22], [sflag:$0x8], $0x800, $0x38;
	[tilespmem:$0x8F90] =	vst v63  }
0x2e: {  	_ =	swait.ge [sflag:s23], $0x800  }
0x2f: {  	[sflag:s23] =	ssyncset.done $0x0  }
0x30: {  	[sflag:s23] =	ssyncadd.s32 $0xFFFFF800  }
0x31: {  	[spmem:s14] =	stream.linear.scatter [tilespmem:s22], [sflag:$0x8], $0x800, $0x38;
	[tilespmem:$0x8F90] =	vst v63  }
0x32: {  	_ =	swait.ge [sflag:s23], $0x800  }
0x33: {  	[sflag:s23] =	ssyncset.done $0x0  }
0x34: {  	[sflag:s23] =	ssyncadd.s32 $0xFFFFF800  }
0x35: {  	[spmem:s15] =	stream.linear.scatter [tilespmem:s22], [sflag:$0x8], $0x800, $0x38;
	[tilespmem:$0x8F90] =	vst v63  }
0x36: {  	_ =	swait.ge [sflag:s23], $0x800  }
0x37: {  	[sflag:s23] =	ssyncset.done $0x0  }
0x38: {  	[sflag:s23] =	ssyncadd.s32 $0xFFFFF800  }
0x39: {  	[spmem:s16] =	stream.linear.scatter [tilespmem:s22], [sflag:$0x8], $0x780, $0x38;
	[tilespmem:$0x8F90] =	vst v63  }
0x3a: {  	_ =	swait.ge [sflag:s23], $0x780  }
0x3b: {  	[sflag:s23] =	ssyncset.done $0x0  }
0x3c: {  	s30 =	simm.s32 $0x0;
	[sflag:s23] =	ssyncadd.s32 $0xFFFFF880  }
0x3d: {  	s21 =	simm.s32 $0x5080;
	s0 =	simm.s32 $0x4;
	[bflag:$0x0] =	sbarrier.arrive $0xFFFF  }
.LBB2_4:
0x3e: {  	s1 =	smulhi.u32 $0xAAAAAAAB, s30;
	_ =	sdelay $0x1  }
0x3f: {  	s6 =	sshrl.u32 s1, $0x1  }
0x40: {  	s1 =	smul.u32 $0x3, s6;
	_ =	sdelay $0x1  }
0x41: {  	p1 =	slt.u32 s30, $0x3;
	s1 =	ssub.s32 s30, s1  }
0x42: {  	s19 =	sadd.s32 $0x3, s30;
	s8 =	sadd.s32 @!p1 $0x1, s1  }
0x43: {  	p2 =	sge.u32 s19, s5;
	_ =	swait.ge @!p1 [sflag:s8], $0x800  }
0x44: {  	s20 =	sshll.u32 @!p2 s19, $0x7;
	[sflag:s8] =	ssyncset.done @!p1 $0x0  }
0x45: {  	s19 =	sand.u32 @!p2 $0x3, s19;
	[sflag:s8] =	ssyncadd.s32 @!p1 $0xFFFFF800;
	s8 =	sadd.s32 @!p2 s20, s7  }
0x46: {  	s31 =	simm.s32 @!p2 $0x0;
	s6 =	smul.u32 $0xFFFFA000, s6;
	s8 =	sshrl.u32 @!p2 s8, $0x3  }
0x47: {  	s19 =	sor.u32 @!p2 $0x4, s19;
	s20 =	sadd.s32 @!p2 $0x2810, s20;
	s8 =	sadd.s32 @!p2 s4, s8  }
0x48: {  	[tilespmem:s20], [sflag:s19] =	stream.linear.gather @!p2 [hbm4b:s8+s31], $0x80, $0x38;
	[tilespmem:$0x8F90] =	vst v63  }
0x49: {  	s6 =	sshra.s32 s6, $0x2;
	v6 =	vld [tilespmem:s0+$0x3]  }
0x4a: {  	v2 =	vmov s6;
	v7 =	vld [tilespmem:s0+$0xFFFFFFFD]  }
0x4b: {  	v8 =	vld [tilespmem:s0+$0xFFFFFFFE]  }
0x4c: {  	v5 =	vld [tilespmem:s0+$0xFFFFFFFF]  }
0x4d: {  	v3 =	vld [tilespmem:s0+$0x0]  }
0x4e: {  	s20 =	sshll.u32 s1, $0xB;
	v4 =	vld [tilespmem:s0+$0x1];
	v9 =	vsel vm0, v6, v1  }
0x4f: {  	s19 =	sshll.u32 s30, $0x9;
	s8 =	sadd.s32 $0x8, s0;
	s6 =	sand.u32 $0x3FFFF800, s20;
	v10 =	vsel vm0, v7, v1;
	v6 =	vld [tilespmem:s0+$0x2];
	[tilespmem:v2+s21+$0x0 ss:$0x1] =	vst.idx.msk $0xffff, v9  }
0x50: {  	s31 =	smov.u32 s21;
	s20 =	sadd.s32 $0x5010, s6;
	s6 =	simm.s32 $0x0;
	v7 =	vld [tilespmem:s0+$0xFFFFFFFC];
	v8 =	vsel vm0, v8, v1;
	[tilespmem:v2+s21+$0xFFFFFFA0 ss:$0x1] =	vst.idx.msk $0xffff, v10  }
.LBB2_5:
0x51: {  	v9 =	vld [tilespmem:s8+$0x3];
	s6 =	sadd.s32 $0x8, s6;
	[tilespmem:v2+s31+$0xFFFFFFB0 ss:$0x1] =	vst.idx.msk $0xffff, v8;
	v5 =	vsel vm0, v5, v1  }
0x52: {  	v8 =	vld [tilespmem:s8+$0xFFFFFFFD];
	p1 =	slt.u32 s6, $0x78;
	[tilespmem:v2+s31+$0xFFFFFFC0 ss:$0x1] =	vst.idx.msk $0xffff, v5;
	v3 =	vsel vm0, v3, v1  }
0x53: {  	v10 =	vld [tilespmem:s8+$0xFFFFFFFE];
	[tilespmem:v2+s31+$0xFFFFFFD0 ss:$0x1] =	vst.idx.msk $0xffff, v3;
	v3 =	vsel vm0, v4, v1  }
.Ltmp1:
0x54: {  	v5 =	vld [tilespmem:s8+$0xFFFFFFFF];
	[tilespmem:v2+s31+$0xFFFFFFE0 ss:$0x1] =	vst.idx.msk $0xffff, v3;
	v4 =	vsel vm0, v6, v1;
	(pc) =	sbr.rel @p1 .LBB2_5-.Ltmp1, $4  }
0x55: {  	v3 =	vld [tilespmem:s8+$0x0];
	v6 =	vsel vm0, v7, v1;
	[tilespmem:v2+s31+$0xFFFFFFF0 ss:$0x1] =	vst.idx.msk $0xffff, v4  }
0x56: {  	v4 =	vld [tilespmem:s8+$0x1];
	v7 =	vsel vm0, v9, v1;
	[tilespmem:v2+s31+$0xFFFFFF90 ss:$0x1] =	vst.idx.msk $0xffff, v6;
	s31 =	sadd.s32 $0x80, s31  }
0x57: {  	v8 =	vsel vm0, v8, v1;
	v6 =	vld [tilespmem:s8+$0x2];
	[tilespmem:v2+s31+$0x0 ss:$0x1] =	vst.idx.msk $0xffff, v7  }
0x58: {  	v7 =	vld [tilespmem:s8+$0xFFFFFFFC];
	[tilespmem:v2+s31+$0xFFFFFFA0 ss:$0x1] =	vst.idx.msk $0xffff, v8;
	v8 =	vsel vm0, v10, v1;
	s8 =	sadd.s32 $0x8, s8  }
0x59: {  	_ =	sdelay $0x3  }
0x5a: {  	[tilespmem:v2+s31+$0xFFFFFFB0 ss:$0x1] =	vst.idx.msk $0xffff, v8;
	v5 =	vsel vm0, v5, v1  }
0x5b: {  	[tilespmem:v2+s31+$0xFFFFFFC0 ss:$0x1] =	vst.idx.msk $0xffff, v5;
	v3 =	vsel vm0, v3, v1  }
0x5c: {  	[tilespmem:v2+s31+$0xFFFFFFD0 ss:$0x1] =	vst.idx.msk $0xffff, v3;
	v3 =	vsel vm0, v4, v1  }
0x5d: {  	s6 =	sand.u32 $0x3, s30;
	s30 =	sadd.s32 $0x1, s30;
	[tilespmem:v2+s31+$0xFFFFFFE0 ss:$0x1] =	vst.idx.msk $0xffff, v3;
	v3 =	vsel vm0, v6, v1  }
0x5e: {  	p1 =	sne.s32 s30, s5;
	v63 =	vsel vm0, v7, v1;
	[tilespmem:v2+s31+$0xFFFFFFF0 ss:$0x1] =	vst.idx.msk $0xffff, v3  }
.Ltmp2:
0x5f: {  	s6 =	sor.u32 $0x4, s6;
	[tilespmem:v2+s31+$0xFFFFFF90 ss:$0x1] =	vst.idx.msk $0xffff, v63;
	(pc) =	sbr.rel @p1 .LBB2_4-.Ltmp2, $4  }
0x60: {  	s8 =	sshra.s32 s19, $0x2;
	_ =	swait.ge [sflag:s6], $0x80  }
0x61: {  	s1 =	sadd.s32 $0x1, s1;
	s21 =	sadd.s32 $0x800, s21;
	[sflag:s6] =	ssyncset.done $0x0  }
0x62: {  	s0 =	sadd.s32 $0x80, s0;
	s8 =	sadd.s32 $0x2810, s8;
	[sflag:s6] =	ssyncadd.s32 $0xFFFFFF80  }
0x63: {  	[spmem:s2] =	stream.indirect.scatter.add.f32 [tilespmem:s20], [sflag:s1], $0x10, s8, s24, $0xb8;
	[tilespmem:$0x8F90] =	vst v63  }
0x64: {  	_ =	swait.ge [sflag:s25], $0x800  }
0x65: {  	[sflag:s25] =	ssyncset.done $0x0  }
0x66: {  	[sflag:s25] =	ssyncadd.s32 $0xFFFFF800  }
0x67: {  	_ =	swait.ge [sflag:s26], $0x800  }
0x68: {  	[sflag:s26] =	ssyncset.done $0x0  }
0x69: {  	[sflag:s26] =	ssyncadd.s32 $0xFFFFF800  }
0x6a: {  	s0 =	stileid.u32;
	_ =	swait.ge [sflag:s28], $0x800  }
0x6b: {  	s1 =	sshrl.u32 s12, $0x3;
	s29 =	sadd.s32 $0x1, s29;
	[sflag:s28] =	ssyncset.done $0x0  }
0x6c: {  	s0 =	sshll.u32 s0, $0x6;
	p1 =	sne.s32 s29, s18;
	[sflag:s28] =	ssyncadd.s32 $0xFFFFF800  }
.Ltmp3:
0x6d: {  	s0 =	sor.u32 $0x1C08, s0;
	[bflag:$0x0] =	sbarrier.arrive $0xFFFF;
	(pc) =	sbr.rel @p1 .LBB2_1-.Ltmp3, $4  }
0x6e: {  	[hbm:s17], [sflag:s0] =	dma.local [spmem:s1], $0x4F0  }
0x6f: {  	_ =	swait.ge [sflag:s23], $0x4F0  }
0x70: {  	[sflag:s23] =	ssyncset.done $0x0  }
0x71: {  	[sflag:s23] =	ssyncadd.s32 $0xFFFFFB10  }
0x72: {  	_ =	sfence.sel $0x180000  }
0x73: {  	[bflag:$0x0] =	sbarrier.arrive $0xFFFF  }
0x74: {  	_ =	strace $0x90000047  }
0x75: {  	s0 =	stileid.u32;
	[bflag:$0x2] =	sbarrier.arrive $0xFFFF  }
0x76: {  	p0 =	sne.s32 s0, $0x0;
	s0 =	rddreg [dreg:$0x4]  }
0x77: {  	s0 =	sadd.s32 @!p0 $0x100000, s0  }
0x78: {  	[sflag:s0] =	ssyncadd.tile.s32 @!p0 $0x1;
	_ =	shalt  }
.Lfunc_end2:
_tile_overlayer_lowered:
.L_overlay_start_2:
0x79: {  	(tag) =	ssettag $0x2  }
0x7a: {  	s0 =	rddreg [dreg:$0x0];
	s2 =	stileid.u32  }
0x7b: {  	s1 =	rddreg [dreg:$0x1];
	p0 =	sne.s32 s2, $0x0  }
0x7c: {  	s3 =	rddreg [dreg:$0x2];
	[bflag:$0x3] =	sbarrier.arrive $0xFFFF;
	s2 =	simm.s32 @!p0 $0x1C08  }
0x7d: {  	[timem:s3], [sflag:s2] =	dma.local @!p0 [hbm:s0], s1  }
0x7e: {  	s0 =	simm.s32 @!p0 $0x8  }
0x7f: {  	_ =	swait.ge @!p0 [sflag:s0], s1  }
0x80: {  	s1 =	ssub.s32 @!p0 $0x0, s1;
	[sflag:s0] =	ssyncset.done @!p0 $0x0  }
0x81: {  	[sflag:s0] =	ssyncadd.s32 @!p0 s1  }
0x82: {  	[bflag:$0x3] =	sbarrier.arrive $0xFFFF  }
0x83: {  	_ =	shalt  }

</sc_bundles>
